<compile_context>
chip_gen: v7x
topology: tpu7x:2x2x1
jax: 0.10.2.dev20260603
libtpu: 0.0.44.dev20260713+nightly
codegen_flags: <defaults>
</compile_context>

<pallas_src>
import functools

import jax
import jax.numpy as jnp
from jax import lax
from jax.experimental import pallas as pl
from jax.experimental.pallas import tpu as pltpu
from jax.experimental.pallas import tpu_sc as plsc

HC = 128
NG = 50
NI = 6
CUTOFF = 10.0

_PREC = lax.Precision.HIGHEST
_PREC_EDGE = lax.Precision.DEFAULT



def _ea_block(eap_ref, ea_ref):
    a = eap_ref[...]
    length = jnp.sqrt(jnp.sum(a * a, axis=1, keepdims=True))
    step = CUTOFF / (NG - 1)
    coeff = -0.5 / step**2
    off = lax.broadcasted_iota(jnp.int32, (1, NG), 1).astype(jnp.float32) * step
    d = length - off
    ea_ref[...] = jnp.exp(coeff * d * d)


def _compute_ea(edge_attr):
    E = edge_attr.shape[0]
    eap = jnp.pad(edge_attr, ((0, 0), (0, 5)))
    Eb = 2000
    return pl.pallas_call(
        _ea_block,
        grid=(E // Eb,),
        in_specs=[pl.BlockSpec((Eb, 8), lambda i: (i, 0))],
        out_specs=pl.BlockSpec((Eb, NG), lambda i: (i, 0)),
        out_shape=jax.ShapeDtypeStruct((E, NG), jnp.float32),
    )(eap)


def _ea_t_block(eapt_ref, eat_ref):
    a = eapt_ref[...]
    length = jnp.sqrt(jnp.sum(a * a, axis=0, keepdims=True))
    step = CUTOFF / (NG - 1)
    coeff = -0.5 / step**2
    off = lax.broadcasted_iota(jnp.int32, (NG, 1), 0).astype(jnp.float32) * step
    d = length - off
    eat_ref[...] = jnp.exp(coeff * d * d)


def _compute_ea_t(edge_attr):
    E = edge_attr.shape[0]
    eapt = jnp.pad(edge_attr, ((0, 0), (0, 5))).T
    Eb = 2560
    return pl.pallas_call(
        _ea_t_block,
        grid=(E // Eb,),
        in_specs=[pl.BlockSpec((8, Eb), lambda i: (0, i))],
        out_specs=pl.BlockSpec((NG, Eb), lambda i: (0, i)),
        out_shape=jax.ShapeDtypeStruct((NG, E), jnp.float32),
    )(eapt)


def _emb_block(x_ref, emb_ref, h_ref):
    xi = x_ref[...]
    nd = emb_ref.shape[0]
    ids = lax.broadcasted_iota(jnp.int32, (xi.shape[0], nd), 1)
    onehot = (ids == xi).astype(jnp.float32)
    h_ref[...] = jnp.dot(onehot, emb_ref[...], precision=_PREC,
                         preferred_element_type=jnp.float32)


def _embed(x2, emb):
    N = x2.shape[0]
    Nb = 2000
    nd = emb.shape[0]
    return pl.pallas_call(
        _emb_block,
        grid=(N // Nb,),
        in_specs=[pl.BlockSpec((Nb, 1), lambda i: (i, 0)),
                  pl.BlockSpec((nd, HC), lambda i: (0, 0))],
        out_specs=pl.BlockSpec((Nb, HC), lambda i: (i, 0)),
        out_shape=jax.ShapeDtypeStruct((N, HC), jnp.float32),
    )(x2, emb)


def _filter_block(eat_ref, w1_ref, b1_ref, w2_ref, b2_ref, w_ref):
    t = lax.dot_general(eat_ref[...], w1_ref[...],
                        (((0,), (0,)), ((), ())), precision=_PREC_EDGE,
                        preferred_element_type=jnp.float32)
    t = jnp.maximum(t + b1_ref[...], 0.0)
    w_ref[...] = jnp.dot(t, w2_ref[...], precision=_PREC_EDGE,
                         preferred_element_type=jnp.float32) + b2_ref[...]


def _filter(ea_t, w1, b1, w2, b2):
    E = ea_t.shape[1]
    Eb = 2560
    return pl.pallas_call(
        _filter_block,
        grid=(E // Eb,),
        in_specs=[pl.BlockSpec((NG, Eb), lambda i: (0, i)),
                  pl.BlockSpec((NG, HC), lambda i: (0, 0)),
                  pl.BlockSpec((1, HC), lambda i: (0, 0)),
                  pl.BlockSpec((HC, HC), lambda i: (0, 0)),
                  pl.BlockSpec((1, HC), lambda i: (0, 0))],
        out_specs=pl.BlockSpec((Eb, HC), lambda i: (i, 0)),
        out_shape=jax.ShapeDtypeStruct((E, HC), jnp.float32),
    )(ea_t, w1, b1, w2, b2)


def _upd_block(h_ref, p_ref, w1_ref, b1_ref, w2_ref, b2_ref, o_ref):
    aggr = p_ref[0] + p_ref[1]
    t = jnp.maximum(jnp.dot(aggr, w1_ref[...], precision=_PREC,
                            preferred_element_type=jnp.float32) + b1_ref[...],
                    0.0)
    out = jnp.dot(t, w2_ref[...], precision=_PREC,
                  preferred_element_type=jnp.float32) + b2_ref[...]
    o_ref[...] = h_ref[...] + out


def _update(h, parts, w1, b1, w2, b2):
    N = h.shape[0]
    Nb = 2000
    return pl.pallas_call(
        _upd_block,
        grid=(N // Nb,),
        in_specs=[pl.BlockSpec((Nb, HC), lambda i: (i, 0)),
                  pl.BlockSpec((2, Nb, HC), lambda i: (0, i, 0)),
                  pl.BlockSpec((HC, HC), lambda i: (0, 0)),
                  pl.BlockSpec((1, HC), lambda i: (0, 0)),
                  pl.BlockSpec((HC, HC), lambda i: (0, 0)),
                  pl.BlockSpec((1, HC), lambda i: (0, 0))],
        out_specs=pl.BlockSpec((Nb, HC), lambda i: (i, 0)),
        out_shape=jax.ShapeDtypeStruct((N, HC), jnp.float32),
    )(h, parts, w1, b1, w2, b2)


def _ro_block(h_ref, w1_ref, b1_ref, w2_ref, b2_ref, w3_ref, b3_ref, s_ref):
    r = jnp.maximum(jnp.dot(h_ref[...], w1_ref[...], precision=_PREC,
                            preferred_element_type=jnp.float32) + b1_ref[...],
                    0.0)
    r = jnp.maximum(jnp.dot(r, w2_ref[...], precision=_PREC,
                            preferred_element_type=jnp.float32) + b2_ref[...],
                    0.0)
    s_ref[...] = jnp.dot(r, w3_ref[...], precision=_PREC,
                         preferred_element_type=jnp.float32) + b3_ref[...]


def _readout(h, w1, b1, w2, b2, w3, b3):
    N = h.shape[0]
    Nb = 2000
    rh = w1.shape[1]
    rh2 = w2.shape[1]
    return pl.pallas_call(
        _ro_block,
        grid=(N // Nb,),
        in_specs=[pl.BlockSpec((Nb, HC), lambda i: (i, 0)),
                  pl.BlockSpec((HC, rh), lambda i: (0, 0)),
                  pl.BlockSpec((1, rh), lambda i: (0, 0)),
                  pl.BlockSpec((rh, rh2), lambda i: (0, 0)),
                  pl.BlockSpec((1, rh2), lambda i: (0, 0)),
                  pl.BlockSpec((rh2, 1), lambda i: (0, 0)),
                  pl.BlockSpec((1, 1), lambda i: (0, 0))],
        out_specs=pl.BlockSpec((Nb, 1), lambda i: (i, 0)),
        out_shape=jax.ShapeDtypeStruct((N, 1), jnp.float32),
    )(h, w1, b1, w2, b2, w3, b3)



_NW = 32
_FC = 40


def _sc_msg_aggr(h, w_edge, row_f, col3, zero, Np):
    E = w_edge.shape[0]
    pt = E // _NW
    nch = pt // _FC
    npair = nch // 2
    assert nch % 2 == 0
    rpt = Np // 16
    mesh = plsc.VectorSubcoreMesh(core_axis_name="c", subcore_axis_name="s")

    @functools.partial(
        pl.kernel,
        out_type=jax.ShapeDtypeStruct((2 * Np, HC), jnp.float32),
        mesh=mesh,
        scratch_types=[
            pltpu.VMEM((pt,), jnp.int32),
            pltpu.VMEM((_FC, HC), jnp.float32),
            pltpu.VMEM((_FC, HC), jnp.float32),
            pltpu.VMEM((1, _FC), jnp.int32),
            pltpu.VMEM((1, _FC), jnp.int32),
            pltpu.VMEM((_FC, HC), jnp.float32),
            pltpu.VMEM((_FC, HC), jnp.float32),
            pltpu.VMEM_SHARED((Np, HC), jnp.float32),
            pltpu.SemaphoreType.DMA,
            pltpu.SemaphoreType.DMA,
            pltpu.SemaphoreType.DMA,
        ],
    )
    def k(h_hbm, w_hbm, row_hbm, col_hbm, zero_hbm, out_hbm,
          ridx_v, hg0_v, hg1_v, ci0_v, ci1_v, w0_v, w1_v, acc_sh,
          sem_g, sem_c, sem_w):
        cid = lax.axis_index("c")
        sid = lax.axis_index("s")
        wid = sid * 2 + cid
        r0 = sid * rpt
        base = wid * pt
        pltpu.sync_copy(zero_hbm.at[pl.ds(r0, rpt)], acc_sh.at[pl.ds(r0, rpt)])
        pltpu.sync_copy(row_hbm.at[pl.ds(base, pt)], ridx_v)
        plsc.subcore_barrier()

        hgs = (hg0_v, hg1_v)
        cis = (ci0_v, ci1_v)
        ws = (w0_v, w1_v)

        def fire(c, p):
            pltpu.async_copy(h_hbm.at[ridx_v.at[pl.ds(c * _FC, _FC)]],
                             hgs[p], sem_g)
            pltpu.async_copy(w_hbm.at[pl.ds(base + c * _FC, _FC)], ws[p],
                             sem_w)
            pltpu.async_copy(col_hbm.at[wid, pl.ds(c, 1)], cis[p], sem_c)

        def wait_gcw(p):
            pltpu.make_async_copy(h_hbm.at[pl.ds(0, _FC)], hgs[p], sem_g).wait()
            pltpu.make_async_copy(w_hbm.at[pl.ds(0, _FC)], ws[p], sem_w).wait()
            pltpu.make_async_copy(col_hbm.at[0, pl.ds(0, 1)], cis[p],
                                  sem_c).wait()

        def mult(p):
            hg = hgs[p]
            w_v = ws[p]

            @pl.loop(0, _FC)
            def _(r):
                for g in range(HC // 16):
                    slc = (pl.ds(r, 1), pl.ds(g * 16, 16))
                    hg.at[slc][...] = hg.at[slc][...] * w_v.at[slc][...]

        def scat(p):
            pltpu.sync_copy(hgs[p], acc_sh.at[cis[p].at[0]], add=True)

        fire(0, 0)

        @pl.loop(0, npair)
        def _(kp):
            c0 = 2 * kp
            fire(c0 + 1, 1)
            wait_gcw(0)
            mult(0)
            scat(0)

            @pl.when(c0 + 2 < nch)
            def _():
                fire(c0 + 2, 0)

            wait_gcw(1)
            mult(1)
            scat(1)

        plsc.subcore_barrier()
        pltpu.sync_copy(acc_sh.at[pl.ds(r0, rpt)],
                        out_hbm.at[pl.ds(cid * Np + r0, rpt)])

    return k(h, w_edge, row_f, col3, zero)




def kernel(x, edge_index, edge_attr, u, emb, fw1, fb1, fw2, fb2,
           d1w, d1b, d2w, d2b, rw1, rb1, rw2, rb2, rw3, rb3):
    N = x.shape[0]
    E = edge_index.shape[1]
    x2 = x.astype(jnp.int32).reshape(N, 1)
    pt = E // _NW
    nch = pt // _FC
    row_f = edge_index[0].astype(jnp.int32)
    col3 = edge_index[1].astype(jnp.int32).reshape(_NW, nch, _FC)

    ea = _compute_ea(edge_attr)
    ea_t = _compute_ea_t(edge_attr)
    h = _embed(x2, emb)
    Np = ((N + 127) // 128) * 128
    zero = jnp.zeros((Np, HC), jnp.float32)

    w_edges = [_filter(ea_t, fw1[i], fb1[i].reshape(1, HC),
                       fw2[i], fb2[i].reshape(1, HC)) for i in range(NI)]
    for i in range(NI):
        parts = _sc_msg_aggr(h, w_edges[i], row_f, col3, zero, Np)
        h = _update(h, parts.reshape(2, Np, HC), d1w[i], d1b[i].reshape(1, HC),
                    d2w[i], d2b[i].reshape(1, HC))

    shifts = _readout(h, rw1, rb1.reshape(1, -1), rw2, rb2.reshape(1, -1),
                      rw3, rb3.reshape(1, 1))
    return (shifts, (h, ea, u))

# --- scband reference (transcript-rebuilt; emitter-appended) ---
"""Pipeline reference for scband-sch-net-69337952026911 (READ-ONLY COPY).

The authoritative reference and input builder live on the scoring server;
editing this copy changes nothing except your own understanding.
"""

import jax, jax.numpy as jnp
import numpy as np

HC = 128   # hidden_channels
NG = 50    # num_gaussians
NI = 6     # num_interactions
NODE_DIM = 32
RH = 128   # readout_hidden_dim
CUTOFF = 10.0
N = 10000
E = 320000


def setup_inputs(seed: int = 0) -> dict:
    key = jax.random.key(seed)
    ks = jax.random.split(key, 20)
    s = 0.05
    inp = {}
    inp['x'] = jax.random.randint(ks[0], (N,), 0, NODE_DIM)
    inp['edge_index'] = jax.random.randint(ks[1], (2, E), 0, N)
    inp['edge_attr'] = jax.random.normal(ks[2], (E, 3), dtype=jnp.float32)
    inp['u'] = jax.random.normal(ks[3], (1, 128), dtype=jnp.float32)
    # learned parameters (weights stored as [in, out]; y = x @ W + b)
    inp['emb'] = jax.random.normal(ks[4], (NODE_DIM, HC)) * s
    inp['fw1'] = jax.random.normal(ks[5], (NI, NG, HC)) * s
    inp['fb1'] = jnp.zeros((NI, HC))
    inp['fw2'] = jax.random.normal(ks[6], (NI, HC, HC)) * s
    inp['fb2'] = jnp.zeros((NI, HC))
    inp['d1w'] = jax.random.normal(ks[7], (NI, HC, HC)) * s
    inp['d1b'] = jnp.zeros((NI, HC))
    inp['d2w'] = jax.random.normal(ks[8], (NI, HC, HC)) * s
    inp['d2b'] = jnp.zeros((NI, HC))
    inp['rw1'] = jax.random.normal(ks[9], (HC, RH)) * s
    inp['rb1'] = jnp.zeros((RH,))
    inp['rw2'] = jax.random.normal(ks[10], (RH, RH // 2)) * s
    inp['rb2'] = jnp.zeros((RH // 2,))
    inp['rw3'] = jax.random.normal(ks[11], (RH // 2, 1)) * s
    inp['rb3'] = jnp.zeros((1,))
    return inp


def reference(x, edge_index, edge_attr, u, emb, fw1, fb1, fw2, fb2,
              d1w, d1b, d2w, d2b, rw1, rb1, rw2, rb2, rw3, rb3):
    n = emb.shape[1]
    # embedding lookup (gather)
    h = jnp.take(emb, x.astype(jnp.int32), axis=0)
    row = edge_index[0]
    col = edge_index[1]
    # edge length + Gaussian smearing
    edge_length = jnp.linalg.norm(edge_attr, axis=1)
    offset = jnp.linspace(0.0, CUTOFF, NG)
    coeff = -0.5 / (offset[1] - offset[0]) ** 2
    ea = jnp.exp(coeff * (edge_length[:, None] - offset[None, :]) ** 2)
    num_nodes = h.shape[0]
    for i in range(NI):
        # filter network on expanded edge attributes
        W = jax.nn.relu(ea @ fw1[i] + fb1[i]) @ fw2[i] + fb2[i]
        # message: x_j * W (gather source node features)
        msg = jnp.take(h, row, axis=0) * W
        # aggregate: scatter-add onto destination nodes
        aggr = jax.ops.segment_sum(msg, col, num_segments=num_nodes)
        # update
        out = jax.nn.relu(aggr @ d1w[i] + d1b[i]) @ d2w[i] + d2b[i]
        h = h + out
    # readout MLP
    r = jax.nn.relu(h @ rw1 + rb1)
    r = jax.nn.relu(r @ rw2 + rb2)
    shifts = r @ rw3 + rb3
    return (shifts, (h, ea, u))

if __name__ == "__main__":
    import jax
    _d = setup_inputs()
    print(jax.jit(kernel)(*tuple(_d.values())))

</pallas_src>

<mosaic_0001>
#map = affine_map<(d0, d1) -> (0, 0)>
#map1 = affine_map<(d0, d1) -> (0)>
#map2 = affine_map<(d0, d1) -> (0, 0, 0)>
module attributes {stable_mosaic.version = 14 : i64} {
  func.func @k(%arg0: i32, %arg1: i32, %arg2: memref<10000x128xf32, #tpu.memory_space<hbm>>, %arg3: memref<320000x128xf32, #tpu.memory_space<hbm>>, %arg4: memref<320000xi32, #tpu.memory_space<hbm>>, %arg5: memref<32x250x40xi32, #tpu.memory_space<hbm>>, %arg6: memref<10112x128xf32, #tpu.memory_space<hbm>>, %arg7: memref<20224x128xf32, #tpu.memory_space<hbm>>, %arg8: memref<10000xi32, #tpu.memory_space<vmem>>, %arg9: memref<40x128xf32, #tpu.memory_space<vmem>>, %arg10: memref<40x128xf32, #tpu.memory_space<vmem>>, %arg11: memref<1x40xi32, #tpu.memory_space<vmem>>, %arg12: memref<1x40xi32, #tpu.memory_space<vmem>>, %arg13: memref<40x128xf32, #tpu.memory_space<vmem>>, %arg14: memref<40x128xf32, #tpu.memory_space<vmem>>, %arg15: memref<10112x128xf32, #tpu.memory_space<vmem_shared>>, %arg16: memref<!tpu.dma_semaphore, #tpu.memory_space<semaphore_mem>>, %arg17: memref<!tpu.dma_semaphore, #tpu.memory_space<semaphore_mem>>, %arg18: memref<!tpu.dma_semaphore, #tpu.memory_space<semaphore_mem>>) attributes {dimension_semantics = [#tpu.dimension_semantics<core_parallel>, #tpu.dimension_semantics<subcore_parallel>], iteration_bounds = array<i64: 2, 16>, scalar_prefetch = 0 : i64, scratch_operands = 11 : i64, tpu.core_type = #tpu.core_type<sc_vector_subcore>, window_params = [{transform_indices = #map}, {transform_indices = #map}, {transform_indices = #map1}, {transform_indices = #map2}, {transform_indices = #map}, {transform_indices = #map}]} {
    %mul3A = arith.constant 2 : i32
    %mul3A_0 = arith.muli %arg1, %mul3A : i32
    %add3A = arith.addi %mul3A_0, %arg0 : i32
    %mul3A_1 = arith.constant 632 : i32
    %mul3A_2 = arith.muli %arg1, %mul3A_1 : i32
    %mul3A_3 = arith.constant 10000 : i32
    %mul3A_4 = arith.muli %add3A, %mul3A_3 : i32
    "tpu.region"() ({
      %run_scoped3A = tpu.sem_alloc : memref<!tpu.dma_semaphore, #tpu.memory_space<semaphore_mem>>
      %dma_start3A_31 = arith.constant 0 : i32
      %dma_start3A_32 = tpu.memref_slice %arg15[%mul3A_2, %dma_start3A_31] : memref<10112x128xf32, #tpu.memory_space<vmem_shared>> -> memref<632x128xf32, #tpu.memory_space<vmem_shared>>
      %dma_start3A_33 = arith.constant 0 : i32
      %dma_start3A_34 = tpu.memref_slice %arg6[%mul3A_2, %dma_start3A_33] : memref<10112x128xf32, #tpu.memory_space<hbm>> -> memref<632x128xf32, #tpu.memory_space<hbm>>
      tpu.enqueue_dma source(%dma_start3A_34 : memref<632x128xf32, #tpu.memory_space<hbm>>) target(%dma_start3A_32 : memref<632x128xf32, #tpu.memory_space<vmem_shared>>) target_semaphore(%run_scoped3A : memref<!tpu.dma_semaphore, #tpu.memory_space<semaphore_mem>>)
      %dma_wait3A = arith.constant 0 : i32
      %dma_wait3A_35 = tpu.memref_slice %arg15[%mul3A_2, %dma_wait3A] : memref<10112x128xf32, #tpu.memory_space<vmem_shared>> -> memref<632x128xf32, #tpu.memory_space<vmem_shared>>
      %dma_wait3A_36 = arith.constant 0 : i32
      %dma_wait3A_37 = tpu.memref_slice %arg6[%mul3A_2, %dma_wait3A_36] : memref<10112x128xf32, #tpu.memory_space<hbm>> -> memref<632x128xf32, #tpu.memory_space<hbm>>
      tpu.wait_dma2 semaphore(%run_scoped3A : memref<!tpu.dma_semaphore, #tpu.memory_space<semaphore_mem>>) src(%dma_wait3A_37 : memref<632x128xf32, #tpu.memory_space<hbm>>) dst(%dma_wait3A_35 : memref<632x128xf32, #tpu.memory_space<vmem_shared>>)
      tpu.yield
    }) : () -> ()
    "tpu.region"() ({
      %run_scoped3A = tpu.sem_alloc : memref<!tpu.dma_semaphore, #tpu.memory_space<semaphore_mem>>
      %dma_start3A_31 = tpu.memref_slice %arg4[%mul3A_4] : memref<320000xi32, #tpu.memory_space<hbm>> -> memref<10000xi32, #tpu.memory_space<hbm>>
      %dma_start3A_32 = tpu.memref_slice %arg4[%mul3A_4] : memref<320000xi32, #tpu.memory_space<hbm>> -> memref<10000xi32, #tpu.memory_space<hbm>>
      tpu.enqueue_dma source(%dma_start3A_32 : memref<10000xi32, #tpu.memory_space<hbm>>) target(%arg8 : memref<10000xi32, #tpu.memory_space<vmem>>) target_semaphore(%run_scoped3A : memref<!tpu.dma_semaphore, #tpu.memory_space<semaphore_mem>>)
      %dma_wait3A = tpu.memref_slice %arg4[%mul3A_4] : memref<320000xi32, #tpu.memory_space<hbm>> -> memref<10000xi32, #tpu.memory_space<hbm>>
      %dma_wait3A_33 = tpu.memref_slice %arg4[%mul3A_4] : memref<320000xi32, #tpu.memory_space<hbm>> -> memref<10000xi32, #tpu.memory_space<hbm>>
      tpu.wait_dma2 semaphore(%run_scoped3A : memref<!tpu.dma_semaphore, #tpu.memory_space<semaphore_mem>>) src(%dma_wait3A_33 : memref<10000xi32, #tpu.memory_space<hbm>>) dst(%arg8 : memref<10000xi32, #tpu.memory_space<vmem>>)
      tpu.yield
    }) : () -> ()
    %barrier3A = arith.constant 0 : index
    tpu.barrier barrier_id(%barrier3A)
    %dma_start3A = arith.constant 0 : i32
    %dma_start3A_5 = tpu.memref_slice %arg8[%dma_start3A] : memref<10000xi32, #tpu.memory_space<vmem>> -> memref<40xi32, #tpu.memory_space<vmem>>
    %dma_start3A_6 = arith.constant 0 : i32
    %dma_start3A_7 = arith.constant 0 : i32
    %dma_start3A_8 = tpu.memref_slice %arg2[%dma_start3A_6, %dma_start3A_7] : memref<10000x128xf32, #tpu.memory_space<hbm>> -> memref<10000x128xf32, #tpu.memory_space<hbm>>
    tpu.enqueue_indirect_dma source(%dma_start3A_8 : memref<10000x128xf32, #tpu.memory_space<hbm>>) target(%arg9 : memref<40x128xf32, #tpu.memory_space<vmem>>) offsets(%dma_start3A_5 : memref<40xi32, #tpu.memory_space<vmem>>) semaphore(%arg16 : memref<!tpu.dma_semaphore, #tpu.memory_space<semaphore_mem>>)
    %add3A_9 = arith.constant 0 : i32
    %add3A_10 = arith.addi %mul3A_4, %add3A_9 : i32
    %dma_start3A_11 = arith.constant 0 : i32
    %dma_start3A_12 = tpu.memref_slice %arg3[%add3A_10, %dma_start3A_11] : memref<320000x128xf32, #tpu.memory_space<hbm>> -> memref<40x128xf32, #tpu.memory_space<hbm>>
    %dma_start3A_13 = arith.constant 0 : i32
    %dma_start3A_14 = tpu.memref_slice %arg3[%add3A_10, %dma_start3A_13] : memref<320000x128xf32, #tpu.memory_space<hbm>> -> memref<40x128xf32, #tpu.memory_space<hbm>>
    tpu.enqueue_dma source(%dma_start3A_14 : memref<40x128xf32, #tpu.memory_space<hbm>>) target(%arg13 : memref<40x128xf32, #tpu.memory_space<vmem>>) target_semaphore(%arg18 : memref<!tpu.dma_semaphore, #tpu.memory_space<semaphore_mem>>)
    %dma_start3A_15 = arith.constant 0 : i32
    %dma_start3A_16 = arith.constant 0 : i32
    %dma_start3A_17 = tpu.memref_slice %arg5[%add3A, %dma_start3A_15, %dma_start3A_16] : memref<32x250x40xi32, #tpu.memory_space<hbm>> -> memref<1x1x40xi32, #tpu.memory_space<hbm>>
    %dma_start3A_18 = tpu.memref_squeeze %dma_start3A_17 : memref<1x1x40xi32, #tpu.memory_space<hbm>> -> memref<1x40xi32, #tpu.memory_space<hbm>>
    %dma_start3A_19 = arith.constant 0 : i32
    %dma_start3A_20 = arith.constant 0 : i32
    %dma_start3A_21 = tpu.memref_slice %arg5[%add3A, %dma_start3A_19, %dma_start3A_20] : memref<32x250x40xi32, #tpu.memory_space<hbm>> -> memref<1x1x40xi32, #tpu.memory_space<hbm>>
    %dma_start3A_22 = tpu.memref_squeeze %dma_start3A_21 : memref<1x1x40xi32, #tpu.memory_space<hbm>> -> memref<1x40xi32, #tpu.memory_space<hbm>>
    tpu.enqueue_dma source(%dma_start3A_22 : memref<1x40xi32, #tpu.memory_space<hbm>>) target(%arg11 : memref<1x40xi32, #tpu.memory_space<vmem>>) target_semaphore(%arg17 : memref<!tpu.dma_semaphore, #tpu.memory_space<semaphore_mem>>)
    %scan3A = arith.constant 0 : i32
    %scan3A_23 = arith.constant 125 : i32
    %scan3A_24 = arith.addi %scan3A, %scan3A_23 : i32
    %scan3A_25 = arith.constant 1 : i32
    scf.for %scan3A_31 = %scan3A to %scan3A_24 step %scan3A_25  : i32 {
      %mul3A_32 = arith.constant 1 : i32
      %mul3A_33 = arith.muli %scan3A_31, %mul3A_32 : i32
      %add3A_34 = arith.constant 0 : i32
      %add3A_35 = arith.addi %add3A_34, %mul3A_33 : i32
      %mul3A_36 = arith.constant 2 : i32
      %mul3A_37 = arith.muli %mul3A_36, %add3A_35 : i32
      %add3A_38 = arith.constant 1 : i32
      %add3A_39 = arith.addi %mul3A_37, %add3A_38 : i32
      %mul3A_40 = arith.constant 40 : i32
      %mul3A_41 = arith.muli %add3A_39, %mul3A_40 : i32
      %dma_start3A_42 = tpu.memref_slice %arg8[%mul3A_41] : memref<10000xi32, #tpu.memory_space<vmem>> -> memref<40xi32, #tpu.memory_space<vmem>>
      %dma_start3A_43 = arith.constant 0 : i32
      %dma_start3A_44 = arith.constant 0 : i32
      %dma_start3A_45 = tpu.memref_slice %arg2[%dma_start3A_43, %dma_start3A_44] : memref<10000x128xf32, #tpu.memory_space<hbm>> -> memref<10000x128xf32, #tpu.memory_space<hbm>>
      tpu.enqueue_indirect_dma source(%dma_start3A_45 : memref<10000x128xf32, #tpu.memory_space<hbm>>) target(%arg10 : memref<40x128xf32, #tpu.memory_space<vmem>>) offsets(%dma_start3A_42 : memref<40xi32, #tpu.memory_space<vmem>>) semaphore(%arg16 : memref<!tpu.dma_semaphore, #tpu.memory_space<semaphore_mem>>)
      %mul3A_46 = arith.constant 40 : i32
      %mul3A_47 = arith.muli %add3A_39, %mul3A_46 : i32
      %add3A_48 = arith.addi %mul3A_4, %mul3A_47 : i32
      %dma_start3A_49 = arith.constant 0 : i32
      %dma_start3A_50 = tpu.memref_slice %arg3[%add3A_48, %dma_start3A_49] : memref<320000x128xf32, #tpu.memory_space<hbm>> -> memref<40x128xf32, #tpu.memory_space<hbm>>
      %dma_start3A_51 = arith.constant 0 : i32
      %dma_start3A_52 = tpu.memref_slice %arg3[%add3A_48, %dma_start3A_51] : memref<320000x128xf32, #tpu.memory_space<hbm>> -> memref<40x128xf32, #tpu.memory_space<hbm>>
      tpu.enqueue_dma source(%dma_start3A_52 : memref<40x128xf32, #tpu.memory_space<hbm>>) target(%arg14 : memref<40x128xf32, #tpu.memory_space<vmem>>) target_semaphore(%arg18 : memref<!tpu.dma_semaphore, #tpu.memory_space<semaphore_mem>>)
      %dma_start3A_53 = arith.constant 0 : i32
      %dma_start3A_54 = tpu.memref_slice %arg5[%add3A, %add3A_39, %dma_start3A_53] : memref<32x250x40xi32, #tpu.memory_space<hbm>> -> memref<1x1x40xi32, #tpu.memory_space<hbm>>
      %dma_start3A_55 = tpu.memref_squeeze %dma_start3A_54 : memref<1x1x40xi32, #tpu.memory_space<hbm>> -> memref<1x40xi32, #tpu.memory_space<hbm>>
      %dma_start3A_56 = arith.constant 0 : i32
      %dma_start3A_57 = tpu.memref_slice %arg5[%add3A, %add3A_39, %dma_start3A_56] : memref<32x250x40xi32, #tpu.memory_space<hbm>> -> memref<1x1x40xi32, #tpu.memory_space<hbm>>
      %dma_start3A_58 = tpu.memref_squeeze %dma_start3A_57 : memref<1x1x40xi32, #tpu.memory_space<hbm>> -> memref<1x40xi32, #tpu.memory_space<hbm>>
      tpu.enqueue_dma source(%dma_start3A_58 : memref<1x40xi32, #tpu.memory_space<hbm>>) target(%arg12 : memref<1x40xi32, #tpu.memory_space<vmem>>) target_semaphore(%arg17 : memref<!tpu.dma_semaphore, #tpu.memory_space<semaphore_mem>>)
      %dma_wait3A = arith.constant 0 : i32
      %dma_wait3A_59 = arith.constant 0 : i32
      %dma_wait3A_60 = tpu.memref_slice %arg2[%dma_wait3A, %dma_wait3A_59] : memref<10000x128xf32, #tpu.memory_space<hbm>> -> memref<40x128xf32, #tpu.memory_space<hbm>>
      %dma_wait3A_61 = arith.constant 0 : i32
      %dma_wait3A_62 = arith.constant 0 : i32
      %dma_wait3A_63 = tpu.memref_slice %arg2[%dma_wait3A_61, %dma_wait3A_62] : memref<10000x128xf32, #tpu.memory_space<hbm>> -> memref<40x128xf32, #tpu.memory_space<hbm>>
      tpu.wait_dma2 semaphore(%arg16 : memref<!tpu.dma_semaphore, #tpu.memory_space<semaphore_mem>>) src(%dma_wait3A_63 : memref<40x128xf32, #tpu.memory_space<hbm>>) dst(%arg9 : memref<40x128xf32, #tpu.memory_space<vmem>>)
      %dma_wait3A_64 = arith.constant 0 : i32
      %dma_wait3A_65 = arith.constant 0 : i32
      %dma_wait3A_66 = tpu.memref_slice %arg3[%dma_wait3A_64, %dma_wait3A_65] : memref<320000x128xf32, #tpu.memory_space<hbm>> -> memref<40x128xf32, #tpu.memory_space<hbm>>
      %dma_wait3A_67 = arith.constant 0 : i32
      %dma_wait3A_68 = arith.constant 0 : i32
      %dma_wait3A_69 = tpu.memref_slice %arg3[%dma_wait3A_67, %dma_wait3A_68] : memref<320000x128xf32, #tpu.memory_space<hbm>> -> memref<40x128xf32, #tpu.memory_space<hbm>>
      tpu.wait_dma2 semaphore(%arg18 : memref<!tpu.dma_semaphore, #tpu.memory_space<semaphore_mem>>) src(%dma_wait3A_69 : memref<40x128xf32, #tpu.memory_space<hbm>>) dst(%arg13 : memref<40x128xf32, #tpu.memory_space<vmem>>)
      %dma_wait3A_70 = arith.constant 0 : i32
      %dma_wait3A_71 = arith.constant 0 : i32
      %dma_wait3A_72 = arith.constant 0 : i32
      %dma_wait3A_73 = tpu.memref_slice %arg5[%dma_wait3A_70, %dma_wait3A_71, %dma_wait3A_72] : memref<32x250x40xi32, #tpu.memory_space<hbm>> -> memref<1x1x40xi32, #tpu.memory_space<hbm>>
      %dma_wait3A_74 = tpu.memref_squeeze %dma_wait3A_73 : memref<1x1x40xi32, #tpu.memory_space<hbm>> -> memref<1x40xi32, #tpu.memory_space<hbm>>
      %dma_wait3A_75 = arith.constant 0 : i32
      %dma_wait3A_76 = arith.constant 0 : i32
      %dma_wait3A_77 = tpu.memref_slice %arg5[%dma_wait3A_70, %dma_wait3A_75, %dma_wait3A_76] : memref<32x250x40xi32, #tpu.memory_space<hbm>> -> memref<1x1x40xi32, #tpu.memory_space<hbm>>
      %dma_wait3A_78 = tpu.memref_squeeze %dma_wait3A_77 : memref<1x1x40xi32, #tpu.memory_space<hbm>> -> memref<1x40xi32, #tpu.memory_space<hbm>>
      tpu.wait_dma2 semaphore(%arg17 : memref<!tpu.dma_semaphore, #tpu.memory_space<semaphore_mem>>) src(%dma_wait3A_78 : memref<1x40xi32, #tpu.memory_space<hbm>>) dst(%arg11 : memref<1x40xi32, #tpu.memory_space<vmem>>)
      %scan3A_79 = arith.constant 0 : i32
      %scan3A_80 = arith.constant 40 : i32
      %scan3A_81 = arith.addi %scan3A_79, %scan3A_80 : i32
      %scan3A_82 = arith.constant 1 : i32
      scf.for %scan3A_115 = %scan3A_79 to %scan3A_81 step %scan3A_82  : i32 {
        %mul3A_116 = arith.constant 1 : i32
        %mul3A_117 = arith.muli %scan3A_115, %mul3A_116 : i32
        %add3A_118 = arith.constant 0 : i32
        %add3A_119 = arith.addi %add3A_118, %mul3A_117 : i32
        %get3A = arith.index_cast %add3A_119 : i32 to index
        %get3A_120 = arith.constant 0 : index
        %get3A_121 = tpu.vector_load %arg9[%get3A, %get3A_120] {strides = array<i32>} : memref<40x128xf32, #tpu.memory_space<vmem>>, vector<1x16xf32>,
        %get3A_122 = vector.shape_cast %get3A_121 : vector<1x16xf32> to vector<1x16xf32>
        %get3A_123 = arith.index_cast %add3A_119 : i32 to index
        %get3A_124 = arith.constant 0 : index
        %get3A_125 = tpu.vector_load %arg13[%get3A_123, %get3A_124] {strides = array<i32>} : memref<40x128xf32, #tpu.memory_space<vmem>>, vector<1x16xf32>,
        %get3A_126 = vector.shape_cast %get3A_125 : vector<1x16xf32> to vector<1x16xf32>
        %mul3A_127 = arith.mulf %get3A_122, %get3A_126 : vector<1x16xf32>
        %swap3A = arith.index_cast %add3A_119 : i32 to index
        %swap3A_128 = arith.constant 0 : index
        %swap3A_129 = tpu.vector_load %arg9[%swap3A, %swap3A_128] {strides = array<i32>} : memref<40x128xf32, #tpu.memory_space<vmem>>, vector<1x16xf32>,
        %swap3A_130 = vector.shape_cast %swap3A_129 : vector<1x16xf32> to vector<1x16xf32>
        %swap3A_131 = vector.shape_cast %mul3A_127 : vector<1x16xf32> to vector<1x16xf32>
        tpu.vector_store %arg9[%swap3A, %swap3A_128], %swap3A_131 {strides = array<i32>} : memref<40x128xf32, #tpu.memory_space<vmem>>, vector<1x16xf32>,
        %get3A_132 = arith.index_cast %add3A_119 : i32 to index
        %get3A_133 = arith.constant 16 : index
        %get3A_134 = tpu.vector_load %arg9[%get3A_132, %get3A_133] {strides = array<i32>} : memref<40x128xf32, #tpu.memory_space<vmem>>, vector<1x16xf32>,
        %get3A_135 = vector.shape_cast %get3A_134 : vector<1x16xf32> to vector<1x16xf32>
        %get3A_136 = arith.index_cast %add3A_119 : i32 to index
        %get3A_137 = arith.constant 16 : index
        %get3A_138 = tpu.vector_load %arg13[%get3A_136, %get3A_137] {strides = array<i32>} : memref<40x128xf32, #tpu.memory_space<vmem>>, vector<1x16xf32>,
        %get3A_139 = vector.shape_cast %get3A_138 : vector<1x16xf32> to vector<1x16xf32>
        %mul3A_140 = arith.mulf %get3A_135, %get3A_139 : vector<1x16xf32>
        %swap3A_141 = arith.index_cast %add3A_119 : i32 to index
        %swap3A_142 = arith.constant 16 : index
        %swap3A_143 = tpu.vector_load %arg9[%swap3A_141, %swap3A_142] {strides = array<i32>} : memref<40x128xf32, #tpu.memory_space<vmem>>, vector<1x16xf32>,
        %swap3A_144 = vector.shape_cast %swap3A_143 : vector<1x16xf32> to vector<1x16xf32>
        %swap3A_145 = vector.shape_cast %mul3A_140 : vector<1x16xf32> to vector<1x16xf32>
        tpu.vector_store %arg9[%swap3A_141, %swap3A_142], %swap3A_145 {strides = array<i32>} : memref<40x128xf32, #tpu.memory_space<vmem>>, vector<1x16xf32>,
        %get3A_146 = arith.index_cast %add3A_119 : i32 to index
        %get3A_147 = arith.constant 32 : index
        %get3A_148 = tpu.vector_load %arg9[%get3A_146, %get3A_147] {strides = array<i32>} : memref<40x128xf32, #tpu.memory_space<vmem>>, vector<1x16xf32>,
        %get3A_149 = vector.shape_cast %get3A_148 : vector<1x16xf32> to vector<1x16xf32>
        %get3A_150 = arith.index_cast %add3A_119 : i32 to index
        %get3A_151 = arith.constant 32 : index
        %get3A_152 = tpu.vector_load %arg13[%get3A_150, %get3A_151] {strides = array<i32>} : memref<40x128xf32, #tpu.memory_space<vmem>>, vector<1x16xf32>,
        %get3A_153 = vector.shape_cast %get3A_152 : vector<1x16xf32> to vector<1x16xf32>
        %mul3A_154 = arith.mulf %get3A_149, %get3A_153 : vector<1x16xf32>
        %swap3A_155 = arith.index_cast %add3A_119 : i32 to index
        %swap3A_156 = arith.constant 32 : index
        %swap3A_157 = tpu.vector_load %arg9[%swap3A_155, %swap3A_156] {strides = array<i32>} : memref<40x128xf32, #tpu.memory_space<vmem>>, vector<1x16xf32>,
        %swap3A_158 = vector.shape_cast %swap3A_157 : vector<1x16xf32> to vector<1x16xf32>
        %swap3A_159 = vector.shape_cast %mul3A_154 : vector<1x16xf32> to vector<1x16xf32>
        tpu.vector_store %arg9[%swap3A_155, %swap3A_156], %swap3A_159 {strides = array<i32>} : memref<40x128xf32, #tpu.memory_space<vmem>>, vector<1x16xf32>,
        %get3A_160 = arith.index_cast %add3A_119 : i32 to index
        %get3A_161 = arith.constant 48 : index
        %get3A_162 = tpu.vector_load %arg9[%get3A_160, %get3A_161] {strides = array<i32>} : memref<40x128xf32, #tpu.memory_space<vmem>>, vector<1x16xf32>,
        %get3A_163 = vector.shape_cast %get3A_162 : vector<1x16xf32> to vector<1x16xf32>
        %get3A_164 = arith.index_cast %add3A_119 : i32 to index
        %get3A_165 = arith.constant 48 : index
        %get3A_166 = tpu.vector_load %arg13[%get3A_164, %get3A_165] {strides = array<i32>} : memref<40x128xf32, #tpu.memory_space<vmem>>, vector<1x16xf32>,
        %get3A_167 = vector.shape_cast %get3A_166 : vector<1x16xf32> to vector<1x16xf32>
        %mul3A_168 = arith.mulf %get3A_163, %get3A_167 : vector<1x16xf32>
        %swap3A_169 = arith.index_cast %add3A_119 : i32 to index
        %swap3A_170 = arith.constant 48 : index
        %swap3A_171 = tpu.vector_load %arg9[%swap3A_169, %swap3A_170] {strides = array<i32>} : memref<40x128xf32, #tpu.memory_space<vmem>>, vector<1x16xf32>,
        %swap3A_172 = vector.shape_cast %swap3A_171 : vector<1x16xf32> to vector<1x16xf32>
        %swap3A_173 = vector.shape_cast %mul3A_168 : vector<1x16xf32> to vector<1x16xf32>
        tpu.vector_store %arg9[%swap3A_169, %swap3A_170], %swap3A_173 {strides = array<i32>} : memref<40x128xf32, #tpu.memory_space<vmem>>, vector<1x16xf32>,
        %get3A_174 = arith.index_cast %add3A_119 : i32 to index
        %get3A_175 = arith.constant 64 : index
        %get3A_176 = tpu.vector_load %arg9[%get3A_174, %get3A_175] {strides = array<i32>} : memref<40x128xf32, #tpu.memory_space<vmem>>, vector<1x16xf32>,
        %get3A_177 = vector.shape_cast %get3A_176 : vector<1x16xf32> to vector<1x16xf32>
        %get3A_178 = arith.index_cast %add3A_119 : i32 to index
        %get3A_179 = arith.constant 64 : index
        %get3A_180 = tpu.vector_load %arg13[%get3A_178, %get3A_179] {strides = array<i32>} : memref<40x128xf32, #tpu.memory_space<vmem>>, vector<1x16xf32>,
        %get3A_181 = vector.shape_cast %get3A_180 : vector<1x16xf32> to vector<1x16xf32>
        %mul3A_182 = arith.mulf %get3A_177, %get3A_181 : vector<1x16xf32>
        %swap3A_183 = arith.index_cast %add3A_119 : i32 to index
        %swap3A_184 = arith.constant 64 : index
        %swap3A_185 = tpu.vector_load %arg9[%swap3A_183, %swap3A_184] {strides = array<i32>} : memref<40x128xf32, #tpu.memory_space<vmem>>, vector<1x16xf32>,
        %swap3A_186 = vector.shape_cast %swap3A_185 : vector<1x16xf32> to vector<1x16xf32>
        %swap3A_187 = vector.shape_cast %mul3A_182 : vector<1x16xf32> to vector<1x16xf32>
        tpu.vector_store %arg9[%swap3A_183, %swap3A_184], %swap3A_187 {strides = array<i32>} : memref<40x128xf32, #tpu.memory_space<vmem>>, vector<1x16xf32>,
        %get3A_188 = arith.index_cast %add3A_119 : i32 to index
        %get3A_189 = arith.constant 80 : index
        %get3A_190 = tpu.vector_load %arg9[%get3A_188, %get3A_189] {strides = array<i32>} : memref<40x128xf32, #tpu.memory_space<vmem>>, vector<1x16xf32>,
        %get3A_191 = vector.shape_cast %get3A_190 : vector<1x16xf32> to vector<1x16xf32>
        %get3A_192 = arith.index_cast %add3A_119 : i32 to index
        %get3A_193 = arith.constant 80 : index
        %get3A_194 = tpu.vector_load %arg13[%get3A_192, %get3A_193] {strides = array<i32>} : memref<40x128xf32, #tpu.memory_space<vmem>>, vector<1x16xf32>,
        %get3A_195 = vector.shape_cast %get3A_194 : vector<1x16xf32> to vector<1x16xf32>
        %mul3A_196 = arith.mulf %get3A_191, %get3A_195 : vector<1x16xf32>
        %swap3A_197 = arith.index_cast %add3A_119 : i32 to index
        %swap3A_198 = arith.constant 80 : index
        %swap3A_199 = tpu.vector_load %arg9[%swap3A_197, %swap3A_198] {strides = array<i32>} : memref<40x128xf32, #tpu.memory_space<vmem>>, vector<1x16xf32>,
        %swap3A_200 = vector.shape_cast %swap3A_199 : vector<1x16xf32> to vector<1x16xf32>
        %swap3A_201 = vector.shape_cast %mul3A_196 : vector<1x16xf32> to vector<1x16xf32>
        tpu.vector_store %arg9[%swap3A_197, %swap3A_198], %swap3A_201 {strides = array<i32>} : memref<40x128xf32, #tpu.memory_space<vmem>>, vector<1x16xf32>,
        %get3A_202 = arith.index_cast %add3A_119 : i32 to index
        %get3A_203 = arith.constant 96 : index
        %get3A_204 = tpu.vector_load %arg9[%get3A_202, %get3A_203] {strides = array<i32>} : memref<40x128xf32, #tpu.memory_space<vmem>>, vector<1x16xf32>,
        %get3A_205 = vector.shape_cast %get3A_204 : vector<1x16xf32> to vector<1x16xf32>
        %get3A_206 = arith.index_cast %add3A_119 : i32 to index
        %get3A_207 = arith.constant 96 : index
        %get3A_208 = tpu.vector_load %arg13[%get3A_206, %get3A_207] {strides = array<i32>} : memref<40x128xf32, #tpu.memory_space<vmem>>, vector<1x16xf32>,
        %get3A_209 = vector.shape_cast %get3A_208 : vector<1x16xf32> to vector<1x16xf32>
        %mul3A_210 = arith.mulf %get3A_205, %get3A_209 : vector<1x16xf32>
        %swap3A_211 = arith.index_cast %add3A_119 : i32 to index
        %swap3A_212 = arith.constant 96 : index
        %swap3A_213 = tpu.vector_load %arg9[%swap3A_211, %swap3A_212] {strides = array<i32>} : memref<40x128xf32, #tpu.memory_space<vmem>>, vector<1x16xf32>,
        %swap3A_214 = vector.shape_cast %swap3A_213 : vector<1x16xf32> to vector<1x16xf32>
        %swap3A_215 = vector.shape_cast %mul3A_210 : vector<1x16xf32> to vector<1x16xf32>
        tpu.vector_store %arg9[%swap3A_211, %swap3A_212], %swap3A_215 {strides = array<i32>} : memref<40x128xf32, #tpu.memory_space<vmem>>, vector<1x16xf32>,
        %get3A_216 = arith.index_cast %add3A_119 : i32 to index
        %get3A_217 = arith.constant 112 : index
        %get3A_218 = tpu.vector_load %arg9[%get3A_216, %get3A_217] {strides = array<i32>} : memref<40x128xf32, #tpu.memory_space<vmem>>, vector<1x16xf32>,
        %get3A_219 = vector.shape_cast %get3A_218 : vector<1x16xf32> to vector<1x16xf32>
        %get3A_220 = arith.index_cast %add3A_119 : i32 to index
        %get3A_221 = arith.constant 112 : index
        %get3A_222 = tpu.vector_load %arg13[%get3A_220, %get3A_221] {strides = array<i32>} : memref<40x128xf32, #tpu.memory_space<vmem>>, vector<1x16xf32>,
        %get3A_223 = vector.shape_cast %get3A_222 : vector<1x16xf32> to vector<1x16xf32>
        %mul3A_224 = arith.mulf %get3A_219, %get3A_223 : vector<1x16xf32>
        %swap3A_225 = arith.index_cast %add3A_119 : i32 to index
        %swap3A_226 = arith.constant 112 : index
        %swap3A_227 = tpu.vector_load %arg9[%swap3A_225, %swap3A_226] {strides = array<i32>} : memref<40x128xf32, #tpu.memory_space<vmem>>, vector<1x16xf32>,
        %swap3A_228 = vector.shape_cast %swap3A_227 : vector<1x16xf32> to vector<1x16xf32>
        %swap3A_229 = vector.shape_cast %mul3A_224 : vector<1x16xf32> to vector<1x16xf32>
        tpu.vector_store %arg9[%swap3A_225, %swap3A_226], %swap3A_229 {strides = array<i32>} : memref<40x128xf32, #tpu.memory_space<vmem>>, vector<1x16xf32>,
      }
      %scan3A_83 = arith.constant 40 : i32
      %run_scoped3A = arith.constant 0 : i32
      "tpu.region"() ({
        %run_scoped3A_115 = tpu.sem_alloc : memref<!tpu.dma_semaphore, #tpu.memory_space<semaphore_mem>>
        %dma_start3A_116 = arith.constant 0 : i32
        %dma_start3A_117 = tpu.memref_slice %arg11[%run_scoped3A, %dma_start3A_116] : memref<1x40xi32, #tpu.memory_space<vmem>> -> memref<1x40xi32, #tpu.memory_space<vmem>>
        %dma_start3A_118 = tpu.memref_squeeze %dma_start3A_117 : memref<1x40xi32, #tpu.memory_space<vmem>> -> memref<40xi32, #tpu.memory_space<vmem>>
        %dma_start3A_119 = arith.constant 0 : i32
        %dma_start3A_120 = arith.constant 0 : i32
        %dma_start3A_121 = tpu.memref_slice %arg15[%dma_start3A_119, %dma_start3A_120] : memref<10112x128xf32, #tpu.memory_space<vmem_shared>> -> memref<10112x128xf32, #tpu.memory_space<vmem_shared>>
        tpu.enqueue_indirect_dma source(%arg9 : memref<40x128xf32, #tpu.memory_space<vmem>>) target(%dma_start3A_121 : memref<10112x128xf32, #tpu.memory_space<vmem_shared>>) offsets(%dma_start3A_118 : memref<40xi32, #tpu.memory_space<vmem>>) semaphore(%run_scoped3A_115 : memref<!tpu.dma_semaphore, #tpu.memory_space<semaphore_mem>>) {add = true}
        %dma_wait3A_122 = arith.constant 0 : i32
        %dma_wait3A_123 = tpu.memref_slice %arg11[%run_scoped3A, %dma_wait3A_122] : memref<1x40xi32, #tpu.memory_space<vmem>> -> memref<1x40xi32, #tpu.memory_space<vmem>>
        %dma_wait3A_124 = tpu.memref_squeeze %dma_wait3A_123 : memref<1x40xi32, #tpu.memory_space<vmem>> -> memref<40xi32, #tpu.memory_space<vmem>>
        %dma_wait3A_125 = arith.constant 0 : i32
        %dma_wait3A_126 = arith.constant 0 : i32
        %dma_wait3A_127 = tpu.memref_slice %arg15[%dma_wait3A_125, %dma_wait3A_126] : memref<10112x128xf32, #tpu.memory_space<vmem_shared>> -> memref<10112x128xf32, #tpu.memory_space<vmem_shared>>
        tpu.wait_indirect_dma semaphore(%run_scoped3A_115 : memref<!tpu.dma_semaphore, #tpu.memory_space<semaphore_mem>>) src(%arg9 : memref<40x128xf32, #tpu.memory_space<vmem>>) dst(%dma_wait3A_127 : memref<10112x128xf32, #tpu.memory_space<vmem_shared>>)
        tpu.yield
      }) : () -> ()
      %add3A_84 = arith.constant 2 : i32
      %add3A_85 = arith.addi %mul3A_37, %add3A_84 : i32
      %lt3A = arith.constant 250 : i32
      %lt3A_86 = arith.cmpi slt, %add3A_85, %lt3A : i32
      %convert_element_type3A = arith.extui %lt3A_86 : i1 to i32
      %cond3A = arith.constant 0 : i32
      %cond3A_87 = arith.cmpi ne, %convert_element_type3A, %cond3A : i32
      scf.if %cond3A_87 {
        %add3A_115 = arith.constant 2 : i32
        %add3A_116 = arith.addi %mul3A_37, %add3A_115 : i32
        %mul3A_117 = arith.constant 40 : i32
        %mul3A_118 = arith.muli %add3A_116, %mul3A_117 : i32
        %dma_start3A_119 = tpu.memref_slice %arg8[%mul3A_118] : memref<10000xi32, #tpu.memory_space<vmem>> -> memref<40xi32, #tpu.memory_space<vmem>>
        %dma_start3A_120 = arith.constant 0 : i32
        %dma_start3A_121 = arith.constant 0 : i32
        %dma_start3A_122 = tpu.memref_slice %arg2[%dma_start3A_120, %dma_start3A_121] : memref<10000x128xf32, #tpu.memory_space<hbm>> -> memref<10000x128xf32, #tpu.memory_space<hbm>>
        tpu.enqueue_indirect_dma source(%dma_start3A_122 : memref<10000x128xf32, #tpu.memory_space<hbm>>) target(%arg9 : memref<40x128xf32, #tpu.memory_space<vmem>>) offsets(%dma_start3A_119 : memref<40xi32, #tpu.memory_space<vmem>>) semaphore(%arg16 : memref<!tpu.dma_semaphore, #tpu.memory_space<semaphore_mem>>)
        %mul3A_123 = arith.constant 40 : i32
        %mul3A_124 = arith.muli %add3A_116, %mul3A_123 : i32
        %add3A_125 = arith.addi %mul3A_4, %mul3A_124 : i32
        %dma_start3A_126 = arith.constant 0 : i32
        %dma_start3A_127 = tpu.memref_slice %arg3[%add3A_125, %dma_start3A_126] : memref<320000x128xf32, #tpu.memory_space<hbm>> -> memref<40x128xf32, #tpu.memory_space<hbm>>
        %dma_start3A_128 = arith.constant 0 : i32
        %dma_start3A_129 = tpu.memref_slice %arg3[%add3A_125, %dma_start3A_128] : memref<320000x128xf32, #tpu.memory_space<hbm>> -> memref<40x128xf32, #tpu.memory_space<hbm>>
        tpu.enqueue_dma source(%dma_start3A_129 : memref<40x128xf32, #tpu.memory_space<hbm>>) target(%arg13 : memref<40x128xf32, #tpu.memory_space<vmem>>) target_semaphore(%arg18 : memref<!tpu.dma_semaphore, #tpu.memory_space<semaphore_mem>>)
        %dma_start3A_130 = arith.constant 0 : i32
        %dma_start3A_131 = tpu.memref_slice %arg5[%add3A, %add3A_116, %dma_start3A_130] : memref<32x250x40xi32, #tpu.memory_space<hbm>> -> memref<1x1x40xi32, #tpu.memory_space<hbm>>
        %dma_start3A_132 = tpu.memref_squeeze %dma_start3A_131 : memref<1x1x40xi32, #tpu.memory_space<hbm>> -> memref<1x40xi32, #tpu.memory_space<hbm>>
        %dma_start3A_133 = arith.constant 0 : i32
        %dma_start3A_134 = tpu.memref_slice %arg5[%add3A, %add3A_116, %dma_start3A_133] : memref<32x250x40xi32, #tpu.memory_space<hbm>> -> memref<1x1x40xi32, #tpu.memory_space<hbm>>
        %dma_start3A_135 = tpu.memref_squeeze %dma_start3A_134 : memref<1x1x40xi32, #tpu.memory_space<hbm>> -> memref<1x40xi32, #tpu.memory_space<hbm>>
        tpu.enqueue_dma source(%dma_start3A_135 : memref<1x40xi32, #tpu.memory_space<hbm>>) target(%arg11 : memref<1x40xi32, #tpu.memory_space<vmem>>) target_semaphore(%arg17 : memref<!tpu.dma_semaphore, #tpu.memory_space<semaphore_mem>>)
      } else {
      }
      %dma_wait3A_88 = arith.constant 0 : i32
      %dma_wait3A_89 = arith.constant 0 : i32
      %dma_wait3A_90 = tpu.memref_slice %arg2[%dma_wait3A_88, %dma_wait3A_89] : memref<10000x128xf32, #tpu.memory_space<hbm>> -> memref<40x128xf32, #tpu.memory_space<hbm>>
      %dma_wait3A_91 = arith.constant 0 : i32
      %dma_wait3A_92 = arith.constant 0 : i32
      %dma_wait3A_93 = tpu.memref_slice %arg2[%dma_wait3A_91, %dma_wait3A_92] : memref<10000x128xf32, #tpu.memory_space<hbm>> -> memref<40x128xf32, #tpu.memory_space<hbm>>
      tpu.wait_dma2 semaphore(%arg16 : memref<!tpu.dma_semaphore, #tpu.memory_space<semaphore_mem>>) src(%dma_wait3A_93 : memref<40x128xf32, #tpu.memory_space<hbm>>) dst(%arg10 : memref<40x128xf32, #tpu.memory_space<vmem>>)
      %dma_wait3A_94 = arith.constant 0 : i32
      %dma_wait3A_95 = arith.constant 0 : i32
      %dma_wait3A_96 = tpu.memref_slice %arg3[%dma_wait3A_94, %dma_wait3A_95] : memref<320000x128xf32, #tpu.memory_space<hbm>> -> memref<40x128xf32, #tpu.memory_space<hbm>>
      %dma_wait3A_97 = arith.constant 0 : i32
      %dma_wait3A_98 = arith.constant 0 : i32
      %dma_wait3A_99 = tpu.memref_slice %arg3[%dma_wait3A_97, %dma_wait3A_98] : memref<320000x128xf32, #tpu.memory_space<hbm>> -> memref<40x128xf32, #tpu.memory_space<hbm>>
      tpu.wait_dma2 semaphore(%arg18 : memref<!tpu.dma_semaphore, #tpu.memory_space<semaphore_mem>>) src(%dma_wait3A_99 : memref<40x128xf32, #tpu.memory_space<hbm>>) dst(%arg14 : memref<40x128xf32, #tpu.memory_space<vmem>>)
      %dma_wait3A_100 = arith.constant 0 : i32
      %dma_wait3A_101 = arith.constant 0 : i32
      %dma_wait3A_102 = arith.constant 0 : i32
      %dma_wait3A_103 = tpu.memref_slice %arg5[%dma_wait3A_100, %dma_wait3A_101, %dma_wait3A_102] : memref<32x250x40xi32, #tpu.memory_space<hbm>> -> memref<1x1x40xi32, #tpu.memory_space<hbm>>
      %dma_wait3A_104 = tpu.memref_squeeze %dma_wait3A_103 : memref<1x1x40xi32, #tpu.memory_space<hbm>> -> memref<1x40xi32, #tpu.memory_space<hbm>>
      %dma_wait3A_105 = arith.constant 0 : i32
      %dma_wait3A_106 = arith.constant 0 : i32
      %dma_wait3A_107 = tpu.memref_slice %arg5[%dma_wait3A_100, %dma_wait3A_105, %dma_wait3A_106] : memref<32x250x40xi32, #tpu.memory_space<hbm>> -> memref<1x1x40xi32, #tpu.memory_space<hbm>>
      %dma_wait3A_108 = tpu.memref_squeeze %dma_wait3A_107 : memref<1x1x40xi32, #tpu.memory_space<hbm>> -> memref<1x40xi32, #tpu.memory_space<hbm>>
      tpu.wait_dma2 semaphore(%arg17 : memref<!tpu.dma_semaphore, #tpu.memory_space<semaphore_mem>>) src(%dma_wait3A_108 : memref<1x40xi32, #tpu.memory_space<hbm>>) dst(%arg12 : memref<1x40xi32, #tpu.memory_space<vmem>>)
      %scan3A_109 = arith.constant 0 : i32
      %scan3A_110 = arith.constant 40 : i32
      %scan3A_111 = arith.addi %scan3A_109, %scan3A_110 : i32
      %scan3A_112 = arith.constant 1 : i32
      scf.for %scan3A_115 = %scan3A_109 to %scan3A_111 step %scan3A_112  : i32 {
        %mul3A_116 = arith.constant 1 : i32
        %mul3A_117 = arith.muli %scan3A_115, %mul3A_116 : i32
        %add3A_118 = arith.constant 0 : i32
        %add3A_119 = arith.addi %add3A_118, %mul3A_117 : i32
        %get3A = arith.index_cast %add3A_119 : i32 to index
        %get3A_120 = arith.constant 0 : index
        %get3A_121 = tpu.vector_load %arg10[%get3A, %get3A_120] {strides = array<i32>} : memref<40x128xf32, #tpu.memory_space<vmem>>, vector<1x16xf32>,
        %get3A_122 = vector.shape_cast %get3A_121 : vector<1x16xf32> to vector<1x16xf32>
        %get3A_123 = arith.index_cast %add3A_119 : i32 to index
        %get3A_124 = arith.constant 0 : index
        %get3A_125 = tpu.vector_load %arg14[%get3A_123, %get3A_124] {strides = array<i32>} : memref<40x128xf32, #tpu.memory_space<vmem>>, vector<1x16xf32>,
        %get3A_126 = vector.shape_cast %get3A_125 : vector<1x16xf32> to vector<1x16xf32>
        %mul3A_127 = arith.mulf %get3A_122, %get3A_126 : vector<1x16xf32>
        %swap3A = arith.index_cast %add3A_119 : i32 to index
        %swap3A_128 = arith.constant 0 : index
        %swap3A_129 = tpu.vector_load %arg10[%swap3A, %swap3A_128] {strides = array<i32>} : memref<40x128xf32, #tpu.memory_space<vmem>>, vector<1x16xf32>,
        %swap3A_130 = vector.shape_cast %swap3A_129 : vector<1x16xf32> to vector<1x16xf32>
        %swap3A_131 = vector.shape_cast %mul3A_127 : vector<1x16xf32> to vector<1x16xf32>
        tpu.vector_store %arg10[%swap3A, %swap3A_128], %swap3A_131 {strides = array<i32>} : memref<40x128xf32, #tpu.memory_space<vmem>>, vector<1x16xf32>,
        %get3A_132 = arith.index_cast %add3A_119 : i32 to index
        %get3A_133 = arith.constant 16 : index
        %get3A_134 = tpu.vector_load %arg10[%get3A_132, %get3A_133] {strides = array<i32>} : memref<40x128xf32, #tpu.memory_space<vmem>>, vector<1x16xf32>,
        %get3A_135 = vector.shape_cast %get3A_134 : vector<1x16xf32> to vector<1x16xf32>
        %get3A_136 = arith.index_cast %add3A_119 : i32 to index
        %get3A_137 = arith.constant 16 : index
        %get3A_138 = tpu.vector_load %arg14[%get3A_136, %get3A_137] {strides = array<i32>} : memref<40x128xf32, #tpu.memory_space<vmem>>, vector<1x16xf32>,
        %get3A_139 = vector.shape_cast %get3A_138 : vector<1x16xf32> to vector<1x16xf32>
        %mul3A_140 = arith.mulf %get3A_135, %get3A_139 : vector<1x16xf32>
        %swap3A_141 = arith.index_cast %add3A_119 : i32 to index
        %swap3A_142 = arith.constant 16 : index
        %swap3A_143 = tpu.vector_load %arg10[%swap3A_141, %swap3A_142] {strides = array<i32>} : memref<40x128xf32, #tpu.memory_space<vmem>>, vector<1x16xf32>,
        %swap3A_144 = vector.shape_cast %swap3A_143 : vector<1x16xf32> to vector<1x16xf32>
        %swap3A_145 = vector.shape_cast %mul3A_140 : vector<1x16xf32> to vector<1x16xf32>
        tpu.vector_store %arg10[%swap3A_141, %swap3A_142], %swap3A_145 {strides = array<i32>} : memref<40x128xf32, #tpu.memory_space<vmem>>, vector<1x16xf32>,
        %get3A_146 = arith.index_cast %add3A_119 : i32 to index
        %get3A_147 = arith.constant 32 : index
        %get3A_148 = tpu.vector_load %arg10[%get3A_146, %get3A_147] {strides = array<i32>} : memref<40x128xf32, #tpu.memory_space<vmem>>, vector<1x16xf32>,
        %get3A_149 = vector.shape_cast %get3A_148 : vector<1x16xf32> to vector<1x16xf32>
        %get3A_150 = arith.index_cast %add3A_119 : i32 to index
        %get3A_151 = arith.constant 32 : index
        %get3A_152 = tpu.vector_load %arg14[%get3A_150, %get3A_151] {strides = array<i32>} : memref<40x128xf32, #tpu.memory_space<vmem>>, vector<1x16xf32>,
        %get3A_153 = vector.shape_cast %get3A_152 : vector<1x16xf32> to vector<1x16xf32>
        %mul3A_154 = arith.mulf %get3A_149, %get3A_153 : vector<1x16xf32>
        %swap3A_155 = arith.index_cast %add3A_119 : i32 to index
        %swap3A_156 = arith.constant 32 : index
        %swap3A_157 = tpu.vector_load %arg10[%swap3A_155, %swap3A_156] {strides = array<i32>} : memref<40x128xf32, #tpu.memory_space<vmem>>, vector<1x16xf32>,
        %swap3A_158 = vector.shape_cast %swap3A_157 : vector<1x16xf32> to vector<1x16xf32>
        %swap3A_159 = vector.shape_cast %mul3A_154 : vector<1x16xf32> to vector<1x16xf32>
        tpu.vector_store %arg10[%swap3A_155, %swap3A_156], %swap3A_159 {strides = array<i32>} : memref<40x128xf32, #tpu.memory_space<vmem>>, vector<1x16xf32>,
        %get3A_160 = arith.index_cast %add3A_119 : i32 to index
        %get3A_161 = arith.constant 48 : index
        %get3A_162 = tpu.vector_load %arg10[%get3A_160, %get3A_161] {strides = array<i32>} : memref<40x128xf32, #tpu.memory_space<vmem>>, vector<1x16xf32>,
        %get3A_163 = vector.shape_cast %get3A_162 : vector<1x16xf32> to vector<1x16xf32>
        %get3A_164 = arith.index_cast %add3A_119 : i32 to index
        %get3A_165 = arith.constant 48 : index
        %get3A_166 = tpu.vector_load %arg14[%get3A_164, %get3A_165] {strides = array<i32>} : memref<40x128xf32, #tpu.memory_space<vmem>>, vector<1x16xf32>,
        %get3A_167 = vector.shape_cast %get3A_166 : vector<1x16xf32> to vector<1x16xf32>
        %mul3A_168 = arith.mulf %get3A_163, %get3A_167 : vector<1x16xf32>
        %swap3A_169 = arith.index_cast %add3A_119 : i32 to index
        %swap3A_170 = arith.constant 48 : index
        %swap3A_171 = tpu.vector_load %arg10[%swap3A_169, %swap3A_170] {strides = array<i32>} : memref<40x128xf32, #tpu.memory_space<vmem>>, vector<1x16xf32>,
        %swap3A_172 = vector.shape_cast %swap3A_171 : vector<1x16xf32> to vector<1x16xf32>
        %swap3A_173 = vector.shape_cast %mul3A_168 : vector<1x16xf32> to vector<1x16xf32>
        tpu.vector_store %arg10[%swap3A_169, %swap3A_170], %swap3A_173 {strides = array<i32>} : memref<40x128xf32, #tpu.memory_space<vmem>>, vector<1x16xf32>,
        %get3A_174 = arith.index_cast %add3A_119 : i32 to index
        %get3A_175 = arith.constant 64 : index
        %get3A_176 = tpu.vector_load %arg10[%get3A_174, %get3A_175] {strides = array<i32>} : memref<40x128xf32, #tpu.memory_space<vmem>>, vector<1x16xf32>,
        %get3A_177 = vector.shape_cast %get3A_176 : vector<1x16xf32> to vector<1x16xf32>
        %get3A_178 = arith.index_cast %add3A_119 : i32 to index
        %get3A_179 = arith.constant 64 : index
        %get3A_180 = tpu.vector_load %arg14[%get3A_178, %get3A_179] {strides = array<i32>} : memref<40x128xf32, #tpu.memory_space<vmem>>, vector<1x16xf32>,
        %get3A_181 = vector.shape_cast %get3A_180 : vector<1x16xf32> to vector<1x16xf32>
        %mul3A_182 = arith.mulf %get3A_177, %get3A_181 : vector<1x16xf32>
        %swap3A_183 = arith.index_cast %add3A_119 : i32 to index
        %swap3A_184 = arith.constant 64 : index
        %swap3A_185 = tpu.vector_load %arg10[%swap3A_183, %swap3A_184] {strides = array<i32>} : memref<40x128xf32, #tpu.memory_space<vmem>>, vector<1x16xf32>,
        %swap3A_186 = vector.shape_cast %swap3A_185 : vector<1x16xf32> to vector<1x16xf32>
        %swap3A_187 = vector.shape_cast %mul3A_182 : vector<1x16xf32> to vector<1x16xf32>
        tpu.vector_store %arg10[%swap3A_183, %swap3A_184], %swap3A_187 {strides = array<i32>} : memref<40x128xf32, #tpu.memory_space<vmem>>, vector<1x16xf32>,
        %get3A_188 = arith.index_cast %add3A_119 : i32 to index
        %get3A_189 = arith.constant 80 : index
        %get3A_190 = tpu.vector_load %arg10[%get3A_188, %get3A_189] {strides = array<i32>} : memref<40x128xf32, #tpu.memory_space<vmem>>, vector<1x16xf32>,
        %get3A_191 = vector.shape_cast %get3A_190 : vector<1x16xf32> to vector<1x16xf32>
        %get3A_192 = arith.index_cast %add3A_119 : i32 to index
        %get3A_193 = arith.constant 80 : index
        %get3A_194 = tpu.vector_load %arg14[%get3A_192, %get3A_193] {strides = array<i32>} : memref<40x128xf32, #tpu.memory_space<vmem>>, vector<1x16xf32>,
        %get3A_195 = vector.shape_cast %get3A_194 : vector<1x16xf32> to vector<1x16xf32>
        %mul3A_196 = arith.mulf %get3A_191, %get3A_195 : vector<1x16xf32>
        %swap3A_197 = arith.index_cast %add3A_119 : i32 to index
        %swap3A_198 = arith.constant 80 : index
        %swap3A_199 = tpu.vector_load %arg10[%swap3A_197, %swap3A_198] {strides = array<i32>} : memref<40x128xf32, #tpu.memory_space<vmem>>, vector<1x16xf32>,
        %swap3A_200 = vector.shape_cast %swap3A_199 : vector<1x16xf32> to vector<1x16xf32>
        %swap3A_201 = vector.shape_cast %mul3A_196 : vector<1x16xf32> to vector<1x16xf32>
        tpu.vector_store %arg10[%swap3A_197, %swap3A_198], %swap3A_201 {strides = array<i32>} : memref<40x128xf32, #tpu.memory_space<vmem>>, vector<1x16xf32>,
        %get3A_202 = arith.index_cast %add3A_119 : i32 to index
        %get3A_203 = arith.constant 96 : index
        %get3A_204 = tpu.vector_load %arg10[%get3A_202, %get3A_203] {strides = array<i32>} : memref<40x128xf32, #tpu.memory_space<vmem>>, vector<1x16xf32>,
        %get3A_205 = vector.shape_cast %get3A_204 : vector<1x16xf32> to vector<1x16xf32>
        %get3A_206 = arith.index_cast %add3A_119 : i32 to index
        %get3A_207 = arith.constant 96 : index
        %get3A_208 = tpu.vector_load %arg14[%get3A_206, %get3A_207] {strides = array<i32>} : memref<40x128xf32, #tpu.memory_space<vmem>>, vector<1x16xf32>,
        %get3A_209 = vector.shape_cast %get3A_208 : vector<1x16xf32> to vector<1x16xf32>
        %mul3A_210 = arith.mulf %get3A_205, %get3A_209 : vector<1x16xf32>
        %swap3A_211 = arith.index_cast %add3A_119 : i32 to index
        %swap3A_212 = arith.constant 96 : index
        %swap3A_213 = tpu.vector_load %arg10[%swap3A_211, %swap3A_212] {strides = array<i32>} : memref<40x128xf32, #tpu.memory_space<vmem>>, vector<1x16xf32>,
        %swap3A_214 = vector.shape_cast %swap3A_213 : vector<1x16xf32> to vector<1x16xf32>
        %swap3A_215 = vector.shape_cast %mul3A_210 : vector<1x16xf32> to vector<1x16xf32>
        tpu.vector_store %arg10[%swap3A_211, %swap3A_212], %swap3A_215 {strides = array<i32>} : memref<40x128xf32, #tpu.memory_space<vmem>>, vector<1x16xf32>,
        %get3A_216 = arith.index_cast %add3A_119 : i32 to index
        %get3A_217 = arith.constant 112 : index
        %get3A_218 = tpu.vector_load %arg10[%get3A_216, %get3A_217] {strides = array<i32>} : memref<40x128xf32, #tpu.memory_space<vmem>>, vector<1x16xf32>,
        %get3A_219 = vector.shape_cast %get3A_218 : vector<1x16xf32> to vector<1x16xf32>
        %get3A_220 = arith.index_cast %add3A_119 : i32 to index
        %get3A_221 = arith.constant 112 : index
        %get3A_222 = tpu.vector_load %arg14[%get3A_220, %get3A_221] {strides = array<i32>} : memref<40x128xf32, #tpu.memory_space<vmem>>, vector<1x16xf32>,
        %get3A_223 = vector.shape_cast %get3A_222 : vector<1x16xf32> to vector<1x16xf32>
        %mul3A_224 = arith.mulf %get3A_219, %get3A_223 : vector<1x16xf32>
        %swap3A_225 = arith.index_cast %add3A_119 : i32 to index
        %swap3A_226 = arith.constant 112 : index
        %swap3A_227 = tpu.vector_load %arg10[%swap3A_225, %swap3A_226] {strides = array<i32>} : memref<40x128xf32, #tpu.memory_space<vmem>>, vector<1x16xf32>,
        %swap3A_228 = vector.shape_cast %swap3A_227 : vector<1x16xf32> to vector<1x16xf32>
        %swap3A_229 = vector.shape_cast %mul3A_224 : vector<1x16xf32> to vector<1x16xf32>
        tpu.vector_store %arg10[%swap3A_225, %swap3A_226], %swap3A_229 {strides = array<i32>} : memref<40x128xf32, #tpu.memory_space<vmem>>, vector<1x16xf32>,
      }
      %scan3A_113 = arith.constant 40 : i32
      %run_scoped3A_114 = arith.constant 0 : i32
      "tpu.region"() ({
        %run_scoped3A_115 = tpu.sem_alloc : memref<!tpu.dma_semaphore, #tpu.memory_space<semaphore_mem>>
        %dma_start3A_116 = arith.constant 0 : i32
        %dma_start3A_117 = tpu.memref_slice %arg12[%run_scoped3A_114, %dma_start3A_116] : memref<1x40xi32, #tpu.memory_space<vmem>> -> memref<1x40xi32, #tpu.memory_space<vmem>>
        %dma_start3A_118 = tpu.memref_squeeze %dma_start3A_117 : memref<1x40xi32, #tpu.memory_space<vmem>> -> memref<40xi32, #tpu.memory_space<vmem>>
        %dma_start3A_119 = arith.constant 0 : i32
        %dma_start3A_120 = arith.constant 0 : i32
        %dma_start3A_121 = tpu.memref_slice %arg15[%dma_start3A_119, %dma_start3A_120] : memref<10112x128xf32, #tpu.memory_space<vmem_shared>> -> memref<10112x128xf32, #tpu.memory_space<vmem_shared>>
        tpu.enqueue_indirect_dma source(%arg10 : memref<40x128xf32, #tpu.memory_space<vmem>>) target(%dma_start3A_121 : memref<10112x128xf32, #tpu.memory_space<vmem_shared>>) offsets(%dma_start3A_118 : memref<40xi32, #tpu.memory_space<vmem>>) semaphore(%run_scoped3A_115 : memref<!tpu.dma_semaphore, #tpu.memory_space<semaphore_mem>>) {add = true}
        %dma_wait3A_122 = arith.constant 0 : i32
        %dma_wait3A_123 = tpu.memref_slice %arg12[%run_scoped3A_114, %dma_wait3A_122] : memref<1x40xi32, #tpu.memory_space<vmem>> -> memref<1x40xi32, #tpu.memory_space<vmem>>
        %dma_wait3A_124 = tpu.memref_squeeze %dma_wait3A_123 : memref<1x40xi32, #tpu.memory_space<vmem>> -> memref<40xi32, #tpu.memory_space<vmem>>
        %dma_wait3A_125 = arith.constant 0 : i32
        %dma_wait3A_126 = arith.constant 0 : i32
        %dma_wait3A_127 = tpu.memref_slice %arg15[%dma_wait3A_125, %dma_wait3A_126] : memref<10112x128xf32, #tpu.memory_space<vmem_shared>> -> memref<10112x128xf32, #tpu.memory_space<vmem_shared>>
        tpu.wait_indirect_dma semaphore(%run_scoped3A_115 : memref<!tpu.dma_semaphore, #tpu.memory_space<semaphore_mem>>) src(%arg10 : memref<40x128xf32, #tpu.memory_space<vmem>>) dst(%dma_wait3A_127 : memref<10112x128xf32, #tpu.memory_space<vmem_shared>>)
        tpu.yield
      }) : () -> ()
    }
    %scan3A_26 = arith.constant 125 : i32
    %barrier3A_27 = arith.constant 0 : index
    tpu.barrier barrier_id(%barrier3A_27)
    %mul3A_28 = arith.constant 10112 : i32
    %mul3A_29 = arith.muli %arg0, %mul3A_28 : i32
    %add3A_30 = arith.addi %mul3A_29, %mul3A_2 : i32
    "tpu.region"() ({
      %run_scoped3A = tpu.sem_alloc : memref<!tpu.dma_semaphore, #tpu.memory_space<semaphore_mem>>
      %dma_start3A_31 = arith.constant 0 : i32
      %dma_start3A_32 = tpu.memref_slice %arg7[%add3A_30, %dma_start3A_31] : memref<20224x128xf32, #tpu.memory_space<hbm>> -> memref<632x128xf32, #tpu.memory_space<hbm>>
      %dma_start3A_33 = arith.constant 0 : i32
      %dma_start3A_34 = tpu.memref_slice %arg15[%mul3A_2, %dma_start3A_33] : memref<10112x128xf32, #tpu.memory_space<vmem_shared>> -> memref<632x128xf32, #tpu.memory_space<vmem_shared>>
      tpu.enqueue_dma source(%dma_start3A_34 : memref<632x128xf32, #tpu.memory_space<vmem_shared>>) target(%dma_start3A_32 : memref<632x128xf32, #tpu.memory_space<hbm>>) target_semaphore(%run_scoped3A : memref<!tpu.dma_semaphore, #tpu.memory_space<semaphore_mem>>)
      %dma_wait3A = arith.constant 0 : i32
      %dma_wait3A_35 = tpu.memref_slice %arg7[%add3A_30, %dma_wait3A] : memref<20224x128xf32, #tpu.memory_space<hbm>> -> memref<632x128xf32, #tpu.memory_space<hbm>>
      %dma_wait3A_36 = arith.constant 0 : i32
      %dma_wait3A_37 = tpu.memref_slice %arg15[%mul3A_2, %dma_wait3A_36] : memref<10112x128xf32, #tpu.memory_space<vmem_shared>> -> memref<632x128xf32, #tpu.memory_space<vmem_shared>>
      tpu.wait_dma2 semaphore(%run_scoped3A : memref<!tpu.dma_semaphore, #tpu.memory_space<semaphore_mem>>) src(%dma_wait3A_37 : memref<632x128xf32, #tpu.memory_space<vmem_shared>>) dst(%dma_wait3A_35 : memref<632x128xf32, #tpu.memory_space<hbm>>)
      tpu.yield
    }) : () -> ()
    return
  }
}

#map = affine_map<(d0, d1) -> (0, 0)>
#map1 = affine_map<(d0, d1) -> (0)>
#map2 = affine_map<(d0, d1) -> (0, 0, 0)>
module attributes {stable_mosaic.version = 14 : i64} {
  func.func @k(%arg0: i32, %arg1: i32, %arg2: memref<10000x128xf32, #tpu.memory_space<hbm>>, %arg3: memref<320000x128xf32, #tpu.memory_space<hbm>>, %arg4: memref<320000xi32, #tpu.memory_space<hbm>>, %arg5: memref<32x250x40xi32, #tpu.memory_space<hbm>>, %arg6: memref<10112x128xf32, #tpu.memory_space<hbm>>, %arg7: memref<20224x128xf32, #tpu.memory_space<hbm>>, %arg8: memref<10000xi32, #tpu.memory_space<vmem>>, %arg9: memref<40x128xf32, #tpu.memory_space<vmem>>, %arg10: memref<40x128xf32, #tpu.memory_space<vmem>>, %arg11: memref<1x40xi32, #tpu.memory_space<vmem>>, %arg12: memref<1x40xi32, #tpu.memory_space<vmem>>, %arg13: memref<40x128xf32, #tpu.memory_space<vmem>>, %arg14: memref<40x128xf32, #tpu.memory_space<vmem>>, %arg15: memref<10112x128xf32, #tpu.memory_space<vmem_shared>>, %arg16: memref<!tpu.dma_semaphore, #tpu.memory_space<semaphore_mem>>, %arg17: memref<!tpu.dma_semaphore, #tpu.memory_space<semaphore_mem>>, %arg18: memref<!tpu.dma_semaphore, #tpu.memory_space<semaphore_mem>>) attributes {dimension_semantics = [#tpu.dimension_semantics<core_parallel>, #tpu.dimension_semantics<subcore_parallel>], iteration_bounds = array<i64: 2, 16>, scalar_prefetch = 0 : i64, scratch_operands = 11 : i64, tpu.core_type = #tpu.core_type<sc_vector_subcore>, window_params = [{transform_indices = #map}, {transform_indices = #map}, {transform_indices = #map1}, {transform_indices = #map2}, {transform_indices = #map}, {transform_indices = #map}]} {
    %mul3A = arith.constant 2 : i32
    %mul3A_0 = arith.muli %arg1, %mul3A : i32
    %add3A = arith.addi %mul3A_0, %arg0 : i32
    %mul3A_1 = arith.constant 632 : i32
    %mul3A_2 = arith.muli %arg1, %mul3A_1 : i32
    %mul3A_3 = arith.constant 10000 : i32
    %mul3A_4 = arith.muli %add3A, %mul3A_3 : i32
    "tpu.region"() ({
      %run_scoped3A = tpu.sem_alloc : memref<!tpu.dma_semaphore, #tpu.memory_space<semaphore_mem>>
      %dma_start3A_31 = arith.constant 0 : i32
      %dma_start3A_32 = tpu.memref_slice %arg15[%mul3A_2, %dma_start3A_31] : memref<10112x128xf32, #tpu.memory_space<vmem_shared>> -> memref<632x128xf32, #tpu.memory_space<vmem_shared>>
      %dma_start3A_33 = arith.constant 0 : i32
      %dma_start3A_34 = tpu.memref_slice %arg6[%mul3A_2, %dma_start3A_33] : memref<10112x128xf32, #tpu.memory_space<hbm>> -> memref<632x128xf32, #tpu.memory_space<hbm>>
      tpu.enqueue_dma source(%dma_start3A_34 : memref<632x128xf32, #tpu.memory_space<hbm>>) target(%dma_start3A_32 : memref<632x128xf32, #tpu.memory_space<vmem_shared>>) target_semaphore(%run_scoped3A : memref<!tpu.dma_semaphore, #tpu.memory_space<semaphore_mem>>)
      %dma_wait3A = arith.constant 0 : i32
      %dma_wait3A_35 = tpu.memref_slice %arg15[%mul3A_2, %dma_wait3A] : memref<10112x128xf32, #tpu.memory_space<vmem_shared>> -> memref<632x128xf32, #tpu.memory_space<vmem_shared>>
      %dma_wait3A_36 = arith.constant 0 : i32
      %dma_wait3A_37 = tpu.memref_slice %arg6[%mul3A_2, %dma_wait3A_36] : memref<10112x128xf32, #tpu.memory_space<hbm>> -> memref<632x128xf32, #tpu.memory_space<hbm>>
      tpu.wait_dma2 semaphore(%run_scoped3A : memref<!tpu.dma_semaphore, #tpu.memory_space<semaphore_mem>>) src(%dma_wait3A_37 : memref<632x128xf32, #tpu.memory_space<hbm>>) dst(%dma_wait3A_35 : memref<632x128xf32, #tpu.memory_space<vmem_shared>>)
      tpu.yield
    }) : () -> ()
    "tpu.region"() ({
      %run_scoped3A = tpu.sem_alloc : memref<!tpu.dma_semaphore, #tpu.memory_space<semaphore_mem>>
      %dma_start3A_31 = tpu.memref_slice %arg4[%mul3A_4] : memref<320000xi32, #tpu.memory_space<hbm>> -> memref<10000xi32, #tpu.memory_space<hbm>>
      %dma_start3A_32 = tpu.memref_slice %arg4[%mul3A_4] : memref<320000xi32, #tpu.memory_space<hbm>> -> memref<10000xi32, #tpu.memory_space<hbm>>
      tpu.enqueue_dma source(%dma_start3A_32 : memref<10000xi32, #tpu.memory_space<hbm>>) target(%arg8 : memref<10000xi32, #tpu.memory_space<vmem>>) target_semaphore(%run_scoped3A : memref<!tpu.dma_semaphore, #tpu.memory_space<semaphore_mem>>)
      %dma_wait3A = tpu.memref_slice %arg4[%mul3A_4] : memref<320000xi32, #tpu.memory_space<hbm>> -> memref<10000xi32, #tpu.memory_space<hbm>>
      %dma_wait3A_33 = tpu.memref_slice %arg4[%mul3A_4] : memref<320000xi32, #tpu.memory_space<hbm>> -> memref<10000xi32, #tpu.memory_space<hbm>>
      tpu.wait_dma2 semaphore(%run_scoped3A : memref<!tpu.dma_semaphore, #tpu.memory_space<semaphore_mem>>) src(%dma_wait3A_33 : memref<10000xi32, #tpu.memory_space<hbm>>) dst(%arg8 : memref<10000xi32, #tpu.memory_space<vmem>>)
      tpu.yield
    }) : () -> ()
    %barrier3A = arith.constant 0 : index
    tpu.barrier barrier_id(%barrier3A)
    %dma_start3A = arith.constant 0 : i32
    %dma_start3A_5 = tpu.memref_slice %arg8[%dma_start3A] : memref<10000xi32, #tpu.memory_space<vmem>> -> memref<40xi32, #tpu.memory_space<vmem>>
    %dma_start3A_6 = arith.constant 0 : i32
    %dma_start3A_7 = arith.constant 0 : i32
    %dma_start3A_8 = tpu.memref_slice %arg2[%dma_start3A_6, %dma_start3A_7] : memref<10000x128xf32, #tpu.memory_space<hbm>> -> memref<10000x128xf32, #tpu.memory_space<hbm>>
    tpu.enqueue_indirect_dma source(%dma_start3A_8 : memref<10000x128xf32, #tpu.memory_space<hbm>>) target(%arg9 : memref<40x128xf32, #tpu.memory_space<vmem>>) offsets(%dma_start3A_5 : memref<40xi32, #tpu.memory_space<vmem>>) semaphore(%arg16 : memref<!tpu.dma_semaphore, #tpu.memory_space<semaphore_mem>>)
    %add3A_9 = arith.constant 0 : i32
    %add3A_10 = arith.addi %mul3A_4, %add3A_9 : i32
    %dma_start3A_11 = arith.constant 0 : i32
    %dma_start3A_12 = tpu.memref_slice %arg3[%add3A_10, %dma_start3A_11] : memref<320000x128xf32, #tpu.memory_space<hbm>> -> memref<40x128xf32, #tpu.memory_space<hbm>>
    %dma_start3A_13 = arith.constant 0 : i32
    %dma_start3A_14 = tpu.memref_slice %arg3[%add3A_10, %dma_start3A_13] : memref<320000x128xf32, #tpu.memory_space<hbm>> -> memref<40x128xf32, #tpu.memory_space<hbm>>
    tpu.enqueue_dma source(%dma_start3A_14 : memref<40x128xf32, #tpu.memory_space<hbm>>) target(%arg13 : memref<40x128xf32, #tpu.memory_space<vmem>>) target_semaphore(%arg18 : memref<!tpu.dma_semaphore, #tpu.memory_space<semaphore_mem>>)
    %dma_start3A_15 = arith.constant 0 : i32
    %dma_start3A_16 = arith.constant 0 : i32
    %dma_start3A_17 = tpu.memref_slice %arg5[%add3A, %dma_start3A_15, %dma_start3A_16] : memref<32x250x40xi32, #tpu.memory_space<hbm>> -> memref<1x1x40xi32, #tpu.memory_space<hbm>>
    %dma_start3A_18 = tpu.memref_squeeze %dma_start3A_17 : memref<1x1x40xi32, #tpu.memory_space<hbm>> -> memref<1x40xi32, #tpu.memory_space<hbm>>
    %dma_start3A_19 = arith.constant 0 : i32
    %dma_start3A_20 = arith.constant 0 : i32
    %dma_start3A_21 = tpu.memref_slice %arg5[%add3A, %dma_start3A_19, %dma_start3A_20] : memref<32x250x40xi32, #tpu.memory_space<hbm>> -> memref<1x1x40xi32, #tpu.memory_space<hbm>>
    %dma_start3A_22 = tpu.memref_squeeze %dma_start3A_21 : memref<1x1x40xi32, #tpu.memory_space<hbm>> -> memref<1x40xi32, #tpu.memory_space<hbm>>
    tpu.enqueue_dma source(%dma_start3A_22 : memref<1x40xi32, #tpu.memory_space<hbm>>) target(%arg11 : memref<1x40xi32, #tpu.memory_space<vmem>>) target_semaphore(%arg17 : memref<!tpu.dma_semaphore, #tpu.memory_space<semaphore_mem>>)
    %scan3A = arith.constant 0 : i32
    %scan3A_23 = arith.constant 125 : i32
    %scan3A_24 = arith.addi %scan3A, %scan3A_23 : i32
    %scan3A_25 = arith.constant 1 : i32
    scf.for %scan3A_31 = %scan3A to %scan3A_24 step %scan3A_25  : i32 {
      %mul3A_32 = arith.constant 1 : i32
      %mul3A_33 = arith.muli %scan3A_31, %mul3A_32 : i32
      %add3A_34 = arith.constant 0 : i32
      %add3A_35 = arith.addi %add3A_34, %mul3A_33 : i32
      %mul3A_36 = arith.constant 2 : i32
      %mul3A_37 = arith.muli %mul3A_36, %add3A_35 : i32
      %add3A_38 = arith.constant 1 : i32
      %add3A_39 = arith.addi %mul3A_37, %add3A_38 : i32
      %mul3A_40 = arith.constant 40 : i32
      %mul3A_41 = arith.muli %add3A_39, %mul3A_40 : i32
      %dma_start3A_42 = tpu.memref_slice %arg8[%mul3A_41] : memref<10000xi32, #tpu.memory_space<vmem>> -> memref<40xi32, #tpu.memory_space<vmem>>
      %dma_start3A_43 = arith.constant 0 : i32
      %dma_start3A_44 = arith.constant 0 : i32
      %dma_start3A_45 = tpu.memref_slice %arg2[%dma_start3A_43, %dma_start3A_44] : memref<10000x128xf32, #tpu.memory_space<hbm>> -> memref<10000x128xf32, #tpu.memory_space<hbm>>
      tpu.enqueue_indirect_dma source(%dma_start3A_45 : memref<10000x128xf32, #tpu.memory_space<hbm>>) target(%arg10 : memref<40x128xf32, #tpu.memory_space<vmem>>) offsets(%dma_start3A_42 : memref<40xi32, #tpu.memory_space<vmem>>) semaphore(%arg16 : memref<!tpu.dma_semaphore, #tpu.memory_space<semaphore_mem>>)
      %mul3A_46 = arith.constant 40 : i32
      %mul3A_47 = arith.muli %add3A_39, %mul3A_46 : i32
      %add3A_48 = arith.addi %mul3A_4, %mul3A_47 : i32
      %dma_start3A_49 = arith.constant 0 : i32
      %dma_start3A_50 = tpu.memref_slice %arg3[%add3A_48, %dma_start3A_49] : memref<320000x128xf32, #tpu.memory_space<hbm>> -> memref<40x128xf32, #tpu.memory_space<hbm>>
      %dma_start3A_51 = arith.constant 0 : i32
      %dma_start3A_52 = tpu.memref_slice %arg3[%add3A_48, %dma_start3A_51] : memref<320000x128xf32, #tpu.memory_space<hbm>> -> memref<40x128xf32, #tpu.memory_space<hbm>>
      tpu.enqueue_dma source(%dma_start3A_52 : memref<40x128xf32, #tpu.memory_space<hbm>>) target(%arg14 : memref<40x128xf32, #tpu.memory_space<vmem>>) target_semaphore(%arg18 : memref<!tpu.dma_semaphore, #tpu.memory_space<semaphore_mem>>)
      %dma_start3A_53 = arith.constant 0 : i32
      %dma_start3A_54 = tpu.memref_slice %arg5[%add3A, %add3A_39, %dma_start3A_53] : memref<32x250x40xi32, #tpu.memory_space<hbm>> -> memref<1x1x40xi32, #tpu.memory_space<hbm>>
      %dma_start3A_55 = tpu.memref_squeeze %dma_start3A_54 : memref<1x1x40xi32, #tpu.memory_space<hbm>> -> memref<1x40xi32, #tpu.memory_space<hbm>>
      %dma_start3A_56 = arith.constant 0 : i32
      %dma_start3A_57 = tpu.memref_slice %arg5[%add3A, %add3A_39, %dma_start3A_56] : memref<32x250x40xi32, #tpu.memory_space<hbm>> -> memref<1x1x40xi32, #tpu.memory_space<hbm>>
      %dma_start3A_58 = tpu.memref_squeeze %dma_start3A_57 : memref<1x1x40xi32, #tpu.memory_space<hbm>> -> memref<1x40xi32, #tpu.memory_space<hbm>>
      tpu.enqueue_dma source(%dma_start3A_58 : memref<1x40xi32, #tpu.memory_space<hbm>>) target(%arg12 : memref<1x40xi32, #tpu.memory_space<vmem>>) target_semaphore(%arg17 : memref<!tpu.dma_semaphore, #tpu.memory_space<semaphore_mem>>)
      %dma_wait3A = arith.constant 0 : i32
      %dma_wait3A_59 = arith.constant 0 : i32
      %dma_wait3A_60 = tpu.memref_slice %arg2[%dma_wait3A, %dma_wait3A_59] : memref<10000x128xf32, #tpu.memory_space<hbm>> -> memref<40x128xf32, #tpu.memory_space<hbm>>
      %dma_wait3A_61 = arith.constant 0 : i32
      %dma_wait3A_62 = arith.constant 0 : i32
      %dma_wait3A_63 = tpu.memref_slice %arg2[%dma_wait3A_61, %dma_wait3A_62] : memref<10000x128xf32, #tpu.memory_space<hbm>> -> memref<40x128xf32, #tpu.memory_space<hbm>>
      tpu.wait_dma2 semaphore(%arg16 : memref<!tpu.dma_semaphore, #tpu.memory_space<semaphore_mem>>) src(%dma_wait3A_63 : memref<40x128xf32, #tpu.memory_space<hbm>>) dst(%arg9 : memref<40x128xf32, #tpu.memory_space<vmem>>)
      %dma_wait3A_64 = arith.constant 0 : i32
      %dma_wait3A_65 = arith.constant 0 : i32
      %dma_wait3A_66 = tpu.memref_slice %arg3[%dma_wait3A_64, %dma_wait3A_65] : memref<320000x128xf32, #tpu.memory_space<hbm>> -> memref<40x128xf32, #tpu.memory_space<hbm>>
      %dma_wait3A_67 = arith.constant 0 : i32
      %dma_wait3A_68 = arith.constant 0 : i32
      %dma_wait3A_69 = tpu.memref_slice %arg3[%dma_wait3A_67, %dma_wait3A_68] : memref<320000x128xf32, #tpu.memory_space<hbm>> -> memref<40x128xf32, #tpu.memory_space<hbm>>
      tpu.wait_dma2 semaphore(%arg18 : memref<!tpu.dma_semaphore, #tpu.memory_space<semaphore_mem>>) src(%dma_wait3A_69 : memref<40x128xf32, #tpu.memory_space<hbm>>) dst(%arg13 : memref<40x128xf32, #tpu.memory_space<vmem>>)
      %dma_wait3A_70 = arith.constant 0 : i32
      %dma_wait3A_71 = arith.constant 0 : i32
      %dma_wait3A_72 = arith.constant 0 : i32
      %dma_wait3A_73 = tpu.memref_slice %arg5[%dma_wait3A_70, %dma_wait3A_71, %dma_wait3A_72] : memref<32x250x40xi32, #tpu.memory_space<hbm>> -> memref<1x1x40xi32, #tpu.memory_space<hbm>>
      %dma_wait3A_74 = tpu.memref_squeeze %dma_wait3A_73 : memref<1x1x40xi32, #tpu.memory_space<hbm>> -> memref<1x40xi32, #tpu.memory_space<hbm>>
      %dma_wait3A_75 = arith.constant 0 : i32
      %dma_wait3A_76 = arith.constant 0 : i32
      %dma_wait3A_77 = tpu.memref_slice %arg5[%dma_wait3A_70, %dma_wait3A_75, %dma_wait3A_76] : memref<32x250x40xi32, #tpu.memory_space<hbm>> -> memref<1x1x40xi32, #tpu.memory_space<hbm>>
      %dma_wait3A_78 = tpu.memref_squeeze %dma_wait3A_77 : memref<1x1x40xi32, #tpu.memory_space<hbm>> -> memref<1x40xi32, #tpu.memory_space<hbm>>
      tpu.wait_dma2 semaphore(%arg17 : memref<!tpu.dma_semaphore, #tpu.memory_space<semaphore_mem>>) src(%dma_wait3A_78 : memref<1x40xi32, #tpu.memory_space<hbm>>) dst(%arg11 : memref<1x40xi32, #tpu.memory_space<vmem>>)
      %scan3A_79 = arith.constant 0 : i32
      %scan3A_80 = arith.constant 40 : i32
      %scan3A_81 = arith.addi %scan3A_79, %scan3A_80 : i32
      %scan3A_82 = arith.constant 1 : i32
      scf.for %scan3A_115 = %scan3A_79 to %scan3A_81 step %scan3A_82  : i32 {
        %mul3A_116 = arith.constant 1 : i32
        %mul3A_117 = arith.muli %scan3A_115, %mul3A_116 : i32
        %add3A_118 = arith.constant 0 : i32
        %add3A_119 = arith.addi %add3A_118, %mul3A_117 : i32
        %get3A = arith.index_cast %add3A_119 : i32 to index
        %get3A_120 = arith.constant 0 : index
        %get3A_121 = tpu.vector_load %arg9[%get3A, %get3A_120] {strides = array<i32>} : memref<40x128xf32, #tpu.memory_space<vmem>>, vector<1x16xf32>,
        %get3A_122 = vector.shape_cast %get3A_121 : vector<1x16xf32> to vector<1x16xf32>
        %get3A_123 = arith.index_cast %add3A_119 : i32 to index
        %get3A_124 = arith.constant 0 : index
        %get3A_125 = tpu.vector_load %arg13[%get3A_123, %get3A_124] {strides = array<i32>} : memref<40x128xf32, #tpu.memory_space<vmem>>, vector<1x16xf32>,
        %get3A_126 = vector.shape_cast %get3A_125 : vector<1x16xf32> to vector<1x16xf32>
        %mul3A_127 = arith.mulf %get3A_122, %get3A_126 : vector<1x16xf32>
        %swap3A = arith.index_cast %add3A_119 : i32 to index
        %swap3A_128 = arith.constant 0 : index
        %swap3A_129 = tpu.vector_load %arg9[%swap3A, %swap3A_128] {strides = array<i32>} : memref<40x128xf32, #tpu.memory_space<vmem>>, vector<1x16xf32>,
        %swap3A_130 = vector.shape_cast %swap3A_129 : vector<1x16xf32> to vector<1x16xf32>
        %swap3A_131 = vector.shape_cast %mul3A_127 : vector<1x16xf32> to vector<1x16xf32>
        tpu.vector_store %arg9[%swap3A, %swap3A_128], %swap3A_131 {strides = array<i32>} : memref<40x128xf32, #tpu.memory_space<vmem>>, vector<1x16xf32>,
        %get3A_132 = arith.index_cast %add3A_119 : i32 to index
        %get3A_133 = arith.constant 16 : index
        %get3A_134 = tpu.vector_load %arg9[%get3A_132, %get3A_133] {strides = array<i32>} : memref<40x128xf32, #tpu.memory_space<vmem>>, vector<1x16xf32>,
        %get3A_135 = vector.shape_cast %get3A_134 : vector<1x16xf32> to vector<1x16xf32>
        %get3A_136 = arith.index_cast %add3A_119 : i32 to index
        %get3A_137 = arith.constant 16 : index
        %get3A_138 = tpu.vector_load %arg13[%get3A_136, %get3A_137] {strides = array<i32>} : memref<40x128xf32, #tpu.memory_space<vmem>>, vector<1x16xf32>,
        %get3A_139 = vector.shape_cast %get3A_138 : vector<1x16xf32> to vector<1x16xf32>
        %mul3A_140 = arith.mulf %get3A_135, %get3A_139 : vector<1x16xf32>
        %swap3A_141 = arith.index_cast %add3A_119 : i32 to index
        %swap3A_142 = arith.constant 16 : index
        %swap3A_143 = tpu.vector_load %arg9[%swap3A_141, %swap3A_142] {strides = array<i32>} : memref<40x128xf32, #tpu.memory_space<vmem>>, vector<1x16xf32>,
        %swap3A_144 = vector.shape_cast %swap3A_143 : vector<1x16xf32> to vector<1x16xf32>
        %swap3A_145 = vector.shape_cast %mul3A_140 : vector<1x16xf32> to vector<1x16xf32>
        tpu.vector_store %arg9[%swap3A_141, %swap3A_142], %swap3A_145 {strides = array<i32>} : memref<40x128xf32, #tpu.memory_space<vmem>>, vector<1x16xf32>,
        %get3A_146 = arith.index_cast %add3A_119 : i32 to index
        %get3A_147 = arith.constant 32 : index
        %get3A_148 = tpu.vector_load %arg9[%get3A_146, %get3A_147] {strides = array<i32>} : memref<40x128xf32, #tpu.memory_space<vmem>>, vector<1x16xf32>,
        %get3A_149 = vector.shape_cast %get3A_148 : vector<1x16xf32> to vector<1x16xf32>
        %get3A_150 = arith.index_cast %add3A_119 : i32 to index
        %get3A_151 = arith.constant 32 : index
        %get3A_152 = tpu.vector_load %arg13[%get3A_150, %get3A_151] {strides = array<i32>} : memref<40x128xf32, #tpu.memory_space<vmem>>, vector<1x16xf32>,
        %get3A_153 = vector.shape_cast %get3A_152 : vector<1x16xf32> to vector<1x16xf32>
        %mul3A_154 = arith.mulf %get3A_149, %get3A_153 : vector<1x16xf32>
        %swap3A_155 = arith.index_cast %add3A_119 : i32 to index
        %swap3A_156 = arith.constant 32 : index
        %swap3A_157 = tpu.vector_load %arg9[%swap3A_155, %swap3A_156] {strides = array<i32>} : memref<40x128xf32, #tpu.memory_space<vmem>>, vector<1x16xf32>,
        %swap3A_158 = vector.shape_cast %swap3A_157 : vector<1x16xf32> to vector<1x16xf32>
        %swap3A_159 = vector.shape_cast %mul3A_154 : vector<1x16xf32> to vector<1x16xf32>
        tpu.vector_store %arg9[%swap3A_155, %swap3A_156], %swap3A_159 {strides = array<i32>} : memref<40x128xf32, #tpu.memory_space<vmem>>, vector<1x16xf32>,
        %get3A_160 = arith.index_cast %add3A_119 : i32 to index
        %get3A_161 = arith.constant 48 : index
        %get3A_162 = tpu.vector_load %arg9[%get3A_160, %get3A_161] {strides = array<i32>} : memref<40x128xf32, #tpu.memory_space<vmem>>, vector<1x16xf32>,
        %get3A_163 = vector.shape_cast %get3A_162 : vector<1x16xf32> to vector<1x16xf32>
        %get3A_164 = arith.index_cast %add3A_119 : i32 to index
        %get3A_165 = arith.constant 48 : index
        %get3A_166 = tpu.vector_load %arg13[%get3A_164, %get3A_165] {strides = array<i32>} : memref<40x128xf32, #tpu.memory_space<vmem>>, vector<1x16xf32>,
        %get3A_167 = vector.shape_cast %get3A_166 : vector<1x16xf32> to vector<1x16xf32>
        %mul3A_168 = arith.mulf %get3A_163, %get3A_167 : vector<1x16xf32>
        %swap3A_169 = arith.index_cast %add3A_119 : i32 to index
        %swap3A_170 = arith.constant 48 : index
        %swap3A_171 = tpu.vector_load %arg9[%swap3A_169, %swap3A_170] {strides = array<i32>} : memref<40x128xf32, #tpu.memory_space<vmem>>, vector<1x16xf32>,
        %swap3A_172 = vector.shape_cast %swap3A_171 : vector<1x16xf32> to vector<1x16xf32>
        %swap3A_173 = vector.shape_cast %mul3A_168 : vector<1x16xf32> to vector<1x16xf32>
        tpu.vector_store %arg9[%swap3A_169, %swap3A_170], %swap3A_173 {strides = array<i32>} : memref<40x128xf32, #tpu.memory_space<vmem>>, vector<1x16xf32>,
        %get3A_174 = arith.index_cast %add3A_119 : i32 to index
        %get3A_175 = arith.constant 64 : index
        %get3A_176 = tpu.vector_load %arg9[%get3A_174, %get3A_175] {strides = array<i32>} : memref<40x128xf32, #tpu.memory_space<vmem>>, vector<1x16xf32>,
        %get3A_177 = vector.shape_cast %get3A_176 : vector<1x16xf32> to vector<1x16xf32>
        %get3A_178 = arith.index_cast %add3A_119 : i32 to index
        %get3A_179 = arith.constant 64 : index
        %get3A_180 = tpu.vector_load %arg13[%get3A_178, %get3A_179] {strides = array<i32>} : memref<40x128xf32, #tpu.memory_space<vmem>>, vector<1x16xf32>,
        %get3A_181 = vector.shape_cast %get3A_180 : vector<1x16xf32> to vector<1x16xf32>
        %mul3A_182 = arith.mulf %get3A_177, %get3A_181 : vector<1x16xf32>
        %swap3A_183 = arith.index_cast %add3A_119 : i32 to index
        %swap3A_184 = arith.constant 64 : index
        %swap3A_185 = tpu.vector_load %arg9[%swap3A_183, %swap3A_184] {strides = array<i32>} : memref<40x128xf32, #tpu.memory_space<vmem>>, vector<1x16xf32>,
        %swap3A_186 = vector.shape_cast %swap3A_185 : vector<1x16xf32> to vector<1x16xf32>
        %swap3A_187 = vector.shape_cast %mul3A_182 : vector<1x16xf32> to vector<1x16xf32>
        tpu.vector_store %arg9[%swap3A_183, %swap3A_184], %swap3A_187 {strides = array<i32>} : memref<40x128xf32, #tpu.memory_space<vmem>>, vector<1x16xf32>,
        %get3A_188 = arith.index_cast %add3A_119 : i32 to index
        %get3A_189 = arith.constant 80 : index
        %get3A_190 = tpu.vector_load %arg9[%get3A_188, %get3A_189] {strides = array<i32>} : memref<40x128xf32, #tpu.memory_space<vmem>>, vector<1x16xf32>,
        %get3A_191 = vector.shape_cast %get3A_190 : vector<1x16xf32> to vector<1x16xf32>
        %get3A_192 = arith.index_cast %add3A_119 : i32 to index
        %get3A_193 = arith.constant 80 : index
        %get3A_194 = tpu.vector_load %arg13[%get3A_192, %get3A_193] {strides = array<i32>} : memref<40x128xf32, #tpu.memory_space<vmem>>, vector<1x16xf32>,
        %get3A_195 = vector.shape_cast %get3A_194 : vector<1x16xf32> to vector<1x16xf32>
        %mul3A_196 = arith.mulf %get3A_191, %get3A_195 : vector<1x16xf32>
        %swap3A_197 = arith.index_cast %add3A_119 : i32 to index
        %swap3A_198 = arith.constant 80 : index
        %swap3A_199 = tpu.vector_load %arg9[%swap3A_197, %swap3A_198] {strides = array<i32>} : memref<40x128xf32, #tpu.memory_space<vmem>>, vector<1x16xf32>,
        %swap3A_200 = vector.shape_cast %swap3A_199 : vector<1x16xf32> to vector<1x16xf32>
        %swap3A_201 = vector.shape_cast %mul3A_196 : vector<1x16xf32> to vector<1x16xf32>
        tpu.vector_store %arg9[%swap3A_197, %swap3A_198], %swap3A_201 {strides = array<i32>} : memref<40x128xf32, #tpu.memory_space<vmem>>, vector<1x16xf32>,
        %get3A_202 = arith.index_cast %add3A_119 : i32 to index
        %get3A_203 = arith.constant 96 : index
        %get3A_204 = tpu.vector_load %arg9[%get3A_202, %get3A_203] {strides = array<i32>} : memref<40x128xf32, #tpu.memory_space<vmem>>, vector<1x16xf32>,
        %get3A_205 = vector.shape_cast %get3A_204 : vector<1x16xf32> to vector<1x16xf32>
        %get3A_206 = arith.index_cast %add3A_119 : i32 to index
        %get3A_207 = arith.constant 96 : index
        %get3A_208 = tpu.vector_load %arg13[%get3A_206, %get3A_207] {strides = array<i32>} : memref<40x128xf32, #tpu.memory_space<vmem>>, vector<1x16xf32>,
        %get3A_209 = vector.shape_cast %get3A_208 : vector<1x16xf32> to vector<1x16xf32>
        %mul3A_210 = arith.mulf %get3A_205, %get3A_209 : vector<1x16xf32>
        %swap3A_211 = arith.index_cast %add3A_119 : i32 to index
        %swap3A_212 = arith.constant 96 : index
        %swap3A_213 = tpu.vector_load %arg9[%swap3A_211, %swap3A_212] {strides = array<i32>} : memref<40x128xf32, #tpu.memory_space<vmem>>, vector<1x16xf32>,
        %swap3A_214 = vector.shape_cast %swap3A_213 : vector<1x16xf32> to vector<1x16xf32>
        %swap3A_215 = vector.shape_cast %mul3A_210 : vector<1x16xf32> to vector<1x16xf32>
        tpu.vector_store %arg9[%swap3A_211, %swap3A_212], %swap3A_215 {strides = array<i32>} : memref<40x128xf32, #tpu.memory_space<vmem>>, vector<1x16xf32>,
        %get3A_216 = arith.index_cast %add3A_119 : i32 to index
        %get3A_217 = arith.constant 112 : index
        %get3A_218 = tpu.vector_load %arg9[%get3A_216, %get3A_217] {strides = array<i32>} : memref<40x128xf32, #tpu.memory_space<vmem>>, vector<1x16xf32>,
        %get3A_219 = vector.shape_cast %get3A_218 : vector<1x16xf32> to vector<1x16xf32>
        %get3A_220 = arith.index_cast %add3A_119 : i32 to index
        %get3A_221 = arith.constant 112 : index
        %get3A_222 = tpu.vector_load %arg13[%get3A_220, %get3A_221] {strides = array<i32>} : memref<40x128xf32, #tpu.memory_space<vmem>>, vector<1x16xf32>,
        %get3A_223 = vector.shape_cast %get3A_222 : vector<1x16xf32> to vector<1x16xf32>
        %mul3A_224 = arith.mulf %get3A_219, %get3A_223 : vector<1x16xf32>
        %swap3A_225 = arith.index_cast %add3A_119 : i32 to index
        %swap3A_226 = arith.constant 112 : index
        %swap3A_227 = tpu.vector_load %arg9[%swap3A_225, %swap3A_226] {strides = array<i32>} : memref<40x128xf32, #tpu.memory_space<vmem>>, vector<1x16xf32>,
        %swap3A_228 = vector.shape_cast %swap3A_227 : vector<1x16xf32> to vector<1x16xf32>
        %swap3A_229 = vector.shape_cast %mul3A_224 : vector<1x16xf32> to vector<1x16xf32>
        tpu.vector_store %arg9[%swap3A_225, %swap3A_226], %swap3A_229 {strides = array<i32>} : memref<40x128xf32, #tpu.memory_space<vmem>>, vector<1x16xf32>,
      }
      %scan3A_83 = arith.constant 40 : i32
      %run_scoped3A = arith.constant 0 : i32
      "tpu.region"() ({
        %run_scoped3A_115 = tpu.sem_alloc : memref<!tpu.dma_semaphore, #tpu.memory_space<semaphore_mem>>
        %dma_start3A_116 = arith.constant 0 : i32
        %dma_start3A_117 = tpu.memref_slice %arg11[%run_scoped3A, %dma_start3A_116] : memref<1x40xi32, #tpu.memory_space<vmem>> -> memref<1x40xi32, #tpu.memory_space<vmem>>
        %dma_start3A_118 = tpu.memref_squeeze %dma_start3A_117 : memref<1x40xi32, #tpu.memory_space<vmem>> -> memref<40xi32, #tpu.memory_space<vmem>>
        %dma_start3A_119 = arith.constant 0 : i32
        %dma_start3A_120 = arith.constant 0 : i32
        %dma_start3A_121 = tpu.memref_slice %arg15[%dma_start3A_119, %dma_start3A_120] : memref<10112x128xf32, #tpu.memory_space<vmem_shared>> -> memref<10112x128xf32, #tpu.memory_space<vmem_shared>>
        tpu.enqueue_indirect_dma source(%arg9 : memref<40x128xf32, #tpu.memory_space<vmem>>) target(%dma_start3A_121 : memref<10112x128xf32, #tpu.memory_space<vmem_shared>>) offsets(%dma_start3A_118 : memref<40xi32, #tpu.memory_space<vmem>>) semaphore(%run_scoped3A_115 : memref<!tpu.dma_semaphore, #tpu.memory_space<semaphore_mem>>) {add = true}
        %dma_wait3A_122 = arith.constant 0 : i32
        %dma_wait3A_123 = tpu.memref_slice %arg11[%run_scoped3A, %dma_wait3A_122] : memref<1x40xi32, #tpu.memory_space<vmem>> -> memref<1x40xi32, #tpu.memory_space<vmem>>
        %dma_wait3A_124 = tpu.memref_squeeze %dma_wait3A_123 : memref<1x40xi32, #tpu.memory_space<vmem>> -> memref<40xi32, #tpu.memory_space<vmem>>
        %dma_wait3A_125 = arith.constant 0 : i32
        %dma_wait3A_126 = arith.constant 0 : i32
        %dma_wait3A_127 = tpu.memref_slice %arg15[%dma_wait3A_125, %dma_wait3A_126] : memref<10112x128xf32, #tpu.memory_space<vmem_shared>> -> memref<10112x128xf32, #tpu.memory_space<vmem_shared>>
        tpu.wait_indirect_dma semaphore(%run_scoped3A_115 : memref<!tpu.dma_semaphore, #tpu.memory_space<semaphore_mem>>) src(%arg9 : memref<40x128xf32, #tpu.memory_space<vmem>>) dst(%dma_wait3A_127 : memref<10112x128xf32, #tpu.memory_space<vmem_shared>>)
        tpu.yield
      }) : () -> ()
      %add3A_84 = arith.constant 2 : i32
      %add3A_85 = arith.addi %mul3A_37, %add3A_84 : i32
      %lt3A = arith.constant 250 : i32
      %lt3A_86 = arith.cmpi slt, %add3A_85, %lt3A : i32
      %convert_element_type3A = arith.extui %lt3A_86 : i1 to i32
      %cond3A = arith.constant 0 : i32
      %cond3A_87 = arith.cmpi ne, %convert_element_type3A, %cond3A : i32
      scf.if %cond3A_87 {
        %add3A_115 = arith.constant 2 : i32
        %add3A_116 = arith.addi %mul3A_37, %add3A_115 : i32
        %mul3A_117 = arith.constant 40 : i32
        %mul3A_118 = arith.muli %add3A_116, %mul3A_117 : i32
        %dma_start3A_119 = tpu.memref_slice %arg8[%mul3A_118] : memref<10000xi32, #tpu.memory_space<vmem>> -> memref<40xi32, #tpu.memory_space<vmem>>
        %dma_start3A_120 = arith.constant 0 : i32
        %dma_start3A_121 = arith.constant 0 : i32
        %dma_start3A_122 = tpu.memref_slice %arg2[%dma_start3A_120, %dma_start3A_121] : memref<10000x128xf32, #tpu.memory_space<hbm>> -> memref<10000x128xf32, #tpu.memory_space<hbm>>
        tpu.enqueue_indirect_dma source(%dma_start3A_122 : memref<10000x128xf32, #tpu.memory_space<hbm>>) target(%arg9 : memref<40x128xf32, #tpu.memory_space<vmem>>) offsets(%dma_start3A_119 : memref<40xi32, #tpu.memory_space<vmem>>) semaphore(%arg16 : memref<!tpu.dma_semaphore, #tpu.memory_space<semaphore_mem>>)
        %mul3A_123 = arith.constant 40 : i32
        %mul3A_124 = arith.muli %add3A_116, %mul3A_123 : i32
        %add3A_125 = arith.addi %mul3A_4, %mul3A_124 : i32
        %dma_start3A_126 = arith.constant 0 : i32
        %dma_start3A_127 = tpu.memref_slice %arg3[%add3A_125, %dma_start3A_126] : memref<320000x128xf32, #tpu.memory_space<hbm>> -> memref<40x128xf32, #tpu.memory_space<hbm>>
        %dma_start3A_128 = arith.constant 0 : i32
        %dma_start3A_129 = tpu.memref_slice %arg3[%add3A_125, %dma_start3A_128] : memref<320000x128xf32, #tpu.memory_space<hbm>> -> memref<40x128xf32, #tpu.memory_space<hbm>>
        tpu.enqueue_dma source(%dma_start3A_129 : memref<40x128xf32, #tpu.memory_space<hbm>>) target(%arg13 : memref<40x128xf32, #tpu.memory_space<vmem>>) target_semaphore(%arg18 : memref<!tpu.dma_semaphore, #tpu.memory_space<semaphore_mem>>)
        %dma_start3A_130 = arith.constant 0 : i32
        %dma_start3A_131 = tpu.memref_slice %arg5[%add3A, %add3A_116, %dma_start3A_130] : memref<32x250x40xi32, #tpu.memory_space<hbm>> -> memref<1x1x40xi32, #tpu.memory_space<hbm>>
        %dma_start3A_132 = tpu.memref_squeeze %dma_start3A_131 : memref<1x1x40xi32, #tpu.memory_space<hbm>> -> memref<1x40xi32, #tpu.memory_space<hbm>>
        %dma_start3A_133 = arith.constant 0 : i32
        %dma_start3A_134 = tpu.memref_slice %arg5[%add3A, %add3A_116, %dma_start3A_133] : memref<32x250x40xi32, #tpu.memory_space<hbm>> -> memref<1x1x40xi32, #tpu.memory_space<hbm>>
        %dma_start3A_135 = tpu.memref_squeeze %dma_start3A_134 : memref<1x1x40xi32, #tpu.memory_space<hbm>> -> memref<1x40xi32, #tpu.memory_space<hbm>>
        tpu.enqueue_dma source(%dma_start3A_135 : memref<1x40xi32, #tpu.memory_space<hbm>>) target(%arg11 : memref<1x40xi32, #tpu.memory_space<vmem>>) target_semaphore(%arg17 : memref<!tpu.dma_semaphore, #tpu.memory_space<semaphore_mem>>)
      } else {
      }
      %dma_wait3A_88 = arith.constant 0 : i32
      %dma_wait3A_89 = arith.constant 0 : i32
      %dma_wait3A_90 = tpu.memref_slice %arg2[%dma_wait3A_88, %dma_wait3A_89] : memref<10000x128xf32, #tpu.memory_space<hbm>> -> memref<40x128xf32, #tpu.memory_space<hbm>>
      %dma_wait3A_91 = arith.constant 0 : i32
      %dma_wait3A_92 = arith.constant 0 : i32
      %dma_wait3A_93 = tpu.memref_slice %arg2[%dma_wait3A_91, %dma_wait3A_92] : memref<10000x128xf32, #tpu.memory_space<hbm>> -> memref<40x128xf32, #tpu.memory_space<hbm>>
      tpu.wait_dma2 semaphore(%arg16 : memref<!tpu.dma_semaphore, #tpu.memory_space<semaphore_mem>>) src(%dma_wait3A_93 : memref<40x128xf32, #tpu.memory_space<hbm>>) dst(%arg10 : memref<40x128xf32, #tpu.memory_space<vmem>>)
      %dma_wait3A_94 = arith.constant 0 : i32
      %dma_wait3A_95 = arith.constant 0 : i32
      %dma_wait3A_96 = tpu.memref_slice %arg3[%dma_wait3A_94, %dma_wait3A_95] : memref<320000x128xf32, #tpu.memory_space<hbm>> -> memref<40x128xf32, #tpu.memory_space<hbm>>
      %dma_wait3A_97 = arith.constant 0 : i32
      %dma_wait3A_98 = arith.constant 0 : i32
      %dma_wait3A_99 = tpu.memref_slice %arg3[%dma_wait3A_97, %dma_wait3A_98] : memref<320000x128xf32, #tpu.memory_space<hbm>> -> memref<40x128xf32, #tpu.memory_space<hbm>>
      tpu.wait_dma2 semaphore(%arg18 : memref<!tpu.dma_semaphore, #tpu.memory_space<semaphore_mem>>) src(%dma_wait3A_99 : memref<40x128xf32, #tpu.memory_space<hbm>>) dst(%arg14 : memref<40x128xf32, #tpu.memory_space<vmem>>)
      %dma_wait3A_100 = arith.constant 0 : i32
      %dma_wait3A_101 = arith.constant 0 : i32
      %dma_wait3A_102 = arith.constant 0 : i32
      %dma_wait3A_103 = tpu.memref_slice %arg5[%dma_wait3A_100, %dma_wait3A_101, %dma_wait3A_102] : memref<32x250x40xi32, #tpu.memory_space<hbm>> -> memref<1x1x40xi32, #tpu.memory_space<hbm>>
      %dma_wait3A_104 = tpu.memref_squeeze %dma_wait3A_103 : memref<1x1x40xi32, #tpu.memory_space<hbm>> -> memref<1x40xi32, #tpu.memory_space<hbm>>
      %dma_wait3A_105 = arith.constant 0 : i32
      %dma_wait3A_106 = arith.constant 0 : i32
      %dma_wait3A_107 = tpu.memref_slice %arg5[%dma_wait3A_100, %dma_wait3A_105, %dma_wait3A_106] : memref<32x250x40xi32, #tpu.memory_space<hbm>> -> memref<1x1x40xi32, #tpu.memory_space<hbm>>
      %dma_wait3A_108 = tpu.memref_squeeze %dma_wait3A_107 : memref<1x1x40xi32, #tpu.memory_space<hbm>> -> memref<1x40xi32, #tpu.memory_space<hbm>>
      tpu.wait_dma2 semaphore(%arg17 : memref<!tpu.dma_semaphore, #tpu.memory_space<semaphore_mem>>) src(%dma_wait3A_108 : memref<1x40xi32, #tpu.memory_space<hbm>>) dst(%arg12 : memref<1x40xi32, #tpu.memory_space<vmem>>)
      %scan3A_109 = arith.constant 0 : i32
      %scan3A_110 = arith.constant 40 : i32
      %scan3A_111 = arith.addi %scan3A_109, %scan3A_110 : i32
      %scan3A_112 = arith.constant 1 : i32
      scf.for %scan3A_115 = %scan3A_109 to %scan3A_111 step %scan3A_112  : i32 {
        %mul3A_116 = arith.constant 1 : i32
        %mul3A_117 = arith.muli %scan3A_115, %mul3A_116 : i32
        %add3A_118 = arith.constant 0 : i32
        %add3A_119 = arith.addi %add3A_118, %mul3A_117 : i32
        %get3A = arith.index_cast %add3A_119 : i32 to index
        %get3A_120 = arith.constant 0 : index
        %get3A_121 = tpu.vector_load %arg10[%get3A, %get3A_120] {strides = array<i32>} : memref<40x128xf32, #tpu.memory_space<vmem>>, vector<1x16xf32>,
        %get3A_122 = vector.shape_cast %get3A_121 : vector<1x16xf32> to vector<1x16xf32>
        %get3A_123 = arith.index_cast %add3A_119 : i32 to index
        %get3A_124 = arith.constant 0 : index
        %get3A_125 = tpu.vector_load %arg14[%get3A_123, %get3A_124] {strides = array<i32>} : memref<40x128xf32, #tpu.memory_space<vmem>>, vector<1x16xf32>,
        %get3A_126 = vector.shape_cast %get3A_125 : vector<1x16xf32> to vector<1x16xf32>
        %mul3A_127 = arith.mulf %get3A_122, %get3A_126 : vector<1x16xf32>
        %swap3A = arith.index_cast %add3A_119 : i32 to index
        %swap3A_128 = arith.constant 0 : index
        %swap3A_129 = tpu.vector_load %arg10[%swap3A, %swap3A_128] {strides = array<i32>} : memref<40x128xf32, #tpu.memory_space<vmem>>, vector<1x16xf32>,
        %swap3A_130 = vector.shape_cast %swap3A_129 : vector<1x16xf32> to vector<1x16xf32>
        %swap3A_131 = vector.shape_cast %mul3A_127 : vector<1x16xf32> to vector<1x16xf32>
        tpu.vector_store %arg10[%swap3A, %swap3A_128], %swap3A_131 {strides = array<i32>} : memref<40x128xf32, #tpu.memory_space<vmem>>, vector<1x16xf32>,
        %get3A_132 = arith.index_cast %add3A_119 : i32 to index
        %get3A_133 = arith.constant 16 : index
        %get3A_134 = tpu.vector_load %arg10[%get3A_132, %get3A_133] {strides = array<i32>} : memref<40x128xf32, #tpu.memory_space<vmem>>, vector<1x16xf32>,
        %get3A_135 = vector.shape_cast %get3A_134 : vector<1x16xf32> to vector<1x16xf32>
        %get3A_136 = arith.index_cast %add3A_119 : i32 to index
        %get3A_137 = arith.constant 16 : index
        %get3A_138 = tpu.vector_load %arg14[%get3A_136, %get3A_137] {strides = array<i32>} : memref<40x128xf32, #tpu.memory_space<vmem>>, vector<1x16xf32>,
        %get3A_139 = vector.shape_cast %get3A_138 : vector<1x16xf32> to vector<1x16xf32>
        %mul3A_140 = arith.mulf %get3A_135, %get3A_139 : vector<1x16xf32>
        %swap3A_141 = arith.index_cast %add3A_119 : i32 to index
        %swap3A_142 = arith.constant 16 : index
        %swap3A_143 = tpu.vector_load %arg10[%swap3A_141, %swap3A_142] {strides = array<i32>} : memref<40x128xf32, #tpu.memory_space<vmem>>, vector<1x16xf32>,
        %swap3A_144 = vector.shape_cast %swap3A_143 : vector<1x16xf32> to vector<1x16xf32>
        %swap3A_145 = vector.shape_cast %mul3A_140 : vector<1x16xf32> to vector<1x16xf32>
        tpu.vector_store %arg10[%swap3A_141, %swap3A_142], %swap3A_145 {strides = array<i32>} : memref<40x128xf32, #tpu.memory_space<vmem>>, vector<1x16xf32>,
        %get3A_146 = arith.index_cast %add3A_119 : i32 to index
        %get3A_147 = arith.constant 32 : index
        %get3A_148 = tpu.vector_load %arg10[%get3A_146, %get3A_147] {strides = array<i32>} : memref<40x128xf32, #tpu.memory_space<vmem>>, vector<1x16xf32>,
        %get3A_149 = vector.shape_cast %get3A_148 : vector<1x16xf32> to vector<1x16xf32>
        %get3A_150 = arith.index_cast %add3A_119 : i32 to index
        %get3A_151 = arith.constant 32 : index
        %get3A_152 = tpu.vector_load %arg14[%get3A_150, %get3A_151] {strides = array<i32>} : memref<40x128xf32, #tpu.memory_space<vmem>>, vector<1x16xf32>,
        %get3A_153 = vector.shape_cast %get3A_152 : vector<1x16xf32> to vector<1x16xf32>
        %mul3A_154 = arith.mulf %get3A_149, %get3A_153 : vector<1x16xf32>
        %swap3A_155 = arith.index_cast %add3A_119 : i32 to index
        %swap3A_156 = arith.constant 32 : index
        %swap3A_157 = tpu.vector_load %arg10[%swap3A_155, %swap3A_156] {strides = array<i32>} : memref<40x128xf32, #tpu.memory_space<vmem>>, vector<1x16xf32>,
        %swap3A_158 = vector.shape_cast %swap3A_157 : vector<1x16xf32> to vector<1x16xf32>
        %swap3A_159 = vector.shape_cast %mul3A_154 : vector<1x16xf32> to vector<1x16xf32>
        tpu.vector_store %arg10[%swap3A_155, %swap3A_156], %swap3A_159 {strides = array<i32>} : memref<40x128xf32, #tpu.memory_space<vmem>>, vector<1x16xf32>,
        %get3A_160 = arith.index_cast %add3A_119 : i32 to index
        %get3A_161 = arith.constant 48 : index
        %get3A_162 = tpu.vector_load %arg10[%get3A_160, %get3A_161] {strides = array<i32>} : memref<40x128xf32, #tpu.memory_space<vmem>>, vector<1x16xf32>,
        %get3A_163 = vector.shape_cast %get3A_162 : vector<1x16xf32> to vector<1x16xf32>
        %get3A_164 = arith.index_cast %add3A_119 : i32 to index
        %get3A_165 = arith.constant 48 : index
        %get3A_166 = tpu.vector_load %arg14[%get3A_164, %get3A_165] {strides = array<i32>} : memref<40x128xf32, #tpu.memory_space<vmem>>, vector<1x16xf32>,
        %get3A_167 = vector.shape_cast %get3A_166 : vector<1x16xf32> to vector<1x16xf32>
        %mul3A_168 = arith.mulf %get3A_163, %get3A_167 : vector<1x16xf32>
        %swap3A_169 = arith.index_cast %add3A_119 : i32 to index
        %swap3A_170 = arith.constant 48 : index
        %swap3A_171 = tpu.vector_load %arg10[%swap3A_169, %swap3A_170] {strides = array<i32>} : memref<40x128xf32, #tpu.memory_space<vmem>>, vector<1x16xf32>,
        %swap3A_172 = vector.shape_cast %swap3A_171 : vector<1x16xf32> to vector<1x16xf32>
        %swap3A_173 = vector.shape_cast %mul3A_168 : vector<1x16xf32> to vector<1x16xf32>
        tpu.vector_store %arg10[%swap3A_169, %swap3A_170], %swap3A_173 {strides = array<i32>} : memref<40x128xf32, #tpu.memory_space<vmem>>, vector<1x16xf32>,
        %get3A_174 = arith.index_cast %add3A_119 : i32 to index
        %get3A_175 = arith.constant 64 : index
        %get3A_176 = tpu.vector_load %arg10[%get3A_174, %get3A_175] {strides = array<i32>} : memref<40x128xf32, #tpu.memory_space<vmem>>, vector<1x16xf32>,
        %get3A_177 = vector.shape_cast %get3A_176 : vector<1x16xf32> to vector<1x16xf32>
        %get3A_178 = arith.index_cast %add3A_119 : i32 to index
        %get3A_179 = arith.constant 64 : index
        %get3A_180 = tpu.vector_load %arg14[%get3A_178, %get3A_179] {strides = array<i32>} : memref<40x128xf32, #tpu.memory_space<vmem>>, vector<1x16xf32>,
        %get3A_181 = vector.shape_cast %get3A_180 : vector<1x16xf32> to vector<1x16xf32>
        %mul3A_182 = arith.mulf %get3A_177, %get3A_181 : vector<1x16xf32>
        %swap3A_183 = arith.index_cast %add3A_119 : i32 to index
        %swap3A_184 = arith.constant 64 : index
        %swap3A_185 = tpu.vector_load %arg10[%swap3A_183, %swap3A_184] {strides = array<i32>} : memref<40x128xf32, #tpu.memory_space<vmem>>, vector<1x16xf32>,
        %swap3A_186 = vector.shape_cast %swap3A_185 : vector<1x16xf32> to vector<1x16xf32>
        %swap3A_187 = vector.shape_cast %mul3A_182 : vector<1x16xf32> to vector<1x16xf32>
        tpu.vector_store %arg10[%swap3A_183, %swap3A_184], %swap3A_187 {strides = array<i32>} : memref<40x128xf32, #tpu.memory_space<vmem>>, vector<1x16xf32>,
        %get3A_188 = arith.index_cast %add3A_119 : i32 to index
        %get3A_189 = arith.constant 80 : index
        %get3A_190 = tpu.vector_load %arg10[%get3A_188, %get3A_189] {strides = array<i32>} : memref<40x128xf32, #tpu.memory_space<vmem>>, vector<1x16xf32>,
        %get3A_191 = vector.shape_cast %get3A_190 : vector<1x16xf32> to vector<1x16xf32>
        %get3A_192 = arith.index_cast %add3A_119 : i32 to index
        %get3A_193 = arith.constant 80 : index
        %get3A_194 = tpu.vector_load %arg14[%get3A_192, %get3A_193] {strides = array<i32>} : memref<40x128xf32, #tpu.memory_space<vmem>>, vector<1x16xf32>,
        %get3A_195 = vector.shape_cast %get3A_194 : vector<1x16xf32> to vector<1x16xf32>
        %mul3A_196 = arith.mulf %get3A_191, %get3A_195 : vector<1x16xf32>
        %swap3A_197 = arith.index_cast %add3A_119 : i32 to index
        %swap3A_198 = arith.constant 80 : index
        %swap3A_199 = tpu.vector_load %arg10[%swap3A_197, %swap3A_198] {strides = array<i32>} : memref<40x128xf32, #tpu.memory_space<vmem>>, vector<1x16xf32>,
        %swap3A_200 = vector.shape_cast %swap3A_199 : vector<1x16xf32> to vector<1x16xf32>
        %swap3A_201 = vector.shape_cast %mul3A_196 : vector<1x16xf32> to vector<1x16xf32>
        tpu.vector_store %arg10[%swap3A_197, %swap3A_198], %swap3A_201 {strides = array<i32>} : memref<40x128xf32, #tpu.memory_space<vmem>>, vector<1x16xf32>,
        %get3A_202 = arith.index_cast %add3A_119 : i32 to index
        %get3A_203 = arith.constant 96 : index
        %get3A_204 = tpu.vector_load %arg10[%get3A_202, %get3A_203] {strides = array<i32>} : memref<40x128xf32, #tpu.memory_space<vmem>>, vector<1x16xf32>,
        %get3A_205 = vector.shape_cast %get3A_204 : vector<1x16xf32> to vector<1x16xf32>
        %get3A_206 = arith.index_cast %add3A_119 : i32 to index
        %get3A_207 = arith.constant 96 : index
        %get3A_208 = tpu.vector_load %arg14[%get3A_206, %get3A_207] {strides = array<i32>} : memref<40x128xf32, #tpu.memory_space<vmem>>, vector<1x16xf32>,
        %get3A_209 = vector.shape_cast %get3A_208 : vector<1x16xf32> to vector<1x16xf32>
        %mul3A_210 = arith.mulf %get3A_205, %get3A_209 : vector<1x16xf32>
        %swap3A_211 = arith.index_cast %add3A_119 : i32 to index
        %swap3A_212 = arith.constant 96 : index
        %swap3A_213 = tpu.vector_load %arg10[%swap3A_211, %swap3A_212] {strides = array<i32>} : memref<40x128xf32, #tpu.memory_space<vmem>>, vector<1x16xf32>,
        %swap3A_214 = vector.shape_cast %swap3A_213 : vector<1x16xf32> to vector<1x16xf32>
        %swap3A_215 = vector.shape_cast %mul3A_210 : vector<1x16xf32> to vector<1x16xf32>
        tpu.vector_store %arg10[%swap3A_211, %swap3A_212], %swap3A_215 {strides = array<i32>} : memref<40x128xf32, #tpu.memory_space<vmem>>, vector<1x16xf32>,
        %get3A_216 = arith.index_cast %add3A_119 : i32 to index
        %get3A_217 = arith.constant 112 : index
        %get3A_218 = tpu.vector_load %arg10[%get3A_216, %get3A_217] {strides = array<i32>} : memref<40x128xf32, #tpu.memory_space<vmem>>, vector<1x16xf32>,
        %get3A_219 = vector.shape_cast %get3A_218 : vector<1x16xf32> to vector<1x16xf32>
        %get3A_220 = arith.index_cast %add3A_119 : i32 to index
        %get3A_221 = arith.constant 112 : index
        %get3A_222 = tpu.vector_load %arg14[%get3A_220, %get3A_221] {strides = array<i32>} : memref<40x128xf32, #tpu.memory_space<vmem>>, vector<1x16xf32>,
        %get3A_223 = vector.shape_cast %get3A_222 : vector<1x16xf32> to vector<1x16xf32>
        %mul3A_224 = arith.mulf %get3A_219, %get3A_223 : vector<1x16xf32>
        %swap3A_225 = arith.index_cast %add3A_119 : i32 to index
        %swap3A_226 = arith.constant 112 : index
        %swap3A_227 = tpu.vector_load %arg10[%swap3A_225, %swap3A_226] {strides = array<i32>} : memref<40x128xf32, #tpu.memory_space<vmem>>, vector<1x16xf32>,
        %swap3A_228 = vector.shape_cast %swap3A_227 : vector<1x16xf32> to vector<1x16xf32>
        %swap3A_229 = vector.shape_cast %mul3A_224 : vector<1x16xf32> to vector<1x16xf32>
        tpu.vector_store %arg10[%swap3A_225, %swap3A_226], %swap3A_229 {strides = array<i32>} : memref<40x128xf32, #tpu.memory_space<vmem>>, vector<1x16xf32>,
      }
      %scan3A_113 = arith.constant 40 : i32
      %run_scoped3A_114 = arith.constant 0 : i32
      "tpu.region"() ({
        %run_scoped3A_115 = tpu.sem_alloc : memref<!tpu.dma_semaphore, #tpu.memory_space<semaphore_mem>>
        %dma_start3A_116 = arith.constant 0 : i32
        %dma_start3A_117 = tpu.memref_slice %arg12[%run_scoped3A_114, %dma_start3A_116] : memref<1x40xi32, #tpu.memory_space<vmem>> -> memref<1x40xi32, #tpu.memory_space<vmem>>
        %dma_start3A_118 = tpu.memref_squeeze %dma_start3A_117 : memref<1x40xi32, #tpu.memory_space<vmem>> -> memref<40xi32, #tpu.memory_space<vmem>>
        %dma_start3A_119 = arith.constant 0 : i32
        %dma_start3A_120 = arith.constant 0 : i32
        %dma_start3A_121 = tpu.memref_slice %arg15[%dma_start3A_119, %dma_start3A_120] : memref<10112x128xf32, #tpu.memory_space<vmem_shared>> -> memref<10112x128xf32, #tpu.memory_space<vmem_shared>>
        tpu.enqueue_indirect_dma source(%arg10 : memref<40x128xf32, #tpu.memory_space<vmem>>) target(%dma_start3A_121 : memref<10112x128xf32, #tpu.memory_space<vmem_shared>>) offsets(%dma_start3A_118 : memref<40xi32, #tpu.memory_space<vmem>>) semaphore(%run_scoped3A_115 : memref<!tpu.dma_semaphore, #tpu.memory_space<semaphore_mem>>) {add = true}
        %dma_wait3A_122 = arith.constant 0 : i32
        %dma_wait3A_123 = tpu.memref_slice %arg12[%run_scoped3A_114, %dma_wait3A_122] : memref<1x40xi32, #tpu.memory_space<vmem>> -> memref<1x40xi32, #tpu.memory_space<vmem>>
        %dma_wait3A_124 = tpu.memref_squeeze %dma_wait3A_123 : memref<1x40xi32, #tpu.memory_space<vmem>> -> memref<40xi32, #tpu.memory_space<vmem>>
        %dma_wait3A_125 = arith.constant 0 : i32
        %dma_wait3A_126 = arith.constant 0 : i32
        %dma_wait3A_127 = tpu.memref_slice %arg15[%dma_wait3A_125, %dma_wait3A_126] : memref<10112x128xf32, #tpu.memory_space<vmem_shared>> -> memref<10112x128xf32, #tpu.memory_space<vmem_shared>>
        tpu.wait_indirect_dma semaphore(%run_scoped3A_115 : memref<!tpu.dma_semaphore, #tpu.memory_space<semaphore_mem>>) src(%arg10 : memref<40x128xf32, #tpu.memory_space<vmem>>) dst(%dma_wait3A_127 : memref<10112x128xf32, #tpu.memory_space<vmem_shared>>)
        tpu.yield
      }) : () -> ()
    }
    %scan3A_26 = arith.constant 125 : i32
    %barrier3A_27 = arith.constant 0 : index
    tpu.barrier barrier_id(%barrier3A_27)
    %mul3A_28 = arith.constant 10112 : i32
    %mul3A_29 = arith.muli %arg0, %mul3A_28 : i32
    %add3A_30 = arith.addi %mul3A_29, %mul3A_2 : i32
    "tpu.region"() ({
      %run_scoped3A = tpu.sem_alloc : memref<!tpu.dma_semaphore, #tpu.memory_space<semaphore_mem>>
      %dma_start3A_31 = arith.constant 0 : i32
      %dma_start3A_32 = tpu.memref_slice %arg7[%add3A_30, %dma_start3A_31] : memref<20224x128xf32, #tpu.memory_space<hbm>> -> memref<632x128xf32, #tpu.memory_space<hbm>>
      %dma_start3A_33 = arith.constant 0 : i32
      %dma_start3A_34 = tpu.memref_slice %arg15[%mul3A_2, %dma_start3A_33] : memref<10112x128xf32, #tpu.memory_space<vmem_shared>> -> memref<632x128xf32, #tpu.memory_space<vmem_shared>>
      tpu.enqueue_dma source(%dma_start3A_34 : memref<632x128xf32, #tpu.memory_space<vmem_shared>>) target(%dma_start3A_32 : memref<632x128xf32, #tpu.memory_space<hbm>>) target_semaphore(%run_scoped3A : memref<!tpu.dma_semaphore, #tpu.memory_space<semaphore_mem>>)
      %dma_wait3A = arith.constant 0 : i32
      %dma_wait3A_35 = tpu.memref_slice %arg7[%add3A_30, %dma_wait3A] : memref<20224x128xf32, #tpu.memory_space<hbm>> -> memref<632x128xf32, #tpu.memory_space<hbm>>
      %dma_wait3A_36 = arith.constant 0 : i32
      %dma_wait3A_37 = tpu.memref_slice %arg15[%mul3A_2, %dma_wait3A_36] : memref<10112x128xf32, #tpu.memory_space<vmem_shared>> -> memref<632x128xf32, #tpu.memory_space<vmem_shared>>
      tpu.wait_dma2 semaphore(%run_scoped3A : memref<!tpu.dma_semaphore, #tpu.memory_space<semaphore_mem>>) src(%dma_wait3A_37 : memref<632x128xf32, #tpu.memory_space<vmem_shared>>) dst(%dma_wait3A_35 : memref<632x128xf32, #tpu.memory_space<hbm>>)
      tpu.yield
    }) : () -> ()
    return
  }
}

#map = affine_map<(d0, d1) -> (0, 0)>
#map1 = affine_map<(d0, d1) -> (0)>
#map2 = affine_map<(d0, d1) -> (0, 0, 0)>
module attributes {stable_mosaic.version = 14 : i64} {
  func.func @k(%arg0: i32, %arg1: i32, %arg2: memref<10000x128xf32, #tpu.memory_space<hbm>>, %arg3: memref<320000x128xf32, #tpu.memory_space<hbm>>, %arg4: memref<320000xi32, #tpu.memory_space<hbm>>, %arg5: memref<32x250x40xi32, #tpu.memory_space<hbm>>, %arg6: memref<10112x128xf32, #tpu.memory_space<hbm>>, %arg7: memref<20224x128xf32, #tpu.memory_space<hbm>>, %arg8: memref<10000xi32, #tpu.memory_space<vmem>>, %arg9: memref<40x128xf32, #tpu.memory_space<vmem>>, %arg10: memref<40x128xf32, #tpu.memory_space<vmem>>, %arg11: memref<1x40xi32, #tpu.memory_space<vmem>>, %arg12: memref<1x40xi32, #tpu.memory_space<vmem>>, %arg13: memref<40x128xf32, #tpu.memory_space<vmem>>, %arg14: memref<40x128xf32, #tpu.memory_space<vmem>>, %arg15: memref<10112x128xf32, #tpu.memory_space<vmem_shared>>, %arg16: memref<!tpu.dma_semaphore, #tpu.memory_space<semaphore_mem>>, %arg17: memref<!tpu.dma_semaphore, #tpu.memory_space<semaphore_mem>>, %arg18: memref<!tpu.dma_semaphore, #tpu.memory_space<semaphore_mem>>) attributes {dimension_semantics = [#tpu.dimension_semantics<core_parallel>, #tpu.dimension_semantics<subcore_parallel>], iteration_bounds = array<i64: 2, 16>, scalar_prefetch = 0 : i64, scratch_operands = 11 : i64, tpu.core_type = #tpu.core_type<sc_vector_subcore>, window_params = [{transform_indices = #map}, {transform_indices = #map}, {transform_indices = #map1}, {transform_indices = #map2}, {transform_indices = #map}, {transform_indices = #map}]} {
    %mul3A = arith.constant 2 : i32
    %mul3A_0 = arith.muli %arg1, %mul3A : i32
    %add3A = arith.addi %mul3A_0, %arg0 : i32
    %mul3A_1 = arith.constant 632 : i32
    %mul3A_2 = arith.muli %arg1, %mul3A_1 : i32
    %mul3A_3 = arith.constant 10000 : i32
    %mul3A_4 = arith.muli %add3A, %mul3A_3 : i32
    "tpu.region"() ({
      %run_scoped3A = tpu.sem_alloc : memref<!tpu.dma_semaphore, #tpu.memory_space<semaphore_mem>>
      %dma_start3A_31 = arith.constant 0 : i32
      %dma_start3A_32 = tpu.memref_slice %arg15[%mul3A_2, %dma_start3A_31] : memref<10112x128xf32, #tpu.memory_space<vmem_shared>> -> memref<632x128xf32, #tpu.memory_space<vmem_shared>>
      %dma_start3A_33 = arith.constant 0 : i32
      %dma_start3A_34 = tpu.memref_slice %arg6[%mul3A_2, %dma_start3A_33] : memref<10112x128xf32, #tpu.memory_space<hbm>> -> memref<632x128xf32, #tpu.memory_space<hbm>>
      tpu.enqueue_dma source(%dma_start3A_34 : memref<632x128xf32, #tpu.memory_space<hbm>>) target(%dma_start3A_32 : memref<632x128xf32, #tpu.memory_space<vmem_shared>>) target_semaphore(%run_scoped3A : memref<!tpu.dma_semaphore, #tpu.memory_space<semaphore_mem>>)
      %dma_wait3A = arith.constant 0 : i32
      %dma_wait3A_35 = tpu.memref_slice %arg15[%mul3A_2, %dma_wait3A] : memref<10112x128xf32, #tpu.memory_space<vmem_shared>> -> memref<632x128xf32, #tpu.memory_space<vmem_shared>>
      %dma_wait3A_36 = arith.constant 0 : i32
      %dma_wait3A_37 = tpu.memref_slice %arg6[%mul3A_2, %dma_wait3A_36] : memref<10112x128xf32, #tpu.memory_space<hbm>> -> memref<632x128xf32, #tpu.memory_space<hbm>>
      tpu.wait_dma2 semaphore(%run_scoped3A : memref<!tpu.dma_semaphore, #tpu.memory_space<semaphore_mem>>) src(%dma_wait3A_37 : memref<632x128xf32, #tpu.memory_space<hbm>>) dst(%dma_wait3A_35 : memref<632x128xf32, #tpu.memory_space<vmem_shared>>)
      tpu.yield
    }) : () -> ()
    "tpu.region"() ({
      %run_scoped3A = tpu.sem_alloc : memref<!tpu.dma_semaphore, #tpu.memory_space<semaphore_mem>>
      %dma_start3A_31 = tpu.memref_slice %arg4[%mul3A_4] : memref<320000xi32, #tpu.memory_space<hbm>> -> memref<10000xi32, #tpu.memory_space<hbm>>
      %dma_start3A_32 = tpu.memref_slice %arg4[%mul3A_4] : memref<320000xi32, #tpu.memory_space<hbm>> -> memref<10000xi32, #tpu.memory_space<hbm>>
      tpu.enqueue_dma source(%dma_start3A_32 : memref<10000xi32, #tpu.memory_space<hbm>>) target(%arg8 : memref<10000xi32, #tpu.memory_space<vmem>>) target_semaphore(%run_scoped3A : memref<!tpu.dma_semaphore, #tpu.memory_space<semaphore_mem>>)
      %dma_wait3A = tpu.memref_slice %arg4[%mul3A_4] : memref<320000xi32, #tpu.memory_space<hbm>> -> memref<10000xi32, #tpu.memory_space<hbm>>
      %dma_wait3A_33 = tpu.memref_slice %arg4[%mul3A_4] : memref<320000xi32, #tpu.memory_space<hbm>> -> memref<10000xi32, #tpu.memory_space<hbm>>
      tpu.wait_dma2 semaphore(%run_scoped3A : memref<!tpu.dma_semaphore, #tpu.memory_space<semaphore_mem>>) src(%dma_wait3A_33 : memref<10000xi32, #tpu.memory_space<hbm>>) dst(%arg8 : memref<10000xi32, #tpu.memory_space<vmem>>)
      tpu.yield
    }) : () -> ()
    %barrier3A = arith.constant 0 : index
    tpu.barrier barrier_id(%barrier3A)
    %dma_start3A = arith.constant 0 : i32
    %dma_start3A_5 = tpu.memref_slice %arg8[%dma_start3A] : memref<10000xi32, #tpu.memory_space<vmem>> -> memref<40xi32, #tpu.memory_space<vmem>>
    %dma_start3A_6 = arith.constant 0 : i32
    %dma_start3A_7 = arith.constant 0 : i32
    %dma_start3A_8 = tpu.memref_slice %arg2[%dma_start3A_6, %dma_start3A_7] : memref<10000x128xf32, #tpu.memory_space<hbm>> -> memref<10000x128xf32, #tpu.memory_space<hbm>>
    tpu.enqueue_indirect_dma source(%dma_start3A_8 : memref<10000x128xf32, #tpu.memory_space<hbm>>) target(%arg9 : memref<40x128xf32, #tpu.memory_space<vmem>>) offsets(%dma_start3A_5 : memref<40xi32, #tpu.memory_space<vmem>>) semaphore(%arg16 : memref<!tpu.dma_semaphore, #tpu.memory_space<semaphore_mem>>)
    %add3A_9 = arith.constant 0 : i32
    %add3A_10 = arith.addi %mul3A_4, %add3A_9 : i32
    %dma_start3A_11 = arith.constant 0 : i32
    %dma_start3A_12 = tpu.memref_slice %arg3[%add3A_10, %dma_start3A_11] : memref<320000x128xf32, #tpu.memory_space<hbm>> -> memref<40x128xf32, #tpu.memory_space<hbm>>
    %dma_start3A_13 = arith.constant 0 : i32
    %dma_start3A_14 = tpu.memref_slice %arg3[%add3A_10, %dma_start3A_13] : memref<320000x128xf32, #tpu.memory_space<hbm>> -> memref<40x128xf32, #tpu.memory_space<hbm>>
    tpu.enqueue_dma source(%dma_start3A_14 : memref<40x128xf32, #tpu.memory_space<hbm>>) target(%arg13 : memref<40x128xf32, #tpu.memory_space<vmem>>) target_semaphore(%arg18 : memref<!tpu.dma_semaphore, #tpu.memory_space<semaphore_mem>>)
    %dma_start3A_15 = arith.constant 0 : i32
    %dma_start3A_16 = arith.constant 0 : i32
    %dma_start3A_17 = tpu.memref_slice %arg5[%add3A, %dma_start3A_15, %dma_start3A_16] : memref<32x250x40xi32, #tpu.memory_space<hbm>> -> memref<1x1x40xi32, #tpu.memory_space<hbm>>
    %dma_start3A_18 = tpu.memref_squeeze %dma_start3A_17 : memref<1x1x40xi32, #tpu.memory_space<hbm>> -> memref<1x40xi32, #tpu.memory_space<hbm>>
    %dma_start3A_19 = arith.constant 0 : i32
    %dma_start3A_20 = arith.constant 0 : i32
    %dma_start3A_21 = tpu.memref_slice %arg5[%add3A, %dma_start3A_19, %dma_start3A_20] : memref<32x250x40xi32, #tpu.memory_space<hbm>> -> memref<1x1x40xi32, #tpu.memory_space<hbm>>
    %dma_start3A_22 = tpu.memref_squeeze %dma_start3A_21 : memref<1x1x40xi32, #tpu.memory_space<hbm>> -> memref<1x40xi32, #tpu.memory_space<hbm>>
    tpu.enqueue_dma source(%dma_start3A_22 : memref<1x40xi32, #tpu.memory_space<hbm>>) target(%arg11 : memref<1x40xi32, #tpu.memory_space<vmem>>) target_semaphore(%arg17 : memref<!tpu.dma_semaphore, #tpu.memory_space<semaphore_mem>>)
    %scan3A = arith.constant 0 : i32
    %scan3A_23 = arith.constant 125 : i32
    %scan3A_24 = arith.addi %scan3A, %scan3A_23 : i32
    %scan3A_25 = arith.constant 1 : i32
    scf.for %scan3A_31 = %scan3A to %scan3A_24 step %scan3A_25  : i32 {
      %mul3A_32 = arith.constant 1 : i32
      %mul3A_33 = arith.muli %scan3A_31, %mul3A_32 : i32
      %add3A_34 = arith.constant 0 : i32
      %add3A_35 = arith.addi %add3A_34, %mul3A_33 : i32
      %mul3A_36 = arith.constant 2 : i32
      %mul3A_37 = arith.muli %mul3A_36, %add3A_35 : i32
      %add3A_38 = arith.constant 1 : i32
      %add3A_39 = arith.addi %mul3A_37, %add3A_38 : i32
      %mul3A_40 = arith.constant 40 : i32
      %mul3A_41 = arith.muli %add3A_39, %mul3A_40 : i32
      %dma_start3A_42 = tpu.memref_slice %arg8[%mul3A_41] : memref<10000xi32, #tpu.memory_space<vmem>> -> memref<40xi32, #tpu.memory_space<vmem>>
      %dma_start3A_43 = arith.constant 0 : i32
      %dma_start3A_44 = arith.constant 0 : i32
      %dma_start3A_45 = tpu.memref_slice %arg2[%dma_start3A_43, %dma_start3A_44] : memref<10000x128xf32, #tpu.memory_space<hbm>> -> memref<10000x128xf32, #tpu.memory_space<hbm>>
      tpu.enqueue_indirect_dma source(%dma_start3A_45 : memref<10000x128xf32, #tpu.memory_space<hbm>>) target(%arg10 : memref<40x128xf32, #tpu.memory_space<vmem>>) offsets(%dma_start3A_42 : memref<40xi32, #tpu.memory_space<vmem>>) semaphore(%arg16 : memref<!tpu.dma_semaphore, #tpu.memory_space<semaphore_mem>>)
      %mul3A_46 = arith.constant 40 : i32
      %mul3A_47 = arith.muli %add3A_39, %mul3A_46 : i32
      %add3A_48 = arith.addi %mul3A_4, %mul3A_47 : i32
      %dma_start3A_49 = arith.constant 0 : i32
      %dma_start3A_50 = tpu.memref_slice %arg3[%add3A_48, %dma_start3A_49] : memref<320000x128xf32, #tpu.memory_space<hbm>> -> memref<40x128xf32, #tpu.memory_space<hbm>>
      %dma_start3A_51 = arith.constant 0 : i32
      %dma_start3A_52 = tpu.memref_slice %arg3[%add3A_48, %dma_start3A_51] : memref<320000x128xf32, #tpu.memory_space<hbm>> -> memref<40x128xf32, #tpu.memory_space<hbm>>
      tpu.enqueue_dma source(%dma_start3A_52 : memref<40x128xf32, #tpu.memory_space<hbm>>) target(%arg14 : memref<40x128xf32, #tpu.memory_space<vmem>>) target_semaphore(%arg18 : memref<!tpu.dma_semaphore, #tpu.memory_space<semaphore_mem>>)
      %dma_start3A_53 = arith.constant 0 : i32
      %dma_start3A_54 = tpu.memref_slice %arg5[%add3A, %add3A_39, %dma_start3A_53] : memref<32x250x40xi32, #tpu.memory_space<hbm>> -> memref<1x1x40xi32, #tpu.memory_space<hbm>>
      %dma_start3A_55 = tpu.memref_squeeze %dma_start3A_54 : memref<1x1x40xi32, #tpu.memory_space<hbm>> -> memref<1x40xi32, #tpu.memory_space<hbm>>
      %dma_start3A_56 = arith.constant 0 : i32
      %dma_start3A_57 = tpu.memref_slice %arg5[%add3A, %add3A_39, %dma_start3A_56] : memref<32x250x40xi32, #tpu.memory_space<hbm>> -> memref<1x1x40xi32, #tpu.memory_space<hbm>>
      %dma_start3A_58 = tpu.memref_squeeze %dma_start3A_57 : memref<1x1x40xi32, #tpu.memory_space<hbm>> -> memref<1x40xi32, #tpu.memory_space<hbm>>
      tpu.enqueue_dma source(%dma_start3A_58 : memref<1x40xi32, #tpu.memory_space<hbm>>) target(%arg12 : memref<1x40xi32, #tpu.memory_space<vmem>>) target_semaphore(%arg17 : memref<!tpu.dma_semaphore, #tpu.memory_space<semaphore_mem>>)
      %dma_wait3A = arith.constant 0 : i32
      %dma_wait3A_59 = arith.constant 0 : i32
      %dma_wait3A_60 = tpu.memref_slice %arg2[%dma_wait3A, %dma_wait3A_59] : memref<10000x128xf32, #tpu.memory_space<hbm>> -> memref<40x128xf32, #tpu.memory_space<hbm>>
      %dma_wait3A_61 = arith.constant 0 : i32
      %dma_wait3A_62 = arith.constant 0 : i32
      %dma_wait3A_63 = tpu.memref_slice %arg2[%dma_wait3A_61, %dma_wait3A_62] : memref<10000x128xf32, #tpu.memory_space<hbm>> -> memref<40x128xf32, #tpu.memory_space<hbm>>
      tpu.wait_dma2 semaphore(%arg16 : memref<!tpu.dma_semaphore, #tpu.memory_space<semaphore_mem>>) src(%dma_wait3A_63 : memref<40x128xf32, #tpu.memory_space<hbm>>) dst(%arg9 : memref<40x128xf32, #tpu.memory_space<vmem>>)
      %dma_wait3A_64 = arith.constant 0 : i32
      %dma_wait3A_65 = arith.constant 0 : i32
      %dma_wait3A_66 = tpu.memref_slice %arg3[%dma_wait3A_64, %dma_wait3A_65] : memref<320000x128xf32, #tpu.memory_space<hbm>> -> memref<40x128xf32, #tpu.memory_space<hbm>>
      %dma_wait3A_67 = arith.constant 0 : i32
      %dma_wait3A_68 = arith.constant 0 : i32
      %dma_wait3A_69 = tpu.memref_slice %arg3[%dma_wait3A_67, %dma_wait3A_68] : memref<320000x128xf32, #tpu.memory_space<hbm>> -> memref<40x128xf32, #tpu.memory_space<hbm>>
      tpu.wait_dma2 semaphore(%arg18 : memref<!tpu.dma_semaphore, #tpu.memory_space<semaphore_mem>>) src(%dma_wait3A_69 : memref<40x128xf32, #tpu.memory_space<hbm>>) dst(%arg13 : memref<40x128xf32, #tpu.memory_space<vmem>>)
      %dma_wait3A_70 = arith.constant 0 : i32
      %dma_wait3A_71 = arith.constant 0 : i32
      %dma_wait3A_72 = arith.constant 0 : i32
      %dma_wait3A_73 = tpu.memref_slice %arg5[%dma_wait3A_70, %dma_wait3A_71, %dma_wait3A_72] : memref<32x250x40xi32, #tpu.memory_space<hbm>> -> memref<1x1x40xi32, #tpu.memory_space<hbm>>
      %dma_wait3A_74 = tpu.memref_squeeze %dma_wait3A_73 : memref<1x1x40xi32, #tpu.memory_space<hbm>> -> memref<1x40xi32, #tpu.memory_space<hbm>>
      %dma_wait3A_75 = arith.constant 0 : i32
      %dma_wait3A_76 = arith.constant 0 : i32
      %dma_wait3A_77 = tpu.memref_slice %arg5[%dma_wait3A_70, %dma_wait3A_75, %dma_wait3A_76] : memref<32x250x40xi32, #tpu.memory_space<hbm>> -> memref<1x1x40xi32, #tpu.memory_space<hbm>>
      %dma_wait3A_78 = tpu.memref_squeeze %dma_wait3A_77 : memref<1x1x40xi32, #tpu.memory_space<hbm>> -> memref<1x40xi32, #tpu.memory_space<hbm>>
      tpu.wait_dma2 semaphore(%arg17 : memref<!tpu.dma_semaphore, #tpu.memory_space<semaphore_mem>>) src(%dma_wait3A_78 : memref<1x40xi32, #tpu.memory_space<hbm>>) dst(%arg11 : memref<1x40xi32, #tpu.memory_space<vmem>>)
      %scan3A_79 = arith.constant 0 : i32
      %scan3A_80 = arith.constant 40 : i32
      %scan3A_81 = arith.addi %scan3A_79, %scan3A_80 : i32
      %scan3A_82 = arith.constant 1 : i32
      scf.for %scan3A_115 = %scan3A_79 to %scan3A_81 step %scan3A_82  : i32 {
        %mul3A_116 = arith.constant 1 : i32
        %mul3A_117 = arith.muli %scan3A_115, %mul3A_116 : i32
        %add3A_118 = arith.constant 0 : i32
        %add3A_119 = arith.addi %add3A_118, %mul3A_117 : i32
        %get3A = arith.index_cast %add3A_119 : i32 to index
        %get3A_120 = arith.constant 0 : index
        %get3A_121 = tpu.vector_load %arg9[%get3A, %get3A_120] {strides = array<i32>} : memref<40x128xf32, #tpu.memory_space<vmem>>, vector<1x16xf32>,
        %get3A_122 = vector.shape_cast %get3A_121 : vector<1x16xf32> to vector<1x16xf32>
        %get3A_123 = arith.index_cast %add3A_119 : i32 to index
        %get3A_124 = arith.constant 0 : index
        %get3A_125 = tpu.vector_load %arg13[%get3A_123, %get3A_124] {strides = array<i32>} : memref<40x128xf32, #tpu.memory_space<vmem>>, vector<1x16xf32>,
        %get3A_126 = vector.shape_cast %get3A_125 : vector<1x16xf32> to vector<1x16xf32>
        %mul3A_127 = arith.mulf %get3A_122, %get3A_126 : vector<1x16xf32>
        %swap3A = arith.index_cast %add3A_119 : i32 to index
        %swap3A_128 = arith.constant 0 : index
        %swap3A_129 = tpu.vector_load %arg9[%swap3A, %swap3A_128] {strides = array<i32>} : memref<40x128xf32, #tpu.memory_space<vmem>>, vector<1x16xf32>,
        %swap3A_130 = vector.shape_cast %swap3A_129 : vector<1x16xf32> to vector<1x16xf32>
        %swap3A_131 = vector.shape_cast %mul3A_127 : vector<1x16xf32> to vector<1x16xf32>
        tpu.vector_store %arg9[%swap3A, %swap3A_128], %swap3A_131 {strides = array<i32>} : memref<40x128xf32, #tpu.memory_space<vmem>>, vector<1x16xf32>,
        %get3A_132 = arith.index_cast %add3A_119 : i32 to index
        %get3A_133 = arith.constant 16 : index
        %get3A_134 = tpu.vector_load %arg9[%get3A_132, %get3A_133] {strides = array<i32>} : memref<40x128xf32, #tpu.memory_space<vmem>>, vector<1x16xf32>,
        %get3A_135 = vector.shape_cast %get3A_134 : vector<1x16xf32> to vector<1x16xf32>
        %get3A_136 = arith.index_cast %add3A_119 : i32 to index
        %get3A_137 = arith.constant 16 : index
        %get3A_138 = tpu.vector_load %arg13[%get3A_136, %get3A_137] {strides = array<i32>} : memref<40x128xf32, #tpu.memory_space<vmem>>, vector<1x16xf32>,
        %get3A_139 = vector.shape_cast %get3A_138 : vector<1x16xf32> to vector<1x16xf32>
        %mul3A_140 = arith.mulf %get3A_135, %get3A_139 : vector<1x16xf32>
        %swap3A_141 = arith.index_cast %add3A_119 : i32 to index
        %swap3A_142 = arith.constant 16 : index
        %swap3A_143 = tpu.vector_load %arg9[%swap3A_141, %swap3A_142] {strides = array<i32>} : memref<40x128xf32, #tpu.memory_space<vmem>>, vector<1x16xf32>,
        %swap3A_144 = vector.shape_cast %swap3A_143 : vector<1x16xf32> to vector<1x16xf32>
        %swap3A_145 = vector.shape_cast %mul3A_140 : vector<1x16xf32> to vector<1x16xf32>
        tpu.vector_store %arg9[%swap3A_141, %swap3A_142], %swap3A_145 {strides = array<i32>} : memref<40x128xf32, #tpu.memory_space<vmem>>, vector<1x16xf32>,
        %get3A_146 = arith.index_cast %add3A_119 : i32 to index
        %get3A_147 = arith.constant 32 : index
        %get3A_148 = tpu.vector_load %arg9[%get3A_146, %get3A_147] {strides = array<i32>} : memref<40x128xf32, #tpu.memory_space<vmem>>, vector<1x16xf32>,
        %get3A_149 = vector.shape_cast %get3A_148 : vector<1x16xf32> to vector<1x16xf32>
        %get3A_150 = arith.index_cast %add3A_119 : i32 to index
        %get3A_151 = arith.constant 32 : index
        %get3A_152 = tpu.vector_load %arg13[%get3A_150, %get3A_151] {strides = array<i32>} : memref<40x128xf32, #tpu.memory_space<vmem>>, vector<1x16xf32>,
        %get3A_153 = vector.shape_cast %get3A_152 : vector<1x16xf32> to vector<1x16xf32>
        %mul3A_154 = arith.mulf %get3A_149, %get3A_153 : vector<1x16xf32>
        %swap3A_155 = arith.index_cast %add3A_119 : i32 to index
        %swap3A_156 = arith.constant 32 : index
        %swap3A_157 = tpu.vector_load %arg9[%swap3A_155, %swap3A_156] {strides = array<i32>} : memref<40x128xf32, #tpu.memory_space<vmem>>, vector<1x16xf32>,
        %swap3A_158 = vector.shape_cast %swap3A_157 : vector<1x16xf32> to vector<1x16xf32>
        %swap3A_159 = vector.shape_cast %mul3A_154 : vector<1x16xf32> to vector<1x16xf32>
        tpu.vector_store %arg9[%swap3A_155, %swap3A_156], %swap3A_159 {strides = array<i32>} : memref<40x128xf32, #tpu.memory_space<vmem>>, vector<1x16xf32>,
        %get3A_160 = arith.index_cast %add3A_119 : i32 to index
        %get3A_161 = arith.constant 48 : index
        %get3A_162 = tpu.vector_load %arg9[%get3A_160, %get3A_161] {strides = array<i32>} : memref<40x128xf32, #tpu.memory_space<vmem>>, vector<1x16xf32>,
        %get3A_163 = vector.shape_cast %get3A_162 : vector<1x16xf32> to vector<1x16xf32>
        %get3A_164 = arith.index_cast %add3A_119 : i32 to index
        %get3A_165 = arith.constant 48 : index
        %get3A_166 = tpu.vector_load %arg13[%get3A_164, %get3A_165] {strides = array<i32>} : memref<40x128xf32, #tpu.memory_space<vmem>>, vector<1x16xf32>,
        %get3A_167 = vector.shape_cast %get3A_166 : vector<1x16xf32> to vector<1x16xf32>
        %mul3A_168 = arith.mulf %get3A_163, %get3A_167 : vector<1x16xf32>
        %swap3A_169 = arith.index_cast %add3A_119 : i32 to index
        %swap3A_170 = arith.constant 48 : index
        %swap3A_171 = tpu.vector_load %arg9[%swap3A_169, %swap3A_170] {strides = array<i32>} : memref<40x128xf32, #tpu.memory_space<vmem>>, vector<1x16xf32>,
        %swap3A_172 = vector.shape_cast %swap3A_171 : vector<1x16xf32> to vector<1x16xf32>
        %swap3A_173 = vector.shape_cast %mul3A_168 : vector<1x16xf32> to vector<1x16xf32>
        tpu.vector_store %arg9[%swap3A_169, %swap3A_170], %swap3A_173 {strides = array<i32>} : memref<40x128xf32, #tpu.memory_space<vmem>>, vector<1x16xf32>,
        %get3A_174 = arith.index_cast %add3A_119 : i32 to index
        %get3A_175 = arith.constant 64 : index
        %get3A_176 = tpu.vector_load %arg9[%get3A_174, %get3A_175] {strides = array<i32>} : memref<40x128xf32, #tpu.memory_space<vmem>>, vector<1x16xf32>,
        %get3A_177 = vector.shape_cast %get3A_176 : vector<1x16xf32> to vector<1x16xf32>
        %get3A_178 = arith.index_cast %add3A_119 : i32 to index
        %get3A_179 = arith.constant 64 : index
        %get3A_180 = tpu.vector_load %arg13[%get3A_178, %get3A_179] {strides = array<i32>} : memref<40x128xf32, #tpu.memory_space<vmem>>, vector<1x16xf32>,
        %get3A_181 = vector.shape_cast %get3A_180 : vector<1x16xf32> to vector<1x16xf32>
        %mul3A_182 = arith.mulf %get3A_177, %get3A_181 : vector<1x16xf32>
        %swap3A_183 = arith.index_cast %add3A_119 : i32 to index
        %swap3A_184 = arith.constant 64 : index
        %swap3A_185 = tpu.vector_load %arg9[%swap3A_183, %swap3A_184] {strides = array<i32>} : memref<40x128xf32, #tpu.memory_space<vmem>>, vector<1x16xf32>,
        %swap3A_186 = vector.shape_cast %swap3A_185 : vector<1x16xf32> to vector<1x16xf32>
        %swap3A_187 = vector.shape_cast %mul3A_182 : vector<1x16xf32> to vector<1x16xf32>
        tpu.vector_store %arg9[%swap3A_183, %swap3A_184], %swap3A_187 {strides = array<i32>} : memref<40x128xf32, #tpu.memory_space<vmem>>, vector<1x16xf32>,
        %get3A_188 = arith.index_cast %add3A_119 : i32 to index
        %get3A_189 = arith.constant 80 : index
        %get3A_190 = tpu.vector_load %arg9[%get3A_188, %get3A_189] {strides = array<i32>} : memref<40x128xf32, #tpu.memory_space<vmem>>, vector<1x16xf32>,
        %get3A_191 = vector.shape_cast %get3A_190 : vector<1x16xf32> to vector<1x16xf32>
        %get3A_192 = arith.index_cast %add3A_119 : i32 to index
        %get3A_193 = arith.constant 80 : index
        %get3A_194 = tpu.vector_load %arg13[%get3A_192, %get3A_193] {strides = array<i32>} : memref<40x128xf32, #tpu.memory_space<vmem>>, vector<1x16xf32>,
        %get3A_195 = vector.shape_cast %get3A_194 : vector<1x16xf32> to vector<1x16xf32>
        %mul3A_196 = arith.mulf %get3A_191, %get3A_195 : vector<1x16xf32>
        %swap3A_197 = arith.index_cast %add3A_119 : i32 to index
        %swap3A_198 = arith.constant 80 : index
        %swap3A_199 = tpu.vector_load %arg9[%swap3A_197, %swap3A_198] {strides = array<i32>} : memref<40x128xf32, #tpu.memory_space<vmem>>, vector<1x16xf32>,
        %swap3A_200 = vector.shape_cast %swap3A_199 : vector<1x16xf32> to vector<1x16xf32>
        %swap3A_201 = vector.shape_cast %mul3A_196 : vector<1x16xf32> to vector<1x16xf32>
        tpu.vector_store %arg9[%swap3A_197, %swap3A_198], %swap3A_201 {strides = array<i32>} : memref<40x128xf32, #tpu.memory_space<vmem>>, vector<1x16xf32>,
        %get3A_202 = arith.index_cast %add3A_119 : i32 to index
        %get3A_203 = arith.constant 96 : index
        %get3A_204 = tpu.vector_load %arg9[%get3A_202, %get3A_203] {strides = array<i32>} : memref<40x128xf32, #tpu.memory_space<vmem>>, vector<1x16xf32>,
        %get3A_205 = vector.shape_cast %get3A_204 : vector<1x16xf32> to vector<1x16xf32>
        %get3A_206 = arith.index_cast %add3A_119 : i32 to index
        %get3A_207 = arith.constant 96 : index
        %get3A_208 = tpu.vector_load %arg13[%get3A_206, %get3A_207] {strides = array<i32>} : memref<40x128xf32, #tpu.memory_space<vmem>>, vector<1x16xf32>,
        %get3A_209 = vector.shape_cast %get3A_208 : vector<1x16xf32> to vector<1x16xf32>
        %mul3A_210 = arith.mulf %get3A_205, %get3A_209 : vector<1x16xf32>
        %swap3A_211 = arith.index_cast %add3A_119 : i32 to index
        %swap3A_212 = arith.constant 96 : index
        %swap3A_213 = tpu.vector_load %arg9[%swap3A_211, %swap3A_212] {strides = array<i32>} : memref<40x128xf32, #tpu.memory_space<vmem>>, vector<1x16xf32>,
        %swap3A_214 = vector.shape_cast %swap3A_213 : vector<1x16xf32> to vector<1x16xf32>
        %swap3A_215 = vector.shape_cast %mul3A_210 : vector<1x16xf32> to vector<1x16xf32>
        tpu.vector_store %arg9[%swap3A_211, %swap3A_212], %swap3A_215 {strides = array<i32>} : memref<40x128xf32, #tpu.memory_space<vmem>>, vector<1x16xf32>,
        %get3A_216 = arith.index_cast %add3A_119 : i32 to index
        %get3A_217 = arith.constant 112 : index
        %get3A_218 = tpu.vector_load %arg9[%get3A_216, %get3A_217] {strides = array<i32>} : memref<40x128xf32, #tpu.memory_space<vmem>>, vector<1x16xf32>,
        %get3A_219 = vector.shape_cast %get3A_218 : vector<1x16xf32> to vector<1x16xf32>
        %get3A_220 = arith.index_cast %add3A_119 : i32 to index
        %get3A_221 = arith.constant 112 : index
        %get3A_222 = tpu.vector_load %arg13[%get3A_220, %get3A_221] {strides = array<i32>} : memref<40x128xf32, #tpu.memory_space<vmem>>, vector<1x16xf32>,
        %get3A_223 = vector.shape_cast %get3A_222 : vector<1x16xf32> to vector<1x16xf32>
        %mul3A_224 = arith.mulf %get3A_219, %get3A_223 : vector<1x16xf32>
        %swap3A_225 = arith.index_cast %add3A_119 : i32 to index
        %swap3A_226 = arith.constant 112 : index
        %swap3A_227 = tpu.vector_load %arg9[%swap3A_225, %swap3A_226] {strides = array<i32>} : memref<40x128xf32, #tpu.memory_space<vmem>>, vector<1x16xf32>,
        %swap3A_228 = vector.shape_cast %swap3A_227 : vector<1x16xf32> to vector<1x16xf32>
        %swap3A_229 = vector.shape_cast %mul3A_224 : vector<1x16xf32> to vector<1x16xf32>
        tpu.vector_store %arg9[%swap3A_225, %swap3A_226], %swap3A_229 {strides = array<i32>} : memref<40x128xf32, #tpu.memory_space<vmem>>, vector<1x16xf32>,
      }
      %scan3A_83 = arith.constant 40 : i32
      %run_scoped3A = arith.constant 0 : i32
      "tpu.region"() ({
        %run_scoped3A_115 = tpu.sem_alloc : memref<!tpu.dma_semaphore, #tpu.memory_space<semaphore_mem>>
        %dma_start3A_116 = arith.constant 0 : i32
        %dma_start3A_117 = tpu.memref_slice %arg11[%run_scoped3A, %dma_start3A_116] : memref<1x40xi32, #tpu.memory_space<vmem>> -> memref<1x40xi32, #tpu.memory_space<vmem>>
        %dma_start3A_118 = tpu.memref_squeeze %dma_start3A_117 : memref<1x40xi32, #tpu.memory_space<vmem>> -> memref<40xi32, #tpu.memory_space<vmem>>
        %dma_start3A_119 = arith.constant 0 : i32
        %dma_start3A_120 = arith.constant 0 : i32
        %dma_start3A_121 = tpu.memref_slice %arg15[%dma_start3A_119, %dma_start3A_120] : memref<10112x128xf32, #tpu.memory_space<vmem_shared>> -> memref<10112x128xf32, #tpu.memory_space<vmem_shared>>
        tpu.enqueue_indirect_dma source(%arg9 : memref<40x128xf32, #tpu.memory_space<vmem>>) target(%dma_start3A_121 : memref<10112x128xf32, #tpu.memory_space<vmem_shared>>) offsets(%dma_start3A_118 : memref<40xi32, #tpu.memory_space<vmem>>) semaphore(%run_scoped3A_115 : memref<!tpu.dma_semaphore, #tpu.memory_space<semaphore_mem>>) {add = true}
        %dma_wait3A_122 = arith.constant 0 : i32
        %dma_wait3A_123 = tpu.memref_slice %arg11[%run_scoped3A, %dma_wait3A_122] : memref<1x40xi32, #tpu.memory_space<vmem>> -> memref<1x40xi32, #tpu.memory_space<vmem>>
        %dma_wait3A_124 = tpu.memref_squeeze %dma_wait3A_123 : memref<1x40xi32, #tpu.memory_space<vmem>> -> memref<40xi32, #tpu.memory_space<vmem>>
        %dma_wait3A_125 = arith.constant 0 : i32
        %dma_wait3A_126 = arith.constant 0 : i32
        %dma_wait3A_127 = tpu.memref_slice %arg15[%dma_wait3A_125, %dma_wait3A_126] : memref<10112x128xf32, #tpu.memory_space<vmem_shared>> -> memref<10112x128xf32, #tpu.memory_space<vmem_shared>>
        tpu.wait_indirect_dma semaphore(%run_scoped3A_115 : memref<!tpu.dma_semaphore, #tpu.memory_space<semaphore_mem>>) src(%arg9 : memref<40x128xf32, #tpu.memory_space<vmem>>) dst(%dma_wait3A_127 : memref<10112x128xf32, #tpu.memory_space<vmem_shared>>)
        tpu.yield
      }) : () -> ()
      %add3A_84 = arith.constant 2 : i32
      %add3A_85 = arith.addi %mul3A_37, %add3A_84 : i32
      %lt3A = arith.constant 250 : i32
      %lt3A_86 = arith.cmpi slt, %add3A_85, %lt3A : i32
      %convert_element_type3A = arith.extui %lt3A_86 : i1 to i32
      %cond3A = arith.constant 0 : i32
      %cond3A_87 = arith.cmpi ne, %convert_element_type3A, %cond3A : i32
      scf.if %cond3A_87 {
        %add3A_115 = arith.constant 2 : i32
        %add3A_116 = arith.addi %mul3A_37, %add3A_115 : i32
        %mul3A_117 = arith.constant 40 : i32
        %mul3A_118 = arith.muli %add3A_116, %mul3A_117 : i32
        %dma_start3A_119 = tpu.memref_slice %arg8[%mul3A_118] : memref<10000xi32, #tpu.memory_space<vmem>> -> memref<40xi32, #tpu.memory_space<vmem>>
        %dma_start3A_120 = arith.constant 0 : i32
        %dma_start3A_121 = arith.constant 0 : i32
        %dma_start3A_122 = tpu.memref_slice %arg2[%dma_start3A_120, %dma_start3A_121] : memref<10000x128xf32, #tpu.memory_space<hbm>> -> memref<10000x128xf32, #tpu.memory_space<hbm>>
        tpu.enqueue_indirect_dma source(%dma_start3A_122 : memref<10000x128xf32, #tpu.memory_space<hbm>>) target(%arg9 : memref<40x128xf32, #tpu.memory_space<vmem>>) offsets(%dma_start3A_119 : memref<40xi32, #tpu.memory_space<vmem>>) semaphore(%arg16 : memref<!tpu.dma_semaphore, #tpu.memory_space<semaphore_mem>>)
        %mul3A_123 = arith.constant 40 : i32
        %mul3A_124 = arith.muli %add3A_116, %mul3A_123 : i32
        %add3A_125 = arith.addi %mul3A_4, %mul3A_124 : i32
        %dma_start3A_126 = arith.constant 0 : i32
        %dma_start3A_127 = tpu.memref_slice %arg3[%add3A_125, %dma_start3A_126] : memref<320000x128xf32, #tpu.memory_space<hbm>> -> memref<40x128xf32, #tpu.memory_space<hbm>>
        %dma_start3A_128 = arith.constant 0 : i32
        %dma_start3A_129 = tpu.memref_slice %arg3[%add3A_125, %dma_start3A_128] : memref<320000x128xf32, #tpu.memory_space<hbm>> -> memref<40x128xf32, #tpu.memory_space<hbm>>
        tpu.enqueue_dma source(%dma_start3A_129 : memref<40x128xf32, #tpu.memory_space<hbm>>) target(%arg13 : memref<40x128xf32, #tpu.memory_space<vmem>>) target_semaphore(%arg18 : memref<!tpu.dma_semaphore, #tpu.memory_space<semaphore_mem>>)
        %dma_start3A_130 = arith.constant 0 : i32
        %dma_start3A_131 = tpu.memref_slice %arg5[%add3A, %add3A_116, %dma_start3A_130] : memref<32x250x40xi32, #tpu.memory_space<hbm>> -> memref<1x1x40xi32, #tpu.memory_space<hbm>>
        %dma_start3A_132 = tpu.memref_squeeze %dma_start3A_131 : memref<1x1x40xi32, #tpu.memory_space<hbm>> -> memref<1x40xi32, #tpu.memory_space<hbm>>
        %dma_start3A_133 = arith.constant 0 : i32
        %dma_start3A_134 = tpu.memref_slice %arg5[%add3A, %add3A_116, %dma_start3A_133] : memref<32x250x40xi32, #tpu.memory_space<hbm>> -> memref<1x1x40xi32, #tpu.memory_space<hbm>>
        %dma_start3A_135 = tpu.memref_squeeze %dma_start3A_134 : memref<1x1x40xi32, #tpu.memory_space<hbm>> -> memref<1x40xi32, #tpu.memory_space<hbm>>
        tpu.enqueue_dma source(%dma_start3A_135 : memref<1x40xi32, #tpu.memory_space<hbm>>) target(%arg11 : memref<1x40xi32, #tpu.memory_space<vmem>>) target_semaphore(%arg17 : memref<!tpu.dma_semaphore, #tpu.memory_space<semaphore_mem>>)
      } else {
      }
      %dma_wait3A_88 = arith.constant 0 : i32
      %dma_wait3A_89 = arith.constant 0 : i32
      %dma_wait3A_90 = tpu.memref_slice %arg2[%dma_wait3A_88, %dma_wait3A_89] : memref<10000x128xf32, #tpu.memory_space<hbm>> -> memref<40x128xf32, #tpu.memory_space<hbm>>
      %dma_wait3A_91 = arith.constant 0 : i32
      %dma_wait3A_92 = arith.constant 0 : i32
      %dma_wait3A_93 = tpu.memref_slice %arg2[%dma_wait3A_91, %dma_wait3A_92] : memref<10000x128xf32, #tpu.memory_space<hbm>> -> memref<40x128xf32, #tpu.memory_space<hbm>>
      tpu.wait_dma2 semaphore(%arg16 : memref<!tpu.dma_semaphore, #tpu.memory_space<semaphore_mem>>) src(%dma_wait3A_93 : memref<40x128xf32, #tpu.memory_space<hbm>>) dst(%arg10 : memref<40x128xf32, #tpu.memory_space<vmem>>)
      %dma_wait3A_94 = arith.constant 0 : i32
      %dma_wait3A_95 = arith.constant 0 : i32
      %dma_wait3A_96 = tpu.memref_slice %arg3[%dma_wait3A_94, %dma_wait3A_95] : memref<320000x128xf32, #tpu.memory_space<hbm>> -> memref<40x128xf32, #tpu.memory_space<hbm>>
      %dma_wait3A_97 = arith.constant 0 : i32
      %dma_wait3A_98 = arith.constant 0 : i32
      %dma_wait3A_99 = tpu.memref_slice %arg3[%dma_wait3A_97, %dma_wait3A_98] : memref<320000x128xf32, #tpu.memory_space<hbm>> -> memref<40x128xf32, #tpu.memory_space<hbm>>
      tpu.wait_dma2 semaphore(%arg18 : memref<!tpu.dma_semaphore, #tpu.memory_space<semaphore_mem>>) src(%dma_wait3A_99 : memref<40x128xf32, #tpu.memory_space<hbm>>) dst(%arg14 : memref<40x128xf32, #tpu.memory_space<vmem>>)
      %dma_wait3A_100 = arith.constant 0 : i32
      %dma_wait3A_101 = arith.constant 0 : i32
      %dma_wait3A_102 = arith.constant 0 : i32
      %dma_wait3A_103 = tpu.memref_slice %arg5[%dma_wait3A_100, %dma_wait3A_101, %dma_wait3A_102] : memref<32x250x40xi32, #tpu.memory_space<hbm>> -> memref<1x1x40xi32, #tpu.memory_space<hbm>>
      %dma_wait3A_104 = tpu.memref_squeeze %dma_wait3A_103 : memref<1x1x40xi32, #tpu.memory_space<hbm>> -> memref<1x40xi32, #tpu.memory_space<hbm>>
      %dma_wait3A_105 = arith.constant 0 : i32
      %dma_wait3A_106 = arith.constant 0 : i32
      %dma_wait3A_107 = tpu.memref_slice %arg5[%dma_wait3A_100, %dma_wait3A_105, %dma_wait3A_106] : memref<32x250x40xi32, #tpu.memory_space<hbm>> -> memref<1x1x40xi32, #tpu.memory_space<hbm>>
      %dma_wait3A_108 = tpu.memref_squeeze %dma_wait3A_107 : memref<1x1x40xi32, #tpu.memory_space<hbm>> -> memref<1x40xi32, #tpu.memory_space<hbm>>
      tpu.wait_dma2 semaphore(%arg17 : memref<!tpu.dma_semaphore, #tpu.memory_space<semaphore_mem>>) src(%dma_wait3A_108 : memref<1x40xi32, #tpu.memory_space<hbm>>) dst(%arg12 : memref<1x40xi32, #tpu.memory_space<vmem>>)
      %scan3A_109 = arith.constant 0 : i32
      %scan3A_110 = arith.constant 40 : i32
      %scan3A_111 = arith.addi %scan3A_109, %scan3A_110 : i32
      %scan3A_112 = arith.constant 1 : i32
      scf.for %scan3A_115 = %scan3A_109 to %scan3A_111 step %scan3A_112  : i32 {
        %mul3A_116 = arith.constant 1 : i32
        %mul3A_117 = arith.muli %scan3A_115, %mul3A_116 : i32
        %add3A_118 = arith.constant 0 : i32
        %add3A_119 = arith.addi %add3A_118, %mul3A_117 : i32
        %get3A = arith.index_cast %add3A_119 : i32 to index
        %get3A_120 = arith.constant 0 : index
        %get3A_121 = tpu.vector_load %arg10[%get3A, %get3A_120] {strides = array<i32>} : memref<40x128xf32, #tpu.memory_space<vmem>>, vector<1x16xf32>,
        %get3A_122 = vector.shape_cast %get3A_121 : vector<1x16xf32> to vector<1x16xf32>
        %get3A_123 = arith.index_cast %add3A_119 : i32 to index
        %get3A_124 = arith.constant 0 : index
        %get3A_125 = tpu.vector_load %arg14[%get3A_123, %get3A_124] {strides = array<i32>} : memref<40x128xf32, #tpu.memory_space<vmem>>, vector<1x16xf32>,
        %get3A_126 = vector.shape_cast %get3A_125 : vector<1x16xf32> to vector<1x16xf32>
        %mul3A_127 = arith.mulf %get3A_122, %get3A_126 : vector<1x16xf32>
        %swap3A = arith.index_cast %add3A_119 : i32 to index
        %swap3A_128 = arith.constant 0 : index
        %swap3A_129 = tpu.vector_load %arg10[%swap3A, %swap3A_128] {strides = array<i32>} : memref<40x128xf32, #tpu.memory_space<vmem>>, vector<1x16xf32>,
        %swap3A_130 = vector.shape_cast %swap3A_129 : vector<1x16xf32> to vector<1x16xf32>
        %swap3A_131 = vector.shape_cast %mul3A_127 : vector<1x16xf32> to vector<1x16xf32>
        tpu.vector_store %arg10[%swap3A, %swap3A_128], %swap3A_131 {strides = array<i32>} : memref<40x128xf32, #tpu.memory_space<vmem>>, vector<1x16xf32>,
        %get3A_132 = arith.index_cast %add3A_119 : i32 to index
        %get3A_133 = arith.constant 16 : index
        %get3A_134 = tpu.vector_load %arg10[%get3A_132, %get3A_133] {strides = array<i32>} : memref<40x128xf32, #tpu.memory_space<vmem>>, vector<1x16xf32>,
        %get3A_135 = vector.shape_cast %get3A_134 : vector<1x16xf32> to vector<1x16xf32>
        %get3A_136 = arith.index_cast %add3A_119 : i32 to index
        %get3A_137 = arith.constant 16 : index
        %get3A_138 = tpu.vector_load %arg14[%get3A_136, %get3A_137] {strides = array<i32>} : memref<40x128xf32, #tpu.memory_space<vmem>>, vector<1x16xf32>,
        %get3A_139 = vector.shape_cast %get3A_138 : vector<1x16xf32> to vector<1x16xf32>
        %mul3A_140 = arith.mulf %get3A_135, %get3A_139 : vector<1x16xf32>
        %swap3A_141 = arith.index_cast %add3A_119 : i32 to index
        %swap3A_142 = arith.constant 16 : index
        %swap3A_143 = tpu.vector_load %arg10[%swap3A_141, %swap3A_142] {strides = array<i32>} : memref<40x128xf32, #tpu.memory_space<vmem>>, vector<1x16xf32>,
        %swap3A_144 = vector.shape_cast %swap3A_143 : vector<1x16xf32> to vector<1x16xf32>
        %swap3A_145 = vector.shape_cast %mul3A_140 : vector<1x16xf32> to vector<1x16xf32>
        tpu.vector_store %arg10[%swap3A_141, %swap3A_142], %swap3A_145 {strides = array<i32>} : memref<40x128xf32, #tpu.memory_space<vmem>>, vector<1x16xf32>,
        %get3A_146 = arith.index_cast %add3A_119 : i32 to index
        %get3A_147 = arith.constant 32 : index
        %get3A_148 = tpu.vector_load %arg10[%get3A_146, %get3A_147] {strides = array<i32>} : memref<40x128xf32, #tpu.memory_space<vmem>>, vector<1x16xf32>,
        %get3A_149 = vector.shape_cast %get3A_148 : vector<1x16xf32> to vector<1x16xf32>
        %get3A_150 = arith.index_cast %add3A_119 : i32 to index
        %get3A_151 = arith.constant 32 : index
        %get3A_152 = tpu.vector_load %arg14[%get3A_150, %get3A_151] {strides = array<i32>} : memref<40x128xf32, #tpu.memory_space<vmem>>, vector<1x16xf32>,
        %get3A_153 = vector.shape_cast %get3A_152 : vector<1x16xf32> to vector<1x16xf32>
        %mul3A_154 = arith.mulf %get3A_149, %get3A_153 : vector<1x16xf32>
        %swap3A_155 = arith.index_cast %add3A_119 : i32 to index
        %swap3A_156 = arith.constant 32 : index
        %swap3A_157 = tpu.vector_load %arg10[%swap3A_155, %swap3A_156] {strides = array<i32>} : memref<40x128xf32, #tpu.memory_space<vmem>>, vector<1x16xf32>,
        %swap3A_158 = vector.shape_cast %swap3A_157 : vector<1x16xf32> to vector<1x16xf32>
        %swap3A_159 = vector.shape_cast %mul3A_154 : vector<1x16xf32> to vector<1x16xf32>
        tpu.vector_store %arg10[%swap3A_155, %swap3A_156], %swap3A_159 {strides = array<i32>} : memref<40x128xf32, #tpu.memory_space<vmem>>, vector<1x16xf32>,
        %get3A_160 = arith.index_cast %add3A_119 : i32 to index
        %get3A_161 = arith.constant 48 : index
        %get3A_162 = tpu.vector_load %arg10[%get3A_160, %get3A_161] {strides = array<i32>} : memref<40x128xf32, #tpu.memory_space<vmem>>, vector<1x16xf32>,
        %get3A_163 = vector.shape_cast %get3A_162 : vector<1x16xf32> to vector<1x16xf32>
        %get3A_164 = arith.index_cast %add3A_119 : i32 to index
        %get3A_165 = arith.constant 48 : index
        %get3A_166 = tpu.vector_load %arg14[%get3A_164, %get3A_165] {strides = array<i32>} : memref<40x128xf32, #tpu.memory_space<vmem>>, vector<1x16xf32>,
        %get3A_167 = vector.shape_cast %get3A_166 : vector<1x16xf32> to vector<1x16xf32>
        %mul3A_168 = arith.mulf %get3A_163, %get3A_167 : vector<1x16xf32>
        %swap3A_169 = arith.index_cast %add3A_119 : i32 to index
        %swap3A_170 = arith.constant 48 : index
        %swap3A_171 = tpu.vector_load %arg10[%swap3A_169, %swap3A_170] {strides = array<i32>} : memref<40x128xf32, #tpu.memory_space<vmem>>, vector<1x16xf32>,
        %swap3A_172 = vector.shape_cast %swap3A_171 : vector<1x16xf32> to vector<1x16xf32>
        %swap3A_173 = vector.shape_cast %mul3A_168 : vector<1x16xf32> to vector<1x16xf32>
        tpu.vector_store %arg10[%swap3A_169, %swap3A_170], %swap3A_173 {strides = array<i32>} : memref<40x128xf32, #tpu.memory_space<vmem>>, vector<1x16xf32>,
        %get3A_174 = arith.index_cast %add3A_119 : i32 to index
        %get3A_175 = arith.constant 64 : index
        %get3A_176 = tpu.vector_load %arg10[%get3A_174, %get3A_175] {strides = array<i32>} : memref<40x128xf32, #tpu.memory_space<vmem>>, vector<1x16xf32>,
        %get3A_177 = vector.shape_cast %get3A_176 : vector<1x16xf32> to vector<1x16xf32>
        %get3A_178 = arith.index_cast %add3A_119 : i32 to index
        %get3A_179 = arith.constant 64 : index
        %get3A_180 = tpu.vector_load %arg14[%get3A_178, %get3A_179] {strides = array<i32>} : memref<40x128xf32, #tpu.memory_space<vmem>>, vector<1x16xf32>,
        %get3A_181 = vector.shape_cast %get3A_180 : vector<1x16xf32> to vector<1x16xf32>
        %mul3A_182 = arith.mulf %get3A_177, %get3A_181 : vector<1x16xf32>
        %swap3A_183 = arith.index_cast %add3A_119 : i32 to index
        %swap3A_184 = arith.constant 64 : index
        %swap3A_185 = tpu.vector_load %arg10[%swap3A_183, %swap3A_184] {strides = array<i32>} : memref<40x128xf32, #tpu.memory_space<vmem>>, vector<1x16xf32>,
        %swap3A_186 = vector.shape_cast %swap3A_185 : vector<1x16xf32> to vector<1x16xf32>
        %swap3A_187 = vector.shape_cast %mul3A_182 : vector<1x16xf32> to vector<1x16xf32>
        tpu.vector_store %arg10[%swap3A_183, %swap3A_184], %swap3A_187 {strides = array<i32>} : memref<40x128xf32, #tpu.memory_space<vmem>>, vector<1x16xf32>,
        %get3A_188 = arith.index_cast %add3A_119 : i32 to index
        %get3A_189 = arith.constant 80 : index
        %get3A_190 = tpu.vector_load %arg10[%get3A_188, %get3A_189] {strides = array<i32>} : memref<40x128xf32, #tpu.memory_space<vmem>>, vector<1x16xf32>,
        %get3A_191 = vector.shape_cast %get3A_190 : vector<1x16xf32> to vector<1x16xf32>
        %get3A_192 = arith.index_cast %add3A_119 : i32 to index
        %get3A_193 = arith.constant 80 : index
        %get3A_194 = tpu.vector_load %arg14[%get3A_192, %get3A_193] {strides = array<i32>} : memref<40x128xf32, #tpu.memory_space<vmem>>, vector<1x16xf32>,
        %get3A_195 = vector.shape_cast %get3A_194 : vector<1x16xf32> to vector<1x16xf32>
        %mul3A_196 = arith.mulf %get3A_191, %get3A_195 : vector<1x16xf32>
        %swap3A_197 = arith.index_cast %add3A_119 : i32 to index
        %swap3A_198 = arith.constant 80 : index
        %swap3A_199 = tpu.vector_load %arg10[%swap3A_197, %swap3A_198] {strides = array<i32>} : memref<40x128xf32, #tpu.memory_space<vmem>>, vector<1x16xf32>,
        %swap3A_200 = vector.shape_cast %swap3A_199 : vector<1x16xf32> to vector<1x16xf32>
        %swap3A_201 = vector.shape_cast %mul3A_196 : vector<1x16xf32> to vector<1x16xf32>
        tpu.vector_store %arg10[%swap3A_197, %swap3A_198], %swap3A_201 {strides = array<i32>} : memref<40x128xf32, #tpu.memory_space<vmem>>, vector<1x16xf32>,
        %get3A_202 = arith.index_cast %add3A_119 : i32 to index
        %get3A_203 = arith.constant 96 : index
        %get3A_204 = tpu.vector_load %arg10[%get3A_202, %get3A_203] {strides = array<i32>} : memref<40x128xf32, #tpu.memory_space<vmem>>, vector<1x16xf32>,
        %get3A_205 = vector.shape_cast %get3A_204 : vector<1x16xf32> to vector<1x16xf32>
        %get3A_206 = arith.index_cast %add3A_119 : i32 to index
        %get3A_207 = arith.constant 96 : index
        %get3A_208 = tpu.vector_load %arg14[%get3A_206, %get3A_207] {strides = array<i32>} : memref<40x128xf32, #tpu.memory_space<vmem>>, vector<1x16xf32>,
        %get3A_209 = vector.shape_cast %get3A_208 : vector<1x16xf32> to vector<1x16xf32>
        %mul3A_210 = arith.mulf %get3A_205, %get3A_209 : vector<1x16xf32>
        %swap3A_211 = arith.index_cast %add3A_119 : i32 to index
        %swap3A_212 = arith.constant 96 : index
        %swap3A_213 = tpu.vector_load %arg10[%swap3A_211, %swap3A_212] {strides = array<i32>} : memref<40x128xf32, #tpu.memory_space<vmem>>, vector<1x16xf32>,
        %swap3A_214 = vector.shape_cast %swap3A_213 : vector<1x16xf32> to vector<1x16xf32>
        %swap3A_215 = vector.shape_cast %mul3A_210 : vector<1x16xf32> to vector<1x16xf32>
        tpu.vector_store %arg10[%swap3A_211, %swap3A_212], %swap3A_215 {strides = array<i32>} : memref<40x128xf32, #tpu.memory_space<vmem>>, vector<1x16xf32>,
        %get3A_216 = arith.index_cast %add3A_119 : i32 to index
        %get3A_217 = arith.constant 112 : index
        %get3A_218 = tpu.vector_load %arg10[%get3A_216, %get3A_217] {strides = array<i32>} : memref<40x128xf32, #tpu.memory_space<vmem>>, vector<1x16xf32>,
        %get3A_219 = vector.shape_cast %get3A_218 : vector<1x16xf32> to vector<1x16xf32>
        %get3A_220 = arith.index_cast %add3A_119 : i32 to index
        %get3A_221 = arith.constant 112 : index
        %get3A_222 = tpu.vector_load %arg14[%get3A_220, %get3A_221] {strides = array<i32>} : memref<40x128xf32, #tpu.memory_space<vmem>>, vector<1x16xf32>,
        %get3A_223 = vector.shape_cast %get3A_222 : vector<1x16xf32> to vector<1x16xf32>
        %mul3A_224 = arith.mulf %get3A_219, %get3A_223 : vector<1x16xf32>
        %swap3A_225 = arith.index_cast %add3A_119 : i32 to index
        %swap3A_226 = arith.constant 112 : index
        %swap3A_227 = tpu.vector_load %arg10[%swap3A_225, %swap3A_226] {strides = array<i32>} : memref<40x128xf32, #tpu.memory_space<vmem>>, vector<1x16xf32>,
        %swap3A_228 = vector.shape_cast %swap3A_227 : vector<1x16xf32> to vector<1x16xf32>
        %swap3A_229 = vector.shape_cast %mul3A_224 : vector<1x16xf32> to vector<1x16xf32>
        tpu.vector_store %arg10[%swap3A_225, %swap3A_226], %swap3A_229 {strides = array<i32>} : memref<40x128xf32, #tpu.memory_space<vmem>>, vector<1x16xf32>,
      }
      %scan3A_113 = arith.constant 40 : i32
      %run_scoped3A_114 = arith.constant 0 : i32
      "tpu.region"() ({
        %run_scoped3A_115 = tpu.sem_alloc : memref<!tpu.dma_semaphore, #tpu.memory_space<semaphore_mem>>
        %dma_start3A_116 = arith.constant 0 : i32
        %dma_start3A_117 = tpu.memref_slice %arg12[%run_scoped3A_114, %dma_start3A_116] : memref<1x40xi32, #tpu.memory_space<vmem>> -> memref<1x40xi32, #tpu.memory_space<vmem>>
        %dma_start3A_118 = tpu.memref_squeeze %dma_start3A_117 : memref<1x40xi32, #tpu.memory_space<vmem>> -> memref<40xi32, #tpu.memory_space<vmem>>
        %dma_start3A_119 = arith.constant 0 : i32
        %dma_start3A_120 = arith.constant 0 : i32
        %dma_start3A_121 = tpu.memref_slice %arg15[%dma_start3A_119, %dma_start3A_120] : memref<10112x128xf32, #tpu.memory_space<vmem_shared>> -> memref<10112x128xf32, #tpu.memory_space<vmem_shared>>
        tpu.enqueue_indirect_dma source(%arg10 : memref<40x128xf32, #tpu.memory_space<vmem>>) target(%dma_start3A_121 : memref<10112x128xf32, #tpu.memory_space<vmem_shared>>) offsets(%dma_start3A_118 : memref<40xi32, #tpu.memory_space<vmem>>) semaphore(%run_scoped3A_115 : memref<!tpu.dma_semaphore, #tpu.memory_space<semaphore_mem>>) {add = true}
        %dma_wait3A_122 = arith.constant 0 : i32
        %dma_wait3A_123 = tpu.memref_slice %arg12[%run_scoped3A_114, %dma_wait3A_122] : memref<1x40xi32, #tpu.memory_space<vmem>> -> memref<1x40xi32, #tpu.memory_space<vmem>>
        %dma_wait3A_124 = tpu.memref_squeeze %dma_wait3A_123 : memref<1x40xi32, #tpu.memory_space<vmem>> -> memref<40xi32, #tpu.memory_space<vmem>>
        %dma_wait3A_125 = arith.constant 0 : i32
        %dma_wait3A_126 = arith.constant 0 : i32
        %dma_wait3A_127 = tpu.memref_slice %arg15[%dma_wait3A_125, %dma_wait3A_126] : memref<10112x128xf32, #tpu.memory_space<vmem_shared>> -> memref<10112x128xf32, #tpu.memory_space<vmem_shared>>
        tpu.wait_indirect_dma semaphore(%run_scoped3A_115 : memref<!tpu.dma_semaphore, #tpu.memory_space<semaphore_mem>>) src(%arg10 : memref<40x128xf32, #tpu.memory_space<vmem>>) dst(%dma_wait3A_127 : memref<10112x128xf32, #tpu.memory_space<vmem_shared>>)
        tpu.yield
      }) : () -> ()
    }
    %scan3A_26 = arith.constant 125 : i32
    %barrier3A_27 = arith.constant 0 : index
    tpu.barrier barrier_id(%barrier3A_27)
    %mul3A_28 = arith.constant 10112 : i32
    %mul3A_29 = arith.muli %arg0, %mul3A_28 : i32
    %add3A_30 = arith.addi %mul3A_29, %mul3A_2 : i32
    "tpu.region"() ({
      %run_scoped3A = tpu.sem_alloc : memref<!tpu.dma_semaphore, #tpu.memory_space<semaphore_mem>>
      %dma_start3A_31 = arith.constant 0 : i32
      %dma_start3A_32 = tpu.memref_slice %arg7[%add3A_30, %dma_start3A_31] : memref<20224x128xf32, #tpu.memory_space<hbm>> -> memref<632x128xf32, #tpu.memory_space<hbm>>
      %dma_start3A_33 = arith.constant 0 : i32
      %dma_start3A_34 = tpu.memref_slice %arg15[%mul3A_2, %dma_start3A_33] : memref<10112x128xf32, #tpu.memory_space<vmem_shared>> -> memref<632x128xf32, #tpu.memory_space<vmem_shared>>
      tpu.enqueue_dma source(%dma_start3A_34 : memref<632x128xf32, #tpu.memory_space<vmem_shared>>) target(%dma_start3A_32 : memref<632x128xf32, #tpu.memory_space<hbm>>) target_semaphore(%run_scoped3A : memref<!tpu.dma_semaphore, #tpu.memory_space<semaphore_mem>>)
      %dma_wait3A = arith.constant 0 : i32
      %dma_wait3A_35 = tpu.memref_slice %arg7[%add3A_30, %dma_wait3A] : memref<20224x128xf32, #tpu.memory_space<hbm>> -> memref<632x128xf32, #tpu.memory_space<hbm>>
      %dma_wait3A_36 = arith.constant 0 : i32
      %dma_wait3A_37 = tpu.memref_slice %arg15[%mul3A_2, %dma_wait3A_36] : memref<10112x128xf32, #tpu.memory_space<vmem_shared>> -> memref<632x128xf32, #tpu.memory_space<vmem_shared>>
      tpu.wait_dma2 semaphore(%run_scoped3A : memref<!tpu.dma_semaphore, #tpu.memory_space<semaphore_mem>>) src(%dma_wait3A_37 : memref<632x128xf32, #tpu.memory_space<vmem_shared>>) dst(%dma_wait3A_35 : memref<632x128xf32, #tpu.memory_space<hbm>>)
      tpu.yield
    }) : () -> ()
    return
  }
}

#map = affine_map<(d0, d1) -> (0, 0)>
#map1 = affine_map<(d0, d1) -> (0)>
#map2 = affine_map<(d0, d1) -> (0, 0, 0)>
module attributes {stable_mosaic.version = 14 : i64} {
  func.func @k(%arg0: i32, %arg1: i32, %arg2: memref<10000x128xf32, #tpu.memory_space<hbm>>, %arg3: memref<320000x128xf32, #tpu.memory_space<hbm>>, %arg4: memref<320000xi32, #tpu.memory_space<hbm>>, %arg5: memref<32x250x40xi32, #tpu.memory_space<hbm>>, %arg6: memref<10112x128xf32, #tpu.memory_space<hbm>>, %arg7: memref<20224x128xf32, #tpu.memory_space<hbm>>, %arg8: memref<10000xi32, #tpu.memory_space<vmem>>, %arg9: memref<40x128xf32, #tpu.memory_space<vmem>>, %arg10: memref<40x128xf32, #tpu.memory_space<vmem>>, %arg11: memref<1x40xi32, #tpu.memory_space<vmem>>, %arg12: memref<1x40xi32, #tpu.memory_space<vmem>>, %arg13: memref<40x128xf32, #tpu.memory_space<vmem>>, %arg14: memref<40x128xf32, #tpu.memory_space<vmem>>, %arg15: memref<10112x128xf32, #tpu.memory_space<vmem_shared>>, %arg16: memref<!tpu.dma_semaphore, #tpu.memory_space<semaphore_mem>>, %arg17: memref<!tpu.dma_semaphore, #tpu.memory_space<semaphore_mem>>, %arg18: memref<!tpu.dma_semaphore, #tpu.memory_space<semaphore_mem>>) attributes {dimension_semantics = [#tpu.dimension_semantics<core_parallel>, #tpu.dimension_semantics<subcore_parallel>], iteration_bounds = array<i64: 2, 16>, scalar_prefetch = 0 : i64, scratch_operands = 11 : i64, tpu.core_type = #tpu.core_type<sc_vector_subcore>, window_params = [{transform_indices = #map}, {transform_indices = #map}, {transform_indices = #map1}, {transform_indices = #map2}, {transform_indices = #map}, {transform_indices = #map}]} {
    %mul3A = arith.constant 2 : i32
    %mul3A_0 = arith.muli %arg1, %mul3A : i32
    %add3A = arith.addi %mul3A_0, %arg0 : i32
    %mul3A_1 = arith.constant 632 : i32
    %mul3A_2 = arith.muli %arg1, %mul3A_1 : i32
    %mul3A_3 = arith.constant 10000 : i32
    %mul3A_4 = arith.muli %add3A, %mul3A_3 : i32
    "tpu.region"() ({
      %run_scoped3A = tpu.sem_alloc : memref<!tpu.dma_semaphore, #tpu.memory_space<semaphore_mem>>
      %dma_start3A_31 = arith.constant 0 : i32
      %dma_start3A_32 = tpu.memref_slice %arg15[%mul3A_2, %dma_start3A_31] : memref<10112x128xf32, #tpu.memory_space<vmem_shared>> -> memref<632x128xf32, #tpu.memory_space<vmem_shared>>
      %dma_start3A_33 = arith.constant 0 : i32
      %dma_start3A_34 = tpu.memref_slice %arg6[%mul3A_2, %dma_start3A_33] : memref<10112x128xf32, #tpu.memory_space<hbm>> -> memref<632x128xf32, #tpu.memory_space<hbm>>
      tpu.enqueue_dma source(%dma_start3A_34 : memref<632x128xf32, #tpu.memory_space<hbm>>) target(%dma_start3A_32 : memref<632x128xf32, #tpu.memory_space<vmem_shared>>) target_semaphore(%run_scoped3A : memref<!tpu.dma_semaphore, #tpu.memory_space<semaphore_mem>>)
      %dma_wait3A = arith.constant 0 : i32
      %dma_wait3A_35 = tpu.memref_slice %arg15[%mul3A_2, %dma_wait3A] : memref<10112x128xf32, #tpu.memory_space<vmem_shared>> -> memref<632x128xf32, #tpu.memory_space<vmem_shared>>
      %dma_wait3A_36 = arith.constant 0 : i32
      %dma_wait3A_37 = tpu.memref_slice %arg6[%mul3A_2, %dma_wait3A_36] : memref<10112x128xf32, #tpu.memory_space<hbm>> -> memref<632x128xf32, #tpu.memory_space<hbm>>
      tpu.wait_dma2 semaphore(%run_scoped3A : memref<!tpu.dma_semaphore, #tpu.memory_space<semaphore_mem>>) src(%dma_wait3A_37 : memref<632x128xf32, #tpu.memory_space<hbm>>) dst(%dma_wait3A_35 : memref<632x128xf32, #tpu.memory_space<vmem_shared>>)
      tpu.yield
    }) : () -> ()
    "tpu.region"() ({
      %run_scoped3A = tpu.sem_alloc : memref<!tpu.dma_semaphore, #tpu.memory_space<semaphore_mem>>
      %dma_start3A_31 = tpu.memref_slice %arg4[%mul3A_4] : memref<320000xi32, #tpu.memory_space<hbm>> -> memref<10000xi32, #tpu.memory_space<hbm>>
      %dma_start3A_32 = tpu.memref_slice %arg4[%mul3A_4] : memref<320000xi32, #tpu.memory_space<hbm>> -> memref<10000xi32, #tpu.memory_space<hbm>>
      tpu.enqueue_dma source(%dma_start3A_32 : memref<10000xi32, #tpu.memory_space<hbm>>) target(%arg8 : memref<10000xi32, #tpu.memory_space<vmem>>) target_semaphore(%run_scoped3A : memref<!tpu.dma_semaphore, #tpu.memory_space<semaphore_mem>>)
      %dma_wait3A = tpu.memref_slice %arg4[%mul3A_4] : memref<320000xi32, #tpu.memory_space<hbm>> -> memref<10000xi32, #tpu.memory_space<hbm>>
      %dma_wait3A_33 = tpu.memref_slice %arg4[%mul3A_4] : memref<320000xi32, #tpu.memory_space<hbm>> -> memref<10000xi32, #tpu.memory_space<hbm>>
      tpu.wait_dma2 semaphore(%run_scoped3A : memref<!tpu.dma_semaphore, #tpu.memory_space<semaphore_mem>>) src(%dma_wait3A_33 : memref<10000xi32, #tpu.memory_space<hbm>>) dst(%arg8 : memref<10000xi32, #tpu.memory_space<vmem>>)
      tpu.yield
    }) : () -> ()
    %barrier3A = arith.constant 0 : index
    tpu.barrier barrier_id(%barrier3A)
    %dma_start3A = arith.constant 0 : i32
    %dma_start3A_5 = tpu.memref_slice %arg8[%dma_start3A] : memref<10000xi32, #tpu.memory_space<vmem>> -> memref<40xi32, #tpu.memory_space<vmem>>
    %dma_start3A_6 = arith.constant 0 : i32
    %dma_start3A_7 = arith.constant 0 : i32
    %dma_start3A_8 = tpu.memref_slice %arg2[%dma_start3A_6, %dma_start3A_7] : memref<10000x128xf32, #tpu.memory_space<hbm>> -> memref<10000x128xf32, #tpu.memory_space<hbm>>
    tpu.enqueue_indirect_dma source(%dma_start3A_8 : memref<10000x128xf32, #tpu.memory_space<hbm>>) target(%arg9 : memref<40x128xf32, #tpu.memory_space<vmem>>) offsets(%dma_start3A_5 : memref<40xi32, #tpu.memory_space<vmem>>) semaphore(%arg16 : memref<!tpu.dma_semaphore, #tpu.memory_space<semaphore_mem>>)
    %add3A_9 = arith.constant 0 : i32
    %add3A_10 = arith.addi %mul3A_4, %add3A_9 : i32
    %dma_start3A_11 = arith.constant 0 : i32
    %dma_start3A_12 = tpu.memref_slice %arg3[%add3A_10, %dma_start3A_11] : memref<320000x128xf32, #tpu.memory_space<hbm>> -> memref<40x128xf32, #tpu.memory_space<hbm>>
    %dma_start3A_13 = arith.constant 0 : i32
    %dma_start3A_14 = tpu.memref_slice %arg3[%add3A_10, %dma_start3A_13] : memref<320000x128xf32, #tpu.memory_space<hbm>> -> memref<40x128xf32, #tpu.memory_space<hbm>>
    tpu.enqueue_dma source(%dma_start3A_14 : memref<40x128xf32, #tpu.memory_space<hbm>>) target(%arg13 : memref<40x128xf32, #tpu.memory_space<vmem>>) target_semaphore(%arg18 : memref<!tpu.dma_semaphore, #tpu.memory_space<semaphore_mem>>)
    %dma_start3A_15 = arith.constant 0 : i32
    %dma_start3A_16 = arith.constant 0 : i32
    %dma_start3A_17 = tpu.memref_slice %arg5[%add3A, %dma_start3A_15, %dma_start3A_16] : memref<32x250x40xi32, #tpu.memory_space<hbm>> -> memref<1x1x40xi32, #tpu.memory_space<hbm>>
    %dma_start3A_18 = tpu.memref_squeeze %dma_start3A_17 : memref<1x1x40xi32, #tpu.memory_space<hbm>> -> memref<1x40xi32, #tpu.memory_space<hbm>>
    %dma_start3A_19 = arith.constant 0 : i32
    %dma_start3A_20 = arith.constant 0 : i32
    %dma_start3A_21 = tpu.memref_slice %arg5[%add3A, %dma_start3A_19, %dma_start3A_20] : memref<32x250x40xi32, #tpu.memory_space<hbm>> -> memref<1x1x40xi32, #tpu.memory_space<hbm>>
    %dma_start3A_22 = tpu.memref_squeeze %dma_start3A_21 : memref<1x1x40xi32, #tpu.memory_space<hbm>> -> memref<1x40xi32, #tpu.memory_space<hbm>>
    tpu.enqueue_dma source(%dma_start3A_22 : memref<1x40xi32, #tpu.memory_space<hbm>>) target(%arg11 : memref<1x40xi32, #tpu.memory_space<vmem>>) target_semaphore(%arg17 : memref<!tpu.dma_semaphore, #tpu.memory_space<semaphore_mem>>)
    %scan3A = arith.constant 0 : i32
    %scan3A_23 = arith.constant 125 : i32
    %scan3A_24 = arith.addi %scan3A, %scan3A_23 : i32
    %scan3A_25 = arith.constant 1 : i32
    scf.for %scan3A_31 = %scan3A to %scan3A_24 step %scan3A_25  : i32 {
      %mul3A_32 = arith.constant 1 : i32
      %mul3A_33 = arith.muli %scan3A_31, %mul3A_32 : i32
      %add3A_34 = arith.constant 0 : i32
      %add3A_35 = arith.addi %add3A_34, %mul3A_33 : i32
      %mul3A_36 = arith.constant 2 : i32
      %mul3A_37 = arith.muli %mul3A_36, %add3A_35 : i32
      %add3A_38 = arith.constant 1 : i32
      %add3A_39 = arith.addi %mul3A_37, %add3A_38 : i32
      %mul3A_40 = arith.constant 40 : i32
      %mul3A_41 = arith.muli %add3A_39, %mul3A_40 : i32
      %dma_start3A_42 = tpu.memref_slice %arg8[%mul3A_41] : memref<10000xi32, #tpu.memory_space<vmem>> -> memref<40xi32, #tpu.memory_space<vmem>>
      %dma_start3A_43 = arith.constant 0 : i32
      %dma_start3A_44 = arith.constant 0 : i32
      %dma_start3A_45 = tpu.memref_slice %arg2[%dma_start3A_43, %dma_start3A_44] : memref<10000x128xf32, #tpu.memory_space<hbm>> -> memref<10000x128xf32, #tpu.memory_space<hbm>>
      tpu.enqueue_indirect_dma source(%dma_start3A_45 : memref<10000x128xf32, #tpu.memory_space<hbm>>) target(%arg10 : memref<40x128xf32, #tpu.memory_space<vmem>>) offsets(%dma_start3A_42 : memref<40xi32, #tpu.memory_space<vmem>>) semaphore(%arg16 : memref<!tpu.dma_semaphore, #tpu.memory_space<semaphore_mem>>)
      %mul3A_46 = arith.constant 40 : i32
      %mul3A_47 = arith.muli %add3A_39, %mul3A_46 : i32
      %add3A_48 = arith.addi %mul3A_4, %mul3A_47 : i32
      %dma_start3A_49 = arith.constant 0 : i32
      %dma_start3A_50 = tpu.memref_slice %arg3[%add3A_48, %dma_start3A_49] : memref<320000x128xf32, #tpu.memory_space<hbm>> -> memref<40x128xf32, #tpu.memory_space<hbm>>
      %dma_start3A_51 = arith.constant 0 : i32
      %dma_start3A_52 = tpu.memref_slice %arg3[%add3A_48, %dma_start3A_51] : memref<320000x128xf32, #tpu.memory_space<hbm>> -> memref<40x128xf32, #tpu.memory_space<hbm>>
      tpu.enqueue_dma source(%dma_start3A_52 : memref<40x128xf32, #tpu.memory_space<hbm>>) target(%arg14 : memref<40x128xf32, #tpu.memory_space<vmem>>) target_semaphore(%arg18 : memref<!tpu.dma_semaphore, #tpu.memory_space<semaphore_mem>>)
      %dma_start3A_53 = arith.constant 0 : i32
      %dma_start3A_54 = tpu.memref_slice %arg5[%add3A, %add3A_39, %dma_start3A_53] : memref<32x250x40xi32, #tpu.memory_space<hbm>> -> memref<1x1x40xi32, #tpu.memory_space<hbm>>
      %dma_start3A_55 = tpu.memref_squeeze %dma_start3A_54 : memref<1x1x40xi32, #tpu.memory_space<hbm>> -> memref<1x40xi32, #tpu.memory_space<hbm>>
      %dma_start3A_56 = arith.constant 0 : i32
      %dma_start3A_57 = tpu.memref_slice %arg5[%add3A, %add3A_39, %dma_start3A_56] : memref<32x250x40xi32, #tpu.memory_space<hbm>> -> memref<1x1x40xi32, #tpu.memory_space<hbm>>
      %dma_start3A_58 = tpu.memref_squeeze %dma_start3A_57 : memref<1x1x40xi32, #tpu.memory_space<hbm>> -> memref<1x40xi32, #tpu.memory_space<hbm>>
      tpu.enqueue_dma source(%dma_start3A_58 : memref<1x40xi32, #tpu.memory_space<hbm>>) target(%arg12 : memref<1x40xi32, #tpu.memory_space<vmem>>) target_semaphore(%arg17 : memref<!tpu.dma_semaphore, #tpu.memory_space<semaphore_mem>>)
      %dma_wait3A = arith.constant 0 : i32
      %dma_wait3A_59 = arith.constant 0 : i32
      %dma_wait3A_60 = tpu.memref_slice %arg2[%dma_wait3A, %dma_wait3A_59] : memref<10000x128xf32, #tpu.memory_space<hbm>> -> memref<40x128xf32, #tpu.memory_space<hbm>>
      %dma_wait3A_61 = arith.constant 0 : i32
      %dma_wait3A_62 = arith.constant 0 : i32
      %dma_wait3A_63 = tpu.memref_slice %arg2[%dma_wait3A_61, %dma_wait3A_62] : memref<10000x128xf32, #tpu.memory_space<hbm>> -> memref<40x128xf32, #tpu.memory_space<hbm>>
      tpu.wait_dma2 semaphore(%arg16 : memref<!tpu.dma_semaphore, #tpu.memory_space<semaphore_mem>>) src(%dma_wait3A_63 : memref<40x128xf32, #tpu.memory_space<hbm>>) dst(%arg9 : memref<40x128xf32, #tpu.memory_space<vmem>>)
      %dma_wait3A_64 = arith.constant 0 : i32
      %dma_wait3A_65 = arith.constant 0 : i32
      %dma_wait3A_66 = tpu.memref_slice %arg3[%dma_wait3A_64, %dma_wait3A_65] : memref<320000x128xf32, #tpu.memory_space<hbm>> -> memref<40x128xf32, #tpu.memory_space<hbm>>
      %dma_wait3A_67 = arith.constant 0 : i32
      %dma_wait3A_68 = arith.constant 0 : i32
      %dma_wait3A_69 = tpu.memref_slice %arg3[%dma_wait3A_67, %dma_wait3A_68] : memref<320000x128xf32, #tpu.memory_space<hbm>> -> memref<40x128xf32, #tpu.memory_space<hbm>>
      tpu.wait_dma2 semaphore(%arg18 : memref<!tpu.dma_semaphore, #tpu.memory_space<semaphore_mem>>) src(%dma_wait3A_69 : memref<40x128xf32, #tpu.memory_space<hbm>>) dst(%arg13 : memref<40x128xf32, #tpu.memory_space<vmem>>)
      %dma_wait3A_70 = arith.constant 0 : i32
      %dma_wait3A_71 = arith.constant 0 : i32
      %dma_wait3A_72 = arith.constant 0 : i32
      %dma_wait3A_73 = tpu.memref_slice %arg5[%dma_wait3A_70, %dma_wait3A_71, %dma_wait3A_72] : memref<32x250x40xi32, #tpu.memory_space<hbm>> -> memref<1x1x40xi32, #tpu.memory_space<hbm>>
      %dma_wait3A_74 = tpu.memref_squeeze %dma_wait3A_73 : memref<1x1x40xi32, #tpu.memory_space<hbm>> -> memref<1x40xi32, #tpu.memory_space<hbm>>
      %dma_wait3A_75 = arith.constant 0 : i32
      %dma_wait3A_76 = arith.constant 0 : i32
      %dma_wait3A_77 = tpu.memref_slice %arg5[%dma_wait3A_70, %dma_wait3A_75, %dma_wait3A_76] : memref<32x250x40xi32, #tpu.memory_space<hbm>> -> memref<1x1x40xi32, #tpu.memory_space<hbm>>
      %dma_wait3A_78 = tpu.memref_squeeze %dma_wait3A_77 : memref<1x1x40xi32, #tpu.memory_space<hbm>> -> memref<1x40xi32, #tpu.memory_space<hbm>>
      tpu.wait_dma2 semaphore(%arg17 : memref<!tpu.dma_semaphore, #tpu.memory_space<semaphore_mem>>) src(%dma_wait3A_78 : memref<1x40xi32, #tpu.memory_space<hbm>>) dst(%arg11 : memref<1x40xi32, #tpu.memory_space<vmem>>)
      %scan3A_79 = arith.constant 0 : i32
      %scan3A_80 = arith.constant 40 : i32
      %scan3A_81 = arith.addi %scan3A_79, %scan3A_80 : i32
      %scan3A_82 = arith.constant 1 : i32
      scf.for %scan3A_115 = %scan3A_79 to %scan3A_81 step %scan3A_82  : i32 {
        %mul3A_116 = arith.constant 1 : i32
        %mul3A_117 = arith.muli %scan3A_115, %mul3A_116 : i32
        %add3A_118 = arith.constant 0 : i32
        %add3A_119 = arith.addi %add3A_118, %mul3A_117 : i32
        %get3A = arith.index_cast %add3A_119 : i32 to index
        %get3A_120 = arith.constant 0 : index
        %get3A_121 = tpu.vector_load %arg9[%get3A, %get3A_120] {strides = array<i32>} : memref<40x128xf32, #tpu.memory_space<vmem>>, vector<1x16xf32>,
        %get3A_122 = vector.shape_cast %get3A_121 : vector<1x16xf32> to vector<1x16xf32>
        %get3A_123 = arith.index_cast %add3A_119 : i32 to index
        %get3A_124 = arith.constant 0 : index
        %get3A_125 = tpu.vector_load %arg13[%get3A_123, %get3A_124] {strides = array<i32>} : memref<40x128xf32, #tpu.memory_space<vmem>>, vector<1x16xf32>,
        %get3A_126 = vector.shape_cast %get3A_125 : vector<1x16xf32> to vector<1x16xf32>
        %mul3A_127 = arith.mulf %get3A_122, %get3A_126 : vector<1x16xf32>
        %swap3A = arith.index_cast %add3A_119 : i32 to index
        %swap3A_128 = arith.constant 0 : index
        %swap3A_129 = tpu.vector_load %arg9[%swap3A, %swap3A_128] {strides = array<i32>} : memref<40x128xf32, #tpu.memory_space<vmem>>, vector<1x16xf32>,
        %swap3A_130 = vector.shape_cast %swap3A_129 : vector<1x16xf32> to vector<1x16xf32>
        %swap3A_131 = vector.shape_cast %mul3A_127 : vector<1x16xf32> to vector<1x16xf32>
        tpu.vector_store %arg9[%swap3A, %swap3A_128], %swap3A_131 {strides = array<i32>} : memref<40x128xf32, #tpu.memory_space<vmem>>, vector<1x16xf32>,
        %get3A_132 = arith.index_cast %add3A_119 : i32 to index
        %get3A_133 = arith.constant 16 : index
        %get3A_134 = tpu.vector_load %arg9[%get3A_132, %get3A_133] {strides = array<i32>} : memref<40x128xf32, #tpu.memory_space<vmem>>, vector<1x16xf32>,
        %get3A_135 = vector.shape_cast %get3A_134 : vector<1x16xf32> to vector<1x16xf32>
        %get3A_136 = arith.index_cast %add3A_119 : i32 to index
        %get3A_137 = arith.constant 16 : index
        %get3A_138 = tpu.vector_load %arg13[%get3A_136, %get3A_137] {strides = array<i32>} : memref<40x128xf32, #tpu.memory_space<vmem>>, vector<1x16xf32>,
        %get3A_139 = vector.shape_cast %get3A_138 : vector<1x16xf32> to vector<1x16xf32>
        %mul3A_140 = arith.mulf %get3A_135, %get3A_139 : vector<1x16xf32>
        %swap3A_141 = arith.index_cast %add3A_119 : i32 to index
        %swap3A_142 = arith.constant 16 : index
        %swap3A_143 = tpu.vector_load %arg9[%swap3A_141, %swap3A_142] {strides = array<i32>} : memref<40x128xf32, #tpu.memory_space<vmem>>, vector<1x16xf32>,
        %swap3A_144 = vector.shape_cast %swap3A_143 : vector<1x16xf32> to vector<1x16xf32>
        %swap3A_145 = vector.shape_cast %mul3A_140 : vector<1x16xf32> to vector<1x16xf32>
        tpu.vector_store %arg9[%swap3A_141, %swap3A_142], %swap3A_145 {strides = array<i32>} : memref<40x128xf32, #tpu.memory_space<vmem>>, vector<1x16xf32>,
        %get3A_146 = arith.index_cast %add3A_119 : i32 to index
        %get3A_147 = arith.constant 32 : index
        %get3A_148 = tpu.vector_load %arg9[%get3A_146, %get3A_147] {strides = array<i32>} : memref<40x128xf32, #tpu.memory_space<vmem>>, vector<1x16xf32>,
        %get3A_149 = vector.shape_cast %get3A_148 : vector<1x16xf32> to vector<1x16xf32>
        %get3A_150 = arith.index_cast %add3A_119 : i32 to index
        %get3A_151 = arith.constant 32 : index
        %get3A_152 = tpu.vector_load %arg13[%get3A_150, %get3A_151] {strides = array<i32>} : memref<40x128xf32, #tpu.memory_space<vmem>>, vector<1x16xf32>,
        %get3A_153 = vector.shape_cast %get3A_152 : vector<1x16xf32> to vector<1x16xf32>
        %mul3A_154 = arith.mulf %get3A_149, %get3A_153 : vector<1x16xf32>
        %swap3A_155 = arith.index_cast %add3A_119 : i32 to index
        %swap3A_156 = arith.constant 32 : index
        %swap3A_157 = tpu.vector_load %arg9[%swap3A_155, %swap3A_156] {strides = array<i32>} : memref<40x128xf32, #tpu.memory_space<vmem>>, vector<1x16xf32>,
        %swap3A_158 = vector.shape_cast %swap3A_157 : vector<1x16xf32> to vector<1x16xf32>
        %swap3A_159 = vector.shape_cast %mul3A_154 : vector<1x16xf32> to vector<1x16xf32>
        tpu.vector_store %arg9[%swap3A_155, %swap3A_156], %swap3A_159 {strides = array<i32>} : memref<40x128xf32, #tpu.memory_space<vmem>>, vector<1x16xf32>,
        %get3A_160 = arith.index_cast %add3A_119 : i32 to index
        %get3A_161 = arith.constant 48 : index
        %get3A_162 = tpu.vector_load %arg9[%get3A_160, %get3A_161] {strides = array<i32>} : memref<40x128xf32, #tpu.memory_space<vmem>>, vector<1x16xf32>,
        %get3A_163 = vector.shape_cast %get3A_162 : vector<1x16xf32> to vector<1x16xf32>
        %get3A_164 = arith.index_cast %add3A_119 : i32 to index
        %get3A_165 = arith.constant 48 : index
        %get3A_166 = tpu.vector_load %arg13[%get3A_164, %get3A_165] {strides = array<i32>} : memref<40x128xf32, #tpu.memory_space<vmem>>, vector<1x16xf32>,
        %get3A_167 = vector.shape_cast %get3A_166 : vector<1x16xf32> to vector<1x16xf32>
        %mul3A_168 = arith.mulf %get3A_163, %get3A_167 : vector<1x16xf32>
        %swap3A_169 = arith.index_cast %add3A_119 : i32 to index
        %swap3A_170 = arith.constant 48 : index
        %swap3A_171 = tpu.vector_load %arg9[%swap3A_169, %swap3A_170] {strides = array<i32>} : memref<40x128xf32, #tpu.memory_space<vmem>>, vector<1x16xf32>,
        %swap3A_172 = vector.shape_cast %swap3A_171 : vector<1x16xf32> to vector<1x16xf32>
        %swap3A_173 = vector.shape_cast %mul3A_168 : vector<1x16xf32> to vector<1x16xf32>
        tpu.vector_store %arg9[%swap3A_169, %swap3A_170], %swap3A_173 {strides = array<i32>} : memref<40x128xf32, #tpu.memory_space<vmem>>, vector<1x16xf32>,
        %get3A_174 = arith.index_cast %add3A_119 : i32 to index
        %get3A_175 = arith.constant 64 : index
        %get3A_176 = tpu.vector_load %arg9[%get3A_174, %get3A_175] {strides = array<i32>} : memref<40x128xf32, #tpu.memory_space<vmem>>, vector<1x16xf32>,
        %get3A_177 = vector.shape_cast %get3A_176 : vector<1x16xf32> to vector<1x16xf32>
        %get3A_178 = arith.index_cast %add3A_119 : i32 to index
        %get3A_179 = arith.constant 64 : index
        %get3A_180 = tpu.vector_load %arg13[%get3A_178, %get3A_179] {strides = array<i32>} : memref<40x128xf32, #tpu.memory_space<vmem>>, vector<1x16xf32>,
        %get3A_181 = vector.shape_cast %get3A_180 : vector<1x16xf32> to vector<1x16xf32>
        %mul3A_182 = arith.mulf %get3A_177, %get3A_181 : vector<1x16xf32>
        %swap3A_183 = arith.index_cast %add3A_119 : i32 to index
        %swap3A_184 = arith.constant 64 : index
        %swap3A_185 = tpu.vector_load %arg9[%swap3A_183, %swap3A_184] {strides = array<i32>} : memref<40x128xf32, #tpu.memory_space<vmem>>, vector<1x16xf32>,
        %swap3A_186 = vector.shape_cast %swap3A_185 : vector<1x16xf32> to vector<1x16xf32>
        %swap3A_187 = vector.shape_cast %mul3A_182 : vector<1x16xf32> to vector<1x16xf32>
        tpu.vector_store %arg9[%swap3A_183, %swap3A_184], %swap3A_187 {strides = array<i32>} : memref<40x128xf32, #tpu.memory_space<vmem>>, vector<1x16xf32>,
        %get3A_188 = arith.index_cast %add3A_119 : i32 to index
        %get3A_189 = arith.constant 80 : index
        %get3A_190 = tpu.vector_load %arg9[%get3A_188, %get3A_189] {strides = array<i32>} : memref<40x128xf32, #tpu.memory_space<vmem>>, vector<1x16xf32>,
        %get3A_191 = vector.shape_cast %get3A_190 : vector<1x16xf32> to vector<1x16xf32>
        %get3A_192 = arith.index_cast %add3A_119 : i32 to index
        %get3A_193 = arith.constant 80 : index
        %get3A_194 = tpu.vector_load %arg13[%get3A_192, %get3A_193] {strides = array<i32>} : memref<40x128xf32, #tpu.memory_space<vmem>>, vector<1x16xf32>,
        %get3A_195 = vector.shape_cast %get3A_194 : vector<1x16xf32> to vector<1x16xf32>
        %mul3A_196 = arith.mulf %get3A_191, %get3A_195 : vector<1x16xf32>
        %swap3A_197 = arith.index_cast %add3A_119 : i32 to index
        %swap3A_198 = arith.constant 80 : index
        %swap3A_199 = tpu.vector_load %arg9[%swap3A_197, %swap3A_198] {strides = array<i32>} : memref<40x128xf32, #tpu.memory_space<vmem>>, vector<1x16xf32>,
        %swap3A_200 = vector.shape_cast %swap3A_199 : vector<1x16xf32> to vector<1x16xf32>
        %swap3A_201 = vector.shape_cast %mul3A_196 : vector<1x16xf32> to vector<1x16xf32>
        tpu.vector_store %arg9[%swap3A_197, %swap3A_198], %swap3A_201 {strides = array<i32>} : memref<40x128xf32, #tpu.memory_space<vmem>>, vector<1x16xf32>,
        %get3A_202 = arith.index_cast %add3A_119 : i32 to index
        %get3A_203 = arith.constant 96 : index
        %get3A_204 = tpu.vector_load %arg9[%get3A_202, %get3A_203] {strides = array<i32>} : memref<40x128xf32, #tpu.memory_space<vmem>>, vector<1x16xf32>,
        %get3A_205 = vector.shape_cast %get3A_204 : vector<1x16xf32> to vector<1x16xf32>
        %get3A_206 = arith.index_cast %add3A_119 : i32 to index
        %get3A_207 = arith.constant 96 : index
        %get3A_208 = tpu.vector_load %arg13[%get3A_206, %get3A_207] {strides = array<i32>} : memref<40x128xf32, #tpu.memory_space<vmem>>, vector<1x16xf32>,
        %get3A_209 = vector.shape_cast %get3A_208 : vector<1x16xf32> to vector<1x16xf32>
        %mul3A_210 = arith.mulf %get3A_205, %get3A_209 : vector<1x16xf32>
        %swap3A_211 = arith.index_cast %add3A_119 : i32 to index
        %swap3A_212 = arith.constant 96 : index
        %swap3A_213 = tpu.vector_load %arg9[%swap3A_211, %swap3A_212] {strides = array<i32>} : memref<40x128xf32, #tpu.memory_space<vmem>>, vector<1x16xf32>,
        %swap3A_214 = vector.shape_cast %swap3A_213 : vector<1x16xf32> to vector<1x16xf32>
        %swap3A_215 = vector.shape_cast %mul3A_210 : vector<1x16xf32> to vector<1x16xf32>
        tpu.vector_store %arg9[%swap3A_211, %swap3A_212], %swap3A_215 {strides = array<i32>} : memref<40x128xf32, #tpu.memory_space<vmem>>, vector<1x16xf32>,
        %get3A_216 = arith.index_cast %add3A_119 : i32 to index
        %get3A_217 = arith.constant 112 : index
        %get3A_218 = tpu.vector_load %arg9[%get3A_216, %get3A_217] {strides = array<i32>} : memref<40x128xf32, #tpu.memory_space<vmem>>, vector<1x16xf32>,
        %get3A_219 = vector.shape_cast %get3A_218 : vector<1x16xf32> to vector<1x16xf32>
        %get3A_220 = arith.index_cast %add3A_119 : i32 to index
        %get3A_221 = arith.constant 112 : index
        %get3A_222 = tpu.vector_load %arg13[%get3A_220, %get3A_221] {strides = array<i32>} : memref<40x128xf32, #tpu.memory_space<vmem>>, vector<1x16xf32>,
        %get3A_223 = vector.shape_cast %get3A_222 : vector<1x16xf32> to vector<1x16xf32>
        %mul3A_224 = arith.mulf %get3A_219, %get3A_223 : vector<1x16xf32>
        %swap3A_225 = arith.index_cast %add3A_119 : i32 to index
        %swap3A_226 = arith.constant 112 : index
        %swap3A_227 = tpu.vector_load %arg9[%swap3A_225, %swap3A_226] {strides = array<i32>} : memref<40x128xf32, #tpu.memory_space<vmem>>, vector<1x16xf32>,
        %swap3A_228 = vector.shape_cast %swap3A_227 : vector<1x16xf32> to vector<1x16xf32>
        %swap3A_229 = vector.shape_cast %mul3A_224 : vector<1x16xf32> to vector<1x16xf32>
        tpu.vector_store %arg9[%swap3A_225, %swap3A_226], %swap3A_229 {strides = array<i32>} : memref<40x128xf32, #tpu.memory_space<vmem>>, vector<1x16xf32>,
      }
      %scan3A_83 = arith.constant 40 : i32
      %run_scoped3A = arith.constant 0 : i32
      "tpu.region"() ({
        %run_scoped3A_115 = tpu.sem_alloc : memref<!tpu.dma_semaphore, #tpu.memory_space<semaphore_mem>>
        %dma_start3A_116 = arith.constant 0 : i32
        %dma_start3A_117 = tpu.memref_slice %arg11[%run_scoped3A, %dma_start3A_116] : memref<1x40xi32, #tpu.memory_space<vmem>> -> memref<1x40xi32, #tpu.memory_space<vmem>>
        %dma_start3A_118 = tpu.memref_squeeze %dma_start3A_117 : memref<1x40xi32, #tpu.memory_space<vmem>> -> memref<40xi32, #tpu.memory_space<vmem>>
        %dma_start3A_119 = arith.constant 0 : i32
        %dma_start3A_120 = arith.constant 0 : i32
        %dma_start3A_121 = tpu.memref_slice %arg15[%dma_start3A_119, %dma_start3A_120] : memref<10112x128xf32, #tpu.memory_space<vmem_shared>> -> memref<10112x128xf32, #tpu.memory_space<vmem_shared>>
        tpu.enqueue_indirect_dma source(%arg9 : memref<40x128xf32, #tpu.memory_space<vmem>>) target(%dma_start3A_121 : memref<10112x128xf32, #tpu.memory_space<vmem_shared>>) offsets(%dma_start3A_118 : memref<40xi32, #tpu.memory_space<vmem>>) semaphore(%run_scoped3A_115 : memref<!tpu.dma_semaphore, #tpu.memory_space<semaphore_mem>>) {add = true}
        %dma_wait3A_122 = arith.constant 0 : i32
        %dma_wait3A_123 = tpu.memref_slice %arg11[%run_scoped3A, %dma_wait3A_122] : memref<1x40xi32, #tpu.memory_space<vmem>> -> memref<1x40xi32, #tpu.memory_space<vmem>>
        %dma_wait3A_124 = tpu.memref_squeeze %dma_wait3A_123 : memref<1x40xi32, #tpu.memory_space<vmem>> -> memref<40xi32, #tpu.memory_space<vmem>>
        %dma_wait3A_125 = arith.constant 0 : i32
        %dma_wait3A_126 = arith.constant 0 : i32
        %dma_wait3A_127 = tpu.memref_slice %arg15[%dma_wait3A_125, %dma_wait3A_126] : memref<10112x128xf32, #tpu.memory_space<vmem_shared>> -> memref<10112x128xf32, #tpu.memory_space<vmem_shared>>
        tpu.wait_indirect_dma semaphore(%run_scoped3A_115 : memref<!tpu.dma_semaphore, #tpu.memory_space<semaphore_mem>>) src(%arg9 : memref<40x128xf32, #tpu.memory_space<vmem>>) dst(%dma_wait3A_127 : memref<10112x128xf32, #tpu.memory_space<vmem_shared>>)
        tpu.yield
      }) : () -> ()
      %add3A_84 = arith.constant 2 : i32
      %add3A_85 = arith.addi %mul3A_37, %add3A_84 : i32
      %lt3A = arith.constant 250 : i32
      %lt3A_86 = arith.cmpi slt, %add3A_85, %lt3A : i32
      %convert_element_type3A = arith.extui %lt3A_86 : i1 to i32
      %cond3A = arith.constant 0 : i32
      %cond3A_87 = arith.cmpi ne, %convert_element_type3A, %cond3A : i32
      scf.if %cond3A_87 {
        %add3A_115 = arith.constant 2 : i32
        %add3A_116 = arith.addi %mul3A_37, %add3A_115 : i32
        %mul3A_117 = arith.constant 40 : i32
        %mul3A_118 = arith.muli %add3A_116, %mul3A_117 : i32
        %dma_start3A_119 = tpu.memref_slice %arg8[%mul3A_118] : memref<10000xi32, #tpu.memory_space<vmem>> -> memref<40xi32, #tpu.memory_space<vmem>>
        %dma_start3A_120 = arith.constant 0 : i32
        %dma_start3A_121 = arith.constant 0 : i32
        %dma_start3A_122 = tpu.memref_slice %arg2[%dma_start3A_120, %dma_start3A_121] : memref<10000x128xf32, #tpu.memory_space<hbm>> -> memref<10000x128xf32, #tpu.memory_space<hbm>>
        tpu.enqueue_indirect_dma source(%dma_start3A_122 : memref<10000x128xf32, #tpu.memory_space<hbm>>) target(%arg9 : memref<40x128xf32, #tpu.memory_space<vmem>>) offsets(%dma_start3A_119 : memref<40xi32, #tpu.memory_space<vmem>>) semaphore(%arg16 : memref<!tpu.dma_semaphore, #tpu.memory_space<semaphore_mem>>)
        %mul3A_123 = arith.constant 40 : i32
        %mul3A_124 = arith.muli %add3A_116, %mul3A_123 : i32
        %add3A_125 = arith.addi %mul3A_4, %mul3A_124 : i32
        %dma_start3A_126 = arith.constant 0 : i32
        %dma_start3A_127 = tpu.memref_slice %arg3[%add3A_125, %dma_start3A_126] : memref<320000x128xf32, #tpu.memory_space<hbm>> -> memref<40x128xf32, #tpu.memory_space<hbm>>
        %dma_start3A_128 = arith.constant 0 : i32
        %dma_start3A_129 = tpu.memref_slice %arg3[%add3A_125, %dma_start3A_128] : memref<320000x128xf32, #tpu.memory_space<hbm>> -> memref<40x128xf32, #tpu.memory_space<hbm>>
        tpu.enqueue_dma source(%dma_start3A_129 : memref<40x128xf32, #tpu.memory_space<hbm>>) target(%arg13 : memref<40x128xf32, #tpu.memory_space<vmem>>) target_semaphore(%arg18 : memref<!tpu.dma_semaphore, #tpu.memory_space<semaphore_mem>>)
        %dma_start3A_130 = arith.constant 0 : i32
        %dma_start3A_131 = tpu.memref_slice %arg5[%add3A, %add3A_116, %dma_start3A_130] : memref<32x250x40xi32, #tpu.memory_space<hbm>> -> memref<1x1x40xi32, #tpu.memory_space<hbm>>
        %dma_start3A_132 = tpu.memref_squeeze %dma_start3A_131 : memref<1x1x40xi32, #tpu.memory_space<hbm>> -> memref<1x40xi32, #tpu.memory_space<hbm>>
        %dma_start3A_133 = arith.constant 0 : i32
        %dma_start3A_134 = tpu.memref_slice %arg5[%add3A, %add3A_116, %dma_start3A_133] : memref<32x250x40xi32, #tpu.memory_space<hbm>> -> memref<1x1x40xi32, #tpu.memory_space<hbm>>
        %dma_start3A_135 = tpu.memref_squeeze %dma_start3A_134 : memref<1x1x40xi32, #tpu.memory_space<hbm>> -> memref<1x40xi32, #tpu.memory_space<hbm>>
        tpu.enqueue_dma source(%dma_start3A_135 : memref<1x40xi32, #tpu.memory_space<hbm>>) target(%arg11 : memref<1x40xi32, #tpu.memory_space<vmem>>) target_semaphore(%arg17 : memref<!tpu.dma_semaphore, #tpu.memory_space<semaphore_mem>>)
      } else {
      }
      %dma_wait3A_88 = arith.constant 0 : i32
      %dma_wait3A_89 = arith.constant 0 : i32
      %dma_wait3A_90 = tpu.memref_slice %arg2[%dma_wait3A_88, %dma_wait3A_89] : memref<10000x128xf32, #tpu.memory_space<hbm>> -> memref<40x128xf32, #tpu.memory_space<hbm>>
      %dma_wait3A_91 = arith.constant 0 : i32
      %dma_wait3A_92 = arith.constant 0 : i32
      %dma_wait3A_93 = tpu.memref_slice %arg2[%dma_wait3A_91, %dma_wait3A_92] : memref<10000x128xf32, #tpu.memory_space<hbm>> -> memref<40x128xf32, #tpu.memory_space<hbm>>
      tpu.wait_dma2 semaphore(%arg16 : memref<!tpu.dma_semaphore, #tpu.memory_space<semaphore_mem>>) src(%dma_wait3A_93 : memref<40x128xf32, #tpu.memory_space<hbm>>) dst(%arg10 : memref<40x128xf32, #tpu.memory_space<vmem>>)
      %dma_wait3A_94 = arith.constant 0 : i32
      %dma_wait3A_95 = arith.constant 0 : i32
      %dma_wait3A_96 = tpu.memref_slice %arg3[%dma_wait3A_94, %dma_wait3A_95] : memref<320000x128xf32, #tpu.memory_space<hbm>> -> memref<40x128xf32, #tpu.memory_space<hbm>>
      %dma_wait3A_97 = arith.constant 0 : i32
      %dma_wait3A_98 = arith.constant 0 : i32
      %dma_wait3A_99 = tpu.memref_slice %arg3[%dma_wait3A_97, %dma_wait3A_98] : memref<320000x128xf32, #tpu.memory_space<hbm>> -> memref<40x128xf32, #tpu.memory_space<hbm>>
      tpu.wait_dma2 semaphore(%arg18 : memref<!tpu.dma_semaphore, #tpu.memory_space<semaphore_mem>>) src(%dma_wait3A_99 : memref<40x128xf32, #tpu.memory_space<hbm>>) dst(%arg14 : memref<40x128xf32, #tpu.memory_space<vmem>>)
      %dma_wait3A_100 = arith.constant 0 : i32
      %dma_wait3A_101 = arith.constant 0 : i32
      %dma_wait3A_102 = arith.constant 0 : i32
      %dma_wait3A_103 = tpu.memref_slice %arg5[%dma_wait3A_100, %dma_wait3A_101, %dma_wait3A_102] : memref<32x250x40xi32, #tpu.memory_space<hbm>> -> memref<1x1x40xi32, #tpu.memory_space<hbm>>
      %dma_wait3A_104 = tpu.memref_squeeze %dma_wait3A_103 : memref<1x1x40xi32, #tpu.memory_space<hbm>> -> memref<1x40xi32, #tpu.memory_space<hbm>>
      %dma_wait3A_105 = arith.constant 0 : i32
      %dma_wait3A_106 = arith.constant 0 : i32
      %dma_wait3A_107 = tpu.memref_slice %arg5[%dma_wait3A_100, %dma_wait3A_105, %dma_wait3A_106] : memref<32x250x40xi32, #tpu.memory_space<hbm>> -> memref<1x1x40xi32, #tpu.memory_space<hbm>>
      %dma_wait3A_108 = tpu.memref_squeeze %dma_wait3A_107 : memref<1x1x40xi32, #tpu.memory_space<hbm>> -> memref<1x40xi32, #tpu.memory_space<hbm>>
      tpu.wait_dma2 semaphore(%arg17 : memref<!tpu.dma_semaphore, #tpu.memory_space<semaphore_mem>>) src(%dma_wait3A_108 : memref<1x40xi32, #tpu.memory_space<hbm>>) dst(%arg12 : memref<1x40xi32, #tpu.memory_space<vmem>>)
      %scan3A_109 = arith.constant 0 : i32
      %scan3A_110 = arith.constant 40 : i32
      %scan3A_111 = arith.addi %scan3A_109, %scan3A_110 : i32
      %scan3A_112 = arith.constant 1 : i32
      scf.for %scan3A_115 = %scan3A_109 to %scan3A_111 step %scan3A_112  : i32 {
        %mul3A_116 = arith.constant 1 : i32
        %mul3A_117 = arith.muli %scan3A_115, %mul3A_116 : i32
        %add3A_118 = arith.constant 0 : i32
        %add3A_119 = arith.addi %add3A_118, %mul3A_117 : i32
        %get3A = arith.index_cast %add3A_119 : i32 to index
        %get3A_120 = arith.constant 0 : index
        %get3A_121 = tpu.vector_load %arg10[%get3A, %get3A_120] {strides = array<i32>} : memref<40x128xf32, #tpu.memory_space<vmem>>, vector<1x16xf32>,
        %get3A_122 = vector.shape_cast %get3A_121 : vector<1x16xf32> to vector<1x16xf32>
        %get3A_123 = arith.index_cast %add3A_119 : i32 to index
        %get3A_124 = arith.constant 0 : index
        %get3A_125 = tpu.vector_load %arg14[%get3A_123, %get3A_124] {strides = array<i32>} : memref<40x128xf32, #tpu.memory_space<vmem>>, vector<1x16xf32>,
        %get3A_126 = vector.shape_cast %get3A_125 : vector<1x16xf32> to vector<1x16xf32>
        %mul3A_127 = arith.mulf %get3A_122, %get3A_126 : vector<1x16xf32>
        %swap3A = arith.index_cast %add3A_119 : i32 to index
        %swap3A_128 = arith.constant 0 : index
        %swap3A_129 = tpu.vector_load %arg10[%swap3A, %swap3A_128] {strides = array<i32>} : memref<40x128xf32, #tpu.memory_space<vmem>>, vector<1x16xf32>,
        %swap3A_130 = vector.shape_cast %swap3A_129 : vector<1x16xf32> to vector<1x16xf32>
        %swap3A_131 = vector.shape_cast %mul3A_127 : vector<1x16xf32> to vector<1x16xf32>
        tpu.vector_store %arg10[%swap3A, %swap3A_128], %swap3A_131 {strides = array<i32>} : memref<40x128xf32, #tpu.memory_space<vmem>>, vector<1x16xf32>,
        %get3A_132 = arith.index_cast %add3A_119 : i32 to index
        %get3A_133 = arith.constant 16 : index
        %get3A_134 = tpu.vector_load %arg10[%get3A_132, %get3A_133] {strides = array<i32>} : memref<40x128xf32, #tpu.memory_space<vmem>>, vector<1x16xf32>,
        %get3A_135 = vector.shape_cast %get3A_134 : vector<1x16xf32> to vector<1x16xf32>
        %get3A_136 = arith.index_cast %add3A_119 : i32 to index
        %get3A_137 = arith.constant 16 : index
        %get3A_138 = tpu.vector_load %arg14[%get3A_136, %get3A_137] {strides = array<i32>} : memref<40x128xf32, #tpu.memory_space<vmem>>, vector<1x16xf32>,
        %get3A_139 = vector.shape_cast %get3A_138 : vector<1x16xf32> to vector<1x16xf32>
        %mul3A_140 = arith.mulf %get3A_135, %get3A_139 : vector<1x16xf32>
        %swap3A_141 = arith.index_cast %add3A_119 : i32 to index
        %swap3A_142 = arith.constant 16 : index
        %swap3A_143 = tpu.vector_load %arg10[%swap3A_141, %swap3A_142] {strides = array<i32>} : memref<40x128xf32, #tpu.memory_space<vmem>>, vector<1x16xf32>,
        %swap3A_144 = vector.shape_cast %swap3A_143 : vector<1x16xf32> to vector<1x16xf32>
        %swap3A_145 = vector.shape_cast %mul3A_140 : vector<1x16xf32> to vector<1x16xf32>
        tpu.vector_store %arg10[%swap3A_141, %swap3A_142], %swap3A_145 {strides = array<i32>} : memref<40x128xf32, #tpu.memory_space<vmem>>, vector<1x16xf32>,
        %get3A_146 = arith.index_cast %add3A_119 : i32 to index
        %get3A_147 = arith.constant 32 : index
        %get3A_148 = tpu.vector_load %arg10[%get3A_146, %get3A_147] {strides = array<i32>} : memref<40x128xf32, #tpu.memory_space<vmem>>, vector<1x16xf32>,
        %get3A_149 = vector.shape_cast %get3A_148 : vector<1x16xf32> to vector<1x16xf32>
        %get3A_150 = arith.index_cast %add3A_119 : i32 to index
        %get3A_151 = arith.constant 32 : index
        %get3A_152 = tpu.vector_load %arg14[%get3A_150, %get3A_151] {strides = array<i32>} : memref<40x128xf32, #tpu.memory_space<vmem>>, vector<1x16xf32>,
        %get3A_153 = vector.shape_cast %get3A_152 : vector<1x16xf32> to vector<1x16xf32>
        %mul3A_154 = arith.mulf %get3A_149, %get3A_153 : vector<1x16xf32>
        %swap3A_155 = arith.index_cast %add3A_119 : i32 to index
        %swap3A_156 = arith.constant 32 : index
        %swap3A_157 = tpu.vector_load %arg10[%swap3A_155, %swap3A_156] {strides = array<i32>} : memref<40x128xf32, #tpu.memory_space<vmem>>, vector<1x16xf32>,
        %swap3A_158 = vector.shape_cast %swap3A_157 : vector<1x16xf32> to vector<1x16xf32>
        %swap3A_159 = vector.shape_cast %mul3A_154 : vector<1x16xf32> to vector<1x16xf32>
        tpu.vector_store %arg10[%swap3A_155, %swap3A_156], %swap3A_159 {strides = array<i32>} : memref<40x128xf32, #tpu.memory_space<vmem>>, vector<1x16xf32>,
        %get3A_160 = arith.index_cast %add3A_119 : i32 to index
        %get3A_161 = arith.constant 48 : index
        %get3A_162 = tpu.vector_load %arg10[%get3A_160, %get3A_161] {strides = array<i32>} : memref<40x128xf32, #tpu.memory_space<vmem>>, vector<1x16xf32>,
        %get3A_163 = vector.shape_cast %get3A_162 : vector<1x16xf32> to vector<1x16xf32>
        %get3A_164 = arith.index_cast %add3A_119 : i32 to index
        %get3A_165 = arith.constant 48 : index
        %get3A_166 = tpu.vector_load %arg14[%get3A_164, %get3A_165] {strides = array<i32>} : memref<40x128xf32, #tpu.memory_space<vmem>>, vector<1x16xf32>,
        %get3A_167 = vector.shape_cast %get3A_166 : vector<1x16xf32> to vector<1x16xf32>
        %mul3A_168 = arith.mulf %get3A_163, %get3A_167 : vector<1x16xf32>
        %swap3A_169 = arith.index_cast %add3A_119 : i32 to index
        %swap3A_170 = arith.constant 48 : index
        %swap3A_171 = tpu.vector_load %arg10[%swap3A_169, %swap3A_170] {strides = array<i32>} : memref<40x128xf32, #tpu.memory_space<vmem>>, vector<1x16xf32>,
        %swap3A_172 = vector.shape_cast %swap3A_171 : vector<1x16xf32> to vector<1x16xf32>
        %swap3A_173 = vector.shape_cast %mul3A_168 : vector<1x16xf32> to vector<1x16xf32>
        tpu.vector_store %arg10[%swap3A_169, %swap3A_170], %swap3A_173 {strides = array<i32>} : memref<40x128xf32, #tpu.memory_space<vmem>>, vector<1x16xf32>,
        %get3A_174 = arith.index_cast %add3A_119 : i32 to index
        %get3A_175 = arith.constant 64 : index
        %get3A_176 = tpu.vector_load %arg10[%get3A_174, %get3A_175] {strides = array<i32>} : memref<40x128xf32, #tpu.memory_space<vmem>>, vector<1x16xf32>,
        %get3A_177 = vector.shape_cast %get3A_176 : vector<1x16xf32> to vector<1x16xf32>
        %get3A_178 = arith.index_cast %add3A_119 : i32 to index
        %get3A_179 = arith.constant 64 : index
        %get3A_180 = tpu.vector_load %arg14[%get3A_178, %get3A_179] {strides = array<i32>} : memref<40x128xf32, #tpu.memory_space<vmem>>, vector<1x16xf32>,
        %get3A_181 = vector.shape_cast %get3A_180 : vector<1x16xf32> to vector<1x16xf32>
        %mul3A_182 = arith.mulf %get3A_177, %get3A_181 : vector<1x16xf32>
        %swap3A_183 = arith.index_cast %add3A_119 : i32 to index
        %swap3A_184 = arith.constant 64 : index
        %swap3A_185 = tpu.vector_load %arg10[%swap3A_183, %swap3A_184] {strides = array<i32>} : memref<40x128xf32, #tpu.memory_space<vmem>>, vector<1x16xf32>,
        %swap3A_186 = vector.shape_cast %swap3A_185 : vector<1x16xf32> to vector<1x16xf32>
        %swap3A_187 = vector.shape_cast %mul3A_182 : vector<1x16xf32> to vector<1x16xf32>
        tpu.vector_store %arg10[%swap3A_183, %swap3A_184], %swap3A_187 {strides = array<i32>} : memref<40x128xf32, #tpu.memory_space<vmem>>, vector<1x16xf32>,
        %get3A_188 = arith.index_cast %add3A_119 : i32 to index
        %get3A_189 = arith.constant 80 : index
        %get3A_190 = tpu.vector_load %arg10[%get3A_188, %get3A_189] {strides = array<i32>} : memref<40x128xf32, #tpu.memory_space<vmem>>, vector<1x16xf32>,
        %get3A_191 = vector.shape_cast %get3A_190 : vector<1x16xf32> to vector<1x16xf32>
        %get3A_192 = arith.index_cast %add3A_119 : i32 to index
        %get3A_193 = arith.constant 80 : index
        %get3A_194 = tpu.vector_load %arg14[%get3A_192, %get3A_193] {strides = array<i32>} : memref<40x128xf32, #tpu.memory_space<vmem>>, vector<1x16xf32>,
        %get3A_195 = vector.shape_cast %get3A_194 : vector<1x16xf32> to vector<1x16xf32>
        %mul3A_196 = arith.mulf %get3A_191, %get3A_195 : vector<1x16xf32>
        %swap3A_197 = arith.index_cast %add3A_119 : i32 to index
        %swap3A_198 = arith.constant 80 : index
        %swap3A_199 = tpu.vector_load %arg10[%swap3A_197, %swap3A_198] {strides = array<i32>} : memref<40x128xf32, #tpu.memory_space<vmem>>, vector<1x16xf32>,
        %swap3A_200 = vector.shape_cast %swap3A_199 : vector<1x16xf32> to vector<1x16xf32>
        %swap3A_201 = vector.shape_cast %mul3A_196 : vector<1x16xf32> to vector<1x16xf32>
        tpu.vector_store %arg10[%swap3A_197, %swap3A_198], %swap3A_201 {strides = array<i32>} : memref<40x128xf32, #tpu.memory_space<vmem>>, vector<1x16xf32>,
        %get3A_202 = arith.index_cast %add3A_119 : i32 to index
        %get3A_203 = arith.constant 96 : index
        %get3A_204 = tpu.vector_load %arg10[%get3A_202, %get3A_203] {strides = array<i32>} : memref<40x128xf32, #tpu.memory_space<vmem>>, vector<1x16xf32>,
        %get3A_205 = vector.shape_cast %get3A_204 : vector<1x16xf32> to vector<1x16xf32>
        %get3A_206 = arith.index_cast %add3A_119 : i32 to index
        %get3A_207 = arith.constant 96 : index
        %get3A_208 = tpu.vector_load %arg14[%get3A_206, %get3A_207] {strides = array<i32>} : memref<40x128xf32, #tpu.memory_space<vmem>>, vector<1x16xf32>,
        %get3A_209 = vector.shape_cast %get3A_208 : vector<1x16xf32> to vector<1x16xf32>
        %mul3A_210 = arith.mulf %get3A_205, %get3A_209 : vector<1x16xf32>
        %swap3A_211 = arith.index_cast %add3A_119 : i32 to index
        %swap3A_212 = arith.constant 96 : index
        %swap3A_213 = tpu.vector_load %arg10[%swap3A_211, %swap3A_212] {strides = array<i32>} : memref<40x128xf32, #tpu.memory_space<vmem>>, vector<1x16xf32>,
        %swap3A_214 = vector.shape_cast %swap3A_213 : vector<1x16xf32> to vector<1x16xf32>
        %swap3A_215 = vector.shape_cast %mul3A_210 : vector<1x16xf32> to vector<1x16xf32>
        tpu.vector_store %arg10[%swap3A_211, %swap3A_212], %swap3A_215 {strides = array<i32>} : memref<40x128xf32, #tpu.memory_space<vmem>>, vector<1x16xf32>,
        %get3A_216 = arith.index_cast %add3A_119 : i32 to index
        %get3A_217 = arith.constant 112 : index
        %get3A_218 = tpu.vector_load %arg10[%get3A_216, %get3A_217] {strides = array<i32>} : memref<40x128xf32, #tpu.memory_space<vmem>>, vector<1x16xf32>,
        %get3A_219 = vector.shape_cast %get3A_218 : vector<1x16xf32> to vector<1x16xf32>
        %get3A_220 = arith.index_cast %add3A_119 : i32 to index
        %get3A_221 = arith.constant 112 : index
        %get3A_222 = tpu.vector_load %arg14[%get3A_220, %get3A_221] {strides = array<i32>} : memref<40x128xf32, #tpu.memory_space<vmem>>, vector<1x16xf32>,
        %get3A_223 = vector.shape_cast %get3A_222 : vector<1x16xf32> to vector<1x16xf32>
        %mul3A_224 = arith.mulf %get3A_219, %get3A_223 : vector<1x16xf32>
        %swap3A_225 = arith.index_cast %add3A_119 : i32 to index
        %swap3A_226 = arith.constant 112 : index
        %swap3A_227 = tpu.vector_load %arg10[%swap3A_225, %swap3A_226] {strides = array<i32>} : memref<40x128xf32, #tpu.memory_space<vmem>>, vector<1x16xf32>,
        %swap3A_228 = vector.shape_cast %swap3A_227 : vector<1x16xf32> to vector<1x16xf32>
        %swap3A_229 = vector.shape_cast %mul3A_224 : vector<1x16xf32> to vector<1x16xf32>
        tpu.vector_store %arg10[%swap3A_225, %swap3A_226], %swap3A_229 {strides = array<i32>} : memref<40x128xf32, #tpu.memory_space<vmem>>, vector<1x16xf32>,
      }
      %scan3A_113 = arith.constant 40 : i32
      %run_scoped3A_114 = arith.constant 0 : i32
      "tpu.region"() ({
        %run_scoped3A_115 = tpu.sem_alloc : memref<!tpu.dma_semaphore, #tpu.memory_space<semaphore_mem>>
        %dma_start3A_116 = arith.constant 0 : i32
        %dma_start3A_117 = tpu.memref_slice %arg12[%run_scoped3A_114, %dma_start3A_116] : memref<1x40xi32, #tpu.memory_space<vmem>> -> memref<1x40xi32, #tpu.memory_space<vmem>>
        %dma_start3A_118 = tpu.memref_squeeze %dma_start3A_117 : memref<1x40xi32, #tpu.memory_space<vmem>> -> memref<40xi32, #tpu.memory_space<vmem>>
        %dma_start3A_119 = arith.constant 0 : i32
        %dma_start3A_120 = arith.constant 0 : i32
        %dma_start3A_121 = tpu.memref_slice %arg15[%dma_start3A_119, %dma_start3A_120] : memref<10112x128xf32, #tpu.memory_space<vmem_shared>> -> memref<10112x128xf32, #tpu.memory_space<vmem_shared>>
        tpu.enqueue_indirect_dma source(%arg10 : memref<40x128xf32, #tpu.memory_space<vmem>>) target(%dma_start3A_121 : memref<10112x128xf32, #tpu.memory_space<vmem_shared>>) offsets(%dma_start3A_118 : memref<40xi32, #tpu.memory_space<vmem>>) semaphore(%run_scoped3A_115 : memref<!tpu.dma_semaphore, #tpu.memory_space<semaphore_mem>>) {add = true}
        %dma_wait3A_122 = arith.constant 0 : i32
        %dma_wait3A_123 = tpu.memref_slice %arg12[%run_scoped3A_114, %dma_wait3A_122] : memref<1x40xi32, #tpu.memory_space<vmem>> -> memref<1x40xi32, #tpu.memory_space<vmem>>
        %dma_wait3A_124 = tpu.memref_squeeze %dma_wait3A_123 : memref<1x40xi32, #tpu.memory_space<vmem>> -> memref<40xi32, #tpu.memory_space<vmem>>
        %dma_wait3A_125 = arith.constant 0 : i32
        %dma_wait3A_126 = arith.constant 0 : i32
        %dma_wait3A_127 = tpu.memref_slice %arg15[%dma_wait3A_125, %dma_wait3A_126] : memref<10112x128xf32, #tpu.memory_space<vmem_shared>> -> memref<10112x128xf32, #tpu.memory_space<vmem_shared>>
        tpu.wait_indirect_dma semaphore(%run_scoped3A_115 : memref<!tpu.dma_semaphore, #tpu.memory_space<semaphore_mem>>) src(%arg10 : memref<40x128xf32, #tpu.memory_space<vmem>>) dst(%dma_wait3A_127 : memref<10112x128xf32, #tpu.memory_space<vmem_shared>>)
        tpu.yield
      }) : () -> ()
    }
    %scan3A_26 = arith.constant 125 : i32
    %barrier3A_27 = arith.constant 0 : index
    tpu.barrier barrier_id(%barrier3A_27)
    %mul3A_28 = arith.constant 10112 : i32
    %mul3A_29 = arith.muli %arg0, %mul3A_28 : i32
    %add3A_30 = arith.addi %mul3A_29, %mul3A_2 : i32
    "tpu.region"() ({
      %run_scoped3A = tpu.sem_alloc : memref<!tpu.dma_semaphore, #tpu.memory_space<semaphore_mem>>
      %dma_start3A_31 = arith.constant 0 : i32
      %dma_start3A_32 = tpu.memref_slice %arg7[%add3A_30, %dma_start3A_31] : memref<20224x128xf32, #tpu.memory_space<hbm>> -> memref<632x128xf32, #tpu.memory_space<hbm>>
      %dma_start3A_33 = arith.constant 0 : i32
      %dma_start3A_34 = tpu.memref_slice %arg15[%mul3A_2, %dma_start3A_33] : memref<10112x128xf32, #tpu.memory_space<vmem_shared>> -> memref<632x128xf32, #tpu.memory_space<vmem_shared>>
      tpu.enqueue_dma source(%dma_start3A_34 : memref<632x128xf32, #tpu.memory_space<vmem_shared>>) target(%dma_start3A_32 : memref<632x128xf32, #tpu.memory_space<hbm>>) target_semaphore(%run_scoped3A : memref<!tpu.dma_semaphore, #tpu.memory_space<semaphore_mem>>)
      %dma_wait3A = arith.constant 0 : i32
      %dma_wait3A_35 = tpu.memref_slice %arg7[%add3A_30, %dma_wait3A] : memref<20224x128xf32, #tpu.memory_space<hbm>> -> memref<632x128xf32, #tpu.memory_space<hbm>>
      %dma_wait3A_36 = arith.constant 0 : i32
      %dma_wait3A_37 = tpu.memref_slice %arg15[%mul3A_2, %dma_wait3A_36] : memref<10112x128xf32, #tpu.memory_space<vmem_shared>> -> memref<632x128xf32, #tpu.memory_space<vmem_shared>>
      tpu.wait_dma2 semaphore(%run_scoped3A : memref<!tpu.dma_semaphore, #tpu.memory_space<semaphore_mem>>) src(%dma_wait3A_37 : memref<632x128xf32, #tpu.memory_space<vmem_shared>>) dst(%dma_wait3A_35 : memref<632x128xf32, #tpu.memory_space<hbm>>)
      tpu.yield
    }) : () -> ()
    return
  }
}

#map = affine_map<(d0, d1) -> (0, 0)>
#map1 = affine_map<(d0, d1) -> (0)>
#map2 = affine_map<(d0, d1) -> (0, 0, 0)>
module attributes {stable_mosaic.version = 14 : i64} {
  func.func @k(%arg0: i32, %arg1: i32, %arg2: memref<10000x128xf32, #tpu.memory_space<hbm>>, %arg3: memref<320000x128xf32, #tpu.memory_space<hbm>>, %arg4: memref<320000xi32, #tpu.memory_space<hbm>>, %arg5: memref<32x250x40xi32, #tpu.memory_space<hbm>>, %arg6: memref<10112x128xf32, #tpu.memory_space<hbm>>, %arg7: memref<20224x128xf32, #tpu.memory_space<hbm>>, %arg8: memref<10000xi32, #tpu.memory_space<vmem>>, %arg9: memref<40x128xf32, #tpu.memory_space<vmem>>, %arg10: memref<40x128xf32, #tpu.memory_space<vmem>>, %arg11: memref<1x40xi32, #tpu.memory_space<vmem>>, %arg12: memref<1x40xi32, #tpu.memory_space<vmem>>, %arg13: memref<40x128xf32, #tpu.memory_space<vmem>>, %arg14: memref<40x128xf32, #tpu.memory_space<vmem>>, %arg15: memref<10112x128xf32, #tpu.memory_space<vmem_shared>>, %arg16: memref<!tpu.dma_semaphore, #tpu.memory_space<semaphore_mem>>, %arg17: memref<!tpu.dma_semaphore, #tpu.memory_space<semaphore_mem>>, %arg18: memref<!tpu.dma_semaphore, #tpu.memory_space<semaphore_mem>>) attributes {dimension_semantics = [#tpu.dimension_semantics<core_parallel>, #tpu.dimension_semantics<subcore_parallel>], iteration_bounds = array<i64: 2, 16>, scalar_prefetch = 0 : i64, scratch_operands = 11 : i64, tpu.core_type = #tpu.core_type<sc_vector_subcore>, window_params = [{transform_indices = #map}, {transform_indices = #map}, {transform_indices = #map1}, {transform_indices = #map2}, {transform_indices = #map}, {transform_indices = #map}]} {
    %mul3A = arith.constant 2 : i32
    %mul3A_0 = arith.muli %arg1, %mul3A : i32
    %add3A = arith.addi %mul3A_0, %arg0 : i32
    %mul3A_1 = arith.constant 632 : i32
    %mul3A_2 = arith.muli %arg1, %mul3A_1 : i32
    %mul3A_3 = arith.constant 10000 : i32
    %mul3A_4 = arith.muli %add3A, %mul3A_3 : i32
    "tpu.region"() ({
      %run_scoped3A = tpu.sem_alloc : memref<!tpu.dma_semaphore, #tpu.memory_space<semaphore_mem>>
      %dma_start3A_31 = arith.constant 0 : i32
      %dma_start3A_32 = tpu.memref_slice %arg15[%mul3A_2, %dma_start3A_31] : memref<10112x128xf32, #tpu.memory_space<vmem_shared>> -> memref<632x128xf32, #tpu.memory_space<vmem_shared>>
      %dma_start3A_33 = arith.constant 0 : i32
      %dma_start3A_34 = tpu.memref_slice %arg6[%mul3A_2, %dma_start3A_33] : memref<10112x128xf32, #tpu.memory_space<hbm>> -> memref<632x128xf32, #tpu.memory_space<hbm>>
      tpu.enqueue_dma source(%dma_start3A_34 : memref<632x128xf32, #tpu.memory_space<hbm>>) target(%dma_start3A_32 : memref<632x128xf32, #tpu.memory_space<vmem_shared>>) target_semaphore(%run_scoped3A : memref<!tpu.dma_semaphore, #tpu.memory_space<semaphore_mem>>)
      %dma_wait3A = arith.constant 0 : i32
      %dma_wait3A_35 = tpu.memref_slice %arg15[%mul3A_2, %dma_wait3A] : memref<10112x128xf32, #tpu.memory_space<vmem_shared>> -> memref<632x128xf32, #tpu.memory_space<vmem_shared>>
      %dma_wait3A_36 = arith.constant 0 : i32
      %dma_wait3A_37 = tpu.memref_slice %arg6[%mul3A_2, %dma_wait3A_36] : memref<10112x128xf32, #tpu.memory_space<hbm>> -> memref<632x128xf32, #tpu.memory_space<hbm>>
      tpu.wait_dma2 semaphore(%run_scoped3A : memref<!tpu.dma_semaphore, #tpu.memory_space<semaphore_mem>>) src(%dma_wait3A_37 : memref<632x128xf32, #tpu.memory_space<hbm>>) dst(%dma_wait3A_35 : memref<632x128xf32, #tpu.memory_space<vmem_shared>>)
      tpu.yield
    }) : () -> ()
    "tpu.region"() ({
      %run_scoped3A = tpu.sem_alloc : memref<!tpu.dma_semaphore, #tpu.memory_space<semaphore_mem>>
      %dma_start3A_31 = tpu.memref_slice %arg4[%mul3A_4] : memref<320000xi32, #tpu.memory_space<hbm>> -> memref<10000xi32, #tpu.memory_space<hbm>>
      %dma_start3A_32 = tpu.memref_slice %arg4[%mul3A_4] : memref<320000xi32, #tpu.memory_space<hbm>> -> memref<10000xi32, #tpu.memory_space<hbm>>
      tpu.enqueue_dma source(%dma_start3A_32 : memref<10000xi32, #tpu.memory_space<hbm>>) target(%arg8 : memref<10000xi32, #tpu.memory_space<vmem>>) target_semaphore(%run_scoped3A : memref<!tpu.dma_semaphore, #tpu.memory_space<semaphore_mem>>)
      %dma_wait3A = tpu.memref_slice %arg4[%mul3A_4] : memref<320000xi32, #tpu.memory_space<hbm>> -> memref<10000xi32, #tpu.memory_space<hbm>>
      %dma_wait3A_33 = tpu.memref_slice %arg4[%mul3A_4] : memref<320000xi32, #tpu.memory_space<hbm>> -> memref<10000xi32, #tpu.memory_space<hbm>>
      tpu.wait_dma2 semaphore(%run_scoped3A : memref<!tpu.dma_semaphore, #tpu.memory_space<semaphore_mem>>) src(%dma_wait3A_33 : memref<10000xi32, #tpu.memory_space<hbm>>) dst(%arg8 : memref<10000xi32, #tpu.memory_space<vmem>>)
      tpu.yield
    }) : () -> ()
    %barrier3A = arith.constant 0 : index
    tpu.barrier barrier_id(%barrier3A)
    %dma_start3A = arith.constant 0 : i32
    %dma_start3A_5 = tpu.memref_slice %arg8[%dma_start3A] : memref<10000xi32, #tpu.memory_space<vmem>> -> memref<40xi32, #tpu.memory_space<vmem>>
    %dma_start3A_6 = arith.constant 0 : i32
    %dma_start3A_7 = arith.constant 0 : i32
    %dma_start3A_8 = tpu.memref_slice %arg2[%dma_start3A_6, %dma_start3A_7] : memref<10000x128xf32, #tpu.memory_space<hbm>> -> memref<10000x128xf32, #tpu.memory_space<hbm>>
    tpu.enqueue_indirect_dma source(%dma_start3A_8 : memref<10000x128xf32, #tpu.memory_space<hbm>>) target(%arg9 : memref<40x128xf32, #tpu.memory_space<vmem>>) offsets(%dma_start3A_5 : memref<40xi32, #tpu.memory_space<vmem>>) semaphore(%arg16 : memref<!tpu.dma_semaphore, #tpu.memory_space<semaphore_mem>>)
    %add3A_9 = arith.constant 0 : i32
    %add3A_10 = arith.addi %mul3A_4, %add3A_9 : i32
    %dma_start3A_11 = arith.constant 0 : i32
    %dma_start3A_12 = tpu.memref_slice %arg3[%add3A_10, %dma_start3A_11] : memref<320000x128xf32, #tpu.memory_space<hbm>> -> memref<40x128xf32, #tpu.memory_space<hbm>>
    %dma_start3A_13 = arith.constant 0 : i32
    %dma_start3A_14 = tpu.memref_slice %arg3[%add3A_10, %dma_start3A_13] : memref<320000x128xf32, #tpu.memory_space<hbm>> -> memref<40x128xf32, #tpu.memory_space<hbm>>
    tpu.enqueue_dma source(%dma_start3A_14 : memref<40x128xf32, #tpu.memory_space<hbm>>) target(%arg13 : memref<40x128xf32, #tpu.memory_space<vmem>>) target_semaphore(%arg18 : memref<!tpu.dma_semaphore, #tpu.memory_space<semaphore_mem>>)
    %dma_start3A_15 = arith.constant 0 : i32
    %dma_start3A_16 = arith.constant 0 : i32
    %dma_start3A_17 = tpu.memref_slice %arg5[%add3A, %dma_start3A_15, %dma_start3A_16] : memref<32x250x40xi32, #tpu.memory_space<hbm>> -> memref<1x1x40xi32, #tpu.memory_space<hbm>>
    %dma_start3A_18 = tpu.memref_squeeze %dma_start3A_17 : memref<1x1x40xi32, #tpu.memory_space<hbm>> -> memref<1x40xi32, #tpu.memory_space<hbm>>
    %dma_start3A_19 = arith.constant 0 : i32
    %dma_start3A_20 = arith.constant 0 : i32
    %dma_start3A_21 = tpu.memref_slice %arg5[%add3A, %dma_start3A_19, %dma_start3A_20] : memref<32x250x40xi32, #tpu.memory_space<hbm>> -> memref<1x1x40xi32, #tpu.memory_space<hbm>>
    %dma_start3A_22 = tpu.memref_squeeze %dma_start3A_21 : memref<1x1x40xi32, #tpu.memory_space<hbm>> -> memref<1x40xi32, #tpu.memory_space<hbm>>
    tpu.enqueue_dma source(%dma_start3A_22 : memref<1x40xi32, #tpu.memory_space<hbm>>) target(%arg11 : memref<1x40xi32, #tpu.memory_space<vmem>>) target_semaphore(%arg17 : memref<!tpu.dma_semaphore, #tpu.memory_space<semaphore_mem>>)
    %scan3A = arith.constant 0 : i32
    %scan3A_23 = arith.constant 125 : i32
    %scan3A_24 = arith.addi %scan3A, %scan3A_23 : i32
    %scan3A_25 = arith.constant 1 : i32
    scf.for %scan3A_31 = %scan3A to %scan3A_24 step %scan3A_25  : i32 {
      %mul3A_32 = arith.constant 1 : i32
      %mul3A_33 = arith.muli %scan3A_31, %mul3A_32 : i32
      %add3A_34 = arith.constant 0 : i32
      %add3A_35 = arith.addi %add3A_34, %mul3A_33 : i32
      %mul3A_36 = arith.constant 2 : i32
      %mul3A_37 = arith.muli %mul3A_36, %add3A_35 : i32
      %add3A_38 = arith.constant 1 : i32
      %add3A_39 = arith.addi %mul3A_37, %add3A_38 : i32
      %mul3A_40 = arith.constant 40 : i32
      %mul3A_41 = arith.muli %add3A_39, %mul3A_40 : i32
      %dma_start3A_42 = tpu.memref_slice %arg8[%mul3A_41] : memref<10000xi32, #tpu.memory_space<vmem>> -> memref<40xi32, #tpu.memory_space<vmem>>
      %dma_start3A_43 = arith.constant 0 : i32
      %dma_start3A_44 = arith.constant 0 : i32
      %dma_start3A_45 = tpu.memref_slice %arg2[%dma_start3A_43, %dma_start3A_44] : memref<10000x128xf32, #tpu.memory_space<hbm>> -> memref<10000x128xf32, #tpu.memory_space<hbm>>
      tpu.enqueue_indirect_dma source(%dma_start3A_45 : memref<10000x128xf32, #tpu.memory_space<hbm>>) target(%arg10 : memref<40x128xf32, #tpu.memory_space<vmem>>) offsets(%dma_start3A_42 : memref<40xi32, #tpu.memory_space<vmem>>) semaphore(%arg16 : memref<!tpu.dma_semaphore, #tpu.memory_space<semaphore_mem>>)
      %mul3A_46 = arith.constant 40 : i32
      %mul3A_47 = arith.muli %add3A_39, %mul3A_46 : i32
      %add3A_48 = arith.addi %mul3A_4, %mul3A_47 : i32
      %dma_start3A_49 = arith.constant 0 : i32
      %dma_start3A_50 = tpu.memref_slice %arg3[%add3A_48, %dma_start3A_49] : memref<320000x128xf32, #tpu.memory_space<hbm>> -> memref<40x128xf32, #tpu.memory_space<hbm>>
      %dma_start3A_51 = arith.constant 0 : i32
      %dma_start3A_52 = tpu.memref_slice %arg3[%add3A_48, %dma_start3A_51] : memref<320000x128xf32, #tpu.memory_space<hbm>> -> memref<40x128xf32, #tpu.memory_space<hbm>>
      tpu.enqueue_dma source(%dma_start3A_52 : memref<40x128xf32, #tpu.memory_space<hbm>>) target(%arg14 : memref<40x128xf32, #tpu.memory_space<vmem>>) target_semaphore(%arg18 : memref<!tpu.dma_semaphore, #tpu.memory_space<semaphore_mem>>)
      %dma_start3A_53 = arith.constant 0 : i32
      %dma_start3A_54 = tpu.memref_slice %arg5[%add3A, %add3A_39, %dma_start3A_53] : memref<32x250x40xi32, #tpu.memory_space<hbm>> -> memref<1x1x40xi32, #tpu.memory_space<hbm>>
      %dma_start3A_55 = tpu.memref_squeeze %dma_start3A_54 : memref<1x1x40xi32, #tpu.memory_space<hbm>> -> memref<1x40xi32, #tpu.memory_space<hbm>>
      %dma_start3A_56 = arith.constant 0 : i32
      %dma_start3A_57 = tpu.memref_slice %arg5[%add3A, %add3A_39, %dma_start3A_56] : memref<32x250x40xi32, #tpu.memory_space<hbm>> -> memref<1x1x40xi32, #tpu.memory_space<hbm>>
      %dma_start3A_58 = tpu.memref_squeeze %dma_start3A_57 : memref<1x1x40xi32, #tpu.memory_space<hbm>> -> memref<1x40xi32, #tpu.memory_space<hbm>>
      tpu.enqueue_dma source(%dma_start3A_58 : memref<1x40xi32, #tpu.memory_space<hbm>>) target(%arg12 : memref<1x40xi32, #tpu.memory_space<vmem>>) target_semaphore(%arg17 : memref<!tpu.dma_semaphore, #tpu.memory_space<semaphore_mem>>)
      %dma_wait3A = arith.constant 0 : i32
      %dma_wait3A_59 = arith.constant 0 : i32
      %dma_wait3A_60 = tpu.memref_slice %arg2[%dma_wait3A, %dma_wait3A_59] : memref<10000x128xf32, #tpu.memory_space<hbm>> -> memref<40x128xf32, #tpu.memory_space<hbm>>
      %dma_wait3A_61 = arith.constant 0 : i32
      %dma_wait3A_62 = arith.constant 0 : i32
      %dma_wait3A_63 = tpu.memref_slice %arg2[%dma_wait3A_61, %dma_wait3A_62] : memref<10000x128xf32, #tpu.memory_space<hbm>> -> memref<40x128xf32, #tpu.memory_space<hbm>>
      tpu.wait_dma2 semaphore(%arg16 : memref<!tpu.dma_semaphore, #tpu.memory_space<semaphore_mem>>) src(%dma_wait3A_63 : memref<40x128xf32, #tpu.memory_space<hbm>>) dst(%arg9 : memref<40x128xf32, #tpu.memory_space<vmem>>)
      %dma_wait3A_64 = arith.constant 0 : i32
      %dma_wait3A_65 = arith.constant 0 : i32
      %dma_wait3A_66 = tpu.memref_slice %arg3[%dma_wait3A_64, %dma_wait3A_65] : memref<320000x128xf32, #tpu.memory_space<hbm>> -> memref<40x128xf32, #tpu.memory_space<hbm>>
      %dma_wait3A_67 = arith.constant 0 : i32
      %dma_wait3A_68 = arith.constant 0 : i32
      %dma_wait3A_69 = tpu.memref_slice %arg3[%dma_wait3A_67, %dma_wait3A_68] : memref<320000x128xf32, #tpu.memory_space<hbm>> -> memref<40x128xf32, #tpu.memory_space<hbm>>
      tpu.wait_dma2 semaphore(%arg18 : memref<!tpu.dma_semaphore, #tpu.memory_space<semaphore_mem>>) src(%dma_wait3A_69 : memref<40x128xf32, #tpu.memory_space<hbm>>) dst(%arg13 : memref<40x128xf32, #tpu.memory_space<vmem>>)
      %dma_wait3A_70 = arith.constant 0 : i32
      %dma_wait3A_71 = arith.constant 0 : i32
      %dma_wait3A_72 = arith.constant 0 : i32
      %dma_wait3A_73 = tpu.memref_slice %arg5[%dma_wait3A_70, %dma_wait3A_71, %dma_wait3A_72] : memref<32x250x40xi32, #tpu.memory_space<hbm>> -> memref<1x1x40xi32, #tpu.memory_space<hbm>>
      %dma_wait3A_74 = tpu.memref_squeeze %dma_wait3A_73 : memref<1x1x40xi32, #tpu.memory_space<hbm>> -> memref<1x40xi32, #tpu.memory_space<hbm>>
      %dma_wait3A_75 = arith.constant 0 : i32
      %dma_wait3A_76 = arith.constant 0 : i32
      %dma_wait3A_77 = tpu.memref_slice %arg5[%dma_wait3A_70, %dma_wait3A_75, %dma_wait3A_76] : memref<32x250x40xi32, #tpu.memory_space<hbm>> -> memref<1x1x40xi32, #tpu.memory_space<hbm>>
      %dma_wait3A_78 = tpu.memref_squeeze %dma_wait3A_77 : memref<1x1x40xi32, #tpu.memory_space<hbm>> -> memref<1x40xi32, #tpu.memory_space<hbm>>
      tpu.wait_dma2 semaphore(%arg17 : memref<!tpu.dma_semaphore, #tpu.memory_space<semaphore_mem>>) src(%dma_wait3A_78 : memref<1x40xi32, #tpu.memory_space<hbm>>) dst(%arg11 : memref<1x40xi32, #tpu.memory_space<vmem>>)
      %scan3A_79 = arith.constant 0 : i32
      %scan3A_80 = arith.constant 40 : i32
      %scan3A_81 = arith.addi %scan3A_79, %scan3A_80 : i32
      %scan3A_82 = arith.constant 1 : i32
      scf.for %scan3A_115 = %scan3A_79 to %scan3A_81 step %scan3A_82  : i32 {
        %mul3A_116 = arith.constant 1 : i32
        %mul3A_117 = arith.muli %scan3A_115, %mul3A_116 : i32
        %add3A_118 = arith.constant 0 : i32
        %add3A_119 = arith.addi %add3A_118, %mul3A_117 : i32
        %get3A = arith.index_cast %add3A_119 : i32 to index
        %get3A_120 = arith.constant 0 : index
        %get3A_121 = tpu.vector_load %arg9[%get3A, %get3A_120] {strides = array<i32>} : memref<40x128xf32, #tpu.memory_space<vmem>>, vector<1x16xf32>,
        %get3A_122 = vector.shape_cast %get3A_121 : vector<1x16xf32> to vector<1x16xf32>
        %get3A_123 = arith.index_cast %add3A_119 : i32 to index
        %get3A_124 = arith.constant 0 : index
        %get3A_125 = tpu.vector_load %arg13[%get3A_123, %get3A_124] {strides = array<i32>} : memref<40x128xf32, #tpu.memory_space<vmem>>, vector<1x16xf32>,
        %get3A_126 = vector.shape_cast %get3A_125 : vector<1x16xf32> to vector<1x16xf32>
        %mul3A_127 = arith.mulf %get3A_122, %get3A_126 : vector<1x16xf32>
        %swap3A = arith.index_cast %add3A_119 : i32 to index
        %swap3A_128 = arith.constant 0 : index
        %swap3A_129 = tpu.vector_load %arg9[%swap3A, %swap3A_128] {strides = array<i32>} : memref<40x128xf32, #tpu.memory_space<vmem>>, vector<1x16xf32>,
        %swap3A_130 = vector.shape_cast %swap3A_129 : vector<1x16xf32> to vector<1x16xf32>
        %swap3A_131 = vector.shape_cast %mul3A_127 : vector<1x16xf32> to vector<1x16xf32>
        tpu.vector_store %arg9[%swap3A, %swap3A_128], %swap3A_131 {strides = array<i32>} : memref<40x128xf32, #tpu.memory_space<vmem>>, vector<1x16xf32>,
        %get3A_132 = arith.index_cast %add3A_119 : i32 to index
        %get3A_133 = arith.constant 16 : index
        %get3A_134 = tpu.vector_load %arg9[%get3A_132, %get3A_133] {strides = array<i32>} : memref<40x128xf32, #tpu.memory_space<vmem>>, vector<1x16xf32>,
        %get3A_135 = vector.shape_cast %get3A_134 : vector<1x16xf32> to vector<1x16xf32>
        %get3A_136 = arith.index_cast %add3A_119 : i32 to index
        %get3A_137 = arith.constant 16 : index
        %get3A_138 = tpu.vector_load %arg13[%get3A_136, %get3A_137] {strides = array<i32>} : memref<40x128xf32, #tpu.memory_space<vmem>>, vector<1x16xf32>,
        %get3A_139 = vector.shape_cast %get3A_138 : vector<1x16xf32> to vector<1x16xf32>
        %mul3A_140 = arith.mulf %get3A_135, %get3A_139 : vector<1x16xf32>
        %swap3A_141 = arith.index_cast %add3A_119 : i32 to index
        %swap3A_142 = arith.constant 16 : index
        %swap3A_143 = tpu.vector_load %arg9[%swap3A_141, %swap3A_142] {strides = array<i32>} : memref<40x128xf32, #tpu.memory_space<vmem>>, vector<1x16xf32>,
        %swap3A_144 = vector.shape_cast %swap3A_143 : vector<1x16xf32> to vector<1x16xf32>
        %swap3A_145 = vector.shape_cast %mul3A_140 : vector<1x16xf32> to vector<1x16xf32>
        tpu.vector_store %arg9[%swap3A_141, %swap3A_142], %swap3A_145 {strides = array<i32>} : memref<40x128xf32, #tpu.memory_space<vmem>>, vector<1x16xf32>,
        %get3A_146 = arith.index_cast %add3A_119 : i32 to index
        %get3A_147 = arith.constant 32 : index
        %get3A_148 = tpu.vector_load %arg9[%get3A_146, %get3A_147] {strides = array<i32>} : memref<40x128xf32, #tpu.memory_space<vmem>>, vector<1x16xf32>,
        %get3A_149 = vector.shape_cast %get3A_148 : vector<1x16xf32> to vector<1x16xf32>
        %get3A_150 = arith.index_cast %add3A_119 : i32 to index
        %get3A_151 = arith.constant 32 : index
        %get3A_152 = tpu.vector_load %arg13[%get3A_150, %get3A_151] {strides = array<i32>} : memref<40x128xf32, #tpu.memory_space<vmem>>, vector<1x16xf32>,
        %get3A_153 = vector.shape_cast %get3A_152 : vector<1x16xf32> to vector<1x16xf32>
        %mul3A_154 = arith.mulf %get3A_149, %get3A_153 : vector<1x16xf32>
        %swap3A_155 = arith.index_cast %add3A_119 : i32 to index
        %swap3A_156 = arith.constant 32 : index
        %swap3A_157 = tpu.vector_load %arg9[%swap3A_155, %swap3A_156] {strides = array<i32>} : memref<40x128xf32, #tpu.memory_space<vmem>>, vector<1x16xf32>,
        %swap3A_158 = vector.shape_cast %swap3A_157 : vector<1x16xf32> to vector<1x16xf32>
        %swap3A_159 = vector.shape_cast %mul3A_154 : vector<1x16xf32> to vector<1x16xf32>
        tpu.vector_store %arg9[%swap3A_155, %swap3A_156], %swap3A_159 {strides = array<i32>} : memref<40x128xf32, #tpu.memory_space<vmem>>, vector<1x16xf32>,
        %get3A_160 = arith.index_cast %add3A_119 : i32 to index
        %get3A_161 = arith.constant 48 : index
        %get3A_162 = tpu.vector_load %arg9[%get3A_160, %get3A_161] {strides = array<i32>} : memref<40x128xf32, #tpu.memory_space<vmem>>, vector<1x16xf32>,
        %get3A_163 = vector.shape_cast %get3A_162 : vector<1x16xf32> to vector<1x16xf32>
        %get3A_164 = arith.index_cast %add3A_119 : i32 to index
        %get3A_165 = arith.constant 48 : index
        %get3A_166 = tpu.vector_load %arg13[%get3A_164, %get3A_165] {strides = array<i32>} : memref<40x128xf32, #tpu.memory_space<vmem>>, vector<1x16xf32>,
        %get3A_167 = vector.shape_cast %get3A_166 : vector<1x16xf32> to vector<1x16xf32>
        %mul3A_168 = arith.mulf %get3A_163, %get3A_167 : vector<1x16xf32>
        %swap3A_169 = arith.index_cast %add3A_119 : i32 to index
        %swap3A_170 = arith.constant 48 : index
        %swap3A_171 = tpu.vector_load %arg9[%swap3A_169, %swap3A_170] {strides = array<i32>} : memref<40x128xf32, #tpu.memory_space<vmem>>, vector<1x16xf32>,
        %swap3A_172 = vector.shape_cast %swap3A_171 : vector<1x16xf32> to vector<1x16xf32>
        %swap3A_173 = vector.shape_cast %mul3A_168 : vector<1x16xf32> to vector<1x16xf32>
        tpu.vector_store %arg9[%swap3A_169, %swap3A_170], %swap3A_173 {strides = array<i32>} : memref<40x128xf32, #tpu.memory_space<vmem>>, vector<1x16xf32>,
        %get3A_174 = arith.index_cast %add3A_119 : i32 to index
        %get3A_175 = arith.constant 64 : index
        %get3A_176 = tpu.vector_load %arg9[%get3A_174, %get3A_175] {strides = array<i32>} : memref<40x128xf32, #tpu.memory_space<vmem>>, vector<1x16xf32>,
        %get3A_177 = vector.shape_cast %get3A_176 : vector<1x16xf32> to vector<1x16xf32>
        %get3A_178 = arith.index_cast %add3A_119 : i32 to index
        %get3A_179 = arith.constant 64 : index
        %get3A_180 = tpu.vector_load %arg13[%get3A_178, %get3A_179] {strides = array<i32>} : memref<40x128xf32, #tpu.memory_space<vmem>>, vector<1x16xf32>,
        %get3A_181 = vector.shape_cast %get3A_180 : vector<1x16xf32> to vector<1x16xf32>
        %mul3A_182 = arith.mulf %get3A_177, %get3A_181 : vector<1x16xf32>
        %swap3A_183 = arith.index_cast %add3A_119 : i32 to index
        %swap3A_184 = arith.constant 64 : index
        %swap3A_185 = tpu.vector_load %arg9[%swap3A_183, %swap3A_184] {strides = array<i32>} : memref<40x128xf32, #tpu.memory_space<vmem>>, vector<1x16xf32>,
        %swap3A_186 = vector.shape_cast %swap3A_185 : vector<1x16xf32> to vector<1x16xf32>
        %swap3A_187 = vector.shape_cast %mul3A_182 : vector<1x16xf32> to vector<1x16xf32>
        tpu.vector_store %arg9[%swap3A_183, %swap3A_184], %swap3A_187 {strides = array<i32>} : memref<40x128xf32, #tpu.memory_space<vmem>>, vector<1x16xf32>,
        %get3A_188 = arith.index_cast %add3A_119 : i32 to index
        %get3A_189 = arith.constant 80 : index
        %get3A_190 = tpu.vector_load %arg9[%get3A_188, %get3A_189] {strides = array<i32>} : memref<40x128xf32, #tpu.memory_space<vmem>>, vector<1x16xf32>,
        %get3A_191 = vector.shape_cast %get3A_190 : vector<1x16xf32> to vector<1x16xf32>
        %get3A_192 = arith.index_cast %add3A_119 : i32 to index
        %get3A_193 = arith.constant 80 : index
        %get3A_194 = tpu.vector_load %arg13[%get3A_192, %get3A_193] {strides = array<i32>} : memref<40x128xf32, #tpu.memory_space<vmem>>, vector<1x16xf32>,
        %get3A_195 = vector.shape_cast %get3A_194 : vector<1x16xf32> to vector<1x16xf32>
        %mul3A_196 = arith.mulf %get3A_191, %get3A_195 : vector<1x16xf32>
        %swap3A_197 = arith.index_cast %add3A_119 : i32 to index
        %swap3A_198 = arith.constant 80 : index
        %swap3A_199 = tpu.vector_load %arg9[%swap3A_197, %swap3A_198] {strides = array<i32>} : memref<40x128xf32, #tpu.memory_space<vmem>>, vector<1x16xf32>,
        %swap3A_200 = vector.shape_cast %swap3A_199 : vector<1x16xf32> to vector<1x16xf32>
        %swap3A_201 = vector.shape_cast %mul3A_196 : vector<1x16xf32> to vector<1x16xf32>
        tpu.vector_store %arg9[%swap3A_197, %swap3A_198], %swap3A_201 {strides = array<i32>} : memref<40x128xf32, #tpu.memory_space<vmem>>, vector<1x16xf32>,
        %get3A_202 = arith.index_cast %add3A_119 : i32 to index
        %get3A_203 = arith.constant 96 : index
        %get3A_204 = tpu.vector_load %arg9[%get3A_202, %get3A_203] {strides = array<i32>} : memref<40x128xf32, #tpu.memory_space<vmem>>, vector<1x16xf32>,
        %get3A_205 = vector.shape_cast %get3A_204 : vector<1x16xf32> to vector<1x16xf32>
        %get3A_206 = arith.index_cast %add3A_119 : i32 to index
        %get3A_207 = arith.constant 96 : index
        %get3A_208 = tpu.vector_load %arg13[%get3A_206, %get3A_207] {strides = array<i32>} : memref<40x128xf32, #tpu.memory_space<vmem>>, vector<1x16xf32>,
        %get3A_209 = vector.shape_cast %get3A_208 : vector<1x16xf32> to vector<1x16xf32>
        %mul3A_210 = arith.mulf %get3A_205, %get3A_209 : vector<1x16xf32>
        %swap3A_211 = arith.index_cast %add3A_119 : i32 to index
        %swap3A_212 = arith.constant 96 : index
        %swap3A_213 = tpu.vector_load %arg9[%swap3A_211, %swap3A_212] {strides = array<i32>} : memref<40x128xf32, #tpu.memory_space<vmem>>, vector<1x16xf32>,
        %swap3A_214 = vector.shape_cast %swap3A_213 : vector<1x16xf32> to vector<1x16xf32>
        %swap3A_215 = vector.shape_cast %mul3A_210 : vector<1x16xf32> to vector<1x16xf32>
        tpu.vector_store %arg9[%swap3A_211, %swap3A_212], %swap3A_215 {strides = array<i32>} : memref<40x128xf32, #tpu.memory_space<vmem>>, vector<1x16xf32>,
        %get3A_216 = arith.index_cast %add3A_119 : i32 to index
        %get3A_217 = arith.constant 112 : index
        %get3A_218 = tpu.vector_load %arg9[%get3A_216, %get3A_217] {strides = array<i32>} : memref<40x128xf32, #tpu.memory_space<vmem>>, vector<1x16xf32>,
        %get3A_219 = vector.shape_cast %get3A_218 : vector<1x16xf32> to vector<1x16xf32>
        %get3A_220 = arith.index_cast %add3A_119 : i32 to index
        %get3A_221 = arith.constant 112 : index
        %get3A_222 = tpu.vector_load %arg13[%get3A_220, %get3A_221] {strides = array<i32>} : memref<40x128xf32, #tpu.memory_space<vmem>>, vector<1x16xf32>,
        %get3A_223 = vector.shape_cast %get3A_222 : vector<1x16xf32> to vector<1x16xf32>
        %mul3A_224 = arith.mulf %get3A_219, %get3A_223 : vector<1x16xf32>
        %swap3A_225 = arith.index_cast %add3A_119 : i32 to index
        %swap3A_226 = arith.constant 112 : index
        %swap3A_227 = tpu.vector_load %arg9[%swap3A_225, %swap3A_226] {strides = array<i32>} : memref<40x128xf32, #tpu.memory_space<vmem>>, vector<1x16xf32>,
        %swap3A_228 = vector.shape_cast %swap3A_227 : vector<1x16xf32> to vector<1x16xf32>
        %swap3A_229 = vector.shape_cast %mul3A_224 : vector<1x16xf32> to vector<1x16xf32>
        tpu.vector_store %arg9[%swap3A_225, %swap3A_226], %swap3A_229 {strides = array<i32>} : memref<40x128xf32, #tpu.memory_space<vmem>>, vector<1x16xf32>,
      }
      %scan3A_83 = arith.constant 40 : i32
      %run_scoped3A = arith.constant 0 : i32
      "tpu.region"() ({
        %run_scoped3A_115 = tpu.sem_alloc : memref<!tpu.dma_semaphore, #tpu.memory_space<semaphore_mem>>
        %dma_start3A_116 = arith.constant 0 : i32
        %dma_start3A_117 = tpu.memref_slice %arg11[%run_scoped3A, %dma_start3A_116] : memref<1x40xi32, #tpu.memory_space<vmem>> -> memref<1x40xi32, #tpu.memory_space<vmem>>
        %dma_start3A_118 = tpu.memref_squeeze %dma_start3A_117 : memref<1x40xi32, #tpu.memory_space<vmem>> -> memref<40xi32, #tpu.memory_space<vmem>>
        %dma_start3A_119 = arith.constant 0 : i32
        %dma_start3A_120 = arith.constant 0 : i32
        %dma_start3A_121 = tpu.memref_slice %arg15[%dma_start3A_119, %dma_start3A_120] : memref<10112x128xf32, #tpu.memory_space<vmem_shared>> -> memref<10112x128xf32, #tpu.memory_space<vmem_shared>>
        tpu.enqueue_indirect_dma source(%arg9 : memref<40x128xf32, #tpu.memory_space<vmem>>) target(%dma_start3A_121 : memref<10112x128xf32, #tpu.memory_space<vmem_shared>>) offsets(%dma_start3A_118 : memref<40xi32, #tpu.memory_space<vmem>>) semaphore(%run_scoped3A_115 : memref<!tpu.dma_semaphore, #tpu.memory_space<semaphore_mem>>) {add = true}
        %dma_wait3A_122 = arith.constant 0 : i32
        %dma_wait3A_123 = tpu.memref_slice %arg11[%run_scoped3A, %dma_wait3A_122] : memref<1x40xi32, #tpu.memory_space<vmem>> -> memref<1x40xi32, #tpu.memory_space<vmem>>
        %dma_wait3A_124 = tpu.memref_squeeze %dma_wait3A_123 : memref<1x40xi32, #tpu.memory_space<vmem>> -> memref<40xi32, #tpu.memory_space<vmem>>
        %dma_wait3A_125 = arith.constant 0 : i32
        %dma_wait3A_126 = arith.constant 0 : i32
        %dma_wait3A_127 = tpu.memref_slice %arg15[%dma_wait3A_125, %dma_wait3A_126] : memref<10112x128xf32, #tpu.memory_space<vmem_shared>> -> memref<10112x128xf32, #tpu.memory_space<vmem_shared>>
        tpu.wait_indirect_dma semaphore(%run_scoped3A_115 : memref<!tpu.dma_semaphore, #tpu.memory_space<semaphore_mem>>) src(%arg9 : memref<40x128xf32, #tpu.memory_space<vmem>>) dst(%dma_wait3A_127 : memref<10112x128xf32, #tpu.memory_space<vmem_shared>>)
        tpu.yield
      }) : () -> ()
      %add3A_84 = arith.constant 2 : i32
      %add3A_85 = arith.addi %mul3A_37, %add3A_84 : i32
      %lt3A = arith.constant 250 : i32
      %lt3A_86 = arith.cmpi slt, %add3A_85, %lt3A : i32
      %convert_element_type3A = arith.extui %lt3A_86 : i1 to i32
      %cond3A = arith.constant 0 : i32
      %cond3A_87 = arith.cmpi ne, %convert_element_type3A, %cond3A : i32
      scf.if %cond3A_87 {
        %add3A_115 = arith.constant 2 : i32
        %add3A_116 = arith.addi %mul3A_37, %add3A_115 : i32
        %mul3A_117 = arith.constant 40 : i32
        %mul3A_118 = arith.muli %add3A_116, %mul3A_117 : i32
        %dma_start3A_119 = tpu.memref_slice %arg8[%mul3A_118] : memref<10000xi32, #tpu.memory_space<vmem>> -> memref<40xi32, #tpu.memory_space<vmem>>
        %dma_start3A_120 = arith.constant 0 : i32
        %dma_start3A_121 = arith.constant 0 : i32
        %dma_start3A_122 = tpu.memref_slice %arg2[%dma_start3A_120, %dma_start3A_121] : memref<10000x128xf32, #tpu.memory_space<hbm>> -> memref<10000x128xf32, #tpu.memory_space<hbm>>
        tpu.enqueue_indirect_dma source(%dma_start3A_122 : memref<10000x128xf32, #tpu.memory_space<hbm>>) target(%arg9 : memref<40x128xf32, #tpu.memory_space<vmem>>) offsets(%dma_start3A_119 : memref<40xi32, #tpu.memory_space<vmem>>) semaphore(%arg16 : memref<!tpu.dma_semaphore, #tpu.memory_space<semaphore_mem>>)
        %mul3A_123 = arith.constant 40 : i32
        %mul3A_124 = arith.muli %add3A_116, %mul3A_123 : i32
        %add3A_125 = arith.addi %mul3A_4, %mul3A_124 : i32
        %dma_start3A_126 = arith.constant 0 : i32
        %dma_start3A_127 = tpu.memref_slice %arg3[%add3A_125, %dma_start3A_126] : memref<320000x128xf32, #tpu.memory_space<hbm>> -> memref<40x128xf32, #tpu.memory_space<hbm>>
        %dma_start3A_128 = arith.constant 0 : i32
        %dma_start3A_129 = tpu.memref_slice %arg3[%add3A_125, %dma_start3A_128] : memref<320000x128xf32, #tpu.memory_space<hbm>> -> memref<40x128xf32, #tpu.memory_space<hbm>>
        tpu.enqueue_dma source(%dma_start3A_129 : memref<40x128xf32, #tpu.memory_space<hbm>>) target(%arg13 : memref<40x128xf32, #tpu.memory_space<vmem>>) target_semaphore(%arg18 : memref<!tpu.dma_semaphore, #tpu.memory_space<semaphore_mem>>)
        %dma_start3A_130 = arith.constant 0 : i32
        %dma_start3A_131 = tpu.memref_slice %arg5[%add3A, %add3A_116, %dma_start3A_130] : memref<32x250x40xi32, #tpu.memory_space<hbm>> -> memref<1x1x40xi32, #tpu.memory_space<hbm>>
        %dma_start3A_132 = tpu.memref_squeeze %dma_start3A_131 : memref<1x1x40xi32, #tpu.memory_space<hbm>> -> memref<1x40xi32, #tpu.memory_space<hbm>>
        %dma_start3A_133 = arith.constant 0 : i32
        %dma_start3A_134 = tpu.memref_slice %arg5[%add3A, %add3A_116, %dma_start3A_133] : memref<32x250x40xi32, #tpu.memory_space<hbm>> -> memref<1x1x40xi32, #tpu.memory_space<hbm>>
        %dma_start3A_135 = tpu.memref_squeeze %dma_start3A_134 : memref<1x1x40xi32, #tpu.memory_space<hbm>> -> memref<1x40xi32, #tpu.memory_space<hbm>>
        tpu.enqueue_dma source(%dma_start3A_135 : memref<1x40xi32, #tpu.memory_space<hbm>>) target(%arg11 : memref<1x40xi32, #tpu.memory_space<vmem>>) target_semaphore(%arg17 : memref<!tpu.dma_semaphore, #tpu.memory_space<semaphore_mem>>)
      } else {
      }
      %dma_wait3A_88 = arith.constant 0 : i32
      %dma_wait3A_89 = arith.constant 0 : i32
      %dma_wait3A_90 = tpu.memref_slice %arg2[%dma_wait3A_88, %dma_wait3A_89] : memref<10000x128xf32, #tpu.memory_space<hbm>> -> memref<40x128xf32, #tpu.memory_space<hbm>>
      %dma_wait3A_91 = arith.constant 0 : i32
      %dma_wait3A_92 = arith.constant 0 : i32
      %dma_wait3A_93 = tpu.memref_slice %arg2[%dma_wait3A_91, %dma_wait3A_92] : memref<10000x128xf32, #tpu.memory_space<hbm>> -> memref<40x128xf32, #tpu.memory_space<hbm>>
      tpu.wait_dma2 semaphore(%arg16 : memref<!tpu.dma_semaphore, #tpu.memory_space<semaphore_mem>>) src(%dma_wait3A_93 : memref<40x128xf32, #tpu.memory_space<hbm>>) dst(%arg10 : memref<40x128xf32, #tpu.memory_space<vmem>>)
      %dma_wait3A_94 = arith.constant 0 : i32
      %dma_wait3A_95 = arith.constant 0 : i32
      %dma_wait3A_96 = tpu.memref_slice %arg3[%dma_wait3A_94, %dma_wait3A_95] : memref<320000x128xf32, #tpu.memory_space<hbm>> -> memref<40x128xf32, #tpu.memory_space<hbm>>
      %dma_wait3A_97 = arith.constant 0 : i32
      %dma_wait3A_98 = arith.constant 0 : i32
      %dma_wait3A_99 = tpu.memref_slice %arg3[%dma_wait3A_97, %dma_wait3A_98] : memref<320000x128xf32, #tpu.memory_space<hbm>> -> memref<40x128xf32, #tpu.memory_space<hbm>>
      tpu.wait_dma2 semaphore(%arg18 : memref<!tpu.dma_semaphore, #tpu.memory_space<semaphore_mem>>) src(%dma_wait3A_99 : memref<40x128xf32, #tpu.memory_space<hbm>>) dst(%arg14 : memref<40x128xf32, #tpu.memory_space<vmem>>)
      %dma_wait3A_100 = arith.constant 0 : i32
      %dma_wait3A_101 = arith.constant 0 : i32
      %dma_wait3A_102 = arith.constant 0 : i32
      %dma_wait3A_103 = tpu.memref_slice %arg5[%dma_wait3A_100, %dma_wait3A_101, %dma_wait3A_102] : memref<32x250x40xi32, #tpu.memory_space<hbm>> -> memref<1x1x40xi32, #tpu.memory_space<hbm>>
      %dma_wait3A_104 = tpu.memref_squeeze %dma_wait3A_103 : memref<1x1x40xi32, #tpu.memory_space<hbm>> -> memref<1x40xi32, #tpu.memory_space<hbm>>
      %dma_wait3A_105 = arith.constant 0 : i32
      %dma_wait3A_106 = arith.constant 0 : i32
      %dma_wait3A_107 = tpu.memref_slice %arg5[%dma_wait3A_100, %dma_wait3A_105, %dma_wait3A_106] : memref<32x250x40xi32, #tpu.memory_space<hbm>> -> memref<1x1x40xi32, #tpu.memory_space<hbm>>
      %dma_wait3A_108 = tpu.memref_squeeze %dma_wait3A_107 : memref<1x1x40xi32, #tpu.memory_space<hbm>> -> memref<1x40xi32, #tpu.memory_space<hbm>>
      tpu.wait_dma2 semaphore(%arg17 : memref<!tpu.dma_semaphore, #tpu.memory_space<semaphore_mem>>) src(%dma_wait3A_108 : memref<1x40xi32, #tpu.memory_space<hbm>>) dst(%arg12 : memref<1x40xi32, #tpu.memory_space<vmem>>)
      %scan3A_109 = arith.constant 0 : i32
      %scan3A_110 = arith.constant 40 : i32
      %scan3A_111 = arith.addi %scan3A_109, %scan3A_110 : i32
      %scan3A_112 = arith.constant 1 : i32
      scf.for %scan3A_115 = %scan3A_109 to %scan3A_111 step %scan3A_112  : i32 {
        %mul3A_116 = arith.constant 1 : i32
        %mul3A_117 = arith.muli %scan3A_115, %mul3A_116 : i32
        %add3A_118 = arith.constant 0 : i32
        %add3A_119 = arith.addi %add3A_118, %mul3A_117 : i32
        %get3A = arith.index_cast %add3A_119 : i32 to index
        %get3A_120 = arith.constant 0 : index
        %get3A_121 = tpu.vector_load %arg10[%get3A, %get3A_120] {strides = array<i32>} : memref<40x128xf32, #tpu.memory_space<vmem>>, vector<1x16xf32>,
        %get3A_122 = vector.shape_cast %get3A_121 : vector<1x16xf32> to vector<1x16xf32>
        %get3A_123 = arith.index_cast %add3A_119 : i32 to index
        %get3A_124 = arith.constant 0 : index
        %get3A_125 = tpu.vector_load %arg14[%get3A_123, %get3A_124] {strides = array<i32>} : memref<40x128xf32, #tpu.memory_space<vmem>>, vector<1x16xf32>,
        %get3A_126 = vector.shape_cast %get3A_125 : vector<1x16xf32> to vector<1x16xf32>
        %mul3A_127 = arith.mulf %get3A_122, %get3A_126 : vector<1x16xf32>
        %swap3A = arith.index_cast %add3A_119 : i32 to index
        %swap3A_128 = arith.constant 0 : index
        %swap3A_129 = tpu.vector_load %arg10[%swap3A, %swap3A_128] {strides = array<i32>} : memref<40x128xf32, #tpu.memory_space<vmem>>, vector<1x16xf32>,
        %swap3A_130 = vector.shape_cast %swap3A_129 : vector<1x16xf32> to vector<1x16xf32>
        %swap3A_131 = vector.shape_cast %mul3A_127 : vector<1x16xf32> to vector<1x16xf32>
        tpu.vector_store %arg10[%swap3A, %swap3A_128], %swap3A_131 {strides = array<i32>} : memref<40x128xf32, #tpu.memory_space<vmem>>, vector<1x16xf32>,
        %get3A_132 = arith.index_cast %add3A_119 : i32 to index
        %get3A_133 = arith.constant 16 : index
        %get3A_134 = tpu.vector_load %arg10[%get3A_132, %get3A_133] {strides = array<i32>} : memref<40x128xf32, #tpu.memory_space<vmem>>, vector<1x16xf32>,
        %get3A_135 = vector.shape_cast %get3A_134 : vector<1x16xf32> to vector<1x16xf32>
        %get3A_136 = arith.index_cast %add3A_119 : i32 to index
        %get3A_137 = arith.constant 16 : index
        %get3A_138 = tpu.vector_load %arg14[%get3A_136, %get3A_137] {strides = array<i32>} : memref<40x128xf32, #tpu.memory_space<vmem>>, vector<1x16xf32>,
        %get3A_139 = vector.shape_cast %get3A_138 : vector<1x16xf32> to vector<1x16xf32>
        %mul3A_140 = arith.mulf %get3A_135, %get3A_139 : vector<1x16xf32>
        %swap3A_141 = arith.index_cast %add3A_119 : i32 to index
        %swap3A_142 = arith.constant 16 : index
        %swap3A_143 = tpu.vector_load %arg10[%swap3A_141, %swap3A_142] {strides = array<i32>} : memref<40x128xf32, #tpu.memory_space<vmem>>, vector<1x16xf32>,
        %swap3A_144 = vector.shape_cast %swap3A_143 : vector<1x16xf32> to vector<1x16xf32>
        %swap3A_145 = vector.shape_cast %mul3A_140 : vector<1x16xf32> to vector<1x16xf32>
        tpu.vector_store %arg10[%swap3A_141, %swap3A_142], %swap3A_145 {strides = array<i32>} : memref<40x128xf32, #tpu.memory_space<vmem>>, vector<1x16xf32>,
        %get3A_146 = arith.index_cast %add3A_119 : i32 to index
        %get3A_147 = arith.constant 32 : index
        %get3A_148 = tpu.vector_load %arg10[%get3A_146, %get3A_147] {strides = array<i32>} : memref<40x128xf32, #tpu.memory_space<vmem>>, vector<1x16xf32>,
        %get3A_149 = vector.shape_cast %get3A_148 : vector<1x16xf32> to vector<1x16xf32>
        %get3A_150 = arith.index_cast %add3A_119 : i32 to index
        %get3A_151 = arith.constant 32 : index
        %get3A_152 = tpu.vector_load %arg14[%get3A_150, %get3A_151] {strides = array<i32>} : memref<40x128xf32, #tpu.memory_space<vmem>>, vector<1x16xf32>,
        %get3A_153 = vector.shape_cast %get3A_152 : vector<1x16xf32> to vector<1x16xf32>
        %mul3A_154 = arith.mulf %get3A_149, %get3A_153 : vector<1x16xf32>
        %swap3A_155 = arith.index_cast %add3A_119 : i32 to index
        %swap3A_156 = arith.constant 32 : index
        %swap3A_157 = tpu.vector_load %arg10[%swap3A_155, %swap3A_156] {strides = array<i32>} : memref<40x128xf32, #tpu.memory_space<vmem>>, vector<1x16xf32>,
        %swap3A_158 = vector.shape_cast %swap3A_157 : vector<1x16xf32> to vector<1x16xf32>
        %swap3A_159 = vector.shape_cast %mul3A_154 : vector<1x16xf32> to vector<1x16xf32>
        tpu.vector_store %arg10[%swap3A_155, %swap3A_156], %swap3A_159 {strides = array<i32>} : memref<40x128xf32, #tpu.memory_space<vmem>>, vector<1x16xf32>,
        %get3A_160 = arith.index_cast %add3A_119 : i32 to index
        %get3A_161 = arith.constant 48 : index
        %get3A_162 = tpu.vector_load %arg10[%get3A_160, %get3A_161] {strides = array<i32>} : memref<40x128xf32, #tpu.memory_space<vmem>>, vector<1x16xf32>,
        %get3A_163 = vector.shape_cast %get3A_162 : vector<1x16xf32> to vector<1x16xf32>
        %get3A_164 = arith.index_cast %add3A_119 : i32 to index
        %get3A_165 = arith.constant 48 : index
        %get3A_166 = tpu.vector_load %arg14[%get3A_164, %get3A_165] {strides = array<i32>} : memref<40x128xf32, #tpu.memory_space<vmem>>, vector<1x16xf32>,
        %get3A_167 = vector.shape_cast %get3A_166 : vector<1x16xf32> to vector<1x16xf32>
        %mul3A_168 = arith.mulf %get3A_163, %get3A_167 : vector<1x16xf32>
        %swap3A_169 = arith.index_cast %add3A_119 : i32 to index
        %swap3A_170 = arith.constant 48 : index
        %swap3A_171 = tpu.vector_load %arg10[%swap3A_169, %swap3A_170] {strides = array<i32>} : memref<40x128xf32, #tpu.memory_space<vmem>>, vector<1x16xf32>,
        %swap3A_172 = vector.shape_cast %swap3A_171 : vector<1x16xf32> to vector<1x16xf32>
        %swap3A_173 = vector.shape_cast %mul3A_168 : vector<1x16xf32> to vector<1x16xf32>
        tpu.vector_store %arg10[%swap3A_169, %swap3A_170], %swap3A_173 {strides = array<i32>} : memref<40x128xf32, #tpu.memory_space<vmem>>, vector<1x16xf32>,
        %get3A_174 = arith.index_cast %add3A_119 : i32 to index
        %get3A_175 = arith.constant 64 : index
        %get3A_176 = tpu.vector_load %arg10[%get3A_174, %get3A_175] {strides = array<i32>} : memref<40x128xf32, #tpu.memory_space<vmem>>, vector<1x16xf32>,
        %get3A_177 = vector.shape_cast %get3A_176 : vector<1x16xf32> to vector<1x16xf32>
        %get3A_178 = arith.index_cast %add3A_119 : i32 to index
        %get3A_179 = arith.constant 64 : index
        %get3A_180 = tpu.vector_load %arg14[%get3A_178, %get3A_179] {strides = array<i32>} : memref<40x128xf32, #tpu.memory_space<vmem>>, vector<1x16xf32>,
        %get3A_181 = vector.shape_cast %get3A_180 : vector<1x16xf32> to vector<1x16xf32>
        %mul3A_182 = arith.mulf %get3A_177, %get3A_181 : vector<1x16xf32>
        %swap3A_183 = arith.index_cast %add3A_119 : i32 to index
        %swap3A_184 = arith.constant 64 : index
        %swap3A_185 = tpu.vector_load %arg10[%swap3A_183, %swap3A_184] {strides = array<i32>} : memref<40x128xf32, #tpu.memory_space<vmem>>, vector<1x16xf32>,
        %swap3A_186 = vector.shape_cast %swap3A_185 : vector<1x16xf32> to vector<1x16xf32>
        %swap3A_187 = vector.shape_cast %mul3A_182 : vector<1x16xf32> to vector<1x16xf32>
        tpu.vector_store %arg10[%swap3A_183, %swap3A_184], %swap3A_187 {strides = array<i32>} : memref<40x128xf32, #tpu.memory_space<vmem>>, vector<1x16xf32>,
        %get3A_188 = arith.index_cast %add3A_119 : i32 to index
        %get3A_189 = arith.constant 80 : index
        %get3A_190 = tpu.vector_load %arg10[%get3A_188, %get3A_189] {strides = array<i32>} : memref<40x128xf32, #tpu.memory_space<vmem>>, vector<1x16xf32>,
        %get3A_191 = vector.shape_cast %get3A_190 : vector<1x16xf32> to vector<1x16xf32>
        %get3A_192 = arith.index_cast %add3A_119 : i32 to index
        %get3A_193 = arith.constant 80 : index
        %get3A_194 = tpu.vector_load %arg14[%get3A_192, %get3A_193] {strides = array<i32>} : memref<40x128xf32, #tpu.memory_space<vmem>>, vector<1x16xf32>,
        %get3A_195 = vector.shape_cast %get3A_194 : vector<1x16xf32> to vector<1x16xf32>
        %mul3A_196 = arith.mulf %get3A_191, %get3A_195 : vector<1x16xf32>
        %swap3A_197 = arith.index_cast %add3A_119 : i32 to index
        %swap3A_198 = arith.constant 80 : index
        %swap3A_199 = tpu.vector_load %arg10[%swap3A_197, %swap3A_198] {strides = array<i32>} : memref<40x128xf32, #tpu.memory_space<vmem>>, vector<1x16xf32>,
        %swap3A_200 = vector.shape_cast %swap3A_199 : vector<1x16xf32> to vector<1x16xf32>
        %swap3A_201 = vector.shape_cast %mul3A_196 : vector<1x16xf32> to vector<1x16xf32>
        tpu.vector_store %arg10[%swap3A_197, %swap3A_198], %swap3A_201 {strides = array<i32>} : memref<40x128xf32, #tpu.memory_space<vmem>>, vector<1x16xf32>,
        %get3A_202 = arith.index_cast %add3A_119 : i32 to index
        %get3A_203 = arith.constant 96 : index
        %get3A_204 = tpu.vector_load %arg10[%get3A_202, %get3A_203] {strides = array<i32>} : memref<40x128xf32, #tpu.memory_space<vmem>>, vector<1x16xf32>,
        %get3A_205 = vector.shape_cast %get3A_204 : vector<1x16xf32> to vector<1x16xf32>
        %get3A_206 = arith.index_cast %add3A_119 : i32 to index
        %get3A_207 = arith.constant 96 : index
        %get3A_208 = tpu.vector_load %arg14[%get3A_206, %get3A_207] {strides = array<i32>} : memref<40x128xf32, #tpu.memory_space<vmem>>, vector<1x16xf32>,
        %get3A_209 = vector.shape_cast %get3A_208 : vector<1x16xf32> to vector<1x16xf32>
        %mul3A_210 = arith.mulf %get3A_205, %get3A_209 : vector<1x16xf32>
        %swap3A_211 = arith.index_cast %add3A_119 : i32 to index
        %swap3A_212 = arith.constant 96 : index
        %swap3A_213 = tpu.vector_load %arg10[%swap3A_211, %swap3A_212] {strides = array<i32>} : memref<40x128xf32, #tpu.memory_space<vmem>>, vector<1x16xf32>,
        %swap3A_214 = vector.shape_cast %swap3A_213 : vector<1x16xf32> to vector<1x16xf32>
        %swap3A_215 = vector.shape_cast %mul3A_210 : vector<1x16xf32> to vector<1x16xf32>
        tpu.vector_store %arg10[%swap3A_211, %swap3A_212], %swap3A_215 {strides = array<i32>} : memref<40x128xf32, #tpu.memory_space<vmem>>, vector<1x16xf32>,
        %get3A_216 = arith.index_cast %add3A_119 : i32 to index
        %get3A_217 = arith.constant 112 : index
        %get3A_218 = tpu.vector_load %arg10[%get3A_216, %get3A_217] {strides = array<i32>} : memref<40x128xf32, #tpu.memory_space<vmem>>, vector<1x16xf32>,
        %get3A_219 = vector.shape_cast %get3A_218 : vector<1x16xf32> to vector<1x16xf32>
        %get3A_220 = arith.index_cast %add3A_119 : i32 to index
        %get3A_221 = arith.constant 112 : index
        %get3A_222 = tpu.vector_load %arg14[%get3A_220, %get3A_221] {strides = array<i32>} : memref<40x128xf32, #tpu.memory_space<vmem>>, vector<1x16xf32>,
        %get3A_223 = vector.shape_cast %get3A_222 : vector<1x16xf32> to vector<1x16xf32>
        %mul3A_224 = arith.mulf %get3A_219, %get3A_223 : vector<1x16xf32>
        %swap3A_225 = arith.index_cast %add3A_119 : i32 to index
        %swap3A_226 = arith.constant 112 : index
        %swap3A_227 = tpu.vector_load %arg10[%swap3A_225, %swap3A_226] {strides = array<i32>} : memref<40x128xf32, #tpu.memory_space<vmem>>, vector<1x16xf32>,
        %swap3A_228 = vector.shape_cast %swap3A_227 : vector<1x16xf32> to vector<1x16xf32>
        %swap3A_229 = vector.shape_cast %mul3A_224 : vector<1x16xf32> to vector<1x16xf32>
        tpu.vector_store %arg10[%swap3A_225, %swap3A_226], %swap3A_229 {strides = array<i32>} : memref<40x128xf32, #tpu.memory_space<vmem>>, vector<1x16xf32>,
      }
      %scan3A_113 = arith.constant 40 : i32
      %run_scoped3A_114 = arith.constant 0 : i32
      "tpu.region"() ({
        %run_scoped3A_115 = tpu.sem_alloc : memref<!tpu.dma_semaphore, #tpu.memory_space<semaphore_mem>>
        %dma_start3A_116 = arith.constant 0 : i32
        %dma_start3A_117 = tpu.memref_slice %arg12[%run_scoped3A_114, %dma_start3A_116] : memref<1x40xi32, #tpu.memory_space<vmem>> -> memref<1x40xi32, #tpu.memory_space<vmem>>
        %dma_start3A_118 = tpu.memref_squeeze %dma_start3A_117 : memref<1x40xi32, #tpu.memory_space<vmem>> -> memref<40xi32, #tpu.memory_space<vmem>>
        %dma_start3A_119 = arith.constant 0 : i32
        %dma_start3A_120 = arith.constant 0 : i32
        %dma_start3A_121 = tpu.memref_slice %arg15[%dma_start3A_119, %dma_start3A_120] : memref<10112x128xf32, #tpu.memory_space<vmem_shared>> -> memref<10112x128xf32, #tpu.memory_space<vmem_shared>>
        tpu.enqueue_indirect_dma source(%arg10 : memref<40x128xf32, #tpu.memory_space<vmem>>) target(%dma_start3A_121 : memref<10112x128xf32, #tpu.memory_space<vmem_shared>>) offsets(%dma_start3A_118 : memref<40xi32, #tpu.memory_space<vmem>>) semaphore(%run_scoped3A_115 : memref<!tpu.dma_semaphore, #tpu.memory_space<semaphore_mem>>) {add = true}
        %dma_wait3A_122 = arith.constant 0 : i32
        %dma_wait3A_123 = tpu.memref_slice %arg12[%run_scoped3A_114, %dma_wait3A_122] : memref<1x40xi32, #tpu.memory_space<vmem>> -> memref<1x40xi32, #tpu.memory_space<vmem>>
        %dma_wait3A_124 = tpu.memref_squeeze %dma_wait3A_123 : memref<1x40xi32, #tpu.memory_space<vmem>> -> memref<40xi32, #tpu.memory_space<vmem>>
        %dma_wait3A_125 = arith.constant 0 : i32
        %dma_wait3A_126 = arith.constant 0 : i32
        %dma_wait3A_127 = tpu.memref_slice %arg15[%dma_wait3A_125, %dma_wait3A_126] : memref<10112x128xf32, #tpu.memory_space<vmem_shared>> -> memref<10112x128xf32, #tpu.memory_space<vmem_shared>>
        tpu.wait_indirect_dma semaphore(%run_scoped3A_115 : memref<!tpu.dma_semaphore, #tpu.memory_space<semaphore_mem>>) src(%arg10 : memref<40x128xf32, #tpu.memory_space<vmem>>) dst(%dma_wait3A_127 : memref<10112x128xf32, #tpu.memory_space<vmem_shared>>)
        tpu.yield
      }) : () -> ()
    }
    %scan3A_26 = arith.constant 125 : i32
    %barrier3A_27 = arith.constant 0 : index
    tpu.barrier barrier_id(%barrier3A_27)
    %mul3A_28 = arith.constant 10112 : i32
    %mul3A_29 = arith.muli %arg0, %mul3A_28 : i32
    %add3A_30 = arith.addi %mul3A_29, %mul3A_2 : i32
    "tpu.region"() ({
      %run_scoped3A = tpu.sem_alloc : memref<!tpu.dma_semaphore, #tpu.memory_space<semaphore_mem>>
      %dma_start3A_31 = arith.constant 0 : i32
      %dma_start3A_32 = tpu.memref_slice %arg7[%add3A_30, %dma_start3A_31] : memref<20224x128xf32, #tpu.memory_space<hbm>> -> memref<632x128xf32, #tpu.memory_space<hbm>>
      %dma_start3A_33 = arith.constant 0 : i32
      %dma_start3A_34 = tpu.memref_slice %arg15[%mul3A_2, %dma_start3A_33] : memref<10112x128xf32, #tpu.memory_space<vmem_shared>> -> memref<632x128xf32, #tpu.memory_space<vmem_shared>>
      tpu.enqueue_dma source(%dma_start3A_34 : memref<632x128xf32, #tpu.memory_space<vmem_shared>>) target(%dma_start3A_32 : memref<632x128xf32, #tpu.memory_space<hbm>>) target_semaphore(%run_scoped3A : memref<!tpu.dma_semaphore, #tpu.memory_space<semaphore_mem>>)
      %dma_wait3A = arith.constant 0 : i32
      %dma_wait3A_35 = tpu.memref_slice %arg7[%add3A_30, %dma_wait3A] : memref<20224x128xf32, #tpu.memory_space<hbm>> -> memref<632x128xf32, #tpu.memory_space<hbm>>
      %dma_wait3A_36 = arith.constant 0 : i32
      %dma_wait3A_37 = tpu.memref_slice %arg15[%mul3A_2, %dma_wait3A_36] : memref<10112x128xf32, #tpu.memory_space<vmem_shared>> -> memref<632x128xf32, #tpu.memory_space<vmem_shared>>
      tpu.wait_dma2 semaphore(%run_scoped3A : memref<!tpu.dma_semaphore, #tpu.memory_space<semaphore_mem>>) src(%dma_wait3A_37 : memref<632x128xf32, #tpu.memory_space<vmem_shared>>) dst(%dma_wait3A_35 : memref<632x128xf32, #tpu.memory_space<hbm>>)
      tpu.yield
    }) : () -> ()
    return
  }
}

#map = affine_map<(d0, d1) -> (0, 0)>
#map1 = affine_map<(d0, d1) -> (0)>
#map2 = affine_map<(d0, d1) -> (0, 0, 0)>
module attributes {stable_mosaic.version = 14 : i64} {
  func.func @k(%arg0: i32, %arg1: i32, %arg2: memref<10000x128xf32, #tpu.memory_space<hbm>>, %arg3: memref<320000x128xf32, #tpu.memory_space<hbm>>, %arg4: memref<320000xi32, #tpu.memory_space<hbm>>, %arg5: memref<32x250x40xi32, #tpu.memory_space<hbm>>, %arg6: memref<10112x128xf32, #tpu.memory_space<hbm>>, %arg7: memref<20224x128xf32, #tpu.memory_space<hbm>>, %arg8: memref<10000xi32, #tpu.memory_space<vmem>>, %arg9: memref<40x128xf32, #tpu.memory_space<vmem>>, %arg10: memref<40x128xf32, #tpu.memory_space<vmem>>, %arg11: memref<1x40xi32, #tpu.memory_space<vmem>>, %arg12: memref<1x40xi32, #tpu.memory_space<vmem>>, %arg13: memref<40x128xf32, #tpu.memory_space<vmem>>, %arg14: memref<40x128xf32, #tpu.memory_space<vmem>>, %arg15: memref<10112x128xf32, #tpu.memory_space<vmem_shared>>, %arg16: memref<!tpu.dma_semaphore, #tpu.memory_space<semaphore_mem>>, %arg17: memref<!tpu.dma_semaphore, #tpu.memory_space<semaphore_mem>>, %arg18: memref<!tpu.dma_semaphore, #tpu.memory_space<semaphore_mem>>) attributes {dimension_semantics = [#tpu.dimension_semantics<core_parallel>, #tpu.dimension_semantics<subcore_parallel>], iteration_bounds = array<i64: 2, 16>, scalar_prefetch = 0 : i64, scratch_operands = 11 : i64, tpu.core_type = #tpu.core_type<sc_vector_subcore>, window_params = [{transform_indices = #map}, {transform_indices = #map}, {transform_indices = #map1}, {transform_indices = #map2}, {transform_indices = #map}, {transform_indices = #map}]} {
    %mul3A = arith.constant 2 : i32
    %mul3A_0 = arith.muli %arg1, %mul3A : i32
    %add3A = arith.addi %mul3A_0, %arg0 : i32
    %mul3A_1 = arith.constant 632 : i32
    %mul3A_2 = arith.muli %arg1, %mul3A_1 : i32
    %mul3A_3 = arith.constant 10000 : i32
    %mul3A_4 = arith.muli %add3A, %mul3A_3 : i32
    "tpu.region"() ({
      %run_scoped3A = tpu.sem_alloc : memref<!tpu.dma_semaphore, #tpu.memory_space<semaphore_mem>>
      %dma_start3A_31 = arith.constant 0 : i32
      %dma_start3A_32 = tpu.memref_slice %arg15[%mul3A_2, %dma_start3A_31] : memref<10112x128xf32, #tpu.memory_space<vmem_shared>> -> memref<632x128xf32, #tpu.memory_space<vmem_shared>>
      %dma_start3A_33 = arith.constant 0 : i32
      %dma_start3A_34 = tpu.memref_slice %arg6[%mul3A_2, %dma_start3A_33] : memref<10112x128xf32, #tpu.memory_space<hbm>> -> memref<632x128xf32, #tpu.memory_space<hbm>>
      tpu.enqueue_dma source(%dma_start3A_34 : memref<632x128xf32, #tpu.memory_space<hbm>>) target(%dma_start3A_32 : memref<632x128xf32, #tpu.memory_space<vmem_shared>>) target_semaphore(%run_scoped3A : memref<!tpu.dma_semaphore, #tpu.memory_space<semaphore_mem>>)
      %dma_wait3A = arith.constant 0 : i32
      %dma_wait3A_35 = tpu.memref_slice %arg15[%mul3A_2, %dma_wait3A] : memref<10112x128xf32, #tpu.memory_space<vmem_shared>> -> memref<632x128xf32, #tpu.memory_space<vmem_shared>>
      %dma_wait3A_36 = arith.constant 0 : i32
      %dma_wait3A_37 = tpu.memref_slice %arg6[%mul3A_2, %dma_wait3A_36] : memref<10112x128xf32, #tpu.memory_space<hbm>> -> memref<632x128xf32, #tpu.memory_space<hbm>>
      tpu.wait_dma2 semaphore(%run_scoped3A : memref<!tpu.dma_semaphore, #tpu.memory_space<semaphore_mem>>) src(%dma_wait3A_37 : memref<632x128xf32, #tpu.memory_space<hbm>>) dst(%dma_wait3A_35 : memref<632x128xf32, #tpu.memory_space<vmem_shared>>)
      tpu.yield
    }) : () -> ()
    "tpu.region"() ({
      %run_scoped3A = tpu.sem_alloc : memref<!tpu.dma_semaphore, #tpu.memory_space<semaphore_mem>>
      %dma_start3A_31 = tpu.memref_slice %arg4[%mul3A_4] : memref<320000xi32, #tpu.memory_space<hbm>> -> memref<10000xi32, #tpu.memory_space<hbm>>
      %dma_start3A_32 = tpu.memref_slice %arg4[%mul3A_4] : memref<320000xi32, #tpu.memory_space<hbm>> -> memref<10000xi32, #tpu.memory_space<hbm>>
      tpu.enqueue_dma source(%dma_start3A_32 : memref<10000xi32, #tpu.memory_space<hbm>>) target(%arg8 : memref<10000xi32, #tpu.memory_space<vmem>>) target_semaphore(%run_scoped3A : memref<!tpu.dma_semaphore, #tpu.memory_space<semaphore_mem>>)
      %dma_wait3A = tpu.memref_slice %arg4[%mul3A_4] : memref<320000xi32, #tpu.memory_space<hbm>> -> memref<10000xi32, #tpu.memory_space<hbm>>
      %dma_wait3A_33 = tpu.memref_slice %arg4[%mul3A_4] : memref<320000xi32, #tpu.memory_space<hbm>> -> memref<10000xi32, #tpu.memory_space<hbm>>
      tpu.wait_dma2 semaphore(%run_scoped3A : memref<!tpu.dma_semaphore, #tpu.memory_space<semaphore_mem>>) src(%dma_wait3A_33 : memref<10000xi32, #tpu.memory_space<hbm>>) dst(%arg8 : memref<10000xi32, #tpu.memory_space<vmem>>)
      tpu.yield
    }) : () -> ()
    %barrier3A = arith.constant 0 : index
    tpu.barrier barrier_id(%barrier3A)
    %dma_start3A = arith.constant 0 : i32
    %dma_start3A_5 = tpu.memref_slice %arg8[%dma_start3A] : memref<10000xi32, #tpu.memory_space<vmem>> -> memref<40xi32, #tpu.memory_space<vmem>>
    %dma_start3A_6 = arith.constant 0 : i32
    %dma_start3A_7 = arith.constant 0 : i32
    %dma_start3A_8 = tpu.memref_slice %arg2[%dma_start3A_6, %dma_start3A_7] : memref<10000x128xf32, #tpu.memory_space<hbm>> -> memref<10000x128xf32, #tpu.memory_space<hbm>>
    tpu.enqueue_indirect_dma source(%dma_start3A_8 : memref<10000x128xf32, #tpu.memory_space<hbm>>) target(%arg9 : memref<40x128xf32, #tpu.memory_space<vmem>>) offsets(%dma_start3A_5 : memref<40xi32, #tpu.memory_space<vmem>>) semaphore(%arg16 : memref<!tpu.dma_semaphore, #tpu.memory_space<semaphore_mem>>)
    %add3A_9 = arith.constant 0 : i32
    %add3A_10 = arith.addi %mul3A_4, %add3A_9 : i32
    %dma_start3A_11 = arith.constant 0 : i32
    %dma_start3A_12 = tpu.memref_slice %arg3[%add3A_10, %dma_start3A_11] : memref<320000x128xf32, #tpu.memory_space<hbm>> -> memref<40x128xf32, #tpu.memory_space<hbm>>
    %dma_start3A_13 = arith.constant 0 : i32
    %dma_start3A_14 = tpu.memref_slice %arg3[%add3A_10, %dma_start3A_13] : memref<320000x128xf32, #tpu.memory_space<hbm>> -> memref<40x128xf32, #tpu.memory_space<hbm>>
    tpu.enqueue_dma source(%dma_start3A_14 : memref<40x128xf32, #tpu.memory_space<hbm>>) target(%arg13 : memref<40x128xf32, #tpu.memory_space<vmem>>) target_semaphore(%arg18 : memref<!tpu.dma_semaphore, #tpu.memory_space<semaphore_mem>>)
    %dma_start3A_15 = arith.constant 0 : i32
    %dma_start3A_16 = arith.constant 0 : i32
    %dma_start3A_17 = tpu.memref_slice %arg5[%add3A, %dma_start3A_15, %dma_start3A_16] : memref<32x250x40xi32, #tpu.memory_space<hbm>> -> memref<1x1x40xi32, #tpu.memory_space<hbm>>
    %dma_start3A_18 = tpu.memref_squeeze %dma_start3A_17 : memref<1x1x40xi32, #tpu.memory_space<hbm>> -> memref<1x40xi32, #tpu.memory_space<hbm>>
    %dma_start3A_19 = arith.constant 0 : i32
    %dma_start3A_20 = arith.constant 0 : i32
    %dma_start3A_21 = tpu.memref_slice %arg5[%add3A, %dma_start3A_19, %dma_start3A_20] : memref<32x250x40xi32, #tpu.memory_space<hbm>> -> memref<1x1x40xi32, #tpu.memory_space<hbm>>
    %dma_start3A_22 = tpu.memref_squeeze %dma_start3A_21 : memref<1x1x40xi32, #tpu.memory_space<hbm>> -> memref<1x40xi32, #tpu.memory_space<hbm>>
    tpu.enqueue_dma source(%dma_start3A_22 : memref<1x40xi32, #tpu.memory_space<hbm>>) target(%arg11 : memref<1x40xi32, #tpu.memory_space<vmem>>) target_semaphore(%arg17 : memref<!tpu.dma_semaphore, #tpu.memory_space<semaphore_mem>>)
    %scan3A = arith.constant 0 : i32
    %scan3A_23 = arith.constant 125 : i32
    %scan3A_24 = arith.addi %scan3A, %scan3A_23 : i32
    %scan3A_25 = arith.constant 1 : i32
    scf.for %scan3A_31 = %scan3A to %scan3A_24 step %scan3A_25  : i32 {
      %mul3A_32 = arith.constant 1 : i32
      %mul3A_33 = arith.muli %scan3A_31, %mul3A_32 : i32
      %add3A_34 = arith.constant 0 : i32
      %add3A_35 = arith.addi %add3A_34, %mul3A_33 : i32
      %mul3A_36 = arith.constant 2 : i32
      %mul3A_37 = arith.muli %mul3A_36, %add3A_35 : i32
      %add3A_38 = arith.constant 1 : i32
      %add3A_39 = arith.addi %mul3A_37, %add3A_38 : i32
      %mul3A_40 = arith.constant 40 : i32
      %mul3A_41 = arith.muli %add3A_39, %mul3A_40 : i32
      %dma_start3A_42 = tpu.memref_slice %arg8[%mul3A_41] : memref<10000xi32, #tpu.memory_space<vmem>> -> memref<40xi32, #tpu.memory_space<vmem>>
      %dma_start3A_43 = arith.constant 0 : i32
      %dma_start3A_44 = arith.constant 0 : i32
      %dma_start3A_45 = tpu.memref_slice %arg2[%dma_start3A_43, %dma_start3A_44] : memref<10000x128xf32, #tpu.memory_space<hbm>> -> memref<10000x128xf32, #tpu.memory_space<hbm>>
      tpu.enqueue_indirect_dma source(%dma_start3A_45 : memref<10000x128xf32, #tpu.memory_space<hbm>>) target(%arg10 : memref<40x128xf32, #tpu.memory_space<vmem>>) offsets(%dma_start3A_42 : memref<40xi32, #tpu.memory_space<vmem>>) semaphore(%arg16 : memref<!tpu.dma_semaphore, #tpu.memory_space<semaphore_mem>>)
      %mul3A_46 = arith.constant 40 : i32
      %mul3A_47 = arith.muli %add3A_39, %mul3A_46 : i32
      %add3A_48 = arith.addi %mul3A_4, %mul3A_47 : i32
      %dma_start3A_49 = arith.constant 0 : i32
      %dma_start3A_50 = tpu.memref_slice %arg3[%add3A_48, %dma_start3A_49] : memref<320000x128xf32, #tpu.memory_space<hbm>> -> memref<40x128xf32, #tpu.memory_space<hbm>>
      %dma_start3A_51 = arith.constant 0 : i32
      %dma_start3A_52 = tpu.memref_slice %arg3[%add3A_48, %dma_start3A_51] : memref<320000x128xf32, #tpu.memory_space<hbm>> -> memref<40x128xf32, #tpu.memory_space<hbm>>
      tpu.enqueue_dma source(%dma_start3A_52 : memref<40x128xf32, #tpu.memory_space<hbm>>) target(%arg14 : memref<40x128xf32, #tpu.memory_space<vmem>>) target_semaphore(%arg18 : memref<!tpu.dma_semaphore, #tpu.memory_space<semaphore_mem>>)
      %dma_start3A_53 = arith.constant 0 : i32
      %dma_start3A_54 = tpu.memref_slice %arg5[%add3A, %add3A_39, %dma_start3A_53] : memref<32x250x40xi32, #tpu.memory_space<hbm>> -> memref<1x1x40xi32, #tpu.memory_space<hbm>>
      %dma_start3A_55 = tpu.memref_squeeze %dma_start3A_54 : memref<1x1x40xi32, #tpu.memory_space<hbm>> -> memref<1x40xi32, #tpu.memory_space<hbm>>
      %dma_start3A_56 = arith.constant 0 : i32
      %dma_start3A_57 = tpu.memref_slice %arg5[%add3A, %add3A_39, %dma_start3A_56] : memref<32x250x40xi32, #tpu.memory_space<hbm>> -> memref<1x1x40xi32, #tpu.memory_space<hbm>>
      %dma_start3A_58 = tpu.memref_squeeze %dma_start3A_57 : memref<1x1x40xi32, #tpu.memory_space<hbm>> -> memref<1x40xi32, #tpu.memory_space<hbm>>
      tpu.enqueue_dma source(%dma_start3A_58 : memref<1x40xi32, #tpu.memory_space<hbm>>) target(%arg12 : memref<1x40xi32, #tpu.memory_space<vmem>>) target_semaphore(%arg17 : memref<!tpu.dma_semaphore, #tpu.memory_space<semaphore_mem>>)
      %dma_wait3A = arith.constant 0 : i32
      %dma_wait3A_59 = arith.constant 0 : i32
      %dma_wait3A_60 = tpu.memref_slice %arg2[%dma_wait3A, %dma_wait3A_59] : memref<10000x128xf32, #tpu.memory_space<hbm>> -> memref<40x128xf32, #tpu.memory_space<hbm>>
      %dma_wait3A_61 = arith.constant 0 : i32
      %dma_wait3A_62 = arith.constant 0 : i32
      %dma_wait3A_63 = tpu.memref_slice %arg2[%dma_wait3A_61, %dma_wait3A_62] : memref<10000x128xf32, #tpu.memory_space<hbm>> -> memref<40x128xf32, #tpu.memory_space<hbm>>
      tpu.wait_dma2 semaphore(%arg16 : memref<!tpu.dma_semaphore, #tpu.memory_space<semaphore_mem>>) src(%dma_wait3A_63 : memref<40x128xf32, #tpu.memory_space<hbm>>) dst(%arg9 : memref<40x128xf32, #tpu.memory_space<vmem>>)
      %dma_wait3A_64 = arith.constant 0 : i32
      %dma_wait3A_65 = arith.constant 0 : i32
      %dma_wait3A_66 = tpu.memref_slice %arg3[%dma_wait3A_64, %dma_wait3A_65] : memref<320000x128xf32, #tpu.memory_space<hbm>> -> memref<40x128xf32, #tpu.memory_space<hbm>>
      %dma_wait3A_67 = arith.constant 0 : i32
      %dma_wait3A_68 = arith.constant 0 : i32
      %dma_wait3A_69 = tpu.memref_slice %arg3[%dma_wait3A_67, %dma_wait3A_68] : memref<320000x128xf32, #tpu.memory_space<hbm>> -> memref<40x128xf32, #tpu.memory_space<hbm>>
      tpu.wait_dma2 semaphore(%arg18 : memref<!tpu.dma_semaphore, #tpu.memory_space<semaphore_mem>>) src(%dma_wait3A_69 : memref<40x128xf32, #tpu.memory_space<hbm>>) dst(%arg13 : memref<40x128xf32, #tpu.memory_space<vmem>>)
      %dma_wait3A_70 = arith.constant 0 : i32
      %dma_wait3A_71 = arith.constant 0 : i32
      %dma_wait3A_72 = arith.constant 0 : i32
      %dma_wait3A_73 = tpu.memref_slice %arg5[%dma_wait3A_70, %dma_wait3A_71, %dma_wait3A_72] : memref<32x250x40xi32, #tpu.memory_space<hbm>> -> memref<1x1x40xi32, #tpu.memory_space<hbm>>
      %dma_wait3A_74 = tpu.memref_squeeze %dma_wait3A_73 : memref<1x1x40xi32, #tpu.memory_space<hbm>> -> memref<1x40xi32, #tpu.memory_space<hbm>>
      %dma_wait3A_75 = arith.constant 0 : i32
      %dma_wait3A_76 = arith.constant 0 : i32
      %dma_wait3A_77 = tpu.memref_slice %arg5[%dma_wait3A_70, %dma_wait3A_75, %dma_wait3A_76] : memref<32x250x40xi32, #tpu.memory_space<hbm>> -> memref<1x1x40xi32, #tpu.memory_space<hbm>>
      %dma_wait3A_78 = tpu.memref_squeeze %dma_wait3A_77 : memref<1x1x40xi32, #tpu.memory_space<hbm>> -> memref<1x40xi32, #tpu.memory_space<hbm>>
      tpu.wait_dma2 semaphore(%arg17 : memref<!tpu.dma_semaphore, #tpu.memory_space<semaphore_mem>>) src(%dma_wait3A_78 : memref<1x40xi32, #tpu.memory_space<hbm>>) dst(%arg11 : memref<1x40xi32, #tpu.memory_space<vmem>>)
      %scan3A_79 = arith.constant 0 : i32
      %scan3A_80 = arith.constant 40 : i32
      %scan3A_81 = arith.addi %scan3A_79, %scan3A_80 : i32
      %scan3A_82 = arith.constant 1 : i32
      scf.for %scan3A_115 = %scan3A_79 to %scan3A_81 step %scan3A_82  : i32 {
        %mul3A_116 = arith.constant 1 : i32
        %mul3A_117 = arith.muli %scan3A_115, %mul3A_116 : i32
        %add3A_118 = arith.constant 0 : i32
        %add3A_119 = arith.addi %add3A_118, %mul3A_117 : i32
        %get3A = arith.index_cast %add3A_119 : i32 to index
        %get3A_120 = arith.constant 0 : index
        %get3A_121 = tpu.vector_load %arg9[%get3A, %get3A_120] {strides = array<i32>} : memref<40x128xf32, #tpu.memory_space<vmem>>, vector<1x16xf32>,
        %get3A_122 = vector.shape_cast %get3A_121 : vector<1x16xf32> to vector<1x16xf32>
        %get3A_123 = arith.index_cast %add3A_119 : i32 to index
        %get3A_124 = arith.constant 0 : index
        %get3A_125 = tpu.vector_load %arg13[%get3A_123, %get3A_124] {strides = array<i32>} : memref<40x128xf32, #tpu.memory_space<vmem>>, vector<1x16xf32>,
        %get3A_126 = vector.shape_cast %get3A_125 : vector<1x16xf32> to vector<1x16xf32>
        %mul3A_127 = arith.mulf %get3A_122, %get3A_126 : vector<1x16xf32>
        %swap3A = arith.index_cast %add3A_119 : i32 to index
        %swap3A_128 = arith.constant 0 : index
        %swap3A_129 = tpu.vector_load %arg9[%swap3A, %swap3A_128] {strides = array<i32>} : memref<40x128xf32, #tpu.memory_space<vmem>>, vector<1x16xf32>,
        %swap3A_130 = vector.shape_cast %swap3A_129 : vector<1x16xf32> to vector<1x16xf32>
        %swap3A_131 = vector.shape_cast %mul3A_127 : vector<1x16xf32> to vector<1x16xf32>
        tpu.vector_store %arg9[%swap3A, %swap3A_128], %swap3A_131 {strides = array<i32>} : memref<40x128xf32, #tpu.memory_space<vmem>>, vector<1x16xf32>,
        %get3A_132 = arith.index_cast %add3A_119 : i32 to index
        %get3A_133 = arith.constant 16 : index
        %get3A_134 = tpu.vector_load %arg9[%get3A_132, %get3A_133] {strides = array<i32>} : memref<40x128xf32, #tpu.memory_space<vmem>>, vector<1x16xf32>,
        %get3A_135 = vector.shape_cast %get3A_134 : vector<1x16xf32> to vector<1x16xf32>
        %get3A_136 = arith.index_cast %add3A_119 : i32 to index
        %get3A_137 = arith.constant 16 : index
        %get3A_138 = tpu.vector_load %arg13[%get3A_136, %get3A_137] {strides = array<i32>} : memref<40x128xf32, #tpu.memory_space<vmem>>, vector<1x16xf32>,
        %get3A_139 = vector.shape_cast %get3A_138 : vector<1x16xf32> to vector<1x16xf32>
        %mul3A_140 = arith.mulf %get3A_135, %get3A_139 : vector<1x16xf32>
        %swap3A_141 = arith.index_cast %add3A_119 : i32 to index
        %swap3A_142 = arith.constant 16 : index
        %swap3A_143 = tpu.vector_load %arg9[%swap3A_141, %swap3A_142] {strides = array<i32>} : memref<40x128xf32, #tpu.memory_space<vmem>>, vector<1x16xf32>,
        %swap3A_144 = vector.shape_cast %swap3A_143 : vector<1x16xf32> to vector<1x16xf32>
        %swap3A_145 = vector.shape_cast %mul3A_140 : vector<1x16xf32> to vector<1x16xf32>
        tpu.vector_store %arg9[%swap3A_141, %swap3A_142], %swap3A_145 {strides = array<i32>} : memref<40x128xf32, #tpu.memory_space<vmem>>, vector<1x16xf32>,
        %get3A_146 = arith.index_cast %add3A_119 : i32 to index
        %get3A_147 = arith.constant 32 : index
        %get3A_148 = tpu.vector_load %arg9[%get3A_146, %get3A_147] {strides = array<i32>} : memref<40x128xf32, #tpu.memory_space<vmem>>, vector<1x16xf32>,
        %get3A_149 = vector.shape_cast %get3A_148 : vector<1x16xf32> to vector<1x16xf32>
        %get3A_150 = arith.index_cast %add3A_119 : i32 to index
        %get3A_151 = arith.constant 32 : index
        %get3A_152 = tpu.vector_load %arg13[%get3A_150, %get3A_151] {strides = array<i32>} : memref<40x128xf32, #tpu.memory_space<vmem>>, vector<1x16xf32>,
        %get3A_153 = vector.shape_cast %get3A_152 : vector<1x16xf32> to vector<1x16xf32>
        %mul3A_154 = arith.mulf %get3A_149, %get3A_153 : vector<1x16xf32>
        %swap3A_155 = arith.index_cast %add3A_119 : i32 to index
        %swap3A_156 = arith.constant 32 : index
        %swap3A_157 = tpu.vector_load %arg9[%swap3A_155, %swap3A_156] {strides = array<i32>} : memref<40x128xf32, #tpu.memory_space<vmem>>, vector<1x16xf32>,
        %swap3A_158 = vector.shape_cast %swap3A_157 : vector<1x16xf32> to vector<1x16xf32>
        %swap3A_159 = vector.shape_cast %mul3A_154 : vector<1x16xf32> to vector<1x16xf32>
        tpu.vector_store %arg9[%swap3A_155, %swap3A_156], %swap3A_159 {strides = array<i32>} : memref<40x128xf32, #tpu.memory_space<vmem>>, vector<1x16xf32>,
        %get3A_160 = arith.index_cast %add3A_119 : i32 to index
        %get3A_161 = arith.constant 48 : index
        %get3A_162 = tpu.vector_load %arg9[%get3A_160, %get3A_161] {strides = array<i32>} : memref<40x128xf32, #tpu.memory_space<vmem>>, vector<1x16xf32>,
        %get3A_163 = vector.shape_cast %get3A_162 : vector<1x16xf32> to vector<1x16xf32>
        %get3A_164 = arith.index_cast %add3A_119 : i32 to index
        %get3A_165 = arith.constant 48 : index
        %get3A_166 = tpu.vector_load %arg13[%get3A_164, %get3A_165] {strides = array<i32>} : memref<40x128xf32, #tpu.memory_space<vmem>>, vector<1x16xf32>,
        %get3A_167 = vector.shape_cast %get3A_166 : vector<1x16xf32> to vector<1x16xf32>
        %mul3A_168 = arith.mulf %get3A_163, %get3A_167 : vector<1x16xf32>
        %swap3A_169 = arith.index_cast %add3A_119 : i32 to index
        %swap3A_170 = arith.constant 48 : index
        %swap3A_171 = tpu.vector_load %arg9[%swap3A_169, %swap3A_170] {strides = array<i32>} : memref<40x128xf32, #tpu.memory_space<vmem>>, vector<1x16xf32>,
        %swap3A_172 = vector.shape_cast %swap3A_171 : vector<1x16xf32> to vector<1x16xf32>
        %swap3A_173 = vector.shape_cast %mul3A_168 : vector<1x16xf32> to vector<1x16xf32>
        tpu.vector_store %arg9[%swap3A_169, %swap3A_170], %swap3A_173 {strides = array<i32>} : memref<40x128xf32, #tpu.memory_space<vmem>>, vector<1x16xf32>,
        %get3A_174 = arith.index_cast %add3A_119 : i32 to index
        %get3A_175 = arith.constant 64 : index
        %get3A_176 = tpu.vector_load %arg9[%get3A_174, %get3A_175] {strides = array<i32>} : memref<40x128xf32, #tpu.memory_space<vmem>>, vector<1x16xf32>,
        %get3A_177 = vector.shape_cast %get3A_176 : vector<1x16xf32> to vector<1x16xf32>
        %get3A_178 = arith.index_cast %add3A_119 : i32 to index
        %get3A_179 = arith.constant 64 : index
        %get3A_180 = tpu.vector_load %arg13[%get3A_178, %get3A_179] {strides = array<i32>} : memref<40x128xf32, #tpu.memory_space<vmem>>, vector<1x16xf32>,
        %get3A_181 = vector.shape_cast %get3A_180 : vector<1x16xf32> to vector<1x16xf32>
        %mul3A_182 = arith.mulf %get3A_177, %get3A_181 : vector<1x16xf32>
        %swap3A_183 = arith.index_cast %add3A_119 : i32 to index
        %swap3A_184 = arith.constant 64 : index
        %swap3A_185 = tpu.vector_load %arg9[%swap3A_183, %swap3A_184] {strides = array<i32>} : memref<40x128xf32, #tpu.memory_space<vmem>>, vector<1x16xf32>,
        %swap3A_186 = vector.shape_cast %swap3A_185 : vector<1x16xf32> to vector<1x16xf32>
        %swap3A_187 = vector.shape_cast %mul3A_182 : vector<1x16xf32> to vector<1x16xf32>
        tpu.vector_store %arg9[%swap3A_183, %swap3A_184], %swap3A_187 {strides = array<i32>} : memref<40x128xf32, #tpu.memory_space<vmem>>, vector<1x16xf32>,
        %get3A_188 = arith.index_cast %add3A_119 : i32 to index
        %get3A_189 = arith.constant 80 : index
        %get3A_190 = tpu.vector_load %arg9[%get3A_188, %get3A_189] {strides = array<i32>} : memref<40x128xf32, #tpu.memory_space<vmem>>, vector<1x16xf32>,
        %get3A_191 = vector.shape_cast %get3A_190 : vector<1x16xf32> to vector<1x16xf32>
        %get3A_192 = arith.index_cast %add3A_119 : i32 to index
        %get3A_193 = arith.constant 80 : index
        %get3A_194 = tpu.vector_load %arg13[%get3A_192, %get3A_193] {strides = array<i32>} : memref<40x128xf32, #tpu.memory_space<vmem>>, vector<1x16xf32>,
        %get3A_195 = vector.shape_cast %get3A_194 : vector<1x16xf32> to vector<1x16xf32>
        %mul3A_196 = arith.mulf %get3A_191, %get3A_195 : vector<1x16xf32>
        %swap3A_197 = arith.index_cast %add3A_119 : i32 to index
        %swap3A_198 = arith.constant 80 : index
        %swap3A_199 = tpu.vector_load %arg9[%swap3A_197, %swap3A_198] {strides = array<i32>} : memref<40x128xf32, #tpu.memory_space<vmem>>, vector<1x16xf32>,
        %swap3A_200 = vector.shape_cast %swap3A_199 : vector<1x16xf32> to vector<1x16xf32>
        %swap3A_201 = vector.shape_cast %mul3A_196 : vector<1x16xf32> to vector<1x16xf32>
        tpu.vector_store %arg9[%swap3A_197, %swap3A_198], %swap3A_201 {strides = array<i32>} : memref<40x128xf32, #tpu.memory_space<vmem>>, vector<1x16xf32>,
        %get3A_202 = arith.index_cast %add3A_119 : i32 to index
        %get3A_203 = arith.constant 96 : index
        %get3A_204 = tpu.vector_load %arg9[%get3A_202, %get3A_203] {strides = array<i32>} : memref<40x128xf32, #tpu.memory_space<vmem>>, vector<1x16xf32>,
        %get3A_205 = vector.shape_cast %get3A_204 : vector<1x16xf32> to vector<1x16xf32>
        %get3A_206 = arith.index_cast %add3A_119 : i32 to index
        %get3A_207 = arith.constant 96 : index
        %get3A_208 = tpu.vector_load %arg13[%get3A_206, %get3A_207] {strides = array<i32>} : memref<40x128xf32, #tpu.memory_space<vmem>>, vector<1x16xf32>,
        %get3A_209 = vector.shape_cast %get3A_208 : vector<1x16xf32> to vector<1x16xf32>
        %mul3A_210 = arith.mulf %get3A_205, %get3A_209 : vector<1x16xf32>
        %swap3A_211 = arith.index_cast %add3A_119 : i32 to index
        %swap3A_212 = arith.constant 96 : index
        %swap3A_213 = tpu.vector_load %arg9[%swap3A_211, %swap3A_212] {strides = array<i32>} : memref<40x128xf32, #tpu.memory_space<vmem>>, vector<1x16xf32>,
        %swap3A_214 = vector.shape_cast %swap3A_213 : vector<1x16xf32> to vector<1x16xf32>
        %swap3A_215 = vector.shape_cast %mul3A_210 : vector<1x16xf32> to vector<1x16xf32>
        tpu.vector_store %arg9[%swap3A_211, %swap3A_212], %swap3A_215 {strides = array<i32>} : memref<40x128xf32, #tpu.memory_space<vmem>>, vector<1x16xf32>,
        %get3A_216 = arith.index_cast %add3A_119 : i32 to index
        %get3A_217 = arith.constant 112 : index
        %get3A_218 = tpu.vector_load %arg9[%get3A_216, %get3A_217] {strides = array<i32>} : memref<40x128xf32, #tpu.memory_space<vmem>>, vector<1x16xf32>,
        %get3A_219 = vector.shape_cast %get3A_218 : vector<1x16xf32> to vector<1x16xf32>
        %get3A_220 = arith.index_cast %add3A_119 : i32 to index
        %get3A_221 = arith.constant 112 : index
        %get3A_222 = tpu.vector_load %arg13[%get3A_220, %get3A_221] {strides = array<i32>} : memref<40x128xf32, #tpu.memory_space<vmem>>, vector<1x16xf32>,
        %get3A_223 = vector.shape_cast %get3A_222 : vector<1x16xf32> to vector<1x16xf32>
        %mul3A_224 = arith.mulf %get3A_219, %get3A_223 : vector<1x16xf32>
        %swap3A_225 = arith.index_cast %add3A_119 : i32 to index
        %swap3A_226 = arith.constant 112 : index
        %swap3A_227 = tpu.vector_load %arg9[%swap3A_225, %swap3A_226] {strides = array<i32>} : memref<40x128xf32, #tpu.memory_space<vmem>>, vector<1x16xf32>,
        %swap3A_228 = vector.shape_cast %swap3A_227 : vector<1x16xf32> to vector<1x16xf32>
        %swap3A_229 = vector.shape_cast %mul3A_224 : vector<1x16xf32> to vector<1x16xf32>
        tpu.vector_store %arg9[%swap3A_225, %swap3A_226], %swap3A_229 {strides = array<i32>} : memref<40x128xf32, #tpu.memory_space<vmem>>, vector<1x16xf32>,
      }
      %scan3A_83 = arith.constant 40 : i32
      %run_scoped3A = arith.constant 0 : i32
      "tpu.region"() ({
        %run_scoped3A_115 = tpu.sem_alloc : memref<!tpu.dma_semaphore, #tpu.memory_space<semaphore_mem>>
        %dma_start3A_116 = arith.constant 0 : i32
        %dma_start3A_117 = tpu.memref_slice %arg11[%run_scoped3A, %dma_start3A_116] : memref<1x40xi32, #tpu.memory_space<vmem>> -> memref<1x40xi32, #tpu.memory_space<vmem>>
        %dma_start3A_118 = tpu.memref_squeeze %dma_start3A_117 : memref<1x40xi32, #tpu.memory_space<vmem>> -> memref<40xi32, #tpu.memory_space<vmem>>
        %dma_start3A_119 = arith.constant 0 : i32
        %dma_start3A_120 = arith.constant 0 : i32
        %dma_start3A_121 = tpu.memref_slice %arg15[%dma_start3A_119, %dma_start3A_120] : memref<10112x128xf32, #tpu.memory_space<vmem_shared>> -> memref<10112x128xf32, #tpu.memory_space<vmem_shared>>
        tpu.enqueue_indirect_dma source(%arg9 : memref<40x128xf32, #tpu.memory_space<vmem>>) target(%dma_start3A_121 : memref<10112x128xf32, #tpu.memory_space<vmem_shared>>) offsets(%dma_start3A_118 : memref<40xi32, #tpu.memory_space<vmem>>) semaphore(%run_scoped3A_115 : memref<!tpu.dma_semaphore, #tpu.memory_space<semaphore_mem>>) {add = true}
        %dma_wait3A_122 = arith.constant 0 : i32
        %dma_wait3A_123 = tpu.memref_slice %arg11[%run_scoped3A, %dma_wait3A_122] : memref<1x40xi32, #tpu.memory_space<vmem>> -> memref<1x40xi32, #tpu.memory_space<vmem>>
        %dma_wait3A_124 = tpu.memref_squeeze %dma_wait3A_123 : memref<1x40xi32, #tpu.memory_space<vmem>> -> memref<40xi32, #tpu.memory_space<vmem>>
        %dma_wait3A_125 = arith.constant 0 : i32
        %dma_wait3A_126 = arith.constant 0 : i32
        %dma_wait3A_127 = tpu.memref_slice %arg15[%dma_wait3A_125, %dma_wait3A_126] : memref<10112x128xf32, #tpu.memory_space<vmem_shared>> -> memref<10112x128xf32, #tpu.memory_space<vmem_shared>>
        tpu.wait_indirect_dma semaphore(%run_scoped3A_115 : memref<!tpu.dma_semaphore, #tpu.memory_space<semaphore_mem>>) src(%arg9 : memref<40x128xf32, #tpu.memory_space<vmem>>) dst(%dma_wait3A_127 : memref<10112x128xf32, #tpu.memory_space<vmem_shared>>)
        tpu.yield
      }) : () -> ()
      %add3A_84 = arith.constant 2 : i32
      %add3A_85 = arith.addi %mul3A_37, %add3A_84 : i32
      %lt3A = arith.constant 250 : i32
      %lt3A_86 = arith.cmpi slt, %add3A_85, %lt3A : i32
      %convert_element_type3A = arith.extui %lt3A_86 : i1 to i32
      %cond3A = arith.constant 0 : i32
      %cond3A_87 = arith.cmpi ne, %convert_element_type3A, %cond3A : i32
      scf.if %cond3A_87 {
        %add3A_115 = arith.constant 2 : i32
        %add3A_116 = arith.addi %mul3A_37, %add3A_115 : i32
        %mul3A_117 = arith.constant 40 : i32
        %mul3A_118 = arith.muli %add3A_116, %mul3A_117 : i32
        %dma_start3A_119 = tpu.memref_slice %arg8[%mul3A_118] : memref<10000xi32, #tpu.memory_space<vmem>> -> memref<40xi32, #tpu.memory_space<vmem>>
        %dma_start3A_120 = arith.constant 0 : i32
        %dma_start3A_121 = arith.constant 0 : i32
        %dma_start3A_122 = tpu.memref_slice %arg2[%dma_start3A_120, %dma_start3A_121] : memref<10000x128xf32, #tpu.memory_space<hbm>> -> memref<10000x128xf32, #tpu.memory_space<hbm>>
        tpu.enqueue_indirect_dma source(%dma_start3A_122 : memref<10000x128xf32, #tpu.memory_space<hbm>>) target(%arg9 : memref<40x128xf32, #tpu.memory_space<vmem>>) offsets(%dma_start3A_119 : memref<40xi32, #tpu.memory_space<vmem>>) semaphore(%arg16 : memref<!tpu.dma_semaphore, #tpu.memory_space<semaphore_mem>>)
        %mul3A_123 = arith.constant 40 : i32
        %mul3A_124 = arith.muli %add3A_116, %mul3A_123 : i32
        %add3A_125 = arith.addi %mul3A_4, %mul3A_124 : i32
        %dma_start3A_126 = arith.constant 0 : i32
        %dma_start3A_127 = tpu.memref_slice %arg3[%add3A_125, %dma_start3A_126] : memref<320000x128xf32, #tpu.memory_space<hbm>> -> memref<40x128xf32, #tpu.memory_space<hbm>>
        %dma_start3A_128 = arith.constant 0 : i32
        %dma_start3A_129 = tpu.memref_slice %arg3[%add3A_125, %dma_start3A_128] : memref<320000x128xf32, #tpu.memory_space<hbm>> -> memref<40x128xf32, #tpu.memory_space<hbm>>
        tpu.enqueue_dma source(%dma_start3A_129 : memref<40x128xf32, #tpu.memory_space<hbm>>) target(%arg13 : memref<40x128xf32, #tpu.memory_space<vmem>>) target_semaphore(%arg18 : memref<!tpu.dma_semaphore, #tpu.memory_space<semaphore_mem>>)
        %dma_start3A_130 = arith.constant 0 : i32
        %dma_start3A_131 = tpu.memref_slice %arg5[%add3A, %add3A_116, %dma_start3A_130] : memref<32x250x40xi32, #tpu.memory_space<hbm>> -> memref<1x1x40xi32, #tpu.memory_space<hbm>>
        %dma_start3A_132 = tpu.memref_squeeze %dma_start3A_131 : memref<1x1x40xi32, #tpu.memory_space<hbm>> -> memref<1x40xi32, #tpu.memory_space<hbm>>
        %dma_start3A_133 = arith.constant 0 : i32
        %dma_start3A_134 = tpu.memref_slice %arg5[%add3A, %add3A_116, %dma_start3A_133] : memref<32x250x40xi32, #tpu.memory_space<hbm>> -> memref<1x1x40xi32, #tpu.memory_space<hbm>>
        %dma_start3A_135 = tpu.memref_squeeze %dma_start3A_134 : memref<1x1x40xi32, #tpu.memory_space<hbm>> -> memref<1x40xi32, #tpu.memory_space<hbm>>
        tpu.enqueue_dma source(%dma_start3A_135 : memref<1x40xi32, #tpu.memory_space<hbm>>) target(%arg11 : memref<1x40xi32, #tpu.memory_space<vmem>>) target_semaphore(%arg17 : memref<!tpu.dma_semaphore, #tpu.memory_space<semaphore_mem>>)
      } else {
      }
      %dma_wait3A_88 = arith.constant 0 : i32
      %dma_wait3A_89 = arith.constant 0 : i32
      %dma_wait3A_90 = tpu.memref_slice %arg2[%dma_wait3A_88, %dma_wait3A_89] : memref<10000x128xf32, #tpu.memory_space<hbm>> -> memref<40x128xf32, #tpu.memory_space<hbm>>
      %dma_wait3A_91 = arith.constant 0 : i32
      %dma_wait3A_92 = arith.constant 0 : i32
      %dma_wait3A_93 = tpu.memref_slice %arg2[%dma_wait3A_91, %dma_wait3A_92] : memref<10000x128xf32, #tpu.memory_space<hbm>> -> memref<40x128xf32, #tpu.memory_space<hbm>>
      tpu.wait_dma2 semaphore(%arg16 : memref<!tpu.dma_semaphore, #tpu.memory_space<semaphore_mem>>) src(%dma_wait3A_93 : memref<40x128xf32, #tpu.memory_space<hbm>>) dst(%arg10 : memref<40x128xf32, #tpu.memory_space<vmem>>)
      %dma_wait3A_94 = arith.constant 0 : i32
      %dma_wait3A_95 = arith.constant 0 : i32
      %dma_wait3A_96 = tpu.memref_slice %arg3[%dma_wait3A_94, %dma_wait3A_95] : memref<320000x128xf32, #tpu.memory_space<hbm>> -> memref<40x128xf32, #tpu.memory_space<hbm>>
      %dma_wait3A_97 = arith.constant 0 : i32
      %dma_wait3A_98 = arith.constant 0 : i32
      %dma_wait3A_99 = tpu.memref_slice %arg3[%dma_wait3A_97, %dma_wait3A_98] : memref<320000x128xf32, #tpu.memory_space<hbm>> -> memref<40x128xf32, #tpu.memory_space<hbm>>
      tpu.wait_dma2 semaphore(%arg18 : memref<!tpu.dma_semaphore, #tpu.memory_space<semaphore_mem>>) src(%dma_wait3A_99 : memref<40x128xf32, #tpu.memory_space<hbm>>) dst(%arg14 : memref<40x128xf32, #tpu.memory_space<vmem>>)
      %dma_wait3A_100 = arith.constant 0 : i32
      %dma_wait3A_101 = arith.constant 0 : i32
      %dma_wait3A_102 = arith.constant 0 : i32
      %dma_wait3A_103 = tpu.memref_slice %arg5[%dma_wait3A_100, %dma_wait3A_101, %dma_wait3A_102] : memref<32x250x40xi32, #tpu.memory_space<hbm>> -> memref<1x1x40xi32, #tpu.memory_space<hbm>>
      %dma_wait3A_104 = tpu.memref_squeeze %dma_wait3A_103 : memref<1x1x40xi32, #tpu.memory_space<hbm>> -> memref<1x40xi32, #tpu.memory_space<hbm>>
      %dma_wait3A_105 = arith.constant 0 : i32
      %dma_wait3A_106 = arith.constant 0 : i32
      %dma_wait3A_107 = tpu.memref_slice %arg5[%dma_wait3A_100, %dma_wait3A_105, %dma_wait3A_106] : memref<32x250x40xi32, #tpu.memory_space<hbm>> -> memref<1x1x40xi32, #tpu.memory_space<hbm>>
      %dma_wait3A_108 = tpu.memref_squeeze %dma_wait3A_107 : memref<1x1x40xi32, #tpu.memory_space<hbm>> -> memref<1x40xi32, #tpu.memory_space<hbm>>
      tpu.wait_dma2 semaphore(%arg17 : memref<!tpu.dma_semaphore, #tpu.memory_space<semaphore_mem>>) src(%dma_wait3A_108 : memref<1x40xi32, #tpu.memory_space<hbm>>) dst(%arg12 : memref<1x40xi32, #tpu.memory_space<vmem>>)
      %scan3A_109 = arith.constant 0 : i32
      %scan3A_110 = arith.constant 40 : i32
      %scan3A_111 = arith.addi %scan3A_109, %scan3A_110 : i32
      %scan3A_112 = arith.constant 1 : i32
      scf.for %scan3A_115 = %scan3A_109 to %scan3A_111 step %scan3A_112  : i32 {
        %mul3A_116 = arith.constant 1 : i32
        %mul3A_117 = arith.muli %scan3A_115, %mul3A_116 : i32
        %add3A_118 = arith.constant 0 : i32
        %add3A_119 = arith.addi %add3A_118, %mul3A_117 : i32
        %get3A = arith.index_cast %add3A_119 : i32 to index
        %get3A_120 = arith.constant 0 : index
        %get3A_121 = tpu.vector_load %arg10[%get3A, %get3A_120] {strides = array<i32>} : memref<40x128xf32, #tpu.memory_space<vmem>>, vector<1x16xf32>,
        %get3A_122 = vector.shape_cast %get3A_121 : vector<1x16xf32> to vector<1x16xf32>
        %get3A_123 = arith.index_cast %add3A_119 : i32 to index
        %get3A_124 = arith.constant 0 : index
        %get3A_125 = tpu.vector_load %arg14[%get3A_123, %get3A_124] {strides = array<i32>} : memref<40x128xf32, #tpu.memory_space<vmem>>, vector<1x16xf32>,
        %get3A_126 = vector.shape_cast %get3A_125 : vector<1x16xf32> to vector<1x16xf32>
        %mul3A_127 = arith.mulf %get3A_122, %get3A_126 : vector<1x16xf32>
        %swap3A = arith.index_cast %add3A_119 : i32 to index
        %swap3A_128 = arith.constant 0 : index
        %swap3A_129 = tpu.vector_load %arg10[%swap3A, %swap3A_128] {strides = array<i32>} : memref<40x128xf32, #tpu.memory_space<vmem>>, vector<1x16xf32>,
        %swap3A_130 = vector.shape_cast %swap3A_129 : vector<1x16xf32> to vector<1x16xf32>
        %swap3A_131 = vector.shape_cast %mul3A_127 : vector<1x16xf32> to vector<1x16xf32>
        tpu.vector_store %arg10[%swap3A, %swap3A_128], %swap3A_131 {strides = array<i32>} : memref<40x128xf32, #tpu.memory_space<vmem>>, vector<1x16xf32>,
        %get3A_132 = arith.index_cast %add3A_119 : i32 to index
        %get3A_133 = arith.constant 16 : index
        %get3A_134 = tpu.vector_load %arg10[%get3A_132, %get3A_133] {strides = array<i32>} : memref<40x128xf32, #tpu.memory_space<vmem>>, vector<1x16xf32>,
        %get3A_135 = vector.shape_cast %get3A_134 : vector<1x16xf32> to vector<1x16xf32>
        %get3A_136 = arith.index_cast %add3A_119 : i32 to index
        %get3A_137 = arith.constant 16 : index
        %get3A_138 = tpu.vector_load %arg14[%get3A_136, %get3A_137] {strides = array<i32>} : memref<40x128xf32, #tpu.memory_space<vmem>>, vector<1x16xf32>,
        %get3A_139 = vector.shape_cast %get3A_138 : vector<1x16xf32> to vector<1x16xf32>
        %mul3A_140 = arith.mulf %get3A_135, %get3A_139 : vector<1x16xf32>
        %swap3A_141 = arith.index_cast %add3A_119 : i32 to index
        %swap3A_142 = arith.constant 16 : index
        %swap3A_143 = tpu.vector_load %arg10[%swap3A_141, %swap3A_142] {strides = array<i32>} : memref<40x128xf32, #tpu.memory_space<vmem>>, vector<1x16xf32>,
        %swap3A_144 = vector.shape_cast %swap3A_143 : vector<1x16xf32> to vector<1x16xf32>
        %swap3A_145 = vector.shape_cast %mul3A_140 : vector<1x16xf32> to vector<1x16xf32>
        tpu.vector_store %arg10[%swap3A_141, %swap3A_142], %swap3A_145 {strides = array<i32>} : memref<40x128xf32, #tpu.memory_space<vmem>>, vector<1x16xf32>,
        %get3A_146 = arith.index_cast %add3A_119 : i32 to index
        %get3A_147 = arith.constant 32 : index
        %get3A_148 = tpu.vector_load %arg10[%get3A_146, %get3A_147] {strides = array<i32>} : memref<40x128xf32, #tpu.memory_space<vmem>>, vector<1x16xf32>,
        %get3A_149 = vector.shape_cast %get3A_148 : vector<1x16xf32> to vector<1x16xf32>
        %get3A_150 = arith.index_cast %add3A_119 : i32 to index
        %get3A_151 = arith.constant 32 : index
        %get3A_152 = tpu.vector_load %arg14[%get3A_150, %get3A_151] {strides = array<i32>} : memref<40x128xf32, #tpu.memory_space<vmem>>, vector<1x16xf32>,
        %get3A_153 = vector.shape_cast %get3A_152 : vector<1x16xf32> to vector<1x16xf32>
        %mul3A_154 = arith.mulf %get3A_149, %get3A_153 : vector<1x16xf32>
        %swap3A_155 = arith.index_cast %add3A_119 : i32 to index
        %swap3A_156 = arith.constant 32 : index
        %swap3A_157 = tpu.vector_load %arg10[%swap3A_155, %swap3A_156] {strides = array<i32>} : memref<40x128xf32, #tpu.memory_space<vmem>>, vector<1x16xf32>,
        %swap3A_158 = vector.shape_cast %swap3A_157 : vector<1x16xf32> to vector<1x16xf32>
        %swap3A_159 = vector.shape_cast %mul3A_154 : vector<1x16xf32> to vector<1x16xf32>
        tpu.vector_store %arg10[%swap3A_155, %swap3A_156], %swap3A_159 {strides = array<i32>} : memref<40x128xf32, #tpu.memory_space<vmem>>, vector<1x16xf32>,
        %get3A_160 = arith.index_cast %add3A_119 : i32 to index
        %get3A_161 = arith.constant 48 : index
        %get3A_162 = tpu.vector_load %arg10[%get3A_160, %get3A_161] {strides = array<i32>} : memref<40x128xf32, #tpu.memory_space<vmem>>, vector<1x16xf32>,
        %get3A_163 = vector.shape_cast %get3A_162 : vector<1x16xf32> to vector<1x16xf32>
        %get3A_164 = arith.index_cast %add3A_119 : i32 to index
        %get3A_165 = arith.constant 48 : index
        %get3A_166 = tpu.vector_load %arg14[%get3A_164, %get3A_165] {strides = array<i32>} : memref<40x128xf32, #tpu.memory_space<vmem>>, vector<1x16xf32>,
        %get3A_167 = vector.shape_cast %get3A_166 : vector<1x16xf32> to vector<1x16xf32>
        %mul3A_168 = arith.mulf %get3A_163, %get3A_167 : vector<1x16xf32>
        %swap3A_169 = arith.index_cast %add3A_119 : i32 to index
        %swap3A_170 = arith.constant 48 : index
        %swap3A_171 = tpu.vector_load %arg10[%swap3A_169, %swap3A_170] {strides = array<i32>} : memref<40x128xf32, #tpu.memory_space<vmem>>, vector<1x16xf32>,
        %swap3A_172 = vector.shape_cast %swap3A_171 : vector<1x16xf32> to vector<1x16xf32>
        %swap3A_173 = vector.shape_cast %mul3A_168 : vector<1x16xf32> to vector<1x16xf32>
        tpu.vector_store %arg10[%swap3A_169, %swap3A_170], %swap3A_173 {strides = array<i32>} : memref<40x128xf32, #tpu.memory_space<vmem>>, vector<1x16xf32>,
        %get3A_174 = arith.index_cast %add3A_119 : i32 to index
        %get3A_175 = arith.constant 64 : index
        %get3A_176 = tpu.vector_load %arg10[%get3A_174, %get3A_175] {strides = array<i32>} : memref<40x128xf32, #tpu.memory_space<vmem>>, vector<1x16xf32>,
        %get3A_177 = vector.shape_cast %get3A_176 : vector<1x16xf32> to vector<1x16xf32>
        %get3A_178 = arith.index_cast %add3A_119 : i32 to index
        %get3A_179 = arith.constant 64 : index
        %get3A_180 = tpu.vector_load %arg14[%get3A_178, %get3A_179] {strides = array<i32>} : memref<40x128xf32, #tpu.memory_space<vmem>>, vector<1x16xf32>,
        %get3A_181 = vector.shape_cast %get3A_180 : vector<1x16xf32> to vector<1x16xf32>
        %mul3A_182 = arith.mulf %get3A_177, %get3A_181 : vector<1x16xf32>
        %swap3A_183 = arith.index_cast %add3A_119 : i32 to index
        %swap3A_184 = arith.constant 64 : index
        %swap3A_185 = tpu.vector_load %arg10[%swap3A_183, %swap3A_184] {strides = array<i32>} : memref<40x128xf32, #tpu.memory_space<vmem>>, vector<1x16xf32>,
        %swap3A_186 = vector.shape_cast %swap3A_185 : vector<1x16xf32> to vector<1x16xf32>
        %swap3A_187 = vector.shape_cast %mul3A_182 : vector<1x16xf32> to vector<1x16xf32>
        tpu.vector_store %arg10[%swap3A_183, %swap3A_184], %swap3A_187 {strides = array<i32>} : memref<40x128xf32, #tpu.memory_space<vmem>>, vector<1x16xf32>,
        %get3A_188 = arith.index_cast %add3A_119 : i32 to index
        %get3A_189 = arith.constant 80 : index
        %get3A_190 = tpu.vector_load %arg10[%get3A_188, %get3A_189] {strides = array<i32>} : memref<40x128xf32, #tpu.memory_space<vmem>>, vector<1x16xf32>,
        %get3A_191 = vector.shape_cast %get3A_190 : vector<1x16xf32> to vector<1x16xf32>
        %get3A_192 = arith.index_cast %add3A_119 : i32 to index
        %get3A_193 = arith.constant 80 : index
        %get3A_194 = tpu.vector_load %arg14[%get3A_192, %get3A_193] {strides = array<i32>} : memref<40x128xf32, #tpu.memory_space<vmem>>, vector<1x16xf32>,
        %get3A_195 = vector.shape_cast %get3A_194 : vector<1x16xf32> to vector<1x16xf32>
        %mul3A_196 = arith.mulf %get3A_191, %get3A_195 : vector<1x16xf32>
        %swap3A_197 = arith.index_cast %add3A_119 : i32 to index
        %swap3A_198 = arith.constant 80 : index
        %swap3A_199 = tpu.vector_load %arg10[%swap3A_197, %swap3A_198] {strides = array<i32>} : memref<40x128xf32, #tpu.memory_space<vmem>>, vector<1x16xf32>,
        %swap3A_200 = vector.shape_cast %swap3A_199 : vector<1x16xf32> to vector<1x16xf32>
        %swap3A_201 = vector.shape_cast %mul3A_196 : vector<1x16xf32> to vector<1x16xf32>
        tpu.vector_store %arg10[%swap3A_197, %swap3A_198], %swap3A_201 {strides = array<i32>} : memref<40x128xf32, #tpu.memory_space<vmem>>, vector<1x16xf32>,
        %get3A_202 = arith.index_cast %add3A_119 : i32 to index
        %get3A_203 = arith.constant 96 : index
        %get3A_204 = tpu.vector_load %arg10[%get3A_202, %get3A_203] {strides = array<i32>} : memref<40x128xf32, #tpu.memory_space<vmem>>, vector<1x16xf32>,
        %get3A_205 = vector.shape_cast %get3A_204 : vector<1x16xf32> to vector<1x16xf32>
        %get3A_206 = arith.index_cast %add3A_119 : i32 to index
        %get3A_207 = arith.constant 96 : index
        %get3A_208 = tpu.vector_load %arg14[%get3A_206, %get3A_207] {strides = array<i32>} : memref<40x128xf32, #tpu.memory_space<vmem>>, vector<1x16xf32>,
        %get3A_209 = vector.shape_cast %get3A_208 : vector<1x16xf32> to vector<1x16xf32>
        %mul3A_210 = arith.mulf %get3A_205, %get3A_209 : vector<1x16xf32>
        %swap3A_211 = arith.index_cast %add3A_119 : i32 to index
        %swap3A_212 = arith.constant 96 : index
        %swap3A_213 = tpu.vector_load %arg10[%swap3A_211, %swap3A_212] {strides = array<i32>} : memref<40x128xf32, #tpu.memory_space<vmem>>, vector<1x16xf32>,
        %swap3A_214 = vector.shape_cast %swap3A_213 : vector<1x16xf32> to vector<1x16xf32>
        %swap3A_215 = vector.shape_cast %mul3A_210 : vector<1x16xf32> to vector<1x16xf32>
        tpu.vector_store %arg10[%swap3A_211, %swap3A_212], %swap3A_215 {strides = array<i32>} : memref<40x128xf32, #tpu.memory_space<vmem>>, vector<1x16xf32>,
        %get3A_216 = arith.index_cast %add3A_119 : i32 to index
        %get3A_217 = arith.constant 112 : index
        %get3A_218 = tpu.vector_load %arg10[%get3A_216, %get3A_217] {strides = array<i32>} : memref<40x128xf32, #tpu.memory_space<vmem>>, vector<1x16xf32>,
        %get3A_219 = vector.shape_cast %get3A_218 : vector<1x16xf32> to vector<1x16xf32>
        %get3A_220 = arith.index_cast %add3A_119 : i32 to index
        %get3A_221 = arith.constant 112 : index
        %get3A_222 = tpu.vector_load %arg14[%get3A_220, %get3A_221] {strides = array<i32>} : memref<40x128xf32, #tpu.memory_space<vmem>>, vector<1x16xf32>,
        %get3A_223 = vector.shape_cast %get3A_222 : vector<1x16xf32> to vector<1x16xf32>
        %mul3A_224 = arith.mulf %get3A_219, %get3A_223 : vector<1x16xf32>
        %swap3A_225 = arith.index_cast %add3A_119 : i32 to index
        %swap3A_226 = arith.constant 112 : index
        %swap3A_227 = tpu.vector_load %arg10[%swap3A_225, %swap3A_226] {strides = array<i32>} : memref<40x128xf32, #tpu.memory_space<vmem>>, vector<1x16xf32>,
        %swap3A_228 = vector.shape_cast %swap3A_227 : vector<1x16xf32> to vector<1x16xf32>
        %swap3A_229 = vector.shape_cast %mul3A_224 : vector<1x16xf32> to vector<1x16xf32>
        tpu.vector_store %arg10[%swap3A_225, %swap3A_226], %swap3A_229 {strides = array<i32>} : memref<40x128xf32, #tpu.memory_space<vmem>>, vector<1x16xf32>,
      }
      %scan3A_113 = arith.constant 40 : i32
      %run_scoped3A_114 = arith.constant 0 : i32
      "tpu.region"() ({
        %run_scoped3A_115 = tpu.sem_alloc : memref<!tpu.dma_semaphore, #tpu.memory_space<semaphore_mem>>
        %dma_start3A_116 = arith.constant 0 : i32
        %dma_start3A_117 = tpu.memref_slice %arg12[%run_scoped3A_114, %dma_start3A_116] : memref<1x40xi32, #tpu.memory_space<vmem>> -> memref<1x40xi32, #tpu.memory_space<vmem>>
        %dma_start3A_118 = tpu.memref_squeeze %dma_start3A_117 : memref<1x40xi32, #tpu.memory_space<vmem>> -> memref<40xi32, #tpu.memory_space<vmem>>
        %dma_start3A_119 = arith.constant 0 : i32
        %dma_start3A_120 = arith.constant 0 : i32
        %dma_start3A_121 = tpu.memref_slice %arg15[%dma_start3A_119, %dma_start3A_120] : memref<10112x128xf32, #tpu.memory_space<vmem_shared>> -> memref<10112x128xf32, #tpu.memory_space<vmem_shared>>
        tpu.enqueue_indirect_dma source(%arg10 : memref<40x128xf32, #tpu.memory_space<vmem>>) target(%dma_start3A_121 : memref<10112x128xf32, #tpu.memory_space<vmem_shared>>) offsets(%dma_start3A_118 : memref<40xi32, #tpu.memory_space<vmem>>) semaphore(%run_scoped3A_115 : memref<!tpu.dma_semaphore, #tpu.memory_space<semaphore_mem>>) {add = true}
        %dma_wait3A_122 = arith.constant 0 : i32
        %dma_wait3A_123 = tpu.memref_slice %arg12[%run_scoped3A_114, %dma_wait3A_122] : memref<1x40xi32, #tpu.memory_space<vmem>> -> memref<1x40xi32, #tpu.memory_space<vmem>>
        %dma_wait3A_124 = tpu.memref_squeeze %dma_wait3A_123 : memref<1x40xi32, #tpu.memory_space<vmem>> -> memref<40xi32, #tpu.memory_space<vmem>>
        %dma_wait3A_125 = arith.constant 0 : i32
        %dma_wait3A_126 = arith.constant 0 : i32
        %dma_wait3A_127 = tpu.memref_slice %arg15[%dma_wait3A_125, %dma_wait3A_126] : memref<10112x128xf32, #tpu.memory_space<vmem_shared>> -> memref<10112x128xf32, #tpu.memory_space<vmem_shared>>
        tpu.wait_indirect_dma semaphore(%run_scoped3A_115 : memref<!tpu.dma_semaphore, #tpu.memory_space<semaphore_mem>>) src(%arg10 : memref<40x128xf32, #tpu.memory_space<vmem>>) dst(%dma_wait3A_127 : memref<10112x128xf32, #tpu.memory_space<vmem_shared>>)
        tpu.yield
      }) : () -> ()
    }
    %scan3A_26 = arith.constant 125 : i32
    %barrier3A_27 = arith.constant 0 : index
    tpu.barrier barrier_id(%barrier3A_27)
    %mul3A_28 = arith.constant 10112 : i32
    %mul3A_29 = arith.muli %arg0, %mul3A_28 : i32
    %add3A_30 = arith.addi %mul3A_29, %mul3A_2 : i32
    "tpu.region"() ({
      %run_scoped3A = tpu.sem_alloc : memref<!tpu.dma_semaphore, #tpu.memory_space<semaphore_mem>>
      %dma_start3A_31 = arith.constant 0 : i32
      %dma_start3A_32 = tpu.memref_slice %arg7[%add3A_30, %dma_start3A_31] : memref<20224x128xf32, #tpu.memory_space<hbm>> -> memref<632x128xf32, #tpu.memory_space<hbm>>
      %dma_start3A_33 = arith.constant 0 : i32
      %dma_start3A_34 = tpu.memref_slice %arg15[%mul3A_2, %dma_start3A_33] : memref<10112x128xf32, #tpu.memory_space<vmem_shared>> -> memref<632x128xf32, #tpu.memory_space<vmem_shared>>
      tpu.enqueue_dma source(%dma_start3A_34 : memref<632x128xf32, #tpu.memory_space<vmem_shared>>) target(%dma_start3A_32 : memref<632x128xf32, #tpu.memory_space<hbm>>) target_semaphore(%run_scoped3A : memref<!tpu.dma_semaphore, #tpu.memory_space<semaphore_mem>>)
      %dma_wait3A = arith.constant 0 : i32
      %dma_wait3A_35 = tpu.memref_slice %arg7[%add3A_30, %dma_wait3A] : memref<20224x128xf32, #tpu.memory_space<hbm>> -> memref<632x128xf32, #tpu.memory_space<hbm>>
      %dma_wait3A_36 = arith.constant 0 : i32
      %dma_wait3A_37 = tpu.memref_slice %arg15[%mul3A_2, %dma_wait3A_36] : memref<10112x128xf32, #tpu.memory_space<vmem_shared>> -> memref<632x128xf32, #tpu.memory_space<vmem_shared>>
      tpu.wait_dma2 semaphore(%run_scoped3A : memref<!tpu.dma_semaphore, #tpu.memory_space<semaphore_mem>>) src(%dma_wait3A_37 : memref<632x128xf32, #tpu.memory_space<vmem_shared>>) dst(%dma_wait3A_35 : memref<632x128xf32, #tpu.memory_space<hbm>>)
      tpu.yield
    }) : () -> ()
    return
  }
}

module attributes {stable_mosaic.version = 14 : i64} {
  func.func @_ea_t_block(%arg0: i32, %arg1: memref<8x2560xf32, #tpu.memory_space<vmem>>, %arg2: memref<50x2560xf32, #tpu.memory_space<vmem>>) attributes {dimension_semantics = [#tpu.dimension_semantics<arbitrary>], iteration_bounds = array<i64: 125>, scalar_prefetch = 0 : i64, scratch_operands = 0 : i64, tpu.core_type = #tpu.core_type<tc>, window_params = [{transform_indices = @transform_0, window_bounds = array<i64: 8, 2560>}, {transform_indices = @transform_1, window_bounds = array<i64: 50, 2560>}]} {
    %get3A = arith.constant 0 : index
    %get3A_0 = arith.constant 0 : index
    %get3A_1 = vector.load %arg1[%get3A, %get3A_0] : memref<8x2560xf32, #tpu.memory_space<vmem>>, vector<8x2560xf32>
    %mul3A = arith.mulf %get3A_1, %get3A_1 : vector<8x2560xf32>
    %reduce_sum3A = arith.constant dense<0.000000e+00> : vector<2560xf32>
    %reduce_sum3A_2 = vector.multi_reduction <add>, %mul3A, %reduce_sum3A [0] : vector<8x2560xf32> to vector<2560xf32>
    %broadcast_in_dim3A = vector.shape_cast %reduce_sum3A_2 : vector<2560xf32> to vector<1x2560xf32>
    %sqrt3A = math.sqrt %broadcast_in_dim3A : vector<1x2560xf32>
    %iota3A = tpu.iota {dimensions = array<i32: 0>} : vector<50x1xi32>
    %convert_element_type3A = arith.sitofp %iota3A : vector<50x1xi32> to vector<50x1xf32>
    %mul3A_3 = arith.constant 0.20408164 : f32
    %mul3A_4 = vector.broadcast %mul3A_3 : f32 to vector<50x1xf32>
    %mul3A_5 = arith.mulf %convert_element_type3A, %mul3A_4 : vector<50x1xf32>
    %sub3A = vector.broadcast %sqrt3A : vector<1x2560xf32> to vector<50x2560xf32>
    %sub3A_6 = vector.broadcast %mul3A_5 : vector<50x1xf32> to vector<50x2560xf32>
    %sub3A_7 = arith.subf %sub3A, %sub3A_6 : vector<50x2560xf32>
    %mul3A_8 = arith.constant -1.200500e+01 : f32
    %mul3A_9 = vector.broadcast %mul3A_8 : f32 to vector<50x2560xf32>
    %mul3A_10 = arith.mulf %mul3A_9, %sub3A_7 : vector<50x2560xf32>
    %mul3A_11 = arith.mulf %mul3A_10, %sub3A_7 : vector<50x2560xf32>
    %exp3A = math.exp %mul3A_11 : vector<50x2560xf32>
    %swap3A = arith.constant 0 : index
    %swap3A_12 = arith.constant 0 : index
    %swap3A_13 = vector.load %arg2[%swap3A, %swap3A_12] : memref<50x2560xf32, #tpu.memory_space<vmem>>, vector<50x2560xf32>
    tpu.vector_store %arg2[%swap3A, %swap3A_12], %exp3A {strides = array<i32>} : memref<50x2560xf32, #tpu.memory_space<vmem>>, vector<50x2560xf32>,
    return
  }
  func.func @transform_0(%arg0: i32) -> (i32, i32) {
    %c0_i32 = arith.constant 0 : i32
    %c0_i32_0 = arith.constant 0 : i32
    return %c0_i32, %arg0 : i32, i32
  }
  func.func @transform_1(%arg0: i32) -> (i32, i32) {
    %c0_i32 = arith.constant 0 : i32
    %c0_i32_0 = arith.constant 0 : i32
    return %c0_i32, %arg0 : i32, i32
  }
}

module attributes {stable_mosaic.version = 14 : i64} {
  func.func @_emb_block(%arg0: i32, %arg1: memref<2000x1xi32, #tpu.memory_space<vmem>>, %arg2: memref<32x128xf32, #tpu.memory_space<vmem>>, %arg3: memref<2000x128xf32, #tpu.memory_space<vmem>>) attributes {dimension_semantics = [#tpu.dimension_semantics<arbitrary>], iteration_bounds = array<i64: 5>, scalar_prefetch = 0 : i64, scratch_operands = 0 : i64, tpu.core_type = #tpu.core_type<tc>, window_params = [{transform_indices = @transform_0, window_bounds = array<i64: 2000, 1>}, {pipeline_mode = #tpu.pipeline_mode<synchronous>, transform_indices = @transform_1, window_bounds = array<i64: 32, 128>}, {transform_indices = @transform_2, window_bounds = array<i64: 2000, 128>}]} {
    %get3A = arith.constant 0 : index
    %get3A_0 = arith.constant 0 : index
    %get3A_1 = vector.load %arg1[%get3A, %get3A_0] : memref<2000x1xi32, #tpu.memory_space<vmem>>, vector<2000x1xi32>
    %iota3A = tpu.iota {dimensions = array<i32: 1>} : vector<2000x32xi32>
    %eq3A = vector.broadcast %get3A_1 : vector<2000x1xi32> to vector<2000x32xi32>
    %eq3A_2 = arith.cmpi eq, %iota3A, %eq3A : vector<2000x32xi32>
    %convert_element_type3A = arith.extui %eq3A_2 : vector<2000x32xi1> to vector<2000x32xi32>
    %convert_element_type3A_3 = arith.sitofp %convert_element_type3A : vector<2000x32xi32> to vector<2000x32xf32>
    %get3A_4 = arith.constant 0 : index
    %get3A_5 = arith.constant 0 : index
    %get3A_6 = vector.load %arg2[%get3A_4, %get3A_5] : memref<32x128xf32, #tpu.memory_space<vmem>>, vector<32x128xf32>
    %dot_general3A = arith.constant dense<0.000000e+00> : vector<2000x128xf32>
    %dot_general3A_7 = tpu.matmul %convert_element_type3A_3, %get3A_6, %dot_general3A {dimension_numbers = #tpu.dot_dimension_numbers<[1], [0], [0], [1], [0, 0, 1, 1], [], []>, precision = #tpu.contract_precision<fp32>, transpose_lhs_hint = false} : vector<2000x32xf32>, vector<32x128xf32>, vector<2000x128xf32> -> vector<2000x128xf32>
    %swap3A = arith.constant 0 : index
    %swap3A_8 = arith.constant 0 : index
    %swap3A_9 = vector.load %arg3[%swap3A, %swap3A_8] : memref<2000x128xf32, #tpu.memory_space<vmem>>, vector<2000x128xf32>
    tpu.vector_store %arg3[%swap3A, %swap3A_8], %dot_general3A_7 {strides = array<i32>} : memref<2000x128xf32, #tpu.memory_space<vmem>>, vector<2000x128xf32>,
    return
  }
  func.func @transform_0(%arg0: i32) -> (i32, i32) {
    %c0_i32 = arith.constant 0 : i32
    %c0_i32_0 = arith.constant 0 : i32
    return %arg0, %c0_i32 : i32, i32
  }
  func.func @transform_1(%arg0: i32) -> (i32, i32) {
    %c0_i32 = arith.constant 0 : i32
    %c0_i32_0 = arith.constant 0 : i32
    %c0_i32_1 = arith.constant 0 : i32
    return %c0_i32, %c0_i32_0 : i32, i32
  }
  func.func @transform_2(%arg0: i32) -> (i32, i32) {
    %c0_i32 = arith.constant 0 : i32
    %c0_i32_0 = arith.constant 0 : i32
    return %arg0, %c0_i32 : i32, i32
  }
}

module attributes {stable_mosaic.version = 14 : i64} {
  func.func @_filter_block(%arg0: i32, %arg1: memref<50x2560xf32, #tpu.memory_space<vmem>>, %arg2: memref<50x128xf32, #tpu.memory_space<vmem>>, %arg3: memref<1x128xf32, #tpu.memory_space<vmem>>, %arg4: memref<128x128xf32, #tpu.memory_space<vmem>>, %arg5: memref<1x128xf32, #tpu.memory_space<vmem>>, %arg6: memref<2560x128xf32, #tpu.memory_space<vmem>>) attributes {dimension_semantics = [#tpu.dimension_semantics<arbitrary>], iteration_bounds = array<i64: 125>, scalar_prefetch = 0 : i64, scratch_operands = 0 : i64, tpu.core_type = #tpu.core_type<tc>, window_params = [{transform_indices = @transform_0, window_bounds = array<i64: 50, 2560>}, {pipeline_mode = #tpu.pipeline_mode<synchronous>, transform_indices = @transform_1, window_bounds = array<i64: 50, 128>}, {pipeline_mode = #tpu.pipeline_mode<synchronous>, transform_indices = @transform_2, window_bounds = array<i64: 1, 128>}, {pipeline_mode = #tpu.pipeline_mode<synchronous>, transform_indices = @transform_3, window_bounds = array<i64: 128, 128>}, {pipeline_mode = #tpu.pipeline_mode<synchronous>, transform_indices = @transform_4, window_bounds = array<i64: 1, 128>}, {transform_indices = @transform_5, window_bounds = array<i64: 2560, 128>}]} {
    %get3A = arith.constant 0 : index
    %get3A_0 = arith.constant 0 : index
    %get3A_1 = vector.load %arg1[%get3A, %get3A_0] : memref<50x2560xf32, #tpu.memory_space<vmem>>, vector<50x2560xf32>
    %get3A_2 = arith.constant 0 : index
    %get3A_3 = arith.constant 0 : index
    %get3A_4 = vector.load %arg2[%get3A_2, %get3A_3] : memref<50x128xf32, #tpu.memory_space<vmem>>, vector<50x128xf32>
    %dot_general3A = arith.constant dense<0.000000e+00> : vector<2560x128xf32>
    %dot_general3A_5 = tpu.matmul %get3A_1, %get3A_4, %dot_general3A {dimension_numbers = #tpu.dot_dimension_numbers<[0], [0], [1], [1], [0, 1, 1, 1], [], []>, transpose_lhs_hint = false} : vector<50x2560xf32>, vector<50x128xf32>, vector<2560x128xf32> -> vector<2560x128xf32>
    %get3A_6 = arith.constant 0 : index
    %get3A_7 = arith.constant 0 : index
    %get3A_8 = vector.load %arg3[%get3A_6, %get3A_7] : memref<1x128xf32, #tpu.memory_space<vmem>>, vector<1x128xf32>
    %add3A = vector.broadcast %get3A_8 : vector<1x128xf32> to vector<2560x128xf32>
    %add3A_9 = arith.addf %dot_general3A_5, %add3A : vector<2560x128xf32>
    %max3A = arith.constant 0.000000e+00 : f32
    %max3A_10 = vector.broadcast %max3A : f32 to vector<2560x128xf32>
    %max3A_11 = arith.maximumf %add3A_9, %max3A_10 : vector<2560x128xf32>
    %get3A_12 = arith.constant 0 : index
    %get3A_13 = arith.constant 0 : index
    %get3A_14 = vector.load %arg4[%get3A_12, %get3A_13] : memref<128x128xf32, #tpu.memory_space<vmem>>, vector<128x128xf32>
    %dot_general3A_15 = arith.constant dense<0.000000e+00> : vector<2560x128xf32>
    %dot_general3A_16 = tpu.matmul %max3A_11, %get3A_14, %dot_general3A_15 {dimension_numbers = #tpu.dot_dimension_numbers<[1], [0], [0], [1], [0, 0, 1, 1], [], []>, transpose_lhs_hint = false} : vector<2560x128xf32>, vector<128x128xf32>, vector<2560x128xf32> -> vector<2560x128xf32>
    %get3A_17 = arith.constant 0 : index
    %get3A_18 = arith.constant 0 : index
    %get3A_19 = vector.load %arg5[%get3A_17, %get3A_18] : memref<1x128xf32, #tpu.memory_space<vmem>>, vector<1x128xf32>
    %add3A_20 = vector.broadcast %get3A_19 : vector<1x128xf32> to vector<2560x128xf32>
    %add3A_21 = arith.addf %dot_general3A_16, %add3A_20 : vector<2560x128xf32>
    %swap3A = arith.constant 0 : index
    %swap3A_22 = arith.constant 0 : index
    %swap3A_23 = vector.load %arg6[%swap3A, %swap3A_22] : memref<2560x128xf32, #tpu.memory_space<vmem>>, vector<2560x128xf32>
    tpu.vector_store %arg6[%swap3A, %swap3A_22], %add3A_21 {strides = array<i32>} : memref<2560x128xf32, #tpu.memory_space<vmem>>, vector<2560x128xf32>,
    return
  }
  func.func @transform_0(%arg0: i32) -> (i32, i32) {
    %c0_i32 = arith.constant 0 : i32
    %c0_i32_0 = arith.constant 0 : i32
    return %c0_i32, %arg0 : i32, i32
  }
  func.func @transform_1(%arg0: i32) -> (i32, i32) {
    %c0_i32 = arith.constant 0 : i32
    %c0_i32_0 = arith.constant 0 : i32
    %c0_i32_1 = arith.constant 0 : i32
    return %c0_i32, %c0_i32_0 : i32, i32
  }
  func.func @transform_2(%arg0: i32) -> (i32, i32) {
    %c0_i32 = arith.constant 0 : i32
    %c0_i32_0 = arith.constant 0 : i32
    %c0_i32_1 = arith.constant 0 : i32
    return %c0_i32, %c0_i32_0 : i32, i32
  }
  func.func @transform_3(%arg0: i32) -> (i32, i32) {
    %c0_i32 = arith.constant 0 : i32
    %c0_i32_0 = arith.constant 0 : i32
    %c0_i32_1 = arith.constant 0 : i32
    return %c0_i32, %c0_i32_0 : i32, i32
  }
  func.func @transform_4(%arg0: i32) -> (i32, i32) {
    %c0_i32 = arith.constant 0 : i32
    %c0_i32_0 = arith.constant 0 : i32
    %c0_i32_1 = arith.constant 0 : i32
    return %c0_i32, %c0_i32_0 : i32, i32
  }
  func.func @transform_5(%arg0: i32) -> (i32, i32) {
    %c0_i32 = arith.constant 0 : i32
    %c0_i32_0 = arith.constant 0 : i32
    return %arg0, %c0_i32 : i32, i32
  }
}

module attributes {stable_mosaic.version = 14 : i64} {
  func.func @_upd_block(%arg0: i32, %arg1: memref<2000x128xf32, #tpu.memory_space<vmem>>, %arg2: memref<2x2000x128xf32, #tpu.memory_space<vmem>>, %arg3: memref<128x128xf32, #tpu.memory_space<vmem>>, %arg4: memref<1x128xf32, #tpu.memory_space<vmem>>, %arg5: memref<128x128xf32, #tpu.memory_space<vmem>>, %arg6: memref<1x128xf32, #tpu.memory_space<vmem>>, %arg7: memref<2000x128xf32, #tpu.memory_space<vmem>>) attributes {dimension_semantics = [#tpu.dimension_semantics<arbitrary>], iteration_bounds = array<i64: 5>, scalar_prefetch = 0 : i64, scratch_operands = 0 : i64, tpu.core_type = #tpu.core_type<tc>, window_params = [{transform_indices = @transform_0, window_bounds = array<i64: 2000, 128>}, {transform_indices = @transform_1, window_bounds = array<i64: 2, 2000, 128>}, {pipeline_mode = #tpu.pipeline_mode<synchronous>, transform_indices = @transform_2, window_bounds = array<i64: 128, 128>}, {pipeline_mode = #tpu.pipeline_mode<synchronous>, transform_indices = @transform_3, window_bounds = array<i64: 1, 128>}, {pipeline_mode = #tpu.pipeline_mode<synchronous>, transform_indices = @transform_4, window_bounds = array<i64: 128, 128>}, {pipeline_mode = #tpu.pipeline_mode<synchronous>, transform_indices = @transform_5, window_bounds = array<i64: 1, 128>}, {transform_indices = @transform_6, window_bounds = array<i64: 2000, 128>}]} {
    %get3A = arith.constant 0 : index
    %get3A_0 = arith.constant 0 : index
    %get3A_1 = arith.constant 0 : index
    %get3A_2 = vector.load %arg2[%get3A, %get3A_0, %get3A_1] : memref<2x2000x128xf32, #tpu.memory_space<vmem>>, vector<1x2000x128xf32>
    %get3A_3 = vector.shape_cast %get3A_2 : vector<1x2000x128xf32> to vector<2000x128xf32>
    %get3A_4 = arith.constant 1 : index
    %get3A_5 = arith.constant 0 : index
    %get3A_6 = arith.constant 0 : index
    %get3A_7 = vector.load %arg2[%get3A_4, %get3A_5, %get3A_6] : memref<2x2000x128xf32, #tpu.memory_space<vmem>>, vector<1x2000x128xf32>
    %get3A_8 = vector.shape_cast %get3A_7 : vector<1x2000x128xf32> to vector<2000x128xf32>
    %add3A = arith.addf %get3A_3, %get3A_8 : vector<2000x128xf32>
    %get3A_9 = arith.constant 0 : index
    %get3A_10 = arith.constant 0 : index
    %get3A_11 = vector.load %arg3[%get3A_9, %get3A_10] : memref<128x128xf32, #tpu.memory_space<vmem>>, vector<128x128xf32>
    %dot_general3A = arith.constant dense<0.000000e+00> : vector<2000x128xf32>
    %dot_general3A_12 = tpu.matmul %add3A, %get3A_11, %dot_general3A {dimension_numbers = #tpu.dot_dimension_numbers<[1], [0], [0], [1], [0, 0, 1, 1], [], []>, precision = #tpu.contract_precision<fp32>, transpose_lhs_hint = false} : vector<2000x128xf32>, vector<128x128xf32>, vector<2000x128xf32> -> vector<2000x128xf32>
    %get3A_13 = arith.constant 0 : index
    %get3A_14 = arith.constant 0 : index
    %get3A_15 = vector.load %arg4[%get3A_13, %get3A_14] : memref<1x128xf32, #tpu.memory_space<vmem>>, vector<1x128xf32>
    %add3A_16 = vector.broadcast %get3A_15 : vector<1x128xf32> to vector<2000x128xf32>
    %add3A_17 = arith.addf %dot_general3A_12, %add3A_16 : vector<2000x128xf32>
    %max3A = arith.constant 0.000000e+00 : f32
    %max3A_18 = vector.broadcast %max3A : f32 to vector<2000x128xf32>
    %max3A_19 = arith.maximumf %add3A_17, %max3A_18 : vector<2000x128xf32>
    %get3A_20 = arith.constant 0 : index
    %get3A_21 = arith.constant 0 : index
    %get3A_22 = vector.load %arg5[%get3A_20, %get3A_21] : memref<128x128xf32, #tpu.memory_space<vmem>>, vector<128x128xf32>
    %dot_general3A_23 = arith.constant dense<0.000000e+00> : vector<2000x128xf32>
    %dot_general3A_24 = tpu.matmul %max3A_19, %get3A_22, %dot_general3A_23 {dimension_numbers = #tpu.dot_dimension_numbers<[1], [0], [0], [1], [0, 0, 1, 1], [], []>, precision = #tpu.contract_precision<fp32>, transpose_lhs_hint = false} : vector<2000x128xf32>, vector<128x128xf32>, vector<2000x128xf32> -> vector<2000x128xf32>
    %get3A_25 = arith.constant 0 : index
    %get3A_26 = arith.constant 0 : index
    %get3A_27 = vector.load %arg6[%get3A_25, %get3A_26] : memref<1x128xf32, #tpu.memory_space<vmem>>, vector<1x128xf32>
    %add3A_28 = vector.broadcast %get3A_27 : vector<1x128xf32> to vector<2000x128xf32>
    %add3A_29 = arith.addf %dot_general3A_24, %add3A_28 : vector<2000x128xf32>
    %get3A_30 = arith.constant 0 : index
    %get3A_31 = arith.constant 0 : index
    %get3A_32 = vector.load %arg1[%get3A_30, %get3A_31] : memref<2000x128xf32, #tpu.memory_space<vmem>>, vector<2000x128xf32>
    %add3A_33 = arith.addf %get3A_32, %add3A_29 : vector<2000x128xf32>
    %swap3A = arith.constant 0 : index
    %swap3A_34 = arith.constant 0 : index
    %swap3A_35 = vector.load %arg7[%swap3A, %swap3A_34] : memref<2000x128xf32, #tpu.memory_space<vmem>>, vector<2000x128xf32>
    tpu.vector_store %arg7[%swap3A, %swap3A_34], %add3A_33 {strides = array<i32>} : memref<2000x128xf32, #tpu.memory_space<vmem>>, vector<2000x128xf32>,
    return
  }
  func.func @transform_0(%arg0: i32) -> (i32, i32) {
    %c0_i32 = arith.constant 0 : i32
    %c0_i32_0 = arith.constant 0 : i32
    return %arg0, %c0_i32 : i32, i32
  }
  func.func @transform_1(%arg0: i32) -> (i32, i32, i32) {
    %c0_i32 = arith.constant 0 : i32
    %c0_i32_0 = arith.constant 0 : i32
    %c0_i32_1 = arith.constant 0 : i32
    return %c0_i32, %arg0, %c0_i32_0 : i32, i32, i32
  }
  func.func @transform_2(%arg0: i32) -> (i32, i32) {
    %c0_i32 = arith.constant 0 : i32
    %c0_i32_0 = arith.constant 0 : i32
    %c0_i32_1 = arith.constant 0 : i32
    return %c0_i32, %c0_i32_0 : i32, i32
  }
  func.func @transform_3(%arg0: i32) -> (i32, i32) {
    %c0_i32 = arith.constant 0 : i32
    %c0_i32_0 = arith.constant 0 : i32
    %c0_i32_1 = arith.constant 0 : i32
    return %c0_i32, %c0_i32_0 : i32, i32
  }
  func.func @transform_4(%arg0: i32) -> (i32, i32) {
    %c0_i32 = arith.constant 0 : i32
    %c0_i32_0 = arith.constant 0 : i32
    %c0_i32_1 = arith.constant 0 : i32
    return %c0_i32, %c0_i32_0 : i32, i32
  }
  func.func @transform_5(%arg0: i32) -> (i32, i32) {
    %c0_i32 = arith.constant 0 : i32
    %c0_i32_0 = arith.constant 0 : i32
    %c0_i32_1 = arith.constant 0 : i32
    return %c0_i32, %c0_i32_0 : i32, i32
  }
  func.func @transform_6(%arg0: i32) -> (i32, i32) {
    %c0_i32 = arith.constant 0 : i32
    %c0_i32_0 = arith.constant 0 : i32
    return %arg0, %c0_i32 : i32, i32
  }
}

module attributes {stable_mosaic.version = 14 : i64} {
  func.func @_ea_block(%arg0: i32, %arg1: memref<2000x8xf32, #tpu.memory_space<vmem>>, %arg2: memref<2000x50xf32, #tpu.memory_space<vmem>>) attributes {dimension_semantics = [#tpu.dimension_semantics<arbitrary>], iteration_bounds = array<i64: 160>, scalar_prefetch = 0 : i64, scratch_operands = 0 : i64, tpu.core_type = #tpu.core_type<tc>, window_params = [{transform_indices = @transform_0, window_bounds = array<i64: 2000, 8>}, {transform_indices = @transform_1, window_bounds = array<i64: 2000, 50>}]} {
    %get3A = arith.constant 0 : index
    %get3A_0 = arith.constant 0 : index
    %get3A_1 = vector.load %arg1[%get3A, %get3A_0] : memref<2000x8xf32, #tpu.memory_space<vmem>>, vector<2000x8xf32>
    %mul3A = arith.mulf %get3A_1, %get3A_1 : vector<2000x8xf32>
    %reduce_sum3A = arith.constant dense<0.000000e+00> : vector<2000xf32>
    %reduce_sum3A_2 = vector.multi_reduction <add>, %mul3A, %reduce_sum3A [1] : vector<2000x8xf32> to vector<2000xf32>
    %broadcast_in_dim3A = vector.shape_cast %reduce_sum3A_2 : vector<2000xf32> to vector<2000x1xf32>
    %sqrt3A = math.sqrt %broadcast_in_dim3A : vector<2000x1xf32>
    %iota3A = tpu.iota {dimensions = array<i32: 1>} : vector<1x50xi32>
    %convert_element_type3A = arith.sitofp %iota3A : vector<1x50xi32> to vector<1x50xf32>
    %mul3A_3 = arith.constant 0.20408164 : f32
    %mul3A_4 = vector.broadcast %mul3A_3 : f32 to vector<1x50xf32>
    %mul3A_5 = arith.mulf %convert_element_type3A, %mul3A_4 : vector<1x50xf32>
    %sub3A = vector.broadcast %sqrt3A : vector<2000x1xf32> to vector<2000x50xf32>
    %sub3A_6 = vector.broadcast %mul3A_5 : vector<1x50xf32> to vector<2000x50xf32>
    %sub3A_7 = arith.subf %sub3A, %sub3A_6 : vector<2000x50xf32>
    %mul3A_8 = arith.constant -1.200500e+01 : f32
    %mul3A_9 = vector.broadcast %mul3A_8 : f32 to vector<2000x50xf32>
    %mul3A_10 = arith.mulf %mul3A_9, %sub3A_7 : vector<2000x50xf32>
    %mul3A_11 = arith.mulf %mul3A_10, %sub3A_7 : vector<2000x50xf32>
    %exp3A = math.exp %mul3A_11 : vector<2000x50xf32>
    %swap3A = arith.constant 0 : index
    %swap3A_12 = arith.constant 0 : index
    %swap3A_13 = vector.load %arg2[%swap3A, %swap3A_12] : memref<2000x50xf32, #tpu.memory_space<vmem>>, vector<2000x50xf32>
    tpu.vector_store %arg2[%swap3A, %swap3A_12], %exp3A {strides = array<i32>} : memref<2000x50xf32, #tpu.memory_space<vmem>>, vector<2000x50xf32>,
    return
  }
  func.func @transform_0(%arg0: i32) -> (i32, i32) {
    %c0_i32 = arith.constant 0 : i32
    %c0_i32_0 = arith.constant 0 : i32
    return %arg0, %c0_i32 : i32, i32
  }
  func.func @transform_1(%arg0: i32) -> (i32, i32) {
    %c0_i32 = arith.constant 0 : i32
    %c0_i32_0 = arith.constant 0 : i32
    return %arg0, %c0_i32 : i32, i32
  }
}

module attributes {stable_mosaic.version = 14 : i64} {
  func.func @_upd_block(%arg0: i32, %arg1: memref<2000x128xf32, #tpu.memory_space<vmem>>, %arg2: memref<2x2000x128xf32, #tpu.memory_space<vmem>>, %arg3: memref<128x128xf32, #tpu.memory_space<vmem>>, %arg4: memref<1x128xf32, #tpu.memory_space<vmem>>, %arg5: memref<128x128xf32, #tpu.memory_space<vmem>>, %arg6: memref<1x128xf32, #tpu.memory_space<vmem>>, %arg7: memref<2000x128xf32, #tpu.memory_space<vmem>>) attributes {dimension_semantics = [#tpu.dimension_semantics<arbitrary>], iteration_bounds = array<i64: 5>, scalar_prefetch = 0 : i64, scratch_operands = 0 : i64, tpu.core_type = #tpu.core_type<tc>, window_params = [{transform_indices = @transform_0, window_bounds = array<i64: 2000, 128>}, {transform_indices = @transform_1, window_bounds = array<i64: 2, 2000, 128>}, {pipeline_mode = #tpu.pipeline_mode<synchronous>, transform_indices = @transform_2, window_bounds = array<i64: 128, 128>}, {pipeline_mode = #tpu.pipeline_mode<synchronous>, transform_indices = @transform_3, window_bounds = array<i64: 1, 128>}, {pipeline_mode = #tpu.pipeline_mode<synchronous>, transform_indices = @transform_4, window_bounds = array<i64: 128, 128>}, {pipeline_mode = #tpu.pipeline_mode<synchronous>, transform_indices = @transform_5, window_bounds = array<i64: 1, 128>}, {transform_indices = @transform_6, window_bounds = array<i64: 2000, 128>}]} {
    %get3A = arith.constant 0 : index
    %get3A_0 = arith.constant 0 : index
    %get3A_1 = arith.constant 0 : index
    %get3A_2 = vector.load %arg2[%get3A, %get3A_0, %get3A_1] : memref<2x2000x128xf32, #tpu.memory_space<vmem>>, vector<1x2000x128xf32>
    %get3A_3 = vector.shape_cast %get3A_2 : vector<1x2000x128xf32> to vector<2000x128xf32>
    %get3A_4 = arith.constant 1 : index
    %get3A_5 = arith.constant 0 : index
    %get3A_6 = arith.constant 0 : index
    %get3A_7 = vector.load %arg2[%get3A_4, %get3A_5, %get3A_6] : memref<2x2000x128xf32, #tpu.memory_space<vmem>>, vector<1x2000x128xf32>
    %get3A_8 = vector.shape_cast %get3A_7 : vector<1x2000x128xf32> to vector<2000x128xf32>
    %add3A = arith.addf %get3A_3, %get3A_8 : vector<2000x128xf32>
    %get3A_9 = arith.constant 0 : index
    %get3A_10 = arith.constant 0 : index
    %get3A_11 = vector.load %arg3[%get3A_9, %get3A_10] : memref<128x128xf32, #tpu.memory_space<vmem>>, vector<128x128xf32>
    %dot_general3A = arith.constant dense<0.000000e+00> : vector<2000x128xf32>
    %dot_general3A_12 = tpu.matmul %add3A, %get3A_11, %dot_general3A {dimension_numbers = #tpu.dot_dimension_numbers<[1], [0], [0], [1], [0, 0, 1, 1], [], []>, precision = #tpu.contract_precision<fp32>, transpose_lhs_hint = false} : vector<2000x128xf32>, vector<128x128xf32>, vector<2000x128xf32> -> vector<2000x128xf32>
    %get3A_13 = arith.constant 0 : index
    %get3A_14 = arith.constant 0 : index
    %get3A_15 = vector.load %arg4[%get3A_13, %get3A_14] : memref<1x128xf32, #tpu.memory_space<vmem>>, vector<1x128xf32>
    %add3A_16 = vector.broadcast %get3A_15 : vector<1x128xf32> to vector<2000x128xf32>
    %add3A_17 = arith.addf %dot_general3A_12, %add3A_16 : vector<2000x128xf32>
    %max3A = arith.constant 0.000000e+00 : f32
    %max3A_18 = vector.broadcast %max3A : f32 to vector<2000x128xf32>
    %max3A_19 = arith.maximumf %add3A_17, %max3A_18 : vector<2000x128xf32>
    %get3A_20 = arith.constant 0 : index
    %get3A_21 = arith.constant 0 : index
    %get3A_22 = vector.load %arg5[%get3A_20, %get3A_21] : memref<128x128xf32, #tpu.memory_space<vmem>>, vector<128x128xf32>
    %dot_general3A_23 = arith.constant dense<0.000000e+00> : vector<2000x128xf32>
    %dot_general3A_24 = tpu.matmul %max3A_19, %get3A_22, %dot_general3A_23 {dimension_numbers = #tpu.dot_dimension_numbers<[1], [0], [0], [1], [0, 0, 1, 1], [], []>, precision = #tpu.contract_precision<fp32>, transpose_lhs_hint = false} : vector<2000x128xf32>, vector<128x128xf32>, vector<2000x128xf32> -> vector<2000x128xf32>
    %get3A_25 = arith.constant 0 : index
    %get3A_26 = arith.constant 0 : index
    %get3A_27 = vector.load %arg6[%get3A_25, %get3A_26] : memref<1x128xf32, #tpu.memory_space<vmem>>, vector<1x128xf32>
    %add3A_28 = vector.broadcast %get3A_27 : vector<1x128xf32> to vector<2000x128xf32>
    %add3A_29 = arith.addf %dot_general3A_24, %add3A_28 : vector<2000x128xf32>
    %get3A_30 = arith.constant 0 : index
    %get3A_31 = arith.constant 0 : index
    %get3A_32 = vector.load %arg1[%get3A_30, %get3A_31] : memref<2000x128xf32, #tpu.memory_space<vmem>>, vector<2000x128xf32>
    %add3A_33 = arith.addf %get3A_32, %add3A_29 : vector<2000x128xf32>
    %swap3A = arith.constant 0 : index
    %swap3A_34 = arith.constant 0 : index
    %swap3A_35 = vector.load %arg7[%swap3A, %swap3A_34] : memref<2000x128xf32, #tpu.memory_space<vmem>>, vector<2000x128xf32>
    tpu.vector_store %arg7[%swap3A, %swap3A_34], %add3A_33 {strides = array<i32>} : memref<2000x128xf32, #tpu.memory_space<vmem>>, vector<2000x128xf32>,
    return
  }
  func.func @transform_0(%arg0: i32) -> (i32, i32) {
    %c0_i32 = arith.constant 0 : i32
    %c0_i32_0 = arith.constant 0 : i32
    return %arg0, %c0_i32 : i32, i32
  }
  func.func @transform_1(%arg0: i32) -> (i32, i32, i32) {
    %c0_i32 = arith.constant 0 : i32
    %c0_i32_0 = arith.constant 0 : i32
    %c0_i32_1 = arith.constant 0 : i32
    return %c0_i32, %arg0, %c0_i32_0 : i32, i32, i32
  }
  func.func @transform_2(%arg0: i32) -> (i32, i32) {
    %c0_i32 = arith.constant 0 : i32
    %c0_i32_0 = arith.constant 0 : i32
    %c0_i32_1 = arith.constant 0 : i32
    return %c0_i32, %c0_i32_0 : i32, i32
  }
  func.func @transform_3(%arg0: i32) -> (i32, i32) {
    %c0_i32 = arith.constant 0 : i32
    %c0_i32_0 = arith.constant 0 : i32
    %c0_i32_1 = arith.constant 0 : i32
    return %c0_i32, %c0_i32_0 : i32, i32
  }
  func.func @transform_4(%arg0: i32) -> (i32, i32) {
    %c0_i32 = arith.constant 0 : i32
    %c0_i32_0 = arith.constant 0 : i32
    %c0_i32_1 = arith.constant 0 : i32
    return %c0_i32, %c0_i32_0 : i32, i32
  }
  func.func @transform_5(%arg0: i32) -> (i32, i32) {
    %c0_i32 = arith.constant 0 : i32
    %c0_i32_0 = arith.constant 0 : i32
    %c0_i32_1 = arith.constant 0 : i32
    return %c0_i32, %c0_i32_0 : i32, i32
  }
  func.func @transform_6(%arg0: i32) -> (i32, i32) {
    %c0_i32 = arith.constant 0 : i32
    %c0_i32_0 = arith.constant 0 : i32
    return %arg0, %c0_i32 : i32, i32
  }
}

module attributes {stable_mosaic.version = 14 : i64} {
  func.func @_ro_block(%arg0: i32, %arg1: memref<2000x128xf32, #tpu.memory_space<vmem>>, %arg2: memref<128x128xf32, #tpu.memory_space<vmem>>, %arg3: memref<1x128xf32, #tpu.memory_space<vmem>>, %arg4: memref<128x64xf32, #tpu.memory_space<vmem>>, %arg5: memref<1x64xf32, #tpu.memory_space<vmem>>, %arg6: memref<64x1xf32, #tpu.memory_space<vmem>>, %arg7: memref<1x1xf32, #tpu.memory_space<vmem>>, %arg8: memref<2000x1xf32, #tpu.memory_space<vmem>>) attributes {dimension_semantics = [#tpu.dimension_semantics<arbitrary>], iteration_bounds = array<i64: 5>, scalar_prefetch = 0 : i64, scratch_operands = 0 : i64, tpu.core_type = #tpu.core_type<tc>, window_params = [{transform_indices = @transform_0, window_bounds = array<i64: 2000, 128>}, {pipeline_mode = #tpu.pipeline_mode<synchronous>, transform_indices = @transform_1, window_bounds = array<i64: 128, 128>}, {pipeline_mode = #tpu.pipeline_mode<synchronous>, transform_indices = @transform_2, window_bounds = array<i64: 1, 128>}, {pipeline_mode = #tpu.pipeline_mode<synchronous>, transform_indices = @transform_3, window_bounds = array<i64: 128, 64>}, {pipeline_mode = #tpu.pipeline_mode<synchronous>, transform_indices = @transform_4, window_bounds = array<i64: 1, 64>}, {pipeline_mode = #tpu.pipeline_mode<synchronous>, transform_indices = @transform_5, window_bounds = array<i64: 64, 1>}, {pipeline_mode = #tpu.pipeline_mode<synchronous>, transform_indices = @transform_6, window_bounds = array<i64: 1, 1>}, {transform_indices = @transform_7, window_bounds = array<i64: 2000, 1>}]} {
    %get3A = arith.constant 0 : index
    %get3A_0 = arith.constant 0 : index
    %get3A_1 = vector.load %arg1[%get3A, %get3A_0] : memref<2000x128xf32, #tpu.memory_space<vmem>>, vector<2000x128xf32>
    %get3A_2 = arith.constant 0 : index
    %get3A_3 = arith.constant 0 : index
    %get3A_4 = vector.load %arg2[%get3A_2, %get3A_3] : memref<128x128xf32, #tpu.memory_space<vmem>>, vector<128x128xf32>
    %dot_general3A = arith.constant dense<0.000000e+00> : vector<2000x128xf32>
    %dot_general3A_5 = tpu.matmul %get3A_1, %get3A_4, %dot_general3A {dimension_numbers = #tpu.dot_dimension_numbers<[1], [0], [0], [1], [0, 0, 1, 1], [], []>, precision = #tpu.contract_precision<fp32>, transpose_lhs_hint = false} : vector<2000x128xf32>, vector<128x128xf32>, vector<2000x128xf32> -> vector<2000x128xf32>
    %get3A_6 = arith.constant 0 : index
    %get3A_7 = arith.constant 0 : index
    %get3A_8 = vector.load %arg3[%get3A_6, %get3A_7] : memref<1x128xf32, #tpu.memory_space<vmem>>, vector<1x128xf32>
    %add3A = vector.broadcast %get3A_8 : vector<1x128xf32> to vector<2000x128xf32>
    %add3A_9 = arith.addf %dot_general3A_5, %add3A : vector<2000x128xf32>
    %max3A = arith.constant 0.000000e+00 : f32
    %max3A_10 = vector.broadcast %max3A : f32 to vector<2000x128xf32>
    %max3A_11 = arith.maximumf %add3A_9, %max3A_10 : vector<2000x128xf32>
    %get3A_12 = arith.constant 0 : index
    %get3A_13 = arith.constant 0 : index
    %get3A_14 = vector.load %arg4[%get3A_12, %get3A_13] : memref<128x64xf32, #tpu.memory_space<vmem>>, vector<128x64xf32>
    %dot_general3A_15 = arith.constant dense<0.000000e+00> : vector<2000x64xf32>
    %dot_general3A_16 = tpu.matmul %max3A_11, %get3A_14, %dot_general3A_15 {dimension_numbers = #tpu.dot_dimension_numbers<[1], [0], [0], [1], [0, 0, 1, 1], [], []>, precision = #tpu.contract_precision<fp32>, transpose_lhs_hint = false} : vector<2000x128xf32>, vector<128x64xf32>, vector<2000x64xf32> -> vector<2000x64xf32>
    %get3A_17 = arith.constant 0 : index
    %get3A_18 = arith.constant 0 : index
    %get3A_19 = vector.load %arg5[%get3A_17, %get3A_18] : memref<1x64xf32, #tpu.memory_space<vmem>>, vector<1x64xf32>
    %add3A_20 = vector.broadcast %get3A_19 : vector<1x64xf32> to vector<2000x64xf32>
    %add3A_21 = arith.addf %dot_general3A_16, %add3A_20 : vector<2000x64xf32>
    %max3A_22 = arith.constant 0.000000e+00 : f32
    %max3A_23 = vector.broadcast %max3A_22 : f32 to vector<2000x64xf32>
    %max3A_24 = arith.maximumf %add3A_21, %max3A_23 : vector<2000x64xf32>
    %get3A_25 = arith.constant 0 : index
    %get3A_26 = arith.constant 0 : index
    %get3A_27 = vector.load %arg6[%get3A_25, %get3A_26] : memref<64x1xf32, #tpu.memory_space<vmem>>, vector<64x1xf32>
    %dot_general3A_28 = arith.constant dense<0.000000e+00> : vector<2000x1xf32>
    %dot_general3A_29 = tpu.matmul %max3A_24, %get3A_27, %dot_general3A_28 {dimension_numbers = #tpu.dot_dimension_numbers<[1], [0], [0], [1], [0, 0, 1, 1], [], []>, precision = #tpu.contract_precision<fp32>, transpose_lhs_hint = false} : vector<2000x64xf32>, vector<64x1xf32>, vector<2000x1xf32> -> vector<2000x1xf32>
    %get3A_30 = arith.constant 0 : index
    %get3A_31 = arith.constant 0 : index
    %get3A_32 = vector.load %arg7[%get3A_30, %get3A_31] : memref<1x1xf32, #tpu.memory_space<vmem>>, vector<1x1xf32>
    %add3A_33 = vector.broadcast %get3A_32 : vector<1x1xf32> to vector<2000x1xf32>
    %add3A_34 = arith.addf %dot_general3A_29, %add3A_33 : vector<2000x1xf32>
    %swap3A = arith.constant 0 : index
    %swap3A_35 = arith.constant 0 : index
    %swap3A_36 = vector.load %arg8[%swap3A, %swap3A_35] : memref<2000x1xf32, #tpu.memory_space<vmem>>, vector<2000x1xf32>
    tpu.vector_store %arg8[%swap3A, %swap3A_35], %add3A_34 {strides = array<i32>} : memref<2000x1xf32, #tpu.memory_space<vmem>>, vector<2000x1xf32>,
    return
  }
  func.func @transform_0(%arg0: i32) -> (i32, i32) {
    %c0_i32 = arith.constant 0 : i32
    %c0_i32_0 = arith.constant 0 : i32
    return %arg0, %c0_i32 : i32, i32
  }
  func.func @transform_1(%arg0: i32) -> (i32, i32) {
    %c0_i32 = arith.constant 0 : i32
    %c0_i32_0 = arith.constant 0 : i32
    %c0_i32_1 = arith.constant 0 : i32
    return %c0_i32, %c0_i32_0 : i32, i32
  }
  func.func @transform_2(%arg0: i32) -> (i32, i32) {
    %c0_i32 = arith.constant 0 : i32
    %c0_i32_0 = arith.constant 0 : i32
    %c0_i32_1 = arith.constant 0 : i32
    return %c0_i32, %c0_i32_0 : i32, i32
  }
  func.func @transform_3(%arg0: i32) -> (i32, i32) {
    %c0_i32 = arith.constant 0 : i32
    %c0_i32_0 = arith.constant 0 : i32
    %c0_i32_1 = arith.constant 0 : i32
    return %c0_i32, %c0_i32_0 : i32, i32
  }
  func.func @transform_4(%arg0: i32) -> (i32, i32) {
    %c0_i32 = arith.constant 0 : i32
    %c0_i32_0 = arith.constant 0 : i32
    %c0_i32_1 = arith.constant 0 : i32
    return %c0_i32, %c0_i32_0 : i32, i32
  }
  func.func @transform_5(%arg0: i32) -> (i32, i32) {
    %c0_i32 = arith.constant 0 : i32
    %c0_i32_0 = arith.constant 0 : i32
    %c0_i32_1 = arith.constant 0 : i32
    return %c0_i32, %c0_i32_0 : i32, i32
  }
  func.func @transform_6(%arg0: i32) -> (i32, i32) {
    %c0_i32 = arith.constant 0 : i32
    %c0_i32_0 = arith.constant 0 : i32
    %c0_i32_1 = arith.constant 0 : i32
    return %c0_i32, %c0_i32_0 : i32, i32
  }
  func.func @transform_7(%arg0: i32) -> (i32, i32) {
    %c0_i32 = arith.constant 0 : i32
    %c0_i32_0 = arith.constant 0 : i32
    return %arg0, %c0_i32 : i32, i32
  }
}

</mosaic_0001>

<sc_bundles>
// kernel: kernel.24.cloned.1.call-start
scs
__scs_entry_jumppad:
0x0: {  	(pc) =	sbr.rel $0x88, $3  }
0x1: {  	(tag) =	ssettag $0x0;
	lr =	simm.s32 $0x1  }
0x2: {  	[smem:$0x3F8E] =	sst lr;
	_ =	strace $0xD0000000  }
0x3: {  	_ = 	snop  }
0x4: {  	_ = 	snop  }
0x5: {  	_ = 	snop  }
0x6: {  	_ = 	snop  }
0x7: {  	_ = 	snop  }
__scs_overlays_trampoline_lowered:
0x8: {  	[smem:$0x3F9D] =	sst s0  }
0x9: {  	[smem:$0x3F9E] =	sst s1  }
0xa: {  	[smem:$0x3F9F] =	sst s2  }
0xb: {  	[smem:$0x3FA0] =	sst s3  }
0xc: {  	[smem:$0x3FA1] =	sst s4  }
0xd: {  	[smem:$0x3FA2] =	sst s5  }
0xe: {  	[smem:$0x3FA3] =	sst s6  }
0xf: {  	[smem:$0x3FA4] =	sst s7  }
0x10: {  	[smem:$0x3FA5] =	sst s8  }
0x11: {  	[smem:$0x3FA6] =	sst s9;
	s0 =	simm.s32 @!p0 $0x0  }
0x12: {  	s1 =	sld [smem:$0x3F8C];
	s0 =	simm.s32 @p0 $0x1  }
0x13: {  	[smem:$0x3FA7] =	sst s0;
	s0 =	simm.s32 @!p1 $0x0  }
0x14: {  	s2 =	sld [smem:$0x3F8B];
	s0 =	simm.s32 @p1 $0x1  }
0x15: {  	[smem:$0x3FA8] =	sst s0;
	s0 =	simm.s32 @!p2 $0x0  }
0x16: {  	s3 =	sld [smem:$0x3FDB];
	s0 =	simm.s32 @p2 $0x1  }
0x17: {  	s4 =	simm.s32 $0x1BF5;
	[smem:$0x3FAA] =	sst s0  }
0x18: {  	s0 =	sld [smem:$0x3F8D];
	_ =	swait.ge [sflag:s4], $0x0  }
0x19: {  	s7 =	sld [smem:$0x3F8E]  }
0x1a: {  	s8 =	sadd.s32 $0xFFFFE003, lr  }
0x1b: {  	s9 =	sadd.s32 $0xFFFFFEF7, lr;
	s5 =	simm.s32 $0xFFFFFFFF;
	p2 =	slt.u32 s8, $0xFFFFF086  }
0x1c: {  	p1 =	slt.u32 s9, $0xF7A;
	s5 =	simm.s32 @!p2 $0x0  }
0x1d: {  	s5 =	simm.s32 @p1 $0x1;
	p0 =	seq.s32 s7, s2  }
0x1e: {  	s7 =	smul.u32 @!p0 $0xF7A, s2;
	p2 =	seq.s32 @!p0 s5, $0x0  }
0x1f: {  	s9 =	smul.u32 $0xF7A, s1;
	s8 =	simm.s32 @!p0 $0x1BF5;
	p2 =	por !p2, p0  }
0x20: {  	[sflag:s8] =	ssyncset.s32 @!p0 $0xFFFFF086;
	s6 =	sadd.s32 @!p0 s3, s7;
	s7 =	simm.s32 @!p0 $0x108  }
0x21: {  	s3 =	sadd.s32 s3, s9;
	s6 =	sadd.s32 @!p0 $0x88, s6;
	s7 =	simm.s32 @p2 $0x1082  }
0x22: {  	[simem:s7], [sflag:s8] =	dma.local @!p0 [hbm:s6], $0xF7A  }
0x23: {  	s9 =	sor.u32 $0xD0000000, s2;
	s6 =	simm.s32 $0x108;
	_ =	swait.ge @!p0 [sflag:s8], $0x0  }
0x24: {  	s3 =	sadd.s32 $0x88, s3;
	s6 =	simm.s32 @!p1 $0x1082;
	[sflag:s4] =	ssyncset.s32 $0xFFFFF086  }
0x25: {  	[simem:s6], [sflag:s4] =	dma.local [hbm:s3], $0xF7A  }
0x26: {  	[smem:$0x3F8E] =	sst s1;
	(tag) =	ssettag s2;
	_ =	strace s9  }
0x27: {  	s1 =	sld [smem:$0x3F9E]  }
0x28: {  	s2 =	sld [smem:$0x3F9F]  }
0x29: {  	s4 =	sld [smem:$0x3FA1]  }
0x2a: {  	p0 =	seq.s32 s5, $0x0;
	s5 =	sld [smem:$0x3FA2]  }
0x2b: {  	s6 =	sld [smem:$0x3FA3]  }
0x2c: {  	s7 =	sld [smem:$0x3FA4]  }
0x2d: {  	s3 =	simm.s32 $0x108;
	s8 =	sld [smem:$0x3FA5]  }
0x2e: {  	s3 =	simm.s32 @!p0 $0x1082;
	s9 =	sld [smem:$0x3FA6]  }
0x2f: {  	lr =	sadd.s32 s0, s3;
	s0 =	sld [smem:$0x3F9D]  }
0x30: {  	s3 =	sld [smem:$0x3FA0]  }
0x31: {  	[smem:$0x3FA9] =	sst s10  }
0x32: {  	s10 =	sld [smem:$0x3FA7];
	_ =	sdelay $0x3  }
0x33: {  	p0 =	seq.s32 s10, $0x1;
	s10 =	sld [smem:$0x3FA9];
	_ =	sdelay $0x3  }
0x34: {  	[smem:$0x3FA9] =	sst s10  }
0x35: {  	s10 =	sld [smem:$0x3FA8];
	_ =	sdelay $0x3  }
0x36: {  	p1 =	seq.s32 s10, $0x1;
	s10 =	sld [smem:$0x3FA9];
	_ =	sdelay $0x3  }
0x37: {  	[smem:$0x3FA9] =	sst s10  }
0x38: {  	s10 =	sld [smem:$0x3FAA]  }
0x39: {  	_ = 	snop;
	(pc) =	sbr.ind lr, $3  }
0x3a: {  	_ = 	snop  }
0x3b: {  	_ = 	snop  }
0x3c: {  	p2 =	seq.s32 s10, $0x1;
	s10 =	sld [smem:$0x3FA9]  }
0x3d: {  	_ =	shalt  }
0x3e: {  	_ =	shalt  }
0x3f: {  	_ =	shalt  }
0x40: {  	_ =	shalt  }
0x41: {  	_ =	shalt  }
0x42: {  	_ =	shalt  }
0x43: {  	_ =	shalt  }
0x44: {  	_ =	shalt  }
0x45: {  	_ =	shalt  }
0x46: {  	_ =	shalt  }
0x47: {  	_ =	shalt  }
0x48: {  	_ =	shalt  }
0x49: {  	_ =	shalt  }
0x4a: {  	_ =	shalt  }
0x4b: {  	_ =	shalt  }
0x4c: {  	_ =	shalt  }
0x4d: {  	_ =	shalt  }
0x4e: {  	_ =	shalt  }
0x4f: {  	_ =	shalt  }
0x50: {  	_ =	shalt  }
0x51: {  	_ =	shalt  }
0x52: {  	_ =	shalt  }
0x53: {  	_ =	shalt  }
0x54: {  	_ =	shalt  }
0x55: {  	_ =	shalt  }
0x56: {  	_ =	shalt  }
0x57: {  	_ =	shalt  }
0x58: {  	_ =	shalt  }
0x59: {  	_ =	shalt  }
0x5a: {  	_ =	shalt  }
0x5b: {  	_ =	shalt  }
0x5c: {  	_ =	shalt  }
0x5d: {  	_ =	shalt  }
0x5e: {  	_ =	shalt  }
0x5f: {  	_ =	shalt  }
0x60: {  	_ =	shalt  }
0x61: {  	_ =	shalt  }
0x62: {  	_ =	shalt  }
0x63: {  	_ =	shalt  }
0x64: {  	_ =	shalt  }
0x65: {  	_ =	shalt  }
0x66: {  	_ =	shalt  }
0x67: {  	_ =	shalt  }
0x68: {  	_ =	shalt  }
0x69: {  	_ =	shalt  }
0x6a: {  	_ =	shalt  }
0x6b: {  	_ =	shalt  }
0x6c: {  	_ =	shalt  }
0x6d: {  	_ =	shalt  }
0x6e: {  	_ =	shalt  }
0x6f: {  	_ =	shalt  }
0x70: {  	_ =	shalt  }
0x71: {  	_ =	shalt  }
0x72: {  	_ =	shalt  }
0x73: {  	_ =	shalt  }
0x74: {  	_ =	shalt  }
0x75: {  	_ =	shalt  }
0x76: {  	_ =	shalt  }
0x77: {  	_ =	shalt  }
0x78: {  	_ =	shalt  }
0x79: {  	_ =	shalt  }
0x7a: {  	_ =	shalt  }
0x7b: {  	_ =	shalt  }
0x7c: {  	_ =	shalt  }
0x7d: {  	_ =	shalt  }
0x7e: {  	_ =	shalt  }
0x7f: {  	_ =	shalt  }
0x80: {  	_ =	shalt  }
0x81: {  	_ =	shalt  }
0x82: {  	_ =	shalt  }
0x83: {  	_ =	shalt  }
0x84: {  	_ =	shalt  }
0x85: {  	_ =	shalt  }
0x86: {  	_ =	shalt  }
0x87: {  	_ =	shalt  }
.Lfunc_end0:
.L_simem_size_0:
called_computation_lowered:
.L_overlay_start_0:
0x88: {  	s2 =	sld [smem:$0x3FD9]  }
0x89: {  	s3 =	sld [smem:$0x3FFE];
	_ =	sdelay $0x1  }
0x8a: {  	s1 =	srdreg.scid  }
0x8b: {  	s0 =	sand.u32 $0x1, s1  }
0x8c: {  	s14 =	sshll.u32 s0, $0xA;
	s2 =	sadd.s32 s3, s2  }
0x8d: {  	s2 =	sadd.s32 s2, s14  }
0x8e: {  	[smem:$0x3FB5] =	sst s2  }
0x8f: {  	_ = 	snop  }
0x90: {  	s2 =	sld [smem:$0x3FD0];
	_ =	sdelay $0x2  }
0x91: {  	s15 =	simm.s32 $0xA;
	s4 =	simm.s32 $0x10  }
0x92: {  	[smem:s4], [sflag:s15] =	dma.local [hbm:s2], $0x1  }
0x93: {  	_ =	swait.eq [sflag:s15], $0x1  }
0x94: {  	[sflag:s15] =	ssyncset.done $0x0  }
0x95: {  	[sflag:s15] =	ssyncadd.s32 $0xFFFFFFFF  }
0x96: {  	s16 =	sld [smem:$0x11];
	(tm) =	ssettm $0x1  }
0x97: {  	s17 =	sld [smem:$0x3FFB];
	_ =	sdelay $0x3  }
0x98: {  	_ =	strace s17  }
0x99: {  	s3 =	sld [smem:$0x3FFC];
	_ =	sdelay $0x3  }
0x9a: {  	_ =	strace s3  }
0x9b: {  	s3 =	sld [smem:$0x3FFD];
	_ =	sdelay $0x3  }
0x9c: {  	_ =	strace s3  }
0x9d: {  	_ =	strace $0x8FFFFFFF  }
0x9e: {  	s18 =	sld [smem:$0x3FDB];
	_ =	sdelay $0x1  }
0x9f: {  	s19 =	simm.s32 $_scs_section_size  }
0xa0: {  	s5 =	simm.s32 $_size__tile_overlayer_lowered;
	s6 =	simm.s32 $_tile_overlayer_lowered  }
0xa1: {  	s22 =	simm.s32 $0x1BFF;
	s21 =	sshll.u32 s6, $0x1;
	s3 =	sadd.s32 s19, s18  }
0xa2: {  	s7 =	simm.s32 $0x0;
	s20 =	sshll.u32 s5, $0x1;
	s5 =	sadd.s32 s21, s3  }
0xa3: {  	[timem:s7], [sflag:s22] =	dma.local [hbm:s5], s20  }
0xa4: {  	_ =	swait.ge [sflag:s22], s20  }
0xa5: {  	s4 =	ssub.s32 $0x0, s20;
	[sflag:s22] =	ssyncset.done $0x0  }
0xa6: {  	[sflag:s22] =	ssyncadd.s32 s4;
	_ =	sdelay $0x1  }
0xa7: {  	s23 =	simm.s32 $0x1B8B  }
0xa8: {  	_ =	swait.ge [sflag:s23], $0x1  }
0xa9: {  	[sflag:s23] =	ssyncset.done $0x0  }
0xaa: {  	s25 =	simm.s32 $0x1B8E;
	s24 =	sld [smem:$0x3FFE];
	[sflag:s23] =	ssyncadd.s32 $0xFFFFFFFF  }
0xab: {  	s26 =	simm.s32 $execute0_lowered;
	[smem:$0x3FD2] =	sst s25  }
0xac: {  	s5 =	sshll.u32 s26, $0x1;
	_ =	strace $0x80000046;
	[dreg:$0x1] =	wrdreg $0xFFFFFFFF  }
0xad: {  	s28 =	simm.s32 $_size_execute0_lowered;
	s3 =	sadd.s32 s3, s5;
	[dreg:$0x0] =	wrdreg $0x0  }
0xae: {  	s5 =	sshll.u32 s28, $0x1;
	[dreg:$0x2] =	wrdreg s3  }
0xaf: {  	[dreg:$0x3] =	wrdreg s5  }
0xb0: {  	[dreg:$0x4] =	wrdreg $0xC0  }
0xb1: {  	_ =	task [dreg:s7], $0x5FFFF  }
0xb2: {  	[dreg:$0x1] =	wrdreg $0xFFFFFFFF  }
0xb3: {  	[dreg:$0x0] =	wrdreg $0x60  }
0xb4: {  	[dreg:$0x2] =	wrdreg s16  }
0xb5: {  	[dreg:$0x3] =	wrdreg s24  }
0xb6: {  	[dreg:$0x4] =	wrdreg $0x78800  }
0xb7: {  	[dreg:$0x5] =	wrdreg $0x9  }
0xb8: {  	_ =	task.clear_ibuf [dreg:s7], $0x6FFFF;
	_ =	strace $0x90000046  }
0xb9: {  	s29 =	simm.s32 $0x9;
	_ =	strace $0x80000048  }
0xba: {  	_ =	swait.ge [sflag:s29], $0x1  }
0xbb: {  	[sflag:s29] =	ssyncadd.s32 $0xFFFFFFFF  }
0xbc: {  	_ =	strace $0x90000048  }
0xbd: {  	_ =	sfence  }
0xbe: {  	s30 =	sld [smem:$0x0];
	_ =	sdelay $0x2  }
0xbf: {  	s31 =	sshll.u32 s1, $0xD;
	s1 =	sshrl.u32 s1, $0x2  }
0xc0: {  	s3 =	sand.u32 $0x4000, s31;
	s1 =	sadd.s32 s1, s30  }
0xc1: {  	s0 =	sor.u32 s3, s0;
	s1 =	sshll.u32 s1, $0x11  }
0xc2: {  	s0 =	sor.u32 s1, s0  }
0xc3: {  	s0 =	sadd.s32 $0x8F2B, s0  }
0xc4: {  	[sflag:s0] =	ssyncadd.remote.s32 $0x1  }
0xc5: {  	_ =	sfence.sel $0xFFFF  }
0xc6: {  	[dreg:$0x0] =	wrdreg $0xFFFFFFFF;
	(pc) =	sbr.abs _section_cstart, $3  }
0xc7: {  	[dreg:$0x1] =	wrdreg $0xFFFFFFFF  }
0xc8: {  	_ =	task.clear_ibuf [dreg:s7], $0x2FFFF;
	_ =	strace $0x9FFFFFFF  }
0xc9: {  	(tm) =	ssettm $0x7FFFFFFF  }
tec
execute0_lowered:
.L_overlay_start_1:
0x0: {  	(tag) =	ssettag $0x1  }
0x1: {  	s1 =	rddreg [dreg:$0x0]  }
0x2: {  	s0 =	srdreg.scid;
	s2 =	rddreg [dreg:$0x1]  }
0x3: {  	s14 =	stileid.u32;
	s3 =	rddreg [dreg:$0x2]  }
0x4: {  	s17 =	simm.s32 $0x4;
	s18 =	simm.s32 $0x28;
	s19 =	simm.s32 $0x2780  }
0x5: {  	s21 =	simm.s32 $0x4F80;
	s22 =	simm.s32 $0x3B80;
	s23 =	simm.s32 $0x6480  }
0x6: {  	s24 =	simm.s32 $0x5000;
	s28 =	simm.s32 $0x2;
	s29 =	simm.s32 $0x0  }
0x7: {  	s0 =	sand.u32 $0x1, s0;
	s4 =	sshll.u32 s14, $0x1;
	s8 =	smul.u32 $0x2780, s14  }
0x8: {  	s6 =	sadd.s32 $0x3A000, s2;
	s11 =	smul.u32 $0x4F000, s14;
	s26 =	sshll.u32 s14, $0x6  }
0x9: {  	s12 =	sor.u32 s0, s4;
	s4 =	simm.s32 $0x0;
	s9 =	smul.u32 $0x27800, s0  }
0xa: {  	s0 =	ssub.s32 $0x2, s0;
	s5 =	smul.u32 $0x2710, s12;
	[smem:$0x7FF] =	sst s4  }
0xb: {  	s13 =	sadd.s32 s8, s2;
	s25 =	sshrl.u32 s0, $0x1;
	s11 =	sshrl.u32 s11, $0x2  }
0xc: {  	s30 =	smul.u32 $0x27100, s12;
	s31 =	sshll.u32 s12, $0xC;
	s12 =	sshll.u32 s12, $0xF  }
0xd: {  	_ =	strace $0x80000047;
	s8 =	sadd.s32 s8, s9;
	s0 =	ssub.s32 s0, s25  }
0xe: {  	s16 =	sadd.s32 s11, s3;
	s9 =	sor.u32 $0x1C04, s26;
	s25 =	simm.s32 $0x1  }
0xf: {  	s26 =	simm.s32 $0x3;
	s7 =	sshrl.u32 s5, $0x3;
	s11 =	sadd.s32 s6, s30  }
0x10: {  	s15 =	smax.u32 s0, $0x1;
	s16 =	sshrl.u32 s16, $0x3;
	s10 =	sadd.s32 s7, s2  }
0x11: {  	s7 =	sadd.s32 $0x18E00, s2;
	s2 =	sadd.s32 s8, s2;
	s8 =	sadd.s32 $0x51C000, s13  }
0x12: {  	s10 =	sadd.s32 $0xF000, s10;
	s13 =	sadd.s32 s7, s31;
	s14 =	sadd.s32 $0x543800, s2  }
.LBB2_1:
0x13: {  	[spmem:s16], [sflag:s9] =	dma.local [hbm:s8], $0x2780  }
0x14: {  	_ =	swait.ge [sflag:s17], $0x2780  }
0x15: {  	[sflag:s17] =	ssyncset.done $0x0  }
0x16: {  	[sflag:s17] =	ssyncadd.s32 $0xFFFFD880  }
0x17: {  	[tilespmem:s4], [sflag:$0x4] =	stream.linear.gather [hbm4b:s10+s4], $0x2710, $0x38;
	[tilespmem:$0x1B480] =	vst v63  }
0x18: {  	_ =	swait.ge [sflag:s17], $0x2710  }
0x19: {  	[sflag:s17] =	ssyncset.done $0x0  }
0x1a: {  	[sflag:s17] =	ssyncadd.s32 $0xFFFFD8F0  }
0x1b: {  	[bflag:$0x0] =	sbarrier.arrive $0xFFFF  }
0x1c: {  	[tilespmem:s19], [sflag:$0x1] =	stream.indirect.gather [hbm4b:s1+s18], $0x80, s4, s18, $0xb8;
	[tilespmem:$0x1B480] =	vst v63  }
0x1d: {  	s0 =	simm.s32 $0x5080  }
0x1e: {  	[tilespmem:s0], [sflag:$0x3] =	stream.linear.gather [hbm4b:s11+s4], $0x1400, $0x38;
	[tilespmem:$0x1B480] =	vst v63  }
0x1f: {  	s30 =	simm.s32 $0x0  }
0x20: {  	[tilespmem:s21], [sflag:$0x2] =	stream.linear.gather [hbm4b:s13+s4], $0x80, $0x38;
	[tilespmem:$0x1B480] =	vst v63  }
.LBB2_2:
0x21: {  	s0 =	sshllo.u32 s30, $0x1  }
0x22: {  	s2 =	smul.u32 $0x28, s0;
	_ =	sdelay $0x1  }
0x23: {  	[tilespmem:s22], [sflag:$0x1] =	stream.indirect.gather [hbm4b:s1+s18], $0x80, s2, s18, $0xb8;
	[tilespmem:$0x1B480] =	vst v63  }
0x24: {  	s2 =	sadd.s32 s5, s2  }
0x25: {  	s31 =	simm.s32 $0x0;
	s2 =	sshll.u32 s2, $0x4  }
0x26: {  	s20 =	sshll.u32 s30, $0x8;
	s0 =	sshll.u32 s0, $0x7;
	s2 =	sadd.s32 s6, s2  }
0x27: {  	[tilespmem:s23], [sflag:$0x3] =	stream.linear.gather [hbm4b:s2+s31], $0x1400, $0x38;
	[tilespmem:$0x1B480] =	vst v63  }
0x28: {  	s0 =	sand.u32 $0x380, s0;
	s2 =	sand.u32 $0x7C00, s20  }
0x29: {  	s0 =	sor.u32 s0, s2  }
0x2a: {  	s0 =	sor.u32 s12, s0  }
0x2b: {  	s0 =	sshrl.u32 s0, $0x3  }
0x2c: {  	s0 =	sadd.s32 s7, s0  }
0x2d: {  	[tilespmem:s24], [sflag:$0x2] =	stream.linear.gather [hbm4b:s0+s31], $0x80, $0x38;
	[tilespmem:$0x1B480] =	vst v63  }
0x2e: {  	_ =	swait.ge [sflag:s25], $0x1400  }
0x2f: {  	[sflag:s25] =	ssyncset.done $0x0  }
0x30: {  	[sflag:s25] =	ssyncadd.s32 $0xFFFFEC00  }
0x31: {  	_ =	swait.ge [sflag:s26], $0x1400  }
0x32: {  	[sflag:s26] =	ssyncset.done $0x0  }
0x33: {  	[sflag:s26] =	ssyncadd.s32 $0xFFFFEC00  }
0x34: {  	_ =	swait.ge [sflag:s28], $0x80  }
0x35: {  	[sflag:s28] =	ssyncset.done $0x0  }
0x36: {  	s31 =	simm.s32 $0x0;
	[sflag:s28] =	ssyncadd.s32 $0xFFFFFF80  }
0x37: {  	v7 =	vld [tilespmem:s31+$0x5080]  }
0x38: {  	v11 =	vld [tilespmem:s31+$0x5090]  }
0x39: {  	v5 =	vld [tilespmem:s31+$0x50A0]  }
0x3a: {  	v4 =	vld [tilespmem:s31+$0x50B0]  }
0x3b: {  	v3 =	vld [tilespmem:s31+$0x50C0]  }
0x3c: {  	v2 =	vld [tilespmem:s31+$0x50D0]  }
0x3d: {  	v1 =	vld [tilespmem:s31+$0x50E0]  }
0x3e: {  	v0 =	vld [tilespmem:s31+$0x50F0]  }
0x3f: {  	v12 =	vld [tilespmem:s31+$0x2780]  }
0x40: {  	v13 =	vld [tilespmem:s31+$0x2790]  }
0x41: {  	v10 =	vld [tilespmem:s31+$0x27A0]  }
0x42: {  	v9 =	vld [tilespmem:s31+$0x27B0]  }
0x43: {  	v8 =	vld [tilespmem:s31+$0x27C0]  }
0x44: {  	v6 =	vld [tilespmem:s31+$0x27D0];
	v12 =	vmul.f32 v7, v12  }
0x45: {  	s2 =	sshll.u32 s30, $0x1;
	s0 =	simm.s32 $0x200;
	v11 =	vmul.f32 v11, v13;
	v7 =	vld [tilespmem:s31+$0x27E0]  }
.LBB2_3:
0x46: {  	s20 =	sshra.s32 s0, $0x2;
	p0 =	sne.s32 s0, $0x4E00;
	[tilespmem:s31+$0x2780] =	vst v12;
	v5 =	vmul.f32 v5, v10;
	v10 =	vld [tilespmem:s31+$0x27F0]  }
0x47: {  	v12 =	vld [tilespmem:s20+$0x5080];
	[tilespmem:s31+$0x2790] =	vst v11;
	v4 =	vmul.f32 v4, v9  }
0x48: {  	v11 =	vld [tilespmem:s20+$0x5090];
	[tilespmem:s31+$0x27A0] =	vst v5;
	v3 =	vmul.f32 v3, v8  }
0x49: {  	v5 =	vld [tilespmem:s20+$0x50A0];
	[tilespmem:s31+$0x27B0] =	vst v4;
	v2 =	vmul.f32 v2, v6  }
0x4a: {  	v4 =	vld [tilespmem:s20+$0x50B0];
	[tilespmem:s31+$0x27C0] =	vst v3;
	v1 =	vmul.f32 v1, v7  }
0x4b: {  	v3 =	vld [tilespmem:s20+$0x50C0];
	[tilespmem:s31+$0x27D0] =	vst v2;
	v0 =	vmul.f32 v0, v10  }
0x4c: {  	v2 =	vld [tilespmem:s20+$0x50D0];
	[tilespmem:s31+$0x27E0] =	vst v1  }
0x4d: {  	v1 =	vld [tilespmem:s20+$0x50E0];
	[tilespmem:s31+$0x27F0] =	vst v0;
	s31 =	smov.u32 s20  }
0x4e: {  	v0 =	vld [tilespmem:s31+$0x50F0]  }
0x4f: {  	v6 =	vld [tilespmem:s31+$0x2780]  }
0x50: {  	v7 =	vld [tilespmem:s31+$0x2790]  }
.Ltmp0:
0x51: {  	v10 =	vld [tilespmem:s31+$0x27A0];
	(pc) =	sbr.rel @p0 .LBB2_3-.Ltmp0, $4  }
0x52: {  	v9 =	vld [tilespmem:s31+$0x27B0]  }
0x53: {  	v8 =	vld [tilespmem:s31+$0x27C0]  }
0x54: {  	v12 =	vmul.f32 v12, v6;
	v6 =	vld [tilespmem:s31+$0x27D0]  }
0x55: {  	s0 =	sadd.s32 $0x200, s0;
	v11 =	vmul.f32 v11, v7;
	v7 =	vld [tilespmem:s31+$0x27E0]  }
0x56: {  	[tilespmem:s31+$0x2780] =	vst v12;
	v5 =	vmul.f32 v5, v10;
	v10 =	vld [tilespmem:s31+$0x27F0]  }
0x57: {  	[tilespmem:s31+$0x2790] =	vst v11;
	v4 =	vmul.f32 v4, v9  }
0x58: {  	[tilespmem:s31+$0x27A0] =	vst v5;
	v3 =	vmul.f32 v3, v8  }
0x59: {  	[tilespmem:s31+$0x27B0] =	vst v4;
	v2 =	vmul.f32 v2, v6  }
0x5a: {  	[tilespmem:s31+$0x27C0] =	vst v3;
	v1 =	vmul.f32 v1, v7  }
0x5b: {  	[tilespmem:s31+$0x27D0] =	vst v2;
	v0 =	vmul.f32 v0, v10  }
0x5c: {  	[tilespmem:s31+$0x27E0] =	vst v1  }
0x5d: {  	p0 =	seq.s32 s30, $0x7C;
	[tilespmem:s31+$0x27F0] =	vst v0  }
0x5e: {  	[spmem:s3] =	stream.indirect.scatter.add.f32 [tilespmem:s19], [sflag:$0x4], $0x80, s21, s18, $0xb8;
	[tilespmem:$0x1B480] =	vst v63  }
0x5f: {  	s0 =	sadd.s32 @!p0 $0x2, s2;
	_ =	swait.ge [sflag:s17], $0x1400  }
0x60: {  	s2 =	smul.u32 @!p0 $0x28, s0;
	[sflag:s17] =	ssyncset.done $0x0  }
0x61: {  	s20 =	simm.s32 @!p0 $0x28;
	s31 =	simm.s32 @!p0 $0x2780;
	[sflag:s17] =	ssyncadd.s32 $0xFFFFEC00  }
0x62: {  	[tilespmem:s31], [sflag:$0x1] =	stream.indirect.gather @!p0 [hbm4b:s1+s20], $0x80, s2, s20, $0xb8;
	[tilespmem:$0x1B480] =	vst v63  }
0x63: {  	s2 =	sadd.s32 @!p0 s5, s2  }
0x64: {  	s0 =	sshll.u32 @!p0 s0, $0x7;
	s2 =	sshll.u32 @!p0 s2, $0x4  }
0x65: {  	s20 =	simm.s32 @!p0 $0x0;
	s31 =	simm.s32 @!p0 $0x5080;
	s2 =	sadd.s32 @!p0 s6, s2  }
0x66: {  	[tilespmem:s31], [sflag:$0x3] =	stream.linear.gather @!p0 [hbm4b:s2+s20], $0x1400, $0x38;
	[tilespmem:$0x1B480] =	vst v63  }
0x67: {  	s2 =	sand.u32 @!p0 $0xFC00, s0  }
0x68: {  	s0 =	sand.u32 @!p0 $0x300, s0;
	s2 =	sadd.s32 @!p0 s12, s2  }
0x69: {  	s0 =	sor.u32 @!p0 s0, s2  }
0x6a: {  	s0 =	sshrl.u32 @!p0 s0, $0x3  }
0x6b: {  	s2 =	simm.s32 @!p0 $0x4F80;
	s0 =	sadd.s32 @!p0 s7, s0  }
0x6c: {  	[tilespmem:s2], [sflag:$0x2] =	stream.linear.gather @!p0 [hbm4b:s0+s20], $0x80, $0x38;
	[tilespmem:$0x1B480] =	vst v63  }
0x6d: {  	_ =	swait.ge [sflag:s25], $0x1400  }
0x6e: {  	[sflag:s25] =	ssyncset.done $0x0  }
0x6f: {  	[sflag:s25] =	ssyncadd.s32 $0xFFFFEC00  }
0x70: {  	_ =	swait.ge [sflag:s26], $0x1400  }
0x71: {  	[sflag:s26] =	ssyncset.done $0x0  }
0x72: {  	[sflag:s26] =	ssyncadd.s32 $0xFFFFEC00  }
0x73: {  	_ =	swait.ge [sflag:s28], $0x80  }
0x74: {  	[sflag:s28] =	ssyncset.done $0x0  }
0x75: {  	s31 =	simm.s32 $0x0;
	[sflag:s28] =	ssyncadd.s32 $0xFFFFFF80  }
0x76: {  	v7 =	vld [tilespmem:s31+$0x6480]  }
0x77: {  	v11 =	vld [tilespmem:s31+$0x6490]  }
0x78: {  	v5 =	vld [tilespmem:s31+$0x64A0]  }
0x79: {  	v4 =	vld [tilespmem:s31+$0x64B0]  }
0x7a: {  	v3 =	vld [tilespmem:s31+$0x64C0]  }
0x7b: {  	v2 =	vld [tilespmem:s31+$0x64D0]  }
0x7c: {  	v1 =	vld [tilespmem:s31+$0x64E0]  }
0x7d: {  	v0 =	vld [tilespmem:s31+$0x64F0]  }
0x7e: {  	v12 =	vld [tilespmem:s31+$0x3B80]  }
0x7f: {  	v13 =	vld [tilespmem:s31+$0x3B90]  }
0x80: {  	v10 =	vld [tilespmem:s31+$0x3BA0]  }
0x81: {  	v9 =	vld [tilespmem:s31+$0x3BB0]  }
0x82: {  	v8 =	vld [tilespmem:s31+$0x3BC0]  }
0x83: {  	v6 =	vld [tilespmem:s31+$0x3BD0];
	v12 =	vmul.f32 v7, v12  }
0x84: {  	s0 =	simm.s32 $0x200;
	v11 =	vmul.f32 v11, v13;
	v7 =	vld [tilespmem:s31+$0x3BE0]  }
.LBB2_5:
0x85: {  	s2 =	sshra.s32 s0, $0x2;
	p0 =	sne.s32 s0, $0x4E00;
	[tilespmem:s31+$0x3B80] =	vst v12;
	v5 =	vmul.f32 v5, v10;
	v10 =	vld [tilespmem:s31+$0x3BF0]  }
0x86: {  	v12 =	vld [tilespmem:s2+$0x6480];
	[tilespmem:s31+$0x3B90] =	vst v11;
	v4 =	vmul.f32 v4, v9  }
0x87: {  	v11 =	vld [tilespmem:s2+$0x6490];
	[tilespmem:s31+$0x3BA0] =	vst v5;
	v3 =	vmul.f32 v3, v8  }
0x88: {  	v5 =	vld [tilespmem:s2+$0x64A0];
	[tilespmem:s31+$0x3BB0] =	vst v4;
	v2 =	vmul.f32 v2, v6  }
0x89: {  	v4 =	vld [tilespmem:s2+$0x64B0];
	[tilespmem:s31+$0x3BC0] =	vst v3;
	v1 =	vmul.f32 v1, v7  }
0x8a: {  	v3 =	vld [tilespmem:s2+$0x64C0];
	[tilespmem:s31+$0x3BD0] =	vst v2;
	v0 =	vmul.f32 v0, v10  }
0x8b: {  	v2 =	vld [tilespmem:s2+$0x64D0];
	[tilespmem:s31+$0x3BE0] =	vst v1  }
0x8c: {  	v1 =	vld [tilespmem:s2+$0x64E0];
	[tilespmem:s31+$0x3BF0] =	vst v0;
	s31 =	smov.u32 s2  }
0x8d: {  	v0 =	vld [tilespmem:s31+$0x64F0]  }
0x8e: {  	v6 =	vld [tilespmem:s31+$0x3B80]  }
0x8f: {  	v7 =	vld [tilespmem:s31+$0x3B90]  }
.Ltmp1:
0x90: {  	v10 =	vld [tilespmem:s31+$0x3BA0];
	(pc) =	sbr.rel @p0 .LBB2_5-.Ltmp1, $4  }
0x91: {  	v9 =	vld [tilespmem:s31+$0x3BB0]  }
0x92: {  	v8 =	vld [tilespmem:s31+$0x3BC0]  }
0x93: {  	v12 =	vmul.f32 v12, v6;
	v6 =	vld [tilespmem:s31+$0x3BD0]  }
0x94: {  	s0 =	sadd.s32 $0x200, s0;
	v11 =	vmul.f32 v11, v7;
	v7 =	vld [tilespmem:s31+$0x3BE0]  }
0x95: {  	[tilespmem:s31+$0x3B80] =	vst v12;
	v5 =	vmul.f32 v5, v10;
	v63 =	vld [tilespmem:s31+$0x3BF0]  }
0x96: {  	[tilespmem:s31+$0x3B90] =	vst v11;
	v4 =	vmul.f32 v4, v9  }
0x97: {  	[tilespmem:s31+$0x3BA0] =	vst v5;
	v3 =	vmul.f32 v3, v8  }
0x98: {  	[tilespmem:s31+$0x3BB0] =	vst v4;
	v2 =	vmul.f32 v2, v6  }
0x99: {  	[tilespmem:s31+$0x3BC0] =	vst v3;
	v1 =	vmul.f32 v1, v7  }
0x9a: {  	s30 =	sadd.s32 $0x1, s30;
	[tilespmem:s31+$0x3BD0] =	vst v2;
	v0 =	vmul.f32 v0, v63  }
0x9b: {  	p0 =	sne.s32 s30, $0x7D;
	[tilespmem:s31+$0x3BE0] =	vst v1  }
.Ltmp2:
0x9c: {  	[tilespmem:s31+$0x3BF0] =	vst v0;
	(pc) =	sbr.rel @p0 .LBB2_2-.Ltmp2, $4  }
0x9d: {  	[spmem:s3] =	stream.indirect.scatter.add.f32 [tilespmem:s22], [sflag:$0x4], $0x80, s24, s18, $0xb8;
	[tilespmem:$0x1B480] =	vst v63  }
0x9e: {  	_ =	swait.ge [sflag:s17], $0x1400  }
0x9f: {  	[sflag:s17] =	ssyncset.done $0x0  }
0xa0: {  	[sflag:s17] =	ssyncadd.s32 $0xFFFFEC00  }
0xa1: {  	s29 =	sadd.s32 $0x1, s29  }
0xa2: {  	p0 =	sne.s32 s29, s15  }
.Ltmp3:
0xa3: {  	[bflag:$0x0] =	sbarrier.arrive $0xFFFF;
	(pc) =	sbr.rel @p0 .LBB2_1-.Ltmp3, $4  }
0xa4: {  	[hbm:s14], [sflag:s9] =	dma.local [spmem:s16], $0x2780  }
0xa5: {  	_ =	swait.ge [sflag:s17], $0x2780  }
0xa6: {  	[sflag:s17] =	ssyncset.done $0x0  }
0xa7: {  	[sflag:s17] =	ssyncadd.s32 $0xFFFFD880  }
0xa8: {  	_ =	sfence.sel $0x180000  }
0xa9: {  	[bflag:$0x0] =	sbarrier.arrive $0xFFFF  }
0xaa: {  	_ =	strace $0x90000047  }
0xab: {  	s0 =	stileid.u32;
	[bflag:$0x2] =	sbarrier.arrive $0xFFFF  }
0xac: {  	p0 =	sne.s32 s0, $0x0;
	s0 =	rddreg [dreg:$0x3]  }
0xad: {  	s0 =	sadd.s32 @!p0 $0x100000, s0  }
0xae: {  	[sflag:s0] =	ssyncadd.tile.s32 @!p0 $0x1;
	_ =	shalt  }
.Lfunc_end2:
_tile_overlayer_lowered:
.L_overlay_start_2:
0xaf: {  	(tag) =	ssettag $0x2  }
0xb0: {  	s0 =	rddreg [dreg:$0x0];
	s2 =	stileid.u32  }
0xb1: {  	s1 =	rddreg [dreg:$0x1];
	p0 =	sne.s32 s2, $0x0  }
0xb2: {  	s3 =	rddreg [dreg:$0x2];
	[bflag:$0x3] =	sbarrier.arrive $0xFFFF;
	s2 =	simm.s32 @!p0 $0x1C04  }
0xb3: {  	[timem:s3], [sflag:s2] =	dma.local @!p0 [hbm:s0], s1  }
0xb4: {  	s0 =	simm.s32 @!p0 $0x4  }
0xb5: {  	_ =	swait.ge @!p0 [sflag:s0], s1  }
0xb6: {  	s1 =	ssub.s32 @!p0 $0x0, s1;
	[sflag:s0] =	ssyncset.done @!p0 $0x0  }
0xb7: {  	[sflag:s0] =	ssyncadd.s32 @!p0 s1  }
0xb8: {  	[bflag:$0x3] =	sbarrier.arrive $0xFFFF  }
0xb9: {  	_ =	shalt  }

// kernel: kernel.27.cloned.1.call-start
scs
__scs_entry_jumppad:
0x0: {  	(pc) =	sbr.rel $0x88, $3  }
0x1: {  	(tag) =	ssettag $0x0;
	lr =	simm.s32 $0x1  }
0x2: {  	[smem:$0x3F8E] =	sst lr;
	_ =	strace $0xD0000000  }
0x3: {  	_ = 	snop  }
0x4: {  	_ = 	snop  }
0x5: {  	_ = 	snop  }
0x6: {  	_ = 	snop  }
0x7: {  	_ = 	snop  }
__scs_overlays_trampoline_lowered:
0x8: {  	[smem:$0x3F9D] =	sst s0  }
0x9: {  	[smem:$0x3F9E] =	sst s1  }
0xa: {  	[smem:$0x3F9F] =	sst s2  }
0xb: {  	[smem:$0x3FA0] =	sst s3  }
0xc: {  	[smem:$0x3FA1] =	sst s4  }
0xd: {  	[smem:$0x3FA2] =	sst s5  }
0xe: {  	[smem:$0x3FA3] =	sst s6  }
0xf: {  	[smem:$0x3FA4] =	sst s7  }
0x10: {  	[smem:$0x3FA5] =	sst s8  }
0x11: {  	[smem:$0x3FA6] =	sst s9;
	s0 =	simm.s32 @!p0 $0x0  }
0x12: {  	s1 =	sld [smem:$0x3F8C];
	s0 =	simm.s32 @p0 $0x1  }
0x13: {  	[smem:$0x3FA7] =	sst s0;
	s0 =	simm.s32 @!p1 $0x0  }
0x14: {  	s2 =	sld [smem:$0x3F8B];
	s0 =	simm.s32 @p1 $0x1  }
0x15: {  	[smem:$0x3FA8] =	sst s0;
	s0 =	simm.s32 @!p2 $0x0  }
0x16: {  	s3 =	sld [smem:$0x3FDB];
	s0 =	simm.s32 @p2 $0x1  }
0x17: {  	s4 =	simm.s32 $0x1BF5;
	[smem:$0x3FAA] =	sst s0  }
0x18: {  	s0 =	sld [smem:$0x3F8D];
	_ =	swait.ge [sflag:s4], $0x0  }
0x19: {  	s7 =	sld [smem:$0x3F8E]  }
0x1a: {  	s8 =	sadd.s32 $0xFFFFE003, lr  }
0x1b: {  	s9 =	sadd.s32 $0xFFFFFEF7, lr;
	s5 =	simm.s32 $0xFFFFFFFF;
	p2 =	slt.u32 s8, $0xFFFFF086  }
0x1c: {  	p1 =	slt.u32 s9, $0xF7A;
	s5 =	simm.s32 @!p2 $0x0  }
0x1d: {  	s5 =	simm.s32 @p1 $0x1;
	p0 =	seq.s32 s7, s2  }
0x1e: {  	s7 =	smul.u32 @!p0 $0xF7A, s2;
	p2 =	seq.s32 @!p0 s5, $0x0  }
0x1f: {  	s9 =	smul.u32 $0xF7A, s1;
	s8 =	simm.s32 @!p0 $0x1BF5;
	p2 =	por !p2, p0  }
0x20: {  	[sflag:s8] =	ssyncset.s32 @!p0 $0xFFFFF086;
	s6 =	sadd.s32 @!p0 s3, s7;
	s7 =	simm.s32 @!p0 $0x108  }
0x21: {  	s3 =	sadd.s32 s3, s9;
	s6 =	sadd.s32 @!p0 $0x88, s6;
	s7 =	simm.s32 @p2 $0x1082  }
0x22: {  	[simem:s7], [sflag:s8] =	dma.local @!p0 [hbm:s6], $0xF7A  }
0x23: {  	s9 =	sor.u32 $0xD0000000, s2;
	s6 =	simm.s32 $0x108;
	_ =	swait.ge @!p0 [sflag:s8], $0x0  }
0x24: {  	s3 =	sadd.s32 $0x88, s3;
	s6 =	simm.s32 @!p1 $0x1082;
	[sflag:s4] =	ssyncset.s32 $0xFFFFF086  }
0x25: {  	[simem:s6], [sflag:s4] =	dma.local [hbm:s3], $0xF7A  }
0x26: {  	[smem:$0x3F8E] =	sst s1;
	(tag) =	ssettag s2;
	_ =	strace s9  }
0x27: {  	s1 =	sld [smem:$0x3F9E]  }
0x28: {  	s2 =	sld [smem:$0x3F9F]  }
0x29: {  	s4 =	sld [smem:$0x3FA1]  }
0x2a: {  	p0 =	seq.s32 s5, $0x0;
	s5 =	sld [smem:$0x3FA2]  }
0x2b: {  	s6 =	sld [smem:$0x3FA3]  }
0x2c: {  	s7 =	sld [smem:$0x3FA4]  }
0x2d: {  	s3 =	simm.s32 $0x108;
	s8 =	sld [smem:$0x3FA5]  }
0x2e: {  	s3 =	simm.s32 @!p0 $0x1082;
	s9 =	sld [smem:$0x3FA6]  }
0x2f: {  	lr =	sadd.s32 s0, s3;
	s0 =	sld [smem:$0x3F9D]  }
0x30: {  	s3 =	sld [smem:$0x3FA0]  }
0x31: {  	[smem:$0x3FA9] =	sst s10  }
0x32: {  	s10 =	sld [smem:$0x3FA7];
	_ =	sdelay $0x3  }
0x33: {  	p0 =	seq.s32 s10, $0x1;
	s10 =	sld [smem:$0x3FA9];
	_ =	sdelay $0x3  }
0x34: {  	[smem:$0x3FA9] =	sst s10  }
0x35: {  	s10 =	sld [smem:$0x3FA8];
	_ =	sdelay $0x3  }
0x36: {  	p1 =	seq.s32 s10, $0x1;
	s10 =	sld [smem:$0x3FA9];
	_ =	sdelay $0x3  }
0x37: {  	[smem:$0x3FA9] =	sst s10  }
0x38: {  	s10 =	sld [smem:$0x3FAA]  }
0x39: {  	_ = 	snop;
	(pc) =	sbr.ind lr, $3  }
0x3a: {  	_ = 	snop  }
0x3b: {  	_ = 	snop  }
0x3c: {  	p2 =	seq.s32 s10, $0x1;
	s10 =	sld [smem:$0x3FA9]  }
0x3d: {  	_ =	shalt  }
0x3e: {  	_ =	shalt  }
0x3f: {  	_ =	shalt  }
0x40: {  	_ =	shalt  }
0x41: {  	_ =	shalt  }
0x42: {  	_ =	shalt  }
0x43: {  	_ =	shalt  }
0x44: {  	_ =	shalt  }
0x45: {  	_ =	shalt  }
0x46: {  	_ =	shalt  }
0x47: {  	_ =	shalt  }
0x48: {  	_ =	shalt  }
0x49: {  	_ =	shalt  }
0x4a: {  	_ =	shalt  }
0x4b: {  	_ =	shalt  }
0x4c: {  	_ =	shalt  }
0x4d: {  	_ =	shalt  }
0x4e: {  	_ =	shalt  }
0x4f: {  	_ =	shalt  }
0x50: {  	_ =	shalt  }
0x51: {  	_ =	shalt  }
0x52: {  	_ =	shalt  }
0x53: {  	_ =	shalt  }
0x54: {  	_ =	shalt  }
0x55: {  	_ =	shalt  }
0x56: {  	_ =	shalt  }
0x57: {  	_ =	shalt  }
0x58: {  	_ =	shalt  }
0x59: {  	_ =	shalt  }
0x5a: {  	_ =	shalt  }
0x5b: {  	_ =	shalt  }
0x5c: {  	_ =	shalt  }
0x5d: {  	_ =	shalt  }
0x5e: {  	_ =	shalt  }
0x5f: {  	_ =	shalt  }
0x60: {  	_ =	shalt  }
0x61: {  	_ =	shalt  }
0x62: {  	_ =	shalt  }
0x63: {  	_ =	shalt  }
0x64: {  	_ =	shalt  }
0x65: {  	_ =	shalt  }
0x66: {  	_ =	shalt  }
0x67: {  	_ =	shalt  }
0x68: {  	_ =	shalt  }
0x69: {  	_ =	shalt  }
0x6a: {  	_ =	shalt  }
0x6b: {  	_ =	shalt  }
0x6c: {  	_ =	shalt  }
0x6d: {  	_ =	shalt  }
0x6e: {  	_ =	shalt  }
0x6f: {  	_ =	shalt  }
0x70: {  	_ =	shalt  }
0x71: {  	_ =	shalt  }
0x72: {  	_ =	shalt  }
0x73: {  	_ =	shalt  }
0x74: {  	_ =	shalt  }
0x75: {  	_ =	shalt  }
0x76: {  	_ =	shalt  }
0x77: {  	_ =	shalt  }
0x78: {  	_ =	shalt  }
0x79: {  	_ =	shalt  }
0x7a: {  	_ =	shalt  }
0x7b: {  	_ =	shalt  }
0x7c: {  	_ =	shalt  }
0x7d: {  	_ =	shalt  }
0x7e: {  	_ =	shalt  }
0x7f: {  	_ =	shalt  }
0x80: {  	_ =	shalt  }
0x81: {  	_ =	shalt  }
0x82: {  	_ =	shalt  }
0x83: {  	_ =	shalt  }
0x84: {  	_ =	shalt  }
0x85: {  	_ =	shalt  }
0x86: {  	_ =	shalt  }
0x87: {  	_ =	shalt  }
.Lfunc_end0:
.L_simem_size_0:
called_computation.1_lowered:
.L_overlay_start_0:
0x88: {  	s2 =	sld [smem:$0x3FD9]  }
0x89: {  	s3 =	sld [smem:$0x3FFE];
	_ =	sdelay $0x1  }
0x8a: {  	s1 =	srdreg.scid  }
0x8b: {  	s0 =	sand.u32 $0x1, s1  }
0x8c: {  	s14 =	sshll.u32 s0, $0xA;
	s2 =	sadd.s32 s3, s2  }
0x8d: {  	s2 =	sadd.s32 s2, s14  }
0x8e: {  	[smem:$0x3FB5] =	sst s2  }
0x8f: {  	_ = 	snop  }
0x90: {  	s2 =	sld [smem:$0x3FD0];
	_ =	sdelay $0x2  }
0x91: {  	s15 =	simm.s32 $0xA;
	s4 =	simm.s32 $0x10  }
0x92: {  	[smem:s4], [sflag:s15] =	dma.local [hbm:s2], $0x1  }
0x93: {  	_ =	swait.eq [sflag:s15], $0x1  }
0x94: {  	[sflag:s15] =	ssyncset.done $0x0  }
0x95: {  	[sflag:s15] =	ssyncadd.s32 $0xFFFFFFFF  }
0x96: {  	s16 =	sld [smem:$0x11];
	(tm) =	ssettm $0x1  }
0x97: {  	s17 =	sld [smem:$0x3FFB];
	_ =	sdelay $0x3  }
0x98: {  	_ =	strace s17  }
0x99: {  	s3 =	sld [smem:$0x3FFC];
	_ =	sdelay $0x3  }
0x9a: {  	_ =	strace s3  }
0x9b: {  	s3 =	sld [smem:$0x3FFD];
	_ =	sdelay $0x3  }
0x9c: {  	_ =	strace s3  }
0x9d: {  	_ =	strace $0x8FFFFFFF  }
0x9e: {  	s18 =	sld [smem:$0x3FDB];
	_ =	sdelay $0x1  }
0x9f: {  	s19 =	simm.s32 $_scs_section_size  }
0xa0: {  	s5 =	simm.s32 $_size__tile_overlayer_lowered;
	s6 =	simm.s32 $_tile_overlayer_lowered  }
0xa1: {  	s22 =	simm.s32 $0x1BFF;
	s21 =	sshll.u32 s6, $0x1;
	s3 =	sadd.s32 s19, s18  }
0xa2: {  	s7 =	simm.s32 $0x0;
	s20 =	sshll.u32 s5, $0x1;
	s5 =	sadd.s32 s21, s3  }
0xa3: {  	[timem:s7], [sflag:s22] =	dma.local [hbm:s5], s20  }
0xa4: {  	_ =	swait.ge [sflag:s22], s20  }
0xa5: {  	s4 =	ssub.s32 $0x0, s20;
	[sflag:s22] =	ssyncset.done $0x0  }
0xa6: {  	[sflag:s22] =	ssyncadd.s32 s4;
	_ =	sdelay $0x1  }
0xa7: {  	s23 =	simm.s32 $0x1B8B  }
0xa8: {  	_ =	swait.ge [sflag:s23], $0x1  }
0xa9: {  	[sflag:s23] =	ssyncset.done $0x0  }
0xaa: {  	s25 =	simm.s32 $0x1B8E;
	s24 =	sld [smem:$0x3FFE];
	[sflag:s23] =	ssyncadd.s32 $0xFFFFFFFF  }
0xab: {  	s26 =	simm.s32 $execute0_lowered;
	[smem:$0x3FD2] =	sst s25  }
0xac: {  	s5 =	sshll.u32 s26, $0x1;
	_ =	strace $0x80000049;
	[dreg:$0x1] =	wrdreg $0xFFFFFFFF  }
0xad: {  	s28 =	simm.s32 $_size_execute0_lowered;
	s3 =	sadd.s32 s3, s5;
	[dreg:$0x0] =	wrdreg $0x0  }
0xae: {  	s5 =	sshll.u32 s28, $0x1;
	[dreg:$0x2] =	wrdreg s3  }
0xaf: {  	[dreg:$0x3] =	wrdreg s5  }
0xb0: {  	[dreg:$0x4] =	wrdreg $0xC0  }
0xb1: {  	_ =	task [dreg:s7], $0x5FFFF  }
0xb2: {  	[dreg:$0x1] =	wrdreg $0xFFFFFFFF  }
0xb3: {  	[dreg:$0x0] =	wrdreg $0x60  }
0xb4: {  	[dreg:$0x2] =	wrdreg s16  }
0xb5: {  	[dreg:$0x3] =	wrdreg s24  }
0xb6: {  	[dreg:$0x4] =	wrdreg $0x78800  }
0xb7: {  	[dreg:$0x5] =	wrdreg $0x9  }
0xb8: {  	_ =	task.clear_ibuf [dreg:s7], $0x6FFFF;
	_ =	strace $0x90000049  }
0xb9: {  	s29 =	simm.s32 $0x9;
	_ =	strace $0x8000004B  }
0xba: {  	_ =	swait.ge [sflag:s29], $0x1  }
0xbb: {  	[sflag:s29] =	ssyncadd.s32 $0xFFFFFFFF  }
0xbc: {  	_ =	strace $0x9000004B  }
0xbd: {  	_ =	sfence  }
0xbe: {  	s30 =	sld [smem:$0x0];
	_ =	sdelay $0x2  }
0xbf: {  	s31 =	sshll.u32 s1, $0xD;
	s1 =	sshrl.u32 s1, $0x2  }
0xc0: {  	s3 =	sand.u32 $0x4000, s31;
	s1 =	sadd.s32 s1, s30  }
0xc1: {  	s0 =	sor.u32 s3, s0;
	s1 =	sshll.u32 s1, $0x11  }
0xc2: {  	s0 =	sor.u32 s1, s0  }
0xc3: {  	s0 =	sadd.s32 $0x8F2B, s0  }
0xc4: {  	[sflag:s0] =	ssyncadd.remote.s32 $0x1  }
0xc5: {  	_ =	sfence.sel $0xFFFF  }
0xc6: {  	[dreg:$0x0] =	wrdreg $0xFFFFFFFF;
	(pc) =	sbr.abs _section_cstart, $3  }
0xc7: {  	[dreg:$0x1] =	wrdreg $0xFFFFFFFF  }
0xc8: {  	_ =	task.clear_ibuf [dreg:s7], $0x2FFFF;
	_ =	strace $0x9FFFFFFF  }
0xc9: {  	(tm) =	ssettm $0x7FFFFFFF  }
tec
execute0_lowered:
.L_overlay_start_1:
0x0: {  	(tag) =	ssettag $0x1  }
0x1: {  	s1 =	rddreg [dreg:$0x0]  }
0x2: {  	s0 =	srdreg.scid;
	s2 =	rddreg [dreg:$0x1]  }
0x3: {  	s14 =	stileid.u32;
	s3 =	rddreg [dreg:$0x2]  }
0x4: {  	s17 =	simm.s32 $0x4;
	s18 =	simm.s32 $0x28;
	s19 =	simm.s32 $0x2780  }
0x5: {  	s21 =	simm.s32 $0x4F80;
	s22 =	simm.s32 $0x3B80;
	s23 =	simm.s32 $0x6480  }
0x6: {  	s24 =	simm.s32 $0x5000;
	s28 =	simm.s32 $0x2;
	s29 =	simm.s32 $0x0  }
0x7: {  	s0 =	sand.u32 $0x1, s0;
	s4 =	sshll.u32 s14, $0x1;
	s8 =	smul.u32 $0x2780, s14  }
0x8: {  	s6 =	sadd.s32 $0xEB1800, s2;
	s11 =	smul.u32 $0x4F000, s14;
	s26 =	sshll.u32 s14, $0x6  }
0x9: {  	s12 =	sor.u32 s0, s4;
	s4 =	simm.s32 $0x0;
	s9 =	smul.u32 $0x27800, s0  }
0xa: {  	s0 =	ssub.s32 $0x2, s0;
	s5 =	smul.u32 $0x2710, s12;
	[smem:$0x7FF] =	sst s4  }
0xb: {  	s13 =	sadd.s32 s8, s2;
	s25 =	sshrl.u32 s0, $0x1;
	s11 =	sshrl.u32 s11, $0x2  }
0xc: {  	s30 =	smul.u32 $0x27100, s12;
	s31 =	sshll.u32 s12, $0xC;
	s12 =	sshll.u32 s12, $0xF  }
0xd: {  	_ =	strace $0x8000004A;
	s8 =	sadd.s32 s8, s9;
	s0 =	ssub.s32 s0, s25  }
0xe: {  	s16 =	sadd.s32 s11, s3;
	s9 =	sor.u32 $0x1C04, s26;
	s25 =	simm.s32 $0x1  }
0xf: {  	s26 =	simm.s32 $0x3;
	s7 =	sshrl.u32 s5, $0x3;
	s11 =	sadd.s32 s6, s30  }
0x10: {  	s15 =	smax.u32 s0, $0x1;
	s16 =	sshrl.u32 s16, $0x3;
	s10 =	sadd.s32 s7, s2  }
0x11: {  	s7 =	sadd.s32 $0x18E00, s2;
	s2 =	sadd.s32 s8, s2;
	s8 =	sadd.s32 $0x51C000, s13  }
0x12: {  	s10 =	sadd.s32 $0xF000, s10;
	s13 =	sadd.s32 s7, s31;
	s14 =	sadd.s32 $0x543800, s2  }
.LBB2_1:
0x13: {  	[spmem:s16], [sflag:s9] =	dma.local [hbm:s8], $0x2780  }
0x14: {  	_ =	swait.ge [sflag:s17], $0x2780  }
0x15: {  	[sflag:s17] =	ssyncset.done $0x0  }
0x16: {  	[sflag:s17] =	ssyncadd.s32 $0xFFFFD880  }
0x17: {  	[tilespmem:s4], [sflag:$0x4] =	stream.linear.gather [hbm4b:s10+s4], $0x2710, $0x38;
	[tilespmem:$0x1B480] =	vst v63  }
0x18: {  	_ =	swait.ge [sflag:s17], $0x2710  }
0x19: {  	[sflag:s17] =	ssyncset.done $0x0  }
0x1a: {  	[sflag:s17] =	ssyncadd.s32 $0xFFFFD8F0  }
0x1b: {  	[bflag:$0x0] =	sbarrier.arrive $0xFFFF  }
0x1c: {  	[tilespmem:s19], [sflag:$0x1] =	stream.indirect.gather [hbm4b:s1+s18], $0x80, s4, s18, $0xb8;
	[tilespmem:$0x1B480] =	vst v63  }
0x1d: {  	s0 =	simm.s32 $0x5080  }
0x1e: {  	[tilespmem:s0], [sflag:$0x3] =	stream.linear.gather [hbm4b:s11+s4], $0x1400, $0x38;
	[tilespmem:$0x1B480] =	vst v63  }
0x1f: {  	s30 =	simm.s32 $0x0  }
0x20: {  	[tilespmem:s21], [sflag:$0x2] =	stream.linear.gather [hbm4b:s13+s4], $0x80, $0x38;
	[tilespmem:$0x1B480] =	vst v63  }
.LBB2_2:
0x21: {  	s0 =	sshllo.u32 s30, $0x1  }
0x22: {  	s2 =	smul.u32 $0x28, s0;
	_ =	sdelay $0x1  }
0x23: {  	[tilespmem:s22], [sflag:$0x1] =	stream.indirect.gather [hbm4b:s1+s18], $0x80, s2, s18, $0xb8;
	[tilespmem:$0x1B480] =	vst v63  }
0x24: {  	s2 =	sadd.s32 s5, s2  }
0x25: {  	s31 =	simm.s32 $0x0;
	s2 =	sshll.u32 s2, $0x4  }
0x26: {  	s20 =	sshll.u32 s30, $0x8;
	s0 =	sshll.u32 s0, $0x7;
	s2 =	sadd.s32 s6, s2  }
0x27: {  	[tilespmem:s23], [sflag:$0x3] =	stream.linear.gather [hbm4b:s2+s31], $0x1400, $0x38;
	[tilespmem:$0x1B480] =	vst v63  }
0x28: {  	s0 =	sand.u32 $0x380, s0;
	s2 =	sand.u32 $0x7C00, s20  }
0x29: {  	s0 =	sor.u32 s0, s2  }
0x2a: {  	s0 =	sor.u32 s12, s0  }
0x2b: {  	s0 =	sshrl.u32 s0, $0x3  }
0x2c: {  	s0 =	sadd.s32 s7, s0  }
0x2d: {  	[tilespmem:s24], [sflag:$0x2] =	stream.linear.gather [hbm4b:s0+s31], $0x80, $0x38;
	[tilespmem:$0x1B480] =	vst v63  }
0x2e: {  	_ =	swait.ge [sflag:s25], $0x1400  }
0x2f: {  	[sflag:s25] =	ssyncset.done $0x0  }
0x30: {  	[sflag:s25] =	ssyncadd.s32 $0xFFFFEC00  }
0x31: {  	_ =	swait.ge [sflag:s26], $0x1400  }
0x32: {  	[sflag:s26] =	ssyncset.done $0x0  }
0x33: {  	[sflag:s26] =	ssyncadd.s32 $0xFFFFEC00  }
0x34: {  	_ =	swait.ge [sflag:s28], $0x80  }
0x35: {  	[sflag:s28] =	ssyncset.done $0x0  }
0x36: {  	s31 =	simm.s32 $0x0;
	[sflag:s28] =	ssyncadd.s32 $0xFFFFFF80  }
0x37: {  	v7 =	vld [tilespmem:s31+$0x5080]  }
0x38: {  	v11 =	vld [tilespmem:s31+$0x5090]  }
0x39: {  	v5 =	vld [tilespmem:s31+$0x50A0]  }
0x3a: {  	v4 =	vld [tilespmem:s31+$0x50B0]  }
0x3b: {  	v3 =	vld [tilespmem:s31+$0x50C0]  }
0x3c: {  	v2 =	vld [tilespmem:s31+$0x50D0]  }
0x3d: {  	v1 =	vld [tilespmem:s31+$0x50E0]  }
0x3e: {  	v0 =	vld [tilespmem:s31+$0x50F0]  }
0x3f: {  	v12 =	vld [tilespmem:s31+$0x2780]  }
0x40: {  	v13 =	vld [tilespmem:s31+$0x2790]  }
0x41: {  	v10 =	vld [tilespmem:s31+$0x27A0]  }
0x42: {  	v9 =	vld [tilespmem:s31+$0x27B0]  }
0x43: {  	v8 =	vld [tilespmem:s31+$0x27C0]  }
0x44: {  	v6 =	vld [tilespmem:s31+$0x27D0];
	v12 =	vmul.f32 v7, v12  }
0x45: {  	s2 =	sshll.u32 s30, $0x1;
	s0 =	simm.s32 $0x200;
	v11 =	vmul.f32 v11, v13;
	v7 =	vld [tilespmem:s31+$0x27E0]  }
.LBB2_3:
0x46: {  	s20 =	sshra.s32 s0, $0x2;
	p0 =	sne.s32 s0, $0x4E00;
	[tilespmem:s31+$0x2780] =	vst v12;
	v5 =	vmul.f32 v5, v10;
	v10 =	vld [tilespmem:s31+$0x27F0]  }
0x47: {  	v12 =	vld [tilespmem:s20+$0x5080];
	[tilespmem:s31+$0x2790] =	vst v11;
	v4 =	vmul.f32 v4, v9  }
0x48: {  	v11 =	vld [tilespmem:s20+$0x5090];
	[tilespmem:s31+$0x27A0] =	vst v5;
	v3 =	vmul.f32 v3, v8  }
0x49: {  	v5 =	vld [tilespmem:s20+$0x50A0];
	[tilespmem:s31+$0x27B0] =	vst v4;
	v2 =	vmul.f32 v2, v6  }
0x4a: {  	v4 =	vld [tilespmem:s20+$0x50B0];
	[tilespmem:s31+$0x27C0] =	vst v3;
	v1 =	vmul.f32 v1, v7  }
0x4b: {  	v3 =	vld [tilespmem:s20+$0x50C0];
	[tilespmem:s31+$0x27D0] =	vst v2;
	v0 =	vmul.f32 v0, v10  }
0x4c: {  	v2 =	vld [tilespmem:s20+$0x50D0];
	[tilespmem:s31+$0x27E0] =	vst v1  }
0x4d: {  	v1 =	vld [tilespmem:s20+$0x50E0];
	[tilespmem:s31+$0x27F0] =	vst v0;
	s31 =	smov.u32 s20  }
0x4e: {  	v0 =	vld [tilespmem:s31+$0x50F0]  }
0x4f: {  	v6 =	vld [tilespmem:s31+$0x2780]  }
0x50: {  	v7 =	vld [tilespmem:s31+$0x2790]  }
.Ltmp0:
0x51: {  	v10 =	vld [tilespmem:s31+$0x27A0];
	(pc) =	sbr.rel @p0 .LBB2_3-.Ltmp0, $4  }
0x52: {  	v9 =	vld [tilespmem:s31+$0x27B0]  }
0x53: {  	v8 =	vld [tilespmem:s31+$0x27C0]  }
0x54: {  	v12 =	vmul.f32 v12, v6;
	v6 =	vld [tilespmem:s31+$0x27D0]  }
0x55: {  	s0 =	sadd.s32 $0x200, s0;
	v11 =	vmul.f32 v11, v7;
	v7 =	vld [tilespmem:s31+$0x27E0]  }
0x56: {  	[tilespmem:s31+$0x2780] =	vst v12;
	v5 =	vmul.f32 v5, v10;
	v10 =	vld [tilespmem:s31+$0x27F0]  }
0x57: {  	[tilespmem:s31+$0x2790] =	vst v11;
	v4 =	vmul.f32 v4, v9  }
0x58: {  	[tilespmem:s31+$0x27A0] =	vst v5;
	v3 =	vmul.f32 v3, v8  }
0x59: {  	[tilespmem:s31+$0x27B0] =	vst v4;
	v2 =	vmul.f32 v2, v6  }
0x5a: {  	[tilespmem:s31+$0x27C0] =	vst v3;
	v1 =	vmul.f32 v1, v7  }
0x5b: {  	[tilespmem:s31+$0x27D0] =	vst v2;
	v0 =	vmul.f32 v0, v10  }
0x5c: {  	[tilespmem:s31+$0x27E0] =	vst v1  }
0x5d: {  	p0 =	seq.s32 s30, $0x7C;
	[tilespmem:s31+$0x27F0] =	vst v0  }
0x5e: {  	[spmem:s3] =	stream.indirect.scatter.add.f32 [tilespmem:s19], [sflag:$0x4], $0x80, s21, s18, $0xb8;
	[tilespmem:$0x1B480] =	vst v63  }
0x5f: {  	s0 =	sadd.s32 @!p0 $0x2, s2;
	_ =	swait.ge [sflag:s17], $0x1400  }
0x60: {  	s2 =	smul.u32 @!p0 $0x28, s0;
	[sflag:s17] =	ssyncset.done $0x0  }
0x61: {  	s20 =	simm.s32 @!p0 $0x28;
	s31 =	simm.s32 @!p0 $0x2780;
	[sflag:s17] =	ssyncadd.s32 $0xFFFFEC00  }
0x62: {  	[tilespmem:s31], [sflag:$0x1] =	stream.indirect.gather @!p0 [hbm4b:s1+s20], $0x80, s2, s20, $0xb8;
	[tilespmem:$0x1B480] =	vst v63  }
0x63: {  	s2 =	sadd.s32 @!p0 s5, s2  }
0x64: {  	s0 =	sshll.u32 @!p0 s0, $0x7;
	s2 =	sshll.u32 @!p0 s2, $0x4  }
0x65: {  	s20 =	simm.s32 @!p0 $0x0;
	s31 =	simm.s32 @!p0 $0x5080;
	s2 =	sadd.s32 @!p0 s6, s2  }
0x66: {  	[tilespmem:s31], [sflag:$0x3] =	stream.linear.gather @!p0 [hbm4b:s2+s20], $0x1400, $0x38;
	[tilespmem:$0x1B480] =	vst v63  }
0x67: {  	s2 =	sand.u32 @!p0 $0xFC00, s0  }
0x68: {  	s0 =	sand.u32 @!p0 $0x300, s0;
	s2 =	sadd.s32 @!p0 s12, s2  }
0x69: {  	s0 =	sor.u32 @!p0 s0, s2  }
0x6a: {  	s0 =	sshrl.u32 @!p0 s0, $0x3  }
0x6b: {  	s2 =	simm.s32 @!p0 $0x4F80;
	s0 =	sadd.s32 @!p0 s7, s0  }
0x6c: {  	[tilespmem:s2], [sflag:$0x2] =	stream.linear.gather @!p0 [hbm4b:s0+s20], $0x80, $0x38;
	[tilespmem:$0x1B480] =	vst v63  }
0x6d: {  	_ =	swait.ge [sflag:s25], $0x1400  }
0x6e: {  	[sflag:s25] =	ssyncset.done $0x0  }
0x6f: {  	[sflag:s25] =	ssyncadd.s32 $0xFFFFEC00  }
0x70: {  	_ =	swait.ge [sflag:s26], $0x1400  }
0x71: {  	[sflag:s26] =	ssyncset.done $0x0  }
0x72: {  	[sflag:s26] =	ssyncadd.s32 $0xFFFFEC00  }
0x73: {  	_ =	swait.ge [sflag:s28], $0x80  }
0x74: {  	[sflag:s28] =	ssyncset.done $0x0  }
0x75: {  	s31 =	simm.s32 $0x0;
	[sflag:s28] =	ssyncadd.s32 $0xFFFFFF80  }
0x76: {  	v7 =	vld [tilespmem:s31+$0x6480]  }
0x77: {  	v11 =	vld [tilespmem:s31+$0x6490]  }
0x78: {  	v5 =	vld [tilespmem:s31+$0x64A0]  }
0x79: {  	v4 =	vld [tilespmem:s31+$0x64B0]  }
0x7a: {  	v3 =	vld [tilespmem:s31+$0x64C0]  }
0x7b: {  	v2 =	vld [tilespmem:s31+$0x64D0]  }
0x7c: {  	v1 =	vld [tilespmem:s31+$0x64E0]  }
0x7d: {  	v0 =	vld [tilespmem:s31+$0x64F0]  }
0x7e: {  	v12 =	vld [tilespmem:s31+$0x3B80]  }
0x7f: {  	v13 =	vld [tilespmem:s31+$0x3B90]  }
0x80: {  	v10 =	vld [tilespmem:s31+$0x3BA0]  }
0x81: {  	v9 =	vld [tilespmem:s31+$0x3BB0]  }
0x82: {  	v8 =	vld [tilespmem:s31+$0x3BC0]  }
0x83: {  	v6 =	vld [tilespmem:s31+$0x3BD0];
	v12 =	vmul.f32 v7, v12  }
0x84: {  	s0 =	simm.s32 $0x200;
	v11 =	vmul.f32 v11, v13;
	v7 =	vld [tilespmem:s31+$0x3BE0]  }
.LBB2_5:
0x85: {  	s2 =	sshra.s32 s0, $0x2;
	p0 =	sne.s32 s0, $0x4E00;
	[tilespmem:s31+$0x3B80] =	vst v12;
	v5 =	vmul.f32 v5, v10;
	v10 =	vld [tilespmem:s31+$0x3BF0]  }
0x86: {  	v12 =	vld [tilespmem:s2+$0x6480];
	[tilespmem:s31+$0x3B90] =	vst v11;
	v4 =	vmul.f32 v4, v9  }
0x87: {  	v11 =	vld [tilespmem:s2+$0x6490];
	[tilespmem:s31+$0x3BA0] =	vst v5;
	v3 =	vmul.f32 v3, v8  }
0x88: {  	v5 =	vld [tilespmem:s2+$0x64A0];
	[tilespmem:s31+$0x3BB0] =	vst v4;
	v2 =	vmul.f32 v2, v6  }
0x89: {  	v4 =	vld [tilespmem:s2+$0x64B0];
	[tilespmem:s31+$0x3BC0] =	vst v3;
	v1 =	vmul.f32 v1, v7  }
0x8a: {  	v3 =	vld [tilespmem:s2+$0x64C0];
	[tilespmem:s31+$0x3BD0] =	vst v2;
	v0 =	vmul.f32 v0, v10  }
0x8b: {  	v2 =	vld [tilespmem:s2+$0x64D0];
	[tilespmem:s31+$0x3BE0] =	vst v1  }
0x8c: {  	v1 =	vld [tilespmem:s2+$0x64E0];
	[tilespmem:s31+$0x3BF0] =	vst v0;
	s31 =	smov.u32 s2  }
0x8d: {  	v0 =	vld [tilespmem:s31+$0x64F0]  }
0x8e: {  	v6 =	vld [tilespmem:s31+$0x3B80]  }
0x8f: {  	v7 =	vld [tilespmem:s31+$0x3B90]  }
.Ltmp1:
0x90: {  	v10 =	vld [tilespmem:s31+$0x3BA0];
	(pc) =	sbr.rel @p0 .LBB2_5-.Ltmp1, $4  }
0x91: {  	v9 =	vld [tilespmem:s31+$0x3BB0]  }
0x92: {  	v8 =	vld [tilespmem:s31+$0x3BC0]  }
0x93: {  	v12 =	vmul.f32 v12, v6;
	v6 =	vld [tilespmem:s31+$0x3BD0]  }
0x94: {  	s0 =	sadd.s32 $0x200, s0;
	v11 =	vmul.f32 v11, v7;
	v7 =	vld [tilespmem:s31+$0x3BE0]  }
0x95: {  	[tilespmem:s31+$0x3B80] =	vst v12;
	v5 =	vmul.f32 v5, v10;
	v63 =	vld [tilespmem:s31+$0x3BF0]  }
0x96: {  	[tilespmem:s31+$0x3B90] =	vst v11;
	v4 =	vmul.f32 v4, v9  }
0x97: {  	[tilespmem:s31+$0x3BA0] =	vst v5;
	v3 =	vmul.f32 v3, v8  }
0x98: {  	[tilespmem:s31+$0x3BB0] =	vst v4;
	v2 =	vmul.f32 v2, v6  }
0x99: {  	[tilespmem:s31+$0x3BC0] =	vst v3;
	v1 =	vmul.f32 v1, v7  }
0x9a: {  	s30 =	sadd.s32 $0x1, s30;
	[tilespmem:s31+$0x3BD0] =	vst v2;
	v0 =	vmul.f32 v0, v63  }
0x9b: {  	p0 =	sne.s32 s30, $0x7D;
	[tilespmem:s31+$0x3BE0] =	vst v1  }
.Ltmp2:
0x9c: {  	[tilespmem:s31+$0x3BF0] =	vst v0;
	(pc) =	sbr.rel @p0 .LBB2_2-.Ltmp2, $4  }
0x9d: {  	[spmem:s3] =	stream.indirect.scatter.add.f32 [tilespmem:s22], [sflag:$0x4], $0x80, s24, s18, $0xb8;
	[tilespmem:$0x1B480] =	vst v63  }
0x9e: {  	_ =	swait.ge [sflag:s17], $0x1400  }
0x9f: {  	[sflag:s17] =	ssyncset.done $0x0  }
0xa0: {  	[sflag:s17] =	ssyncadd.s32 $0xFFFFEC00  }
0xa1: {  	s29 =	sadd.s32 $0x1, s29  }
0xa2: {  	p0 =	sne.s32 s29, s15  }
.Ltmp3:
0xa3: {  	[bflag:$0x0] =	sbarrier.arrive $0xFFFF;
	(pc) =	sbr.rel @p0 .LBB2_1-.Ltmp3, $4  }
0xa4: {  	[hbm:s14], [sflag:s9] =	dma.local [spmem:s16], $0x2780  }
0xa5: {  	_ =	swait.ge [sflag:s17], $0x2780  }
0xa6: {  	[sflag:s17] =	ssyncset.done $0x0  }
0xa7: {  	[sflag:s17] =	ssyncadd.s32 $0xFFFFD880  }
0xa8: {  	_ =	sfence.sel $0x180000  }
0xa9: {  	[bflag:$0x0] =	sbarrier.arrive $0xFFFF  }
0xaa: {  	_ =	strace $0x9000004A  }
0xab: {  	s0 =	stileid.u32;
	[bflag:$0x2] =	sbarrier.arrive $0xFFFF  }
0xac: {  	p0 =	sne.s32 s0, $0x0;
	s0 =	rddreg [dreg:$0x3]  }
0xad: {  	s0 =	sadd.s32 @!p0 $0x100000, s0  }
0xae: {  	[sflag:s0] =	ssyncadd.tile.s32 @!p0 $0x1;
	_ =	shalt  }
.Lfunc_end2:
_tile_overlayer_lowered:
.L_overlay_start_2:
0xaf: {  	(tag) =	ssettag $0x2  }
0xb0: {  	s0 =	rddreg [dreg:$0x0];
	s2 =	stileid.u32  }
0xb1: {  	s1 =	rddreg [dreg:$0x1];
	p0 =	sne.s32 s2, $0x0  }
0xb2: {  	s3 =	rddreg [dreg:$0x2];
	[bflag:$0x3] =	sbarrier.arrive $0xFFFF;
	s2 =	simm.s32 @!p0 $0x1C04  }
0xb3: {  	[timem:s3], [sflag:s2] =	dma.local @!p0 [hbm:s0], s1  }
0xb4: {  	s0 =	simm.s32 @!p0 $0x4  }
0xb5: {  	_ =	swait.ge @!p0 [sflag:s0], s1  }
0xb6: {  	s1 =	ssub.s32 @!p0 $0x0, s1;
	[sflag:s0] =	ssyncset.done @!p0 $0x0  }
0xb7: {  	[sflag:s0] =	ssyncadd.s32 @!p0 s1  }
0xb8: {  	[bflag:$0x3] =	sbarrier.arrive $0xFFFF  }
0xb9: {  	_ =	shalt  }

// kernel: kernel.30.cloned.1.call-start
scs
__scs_entry_jumppad:
0x0: {  	(pc) =	sbr.rel $0x88, $3  }
0x1: {  	(tag) =	ssettag $0x0;
	lr =	simm.s32 $0x1  }
0x2: {  	[smem:$0x3F8E] =	sst lr;
	_ =	strace $0xD0000000  }
0x3: {  	_ = 	snop  }
0x4: {  	_ = 	snop  }
0x5: {  	_ = 	snop  }
0x6: {  	_ = 	snop  }
0x7: {  	_ = 	snop  }
__scs_overlays_trampoline_lowered:
0x8: {  	[smem:$0x3F9D] =	sst s0  }
0x9: {  	[smem:$0x3F9E] =	sst s1  }
0xa: {  	[smem:$0x3F9F] =	sst s2  }
0xb: {  	[smem:$0x3FA0] =	sst s3  }
0xc: {  	[smem:$0x3FA1] =	sst s4  }
0xd: {  	[smem:$0x3FA2] =	sst s5  }
0xe: {  	[smem:$0x3FA3] =	sst s6  }
0xf: {  	[smem:$0x3FA4] =	sst s7  }
0x10: {  	[smem:$0x3FA5] =	sst s8  }
0x11: {  	[smem:$0x3FA6] =	sst s9;
	s0 =	simm.s32 @!p0 $0x0  }
0x12: {  	s1 =	sld [smem:$0x3F8C];
	s0 =	simm.s32 @p0 $0x1  }
0x13: {  	[smem:$0x3FA7] =	sst s0;
	s0 =	simm.s32 @!p1 $0x0  }
0x14: {  	s2 =	sld [smem:$0x3F8B];
	s0 =	simm.s32 @p1 $0x1  }
0x15: {  	[smem:$0x3FA8] =	sst s0;
	s0 =	simm.s32 @!p2 $0x0  }
0x16: {  	s3 =	sld [smem:$0x3FDB];
	s0 =	simm.s32 @p2 $0x1  }
0x17: {  	s4 =	simm.s32 $0x1BF5;
	[smem:$0x3FAA] =	sst s0  }
0x18: {  	s0 =	sld [smem:$0x3F8D];
	_ =	swait.ge [sflag:s4], $0x0  }
0x19: {  	s7 =	sld [smem:$0x3F8E]  }
0x1a: {  	s8 =	sadd.s32 $0xFFFFE003, lr  }
0x1b: {  	s9 =	sadd.s32 $0xFFFFFEF7, lr;
	s5 =	simm.s32 $0xFFFFFFFF;
	p2 =	slt.u32 s8, $0xFFFFF086  }
0x1c: {  	p1 =	slt.u32 s9, $0xF7A;
	s5 =	simm.s32 @!p2 $0x0  }
0x1d: {  	s5 =	simm.s32 @p1 $0x1;
	p0 =	seq.s32 s7, s2  }
0x1e: {  	s7 =	smul.u32 @!p0 $0xF7A, s2;
	p2 =	seq.s32 @!p0 s5, $0x0  }
0x1f: {  	s9 =	smul.u32 $0xF7A, s1;
	s8 =	simm.s32 @!p0 $0x1BF5;
	p2 =	por !p2, p0  }
0x20: {  	[sflag:s8] =	ssyncset.s32 @!p0 $0xFFFFF086;
	s6 =	sadd.s32 @!p0 s3, s7;
	s7 =	simm.s32 @!p0 $0x108  }
0x21: {  	s3 =	sadd.s32 s3, s9;
	s6 =	sadd.s32 @!p0 $0x88, s6;
	s7 =	simm.s32 @p2 $0x1082  }
0x22: {  	[simem:s7], [sflag:s8] =	dma.local @!p0 [hbm:s6], $0xF7A  }
0x23: {  	s9 =	sor.u32 $0xD0000000, s2;
	s6 =	simm.s32 $0x108;
	_ =	swait.ge @!p0 [sflag:s8], $0x0  }
0x24: {  	s3 =	sadd.s32 $0x88, s3;
	s6 =	simm.s32 @!p1 $0x1082;
	[sflag:s4] =	ssyncset.s32 $0xFFFFF086  }
0x25: {  	[simem:s6], [sflag:s4] =	dma.local [hbm:s3], $0xF7A  }
0x26: {  	[smem:$0x3F8E] =	sst s1;
	(tag) =	ssettag s2;
	_ =	strace s9  }
0x27: {  	s1 =	sld [smem:$0x3F9E]  }
0x28: {  	s2 =	sld [smem:$0x3F9F]  }
0x29: {  	s4 =	sld [smem:$0x3FA1]  }
0x2a: {  	p0 =	seq.s32 s5, $0x0;
	s5 =	sld [smem:$0x3FA2]  }
0x2b: {  	s6 =	sld [smem:$0x3FA3]  }
0x2c: {  	s7 =	sld [smem:$0x3FA4]  }
0x2d: {  	s3 =	simm.s32 $0x108;
	s8 =	sld [smem:$0x3FA5]  }
0x2e: {  	s3 =	simm.s32 @!p0 $0x1082;
	s9 =	sld [smem:$0x3FA6]  }
0x2f: {  	lr =	sadd.s32 s0, s3;
	s0 =	sld [smem:$0x3F9D]  }
0x30: {  	s3 =	sld [smem:$0x3FA0]  }
0x31: {  	[smem:$0x3FA9] =	sst s10  }
0x32: {  	s10 =	sld [smem:$0x3FA7];
	_ =	sdelay $0x3  }
0x33: {  	p0 =	seq.s32 s10, $0x1;
	s10 =	sld [smem:$0x3FA9];
	_ =	sdelay $0x3  }
0x34: {  	[smem:$0x3FA9] =	sst s10  }
0x35: {  	s10 =	sld [smem:$0x3FA8];
	_ =	sdelay $0x3  }
0x36: {  	p1 =	seq.s32 s10, $0x1;
	s10 =	sld [smem:$0x3FA9];
	_ =	sdelay $0x3  }
0x37: {  	[smem:$0x3FA9] =	sst s10  }
0x38: {  	s10 =	sld [smem:$0x3FAA]  }
0x39: {  	_ = 	snop;
	(pc) =	sbr.ind lr, $3  }
0x3a: {  	_ = 	snop  }
0x3b: {  	_ = 	snop  }
0x3c: {  	p2 =	seq.s32 s10, $0x1;
	s10 =	sld [smem:$0x3FA9]  }
0x3d: {  	_ =	shalt  }
0x3e: {  	_ =	shalt  }
0x3f: {  	_ =	shalt  }
0x40: {  	_ =	shalt  }
0x41: {  	_ =	shalt  }
0x42: {  	_ =	shalt  }
0x43: {  	_ =	shalt  }
0x44: {  	_ =	shalt  }
0x45: {  	_ =	shalt  }
0x46: {  	_ =	shalt  }
0x47: {  	_ =	shalt  }
0x48: {  	_ =	shalt  }
0x49: {  	_ =	shalt  }
0x4a: {  	_ =	shalt  }
0x4b: {  	_ =	shalt  }
0x4c: {  	_ =	shalt  }
0x4d: {  	_ =	shalt  }
0x4e: {  	_ =	shalt  }
0x4f: {  	_ =	shalt  }
0x50: {  	_ =	shalt  }
0x51: {  	_ =	shalt  }
0x52: {  	_ =	shalt  }
0x53: {  	_ =	shalt  }
0x54: {  	_ =	shalt  }
0x55: {  	_ =	shalt  }
0x56: {  	_ =	shalt  }
0x57: {  	_ =	shalt  }
0x58: {  	_ =	shalt  }
0x59: {  	_ =	shalt  }
0x5a: {  	_ =	shalt  }
0x5b: {  	_ =	shalt  }
0x5c: {  	_ =	shalt  }
0x5d: {  	_ =	shalt  }
0x5e: {  	_ =	shalt  }
0x5f: {  	_ =	shalt  }
0x60: {  	_ =	shalt  }
0x61: {  	_ =	shalt  }
0x62: {  	_ =	shalt  }
0x63: {  	_ =	shalt  }
0x64: {  	_ =	shalt  }
0x65: {  	_ =	shalt  }
0x66: {  	_ =	shalt  }
0x67: {  	_ =	shalt  }
0x68: {  	_ =	shalt  }
0x69: {  	_ =	shalt  }
0x6a: {  	_ =	shalt  }
0x6b: {  	_ =	shalt  }
0x6c: {  	_ =	shalt  }
0x6d: {  	_ =	shalt  }
0x6e: {  	_ =	shalt  }
0x6f: {  	_ =	shalt  }
0x70: {  	_ =	shalt  }
0x71: {  	_ =	shalt  }
0x72: {  	_ =	shalt  }
0x73: {  	_ =	shalt  }
0x74: {  	_ =	shalt  }
0x75: {  	_ =	shalt  }
0x76: {  	_ =	shalt  }
0x77: {  	_ =	shalt  }
0x78: {  	_ =	shalt  }
0x79: {  	_ =	shalt  }
0x7a: {  	_ =	shalt  }
0x7b: {  	_ =	shalt  }
0x7c: {  	_ =	shalt  }
0x7d: {  	_ =	shalt  }
0x7e: {  	_ =	shalt  }
0x7f: {  	_ =	shalt  }
0x80: {  	_ =	shalt  }
0x81: {  	_ =	shalt  }
0x82: {  	_ =	shalt  }
0x83: {  	_ =	shalt  }
0x84: {  	_ =	shalt  }
0x85: {  	_ =	shalt  }
0x86: {  	_ =	shalt  }
0x87: {  	_ =	shalt  }
.Lfunc_end0:
.L_simem_size_0:
called_computation.2_lowered:
.L_overlay_start_0:
0x88: {  	s2 =	sld [smem:$0x3FD9]  }
0x89: {  	s3 =	sld [smem:$0x3FFE];
	_ =	sdelay $0x1  }
0x8a: {  	s1 =	srdreg.scid  }
0x8b: {  	s0 =	sand.u32 $0x1, s1  }
0x8c: {  	s14 =	sshll.u32 s0, $0xA;
	s2 =	sadd.s32 s3, s2  }
0x8d: {  	s2 =	sadd.s32 s2, s14  }
0x8e: {  	[smem:$0x3FB5] =	sst s2  }
0x8f: {  	_ = 	snop  }
0x90: {  	s2 =	sld [smem:$0x3FD0];
	_ =	sdelay $0x2  }
0x91: {  	s15 =	simm.s32 $0xA;
	s4 =	simm.s32 $0x10  }
0x92: {  	[smem:s4], [sflag:s15] =	dma.local [hbm:s2], $0x1  }
0x93: {  	_ =	swait.eq [sflag:s15], $0x1  }
0x94: {  	[sflag:s15] =	ssyncset.done $0x0  }
0x95: {  	[sflag:s15] =	ssyncadd.s32 $0xFFFFFFFF  }
0x96: {  	s16 =	sld [smem:$0x11];
	(tm) =	ssettm $0x1  }
0x97: {  	s17 =	sld [smem:$0x3FFB];
	_ =	sdelay $0x3  }
0x98: {  	_ =	strace s17  }
0x99: {  	s3 =	sld [smem:$0x3FFC];
	_ =	sdelay $0x3  }
0x9a: {  	_ =	strace s3  }
0x9b: {  	s3 =	sld [smem:$0x3FFD];
	_ =	sdelay $0x3  }
0x9c: {  	_ =	strace s3  }
0x9d: {  	_ =	strace $0x8FFFFFFF  }
0x9e: {  	s18 =	sld [smem:$0x3FDB];
	_ =	sdelay $0x1  }
0x9f: {  	s19 =	simm.s32 $_scs_section_size  }
0xa0: {  	s5 =	simm.s32 $_size__tile_overlayer_lowered;
	s6 =	simm.s32 $_tile_overlayer_lowered  }
0xa1: {  	s22 =	simm.s32 $0x1BFF;
	s21 =	sshll.u32 s6, $0x1;
	s3 =	sadd.s32 s19, s18  }
0xa2: {  	s7 =	simm.s32 $0x0;
	s20 =	sshll.u32 s5, $0x1;
	s5 =	sadd.s32 s21, s3  }
0xa3: {  	[timem:s7], [sflag:s22] =	dma.local [hbm:s5], s20  }
0xa4: {  	_ =	swait.ge [sflag:s22], s20  }
0xa5: {  	s4 =	ssub.s32 $0x0, s20;
	[sflag:s22] =	ssyncset.done $0x0  }
0xa6: {  	[sflag:s22] =	ssyncadd.s32 s4;
	_ =	sdelay $0x1  }
0xa7: {  	s23 =	simm.s32 $0x1B8B  }
0xa8: {  	_ =	swait.ge [sflag:s23], $0x1  }
0xa9: {  	[sflag:s23] =	ssyncset.done $0x0  }
0xaa: {  	s25 =	simm.s32 $0x1B8E;
	s24 =	sld [smem:$0x3FFE];
	[sflag:s23] =	ssyncadd.s32 $0xFFFFFFFF  }
0xab: {  	s26 =	simm.s32 $execute0_lowered;
	[smem:$0x3FD2] =	sst s25  }
0xac: {  	s5 =	sshll.u32 s26, $0x1;
	_ =	strace $0x8000004C;
	[dreg:$0x1] =	wrdreg $0xFFFFFFFF  }
0xad: {  	s28 =	simm.s32 $_size_execute0_lowered;
	s3 =	sadd.s32 s3, s5;
	[dreg:$0x0] =	wrdreg $0x0  }
0xae: {  	s5 =	sshll.u32 s28, $0x1;
	[dreg:$0x2] =	wrdreg s3  }
0xaf: {  	[dreg:$0x3] =	wrdreg s5  }
0xb0: {  	[dreg:$0x4] =	wrdreg $0xC0  }
0xb1: {  	_ =	task [dreg:s7], $0x5FFFF  }
0xb2: {  	[dreg:$0x1] =	wrdreg $0xFFFFFFFF  }
0xb3: {  	[dreg:$0x0] =	wrdreg $0x60  }
0xb4: {  	[dreg:$0x2] =	wrdreg s16  }
0xb5: {  	[dreg:$0x3] =	wrdreg s24  }
0xb6: {  	[dreg:$0x4] =	wrdreg $0x78800  }
0xb7: {  	[dreg:$0x5] =	wrdreg $0x9  }
0xb8: {  	_ =	task.clear_ibuf [dreg:s7], $0x6FFFF;
	_ =	strace $0x9000004C  }
0xb9: {  	s29 =	simm.s32 $0x9;
	_ =	strace $0x8000004E  }
0xba: {  	_ =	swait.ge [sflag:s29], $0x1  }
0xbb: {  	[sflag:s29] =	ssyncadd.s32 $0xFFFFFFFF  }
0xbc: {  	_ =	strace $0x9000004E  }
0xbd: {  	_ =	sfence  }
0xbe: {  	s30 =	sld [smem:$0x0];
	_ =	sdelay $0x2  }
0xbf: {  	s31 =	sshll.u32 s1, $0xD;
	s1 =	sshrl.u32 s1, $0x2  }
0xc0: {  	s3 =	sand.u32 $0x4000, s31;
	s1 =	sadd.s32 s1, s30  }
0xc1: {  	s0 =	sor.u32 s3, s0;
	s1 =	sshll.u32 s1, $0x11  }
0xc2: {  	s0 =	sor.u32 s1, s0  }
0xc3: {  	s0 =	sadd.s32 $0x8F2B, s0  }
0xc4: {  	[sflag:s0] =	ssyncadd.remote.s32 $0x1  }
0xc5: {  	_ =	sfence.sel $0xFFFF  }
0xc6: {  	[dreg:$0x0] =	wrdreg $0xFFFFFFFF;
	(pc) =	sbr.abs _section_cstart, $3  }
0xc7: {  	[dreg:$0x1] =	wrdreg $0xFFFFFFFF  }
0xc8: {  	_ =	task.clear_ibuf [dreg:s7], $0x2FFFF;
	_ =	strace $0x9FFFFFFF  }
0xc9: {  	(tm) =	ssettm $0x7FFFFFFF  }
tec
execute0_lowered:
.L_overlay_start_1:
0x0: {  	(tag) =	ssettag $0x1  }
0x1: {  	s1 =	rddreg [dreg:$0x0]  }
0x2: {  	s0 =	srdreg.scid;
	s2 =	rddreg [dreg:$0x1]  }
0x3: {  	s14 =	stileid.u32;
	s3 =	rddreg [dreg:$0x2]  }
0x4: {  	s17 =	simm.s32 $0x4;
	s18 =	simm.s32 $0x28;
	s19 =	simm.s32 $0x2780  }
0x5: {  	s21 =	simm.s32 $0x4F80;
	s22 =	simm.s32 $0x3B80;
	s23 =	simm.s32 $0x6480  }
0x6: {  	s24 =	simm.s32 $0x5000;
	s28 =	simm.s32 $0x2;
	s29 =	simm.s32 $0x0  }
0x7: {  	s0 =	sand.u32 $0x1, s0;
	s4 =	sshll.u32 s14, $0x1;
	s8 =	smul.u32 $0x2780, s14  }
0x8: {  	s6 =	sadd.s32 $0x3A000, s2;
	s11 =	smul.u32 $0x4F000, s14;
	s26 =	sshll.u32 s14, $0x6  }
0x9: {  	s12 =	sor.u32 s0, s4;
	s4 =	simm.s32 $0x0;
	s9 =	smul.u32 $0x27800, s0  }
0xa: {  	s0 =	ssub.s32 $0x2, s0;
	s5 =	smul.u32 $0x2710, s12;
	[smem:$0x7FF] =	sst s4  }
0xb: {  	s13 =	sadd.s32 s8, s2;
	s25 =	sshrl.u32 s0, $0x1;
	s11 =	sshrl.u32 s11, $0x2  }
0xc: {  	s30 =	smul.u32 $0x27100, s12;
	s31 =	sshll.u32 s12, $0xC;
	s12 =	sshll.u32 s12, $0xF  }
0xd: {  	_ =	strace $0x8000004D;
	s8 =	sadd.s32 s8, s9;
	s0 =	ssub.s32 s0, s25  }
0xe: {  	s16 =	sadd.s32 s11, s3;
	s9 =	sor.u32 $0x1C04, s26;
	s25 =	simm.s32 $0x1  }
0xf: {  	s26 =	simm.s32 $0x3;
	s7 =	sshrl.u32 s5, $0x3;
	s11 =	sadd.s32 s6, s30  }
0x10: {  	s15 =	smax.u32 s0, $0x1;
	s16 =	sshrl.u32 s16, $0x3;
	s10 =	sadd.s32 s7, s2  }
0x11: {  	s7 =	sadd.s32 $0x18E00, s2;
	s2 =	sadd.s32 s8, s2;
	s8 =	sadd.s32 $0x51C000, s13  }
0x12: {  	s10 =	sadd.s32 $0xF000, s10;
	s13 =	sadd.s32 s7, s31;
	s14 =	sadd.s32 $0x543800, s2  }
.LBB2_1:
0x13: {  	[spmem:s16], [sflag:s9] =	dma.local [hbm:s8], $0x2780  }
0x14: {  	_ =	swait.ge [sflag:s17], $0x2780  }
0x15: {  	[sflag:s17] =	ssyncset.done $0x0  }
0x16: {  	[sflag:s17] =	ssyncadd.s32 $0xFFFFD880  }
0x17: {  	[tilespmem:s4], [sflag:$0x4] =	stream.linear.gather [hbm4b:s10+s4], $0x2710, $0x38;
	[tilespmem:$0x1B480] =	vst v63  }
0x18: {  	_ =	swait.ge [sflag:s17], $0x2710  }
0x19: {  	[sflag:s17] =	ssyncset.done $0x0  }
0x1a: {  	[sflag:s17] =	ssyncadd.s32 $0xFFFFD8F0  }
0x1b: {  	[bflag:$0x0] =	sbarrier.arrive $0xFFFF  }
0x1c: {  	[tilespmem:s19], [sflag:$0x1] =	stream.indirect.gather [hbm4b:s1+s18], $0x80, s4, s18, $0xb8;
	[tilespmem:$0x1B480] =	vst v63  }
0x1d: {  	s0 =	simm.s32 $0x5080  }
0x1e: {  	[tilespmem:s0], [sflag:$0x3] =	stream.linear.gather [hbm4b:s11+s4], $0x1400, $0x38;
	[tilespmem:$0x1B480] =	vst v63  }
0x1f: {  	s30 =	simm.s32 $0x0  }
0x20: {  	[tilespmem:s21], [sflag:$0x2] =	stream.linear.gather [hbm4b:s13+s4], $0x80, $0x38;
	[tilespmem:$0x1B480] =	vst v63  }
.LBB2_2:
0x21: {  	s0 =	sshllo.u32 s30, $0x1  }
0x22: {  	s2 =	smul.u32 $0x28, s0;
	_ =	sdelay $0x1  }
0x23: {  	[tilespmem:s22], [sflag:$0x1] =	stream.indirect.gather [hbm4b:s1+s18], $0x80, s2, s18, $0xb8;
	[tilespmem:$0x1B480] =	vst v63  }
0x24: {  	s2 =	sadd.s32 s5, s2  }
0x25: {  	s31 =	simm.s32 $0x0;
	s2 =	sshll.u32 s2, $0x4  }
0x26: {  	s20 =	sshll.u32 s30, $0x8;
	s0 =	sshll.u32 s0, $0x7;
	s2 =	sadd.s32 s6, s2  }
0x27: {  	[tilespmem:s23], [sflag:$0x3] =	stream.linear.gather [hbm4b:s2+s31], $0x1400, $0x38;
	[tilespmem:$0x1B480] =	vst v63  }
0x28: {  	s0 =	sand.u32 $0x380, s0;
	s2 =	sand.u32 $0x7C00, s20  }
0x29: {  	s0 =	sor.u32 s0, s2  }
0x2a: {  	s0 =	sor.u32 s12, s0  }
0x2b: {  	s0 =	sshrl.u32 s0, $0x3  }
0x2c: {  	s0 =	sadd.s32 s7, s0  }
0x2d: {  	[tilespmem:s24], [sflag:$0x2] =	stream.linear.gather [hbm4b:s0+s31], $0x80, $0x38;
	[tilespmem:$0x1B480] =	vst v63  }
0x2e: {  	_ =	swait.ge [sflag:s25], $0x1400  }
0x2f: {  	[sflag:s25] =	ssyncset.done $0x0  }
0x30: {  	[sflag:s25] =	ssyncadd.s32 $0xFFFFEC00  }
0x31: {  	_ =	swait.ge [sflag:s26], $0x1400  }
0x32: {  	[sflag:s26] =	ssyncset.done $0x0  }
0x33: {  	[sflag:s26] =	ssyncadd.s32 $0xFFFFEC00  }
0x34: {  	_ =	swait.ge [sflag:s28], $0x80  }
0x35: {  	[sflag:s28] =	ssyncset.done $0x0  }
0x36: {  	s31 =	simm.s32 $0x0;
	[sflag:s28] =	ssyncadd.s32 $0xFFFFFF80  }
0x37: {  	v7 =	vld [tilespmem:s31+$0x5080]  }
0x38: {  	v11 =	vld [tilespmem:s31+$0x5090]  }
0x39: {  	v5 =	vld [tilespmem:s31+$0x50A0]  }
0x3a: {  	v4 =	vld [tilespmem:s31+$0x50B0]  }
0x3b: {  	v3 =	vld [tilespmem:s31+$0x50C0]  }
0x3c: {  	v2 =	vld [tilespmem:s31+$0x50D0]  }
0x3d: {  	v1 =	vld [tilespmem:s31+$0x50E0]  }
0x3e: {  	v0 =	vld [tilespmem:s31+$0x50F0]  }
0x3f: {  	v12 =	vld [tilespmem:s31+$0x2780]  }
0x40: {  	v13 =	vld [tilespmem:s31+$0x2790]  }
0x41: {  	v10 =	vld [tilespmem:s31+$0x27A0]  }
0x42: {  	v9 =	vld [tilespmem:s31+$0x27B0]  }
0x43: {  	v8 =	vld [tilespmem:s31+$0x27C0]  }
0x44: {  	v6 =	vld [tilespmem:s31+$0x27D0];
	v12 =	vmul.f32 v7, v12  }
0x45: {  	s2 =	sshll.u32 s30, $0x1;
	s0 =	simm.s32 $0x200;
	v11 =	vmul.f32 v11, v13;
	v7 =	vld [tilespmem:s31+$0x27E0]  }
.LBB2_3:
0x46: {  	s20 =	sshra.s32 s0, $0x2;
	p0 =	sne.s32 s0, $0x4E00;
	[tilespmem:s31+$0x2780] =	vst v12;
	v5 =	vmul.f32 v5, v10;
	v10 =	vld [tilespmem:s31+$0x27F0]  }
0x47: {  	v12 =	vld [tilespmem:s20+$0x5080];
	[tilespmem:s31+$0x2790] =	vst v11;
	v4 =	vmul.f32 v4, v9  }
0x48: {  	v11 =	vld [tilespmem:s20+$0x5090];
	[tilespmem:s31+$0x27A0] =	vst v5;
	v3 =	vmul.f32 v3, v8  }
0x49: {  	v5 =	vld [tilespmem:s20+$0x50A0];
	[tilespmem:s31+$0x27B0] =	vst v4;
	v2 =	vmul.f32 v2, v6  }
0x4a: {  	v4 =	vld [tilespmem:s20+$0x50B0];
	[tilespmem:s31+$0x27C0] =	vst v3;
	v1 =	vmul.f32 v1, v7  }
0x4b: {  	v3 =	vld [tilespmem:s20+$0x50C0];
	[tilespmem:s31+$0x27D0] =	vst v2;
	v0 =	vmul.f32 v0, v10  }
0x4c: {  	v2 =	vld [tilespmem:s20+$0x50D0];
	[tilespmem:s31+$0x27E0] =	vst v1  }
0x4d: {  	v1 =	vld [tilespmem:s20+$0x50E0];
	[tilespmem:s31+$0x27F0] =	vst v0;
	s31 =	smov.u32 s20  }
0x4e: {  	v0 =	vld [tilespmem:s31+$0x50F0]  }
0x4f: {  	v6 =	vld [tilespmem:s31+$0x2780]  }
0x50: {  	v7 =	vld [tilespmem:s31+$0x2790]  }
.Ltmp0:
0x51: {  	v10 =	vld [tilespmem:s31+$0x27A0];
	(pc) =	sbr.rel @p0 .LBB2_3-.Ltmp0, $4  }
0x52: {  	v9 =	vld [tilespmem:s31+$0x27B0]  }
0x53: {  	v8 =	vld [tilespmem:s31+$0x27C0]  }
0x54: {  	v12 =	vmul.f32 v12, v6;
	v6 =	vld [tilespmem:s31+$0x27D0]  }
0x55: {  	s0 =	sadd.s32 $0x200, s0;
	v11 =	vmul.f32 v11, v7;
	v7 =	vld [tilespmem:s31+$0x27E0]  }
0x56: {  	[tilespmem:s31+$0x2780] =	vst v12;
	v5 =	vmul.f32 v5, v10;
	v10 =	vld [tilespmem:s31+$0x27F0]  }
0x57: {  	[tilespmem:s31+$0x2790] =	vst v11;
	v4 =	vmul.f32 v4, v9  }
0x58: {  	[tilespmem:s31+$0x27A0] =	vst v5;
	v3 =	vmul.f32 v3, v8  }
0x59: {  	[tilespmem:s31+$0x27B0] =	vst v4;
	v2 =	vmul.f32 v2, v6  }
0x5a: {  	[tilespmem:s31+$0x27C0] =	vst v3;
	v1 =	vmul.f32 v1, v7  }
0x5b: {  	[tilespmem:s31+$0x27D0] =	vst v2;
	v0 =	vmul.f32 v0, v10  }
0x5c: {  	[tilespmem:s31+$0x27E0] =	vst v1  }
0x5d: {  	p0 =	seq.s32 s30, $0x7C;
	[tilespmem:s31+$0x27F0] =	vst v0  }
0x5e: {  	[spmem:s3] =	stream.indirect.scatter.add.f32 [tilespmem:s19], [sflag:$0x4], $0x80, s21, s18, $0xb8;
	[tilespmem:$0x1B480] =	vst v63  }
0x5f: {  	s0 =	sadd.s32 @!p0 $0x2, s2;
	_ =	swait.ge [sflag:s17], $0x1400  }
0x60: {  	s2 =	smul.u32 @!p0 $0x28, s0;
	[sflag:s17] =	ssyncset.done $0x0  }
0x61: {  	s20 =	simm.s32 @!p0 $0x28;
	s31 =	simm.s32 @!p0 $0x2780;
	[sflag:s17] =	ssyncadd.s32 $0xFFFFEC00  }
0x62: {  	[tilespmem:s31], [sflag:$0x1] =	stream.indirect.gather @!p0 [hbm4b:s1+s20], $0x80, s2, s20, $0xb8;
	[tilespmem:$0x1B480] =	vst v63  }
0x63: {  	s2 =	sadd.s32 @!p0 s5, s2  }
0x64: {  	s0 =	sshll.u32 @!p0 s0, $0x7;
	s2 =	sshll.u32 @!p0 s2, $0x4  }
0x65: {  	s20 =	simm.s32 @!p0 $0x0;
	s31 =	simm.s32 @!p0 $0x5080;
	s2 =	sadd.s32 @!p0 s6, s2  }
0x66: {  	[tilespmem:s31], [sflag:$0x3] =	stream.linear.gather @!p0 [hbm4b:s2+s20], $0x1400, $0x38;
	[tilespmem:$0x1B480] =	vst v63  }
0x67: {  	s2 =	sand.u32 @!p0 $0xFC00, s0  }
0x68: {  	s0 =	sand.u32 @!p0 $0x300, s0;
	s2 =	sadd.s32 @!p0 s12, s2  }
0x69: {  	s0 =	sor.u32 @!p0 s0, s2  }
0x6a: {  	s0 =	sshrl.u32 @!p0 s0, $0x3  }
0x6b: {  	s2 =	simm.s32 @!p0 $0x4F80;
	s0 =	sadd.s32 @!p0 s7, s0  }
0x6c: {  	[tilespmem:s2], [sflag:$0x2] =	stream.linear.gather @!p0 [hbm4b:s0+s20], $0x80, $0x38;
	[tilespmem:$0x1B480] =	vst v63  }
0x6d: {  	_ =	swait.ge [sflag:s25], $0x1400  }
0x6e: {  	[sflag:s25] =	ssyncset.done $0x0  }
0x6f: {  	[sflag:s25] =	ssyncadd.s32 $0xFFFFEC00  }
0x70: {  	_ =	swait.ge [sflag:s26], $0x1400  }
0x71: {  	[sflag:s26] =	ssyncset.done $0x0  }
0x72: {  	[sflag:s26] =	ssyncadd.s32 $0xFFFFEC00  }
0x73: {  	_ =	swait.ge [sflag:s28], $0x80  }
0x74: {  	[sflag:s28] =	ssyncset.done $0x0  }
0x75: {  	s31 =	simm.s32 $0x0;
	[sflag:s28] =	ssyncadd.s32 $0xFFFFFF80  }
0x76: {  	v7 =	vld [tilespmem:s31+$0x6480]  }
0x77: {  	v11 =	vld [tilespmem:s31+$0x6490]  }
0x78: {  	v5 =	vld [tilespmem:s31+$0x64A0]  }
0x79: {  	v4 =	vld [tilespmem:s31+$0x64B0]  }
0x7a: {  	v3 =	vld [tilespmem:s31+$0x64C0]  }
0x7b: {  	v2 =	vld [tilespmem:s31+$0x64D0]  }
0x7c: {  	v1 =	vld [tilespmem:s31+$0x64E0]  }
0x7d: {  	v0 =	vld [tilespmem:s31+$0x64F0]  }
0x7e: {  	v12 =	vld [tilespmem:s31+$0x3B80]  }
0x7f: {  	v13 =	vld [tilespmem:s31+$0x3B90]  }
0x80: {  	v10 =	vld [tilespmem:s31+$0x3BA0]  }
0x81: {  	v9 =	vld [tilespmem:s31+$0x3BB0]  }
0x82: {  	v8 =	vld [tilespmem:s31+$0x3BC0]  }
0x83: {  	v6 =	vld [tilespmem:s31+$0x3BD0];
	v12 =	vmul.f32 v7, v12  }
0x84: {  	s0 =	simm.s32 $0x200;
	v11 =	vmul.f32 v11, v13;
	v7 =	vld [tilespmem:s31+$0x3BE0]  }
.LBB2_5:
0x85: {  	s2 =	sshra.s32 s0, $0x2;
	p0 =	sne.s32 s0, $0x4E00;
	[tilespmem:s31+$0x3B80] =	vst v12;
	v5 =	vmul.f32 v5, v10;
	v10 =	vld [tilespmem:s31+$0x3BF0]  }
0x86: {  	v12 =	vld [tilespmem:s2+$0x6480];
	[tilespmem:s31+$0x3B90] =	vst v11;
	v4 =	vmul.f32 v4, v9  }
0x87: {  	v11 =	vld [tilespmem:s2+$0x6490];
	[tilespmem:s31+$0x3BA0] =	vst v5;
	v3 =	vmul.f32 v3, v8  }
0x88: {  	v5 =	vld [tilespmem:s2+$0x64A0];
	[tilespmem:s31+$0x3BB0] =	vst v4;
	v2 =	vmul.f32 v2, v6  }
0x89: {  	v4 =	vld [tilespmem:s2+$0x64B0];
	[tilespmem:s31+$0x3BC0] =	vst v3;
	v1 =	vmul.f32 v1, v7  }
0x8a: {  	v3 =	vld [tilespmem:s2+$0x64C0];
	[tilespmem:s31+$0x3BD0] =	vst v2;
	v0 =	vmul.f32 v0, v10  }
0x8b: {  	v2 =	vld [tilespmem:s2+$0x64D0];
	[tilespmem:s31+$0x3BE0] =	vst v1  }
0x8c: {  	v1 =	vld [tilespmem:s2+$0x64E0];
	[tilespmem:s31+$0x3BF0] =	vst v0;
	s31 =	smov.u32 s2  }
0x8d: {  	v0 =	vld [tilespmem:s31+$0x64F0]  }
0x8e: {  	v6 =	vld [tilespmem:s31+$0x3B80]  }
0x8f: {  	v7 =	vld [tilespmem:s31+$0x3B90]  }
.Ltmp1:
0x90: {  	v10 =	vld [tilespmem:s31+$0x3BA0];
	(pc) =	sbr.rel @p0 .LBB2_5-.Ltmp1, $4  }
0x91: {  	v9 =	vld [tilespmem:s31+$0x3BB0]  }
0x92: {  	v8 =	vld [tilespmem:s31+$0x3BC0]  }
0x93: {  	v12 =	vmul.f32 v12, v6;
	v6 =	vld [tilespmem:s31+$0x3BD0]  }
0x94: {  	s0 =	sadd.s32 $0x200, s0;
	v11 =	vmul.f32 v11, v7;
	v7 =	vld [tilespmem:s31+$0x3BE0]  }
0x95: {  	[tilespmem:s31+$0x3B80] =	vst v12;
	v5 =	vmul.f32 v5, v10;
	v63 =	vld [tilespmem:s31+$0x3BF0]  }
0x96: {  	[tilespmem:s31+$0x3B90] =	vst v11;
	v4 =	vmul.f32 v4, v9  }
0x97: {  	[tilespmem:s31+$0x3BA0] =	vst v5;
	v3 =	vmul.f32 v3, v8  }
0x98: {  	[tilespmem:s31+$0x3BB0] =	vst v4;
	v2 =	vmul.f32 v2, v6  }
0x99: {  	[tilespmem:s31+$0x3BC0] =	vst v3;
	v1 =	vmul.f32 v1, v7  }
0x9a: {  	s30 =	sadd.s32 $0x1, s30;
	[tilespmem:s31+$0x3BD0] =	vst v2;
	v0 =	vmul.f32 v0, v63  }
0x9b: {  	p0 =	sne.s32 s30, $0x7D;
	[tilespmem:s31+$0x3BE0] =	vst v1  }
.Ltmp2:
0x9c: {  	[tilespmem:s31+$0x3BF0] =	vst v0;
	(pc) =	sbr.rel @p0 .LBB2_2-.Ltmp2, $4  }
0x9d: {  	[spmem:s3] =	stream.indirect.scatter.add.f32 [tilespmem:s22], [sflag:$0x4], $0x80, s24, s18, $0xb8;
	[tilespmem:$0x1B480] =	vst v63  }
0x9e: {  	_ =	swait.ge [sflag:s17], $0x1400  }
0x9f: {  	[sflag:s17] =	ssyncset.done $0x0  }
0xa0: {  	[sflag:s17] =	ssyncadd.s32 $0xFFFFEC00  }
0xa1: {  	s29 =	sadd.s32 $0x1, s29  }
0xa2: {  	p0 =	sne.s32 s29, s15  }
.Ltmp3:
0xa3: {  	[bflag:$0x0] =	sbarrier.arrive $0xFFFF;
	(pc) =	sbr.rel @p0 .LBB2_1-.Ltmp3, $4  }
0xa4: {  	[hbm:s14], [sflag:s9] =	dma.local [spmem:s16], $0x2780  }
0xa5: {  	_ =	swait.ge [sflag:s17], $0x2780  }
0xa6: {  	[sflag:s17] =	ssyncset.done $0x0  }
0xa7: {  	[sflag:s17] =	ssyncadd.s32 $0xFFFFD880  }
0xa8: {  	_ =	sfence.sel $0x180000  }
0xa9: {  	[bflag:$0x0] =	sbarrier.arrive $0xFFFF  }
0xaa: {  	_ =	strace $0x9000004D  }
0xab: {  	s0 =	stileid.u32;
	[bflag:$0x2] =	sbarrier.arrive $0xFFFF  }
0xac: {  	p0 =	sne.s32 s0, $0x0;
	s0 =	rddreg [dreg:$0x3]  }
0xad: {  	s0 =	sadd.s32 @!p0 $0x100000, s0  }
0xae: {  	[sflag:s0] =	ssyncadd.tile.s32 @!p0 $0x1;
	_ =	shalt  }
.Lfunc_end2:
_tile_overlayer_lowered:
.L_overlay_start_2:
0xaf: {  	(tag) =	ssettag $0x2  }
0xb0: {  	s0 =	rddreg [dreg:$0x0];
	s2 =	stileid.u32  }
0xb1: {  	s1 =	rddreg [dreg:$0x1];
	p0 =	sne.s32 s2, $0x0  }
0xb2: {  	s3 =	rddreg [dreg:$0x2];
	[bflag:$0x3] =	sbarrier.arrive $0xFFFF;
	s2 =	simm.s32 @!p0 $0x1C04  }
0xb3: {  	[timem:s3], [sflag:s2] =	dma.local @!p0 [hbm:s0], s1  }
0xb4: {  	s0 =	simm.s32 @!p0 $0x4  }
0xb5: {  	_ =	swait.ge @!p0 [sflag:s0], s1  }
0xb6: {  	s1 =	ssub.s32 @!p0 $0x0, s1;
	[sflag:s0] =	ssyncset.done @!p0 $0x0  }
0xb7: {  	[sflag:s0] =	ssyncadd.s32 @!p0 s1  }
0xb8: {  	[bflag:$0x3] =	sbarrier.arrive $0xFFFF  }
0xb9: {  	_ =	shalt  }

// kernel: kernel.33.cloned.1.call-start
scs
__scs_entry_jumppad:
0x0: {  	(pc) =	sbr.rel $0x88, $3  }
0x1: {  	(tag) =	ssettag $0x0;
	lr =	simm.s32 $0x1  }
0x2: {  	[smem:$0x3F8E] =	sst lr;
	_ =	strace $0xD0000000  }
0x3: {  	_ = 	snop  }
0x4: {  	_ = 	snop  }
0x5: {  	_ = 	snop  }
0x6: {  	_ = 	snop  }
0x7: {  	_ = 	snop  }
__scs_overlays_trampoline_lowered:
0x8: {  	[smem:$0x3F9D] =	sst s0  }
0x9: {  	[smem:$0x3F9E] =	sst s1  }
0xa: {  	[smem:$0x3F9F] =	sst s2  }
0xb: {  	[smem:$0x3FA0] =	sst s3  }
0xc: {  	[smem:$0x3FA1] =	sst s4  }
0xd: {  	[smem:$0x3FA2] =	sst s5  }
0xe: {  	[smem:$0x3FA3] =	sst s6  }
0xf: {  	[smem:$0x3FA4] =	sst s7  }
0x10: {  	[smem:$0x3FA5] =	sst s8  }
0x11: {  	[smem:$0x3FA6] =	sst s9;
	s0 =	simm.s32 @!p0 $0x0  }
0x12: {  	s1 =	sld [smem:$0x3F8C];
	s0 =	simm.s32 @p0 $0x1  }
0x13: {  	[smem:$0x3FA7] =	sst s0;
	s0 =	simm.s32 @!p1 $0x0  }
0x14: {  	s2 =	sld [smem:$0x3F8B];
	s0 =	simm.s32 @p1 $0x1  }
0x15: {  	[smem:$0x3FA8] =	sst s0;
	s0 =	simm.s32 @!p2 $0x0  }
0x16: {  	s3 =	sld [smem:$0x3FDB];
	s0 =	simm.s32 @p2 $0x1  }
0x17: {  	s4 =	simm.s32 $0x1BF5;
	[smem:$0x3FAA] =	sst s0  }
0x18: {  	s0 =	sld [smem:$0x3F8D];
	_ =	swait.ge [sflag:s4], $0x0  }
0x19: {  	s7 =	sld [smem:$0x3F8E]  }
0x1a: {  	s8 =	sadd.s32 $0xFFFFE003, lr  }
0x1b: {  	s9 =	sadd.s32 $0xFFFFFEF7, lr;
	s5 =	simm.s32 $0xFFFFFFFF;
	p2 =	slt.u32 s8, $0xFFFFF086  }
0x1c: {  	p1 =	slt.u32 s9, $0xF7A;
	s5 =	simm.s32 @!p2 $0x0  }
0x1d: {  	s5 =	simm.s32 @p1 $0x1;
	p0 =	seq.s32 s7, s2  }
0x1e: {  	s7 =	smul.u32 @!p0 $0xF7A, s2;
	p2 =	seq.s32 @!p0 s5, $0x0  }
0x1f: {  	s9 =	smul.u32 $0xF7A, s1;
	s8 =	simm.s32 @!p0 $0x1BF5;
	p2 =	por !p2, p0  }
0x20: {  	[sflag:s8] =	ssyncset.s32 @!p0 $0xFFFFF086;
	s6 =	sadd.s32 @!p0 s3, s7;
	s7 =	simm.s32 @!p0 $0x108  }
0x21: {  	s3 =	sadd.s32 s3, s9;
	s6 =	sadd.s32 @!p0 $0x88, s6;
	s7 =	simm.s32 @p2 $0x1082  }
0x22: {  	[simem:s7], [sflag:s8] =	dma.local @!p0 [hbm:s6], $0xF7A  }
0x23: {  	s9 =	sor.u32 $0xD0000000, s2;
	s6 =	simm.s32 $0x108;
	_ =	swait.ge @!p0 [sflag:s8], $0x0  }
0x24: {  	s3 =	sadd.s32 $0x88, s3;
	s6 =	simm.s32 @!p1 $0x1082;
	[sflag:s4] =	ssyncset.s32 $0xFFFFF086  }
0x25: {  	[simem:s6], [sflag:s4] =	dma.local [hbm:s3], $0xF7A  }
0x26: {  	[smem:$0x3F8E] =	sst s1;
	(tag) =	ssettag s2;
	_ =	strace s9  }
0x27: {  	s1 =	sld [smem:$0x3F9E]  }
0x28: {  	s2 =	sld [smem:$0x3F9F]  }
0x29: {  	s4 =	sld [smem:$0x3FA1]  }
0x2a: {  	p0 =	seq.s32 s5, $0x0;
	s5 =	sld [smem:$0x3FA2]  }
0x2b: {  	s6 =	sld [smem:$0x3FA3]  }
0x2c: {  	s7 =	sld [smem:$0x3FA4]  }
0x2d: {  	s3 =	simm.s32 $0x108;
	s8 =	sld [smem:$0x3FA5]  }
0x2e: {  	s3 =	simm.s32 @!p0 $0x1082;
	s9 =	sld [smem:$0x3FA6]  }
0x2f: {  	lr =	sadd.s32 s0, s3;
	s0 =	sld [smem:$0x3F9D]  }
0x30: {  	s3 =	sld [smem:$0x3FA0]  }
0x31: {  	[smem:$0x3FA9] =	sst s10  }
0x32: {  	s10 =	sld [smem:$0x3FA7];
	_ =	sdelay $0x3  }
0x33: {  	p0 =	seq.s32 s10, $0x1;
	s10 =	sld [smem:$0x3FA9];
	_ =	sdelay $0x3  }
0x34: {  	[smem:$0x3FA9] =	sst s10  }
0x35: {  	s10 =	sld [smem:$0x3FA8];
	_ =	sdelay $0x3  }
0x36: {  	p1 =	seq.s32 s10, $0x1;
	s10 =	sld [smem:$0x3FA9];
	_ =	sdelay $0x3  }
0x37: {  	[smem:$0x3FA9] =	sst s10  }
0x38: {  	s10 =	sld [smem:$0x3FAA]  }
0x39: {  	_ = 	snop;
	(pc) =	sbr.ind lr, $3  }
0x3a: {  	_ = 	snop  }
0x3b: {  	_ = 	snop  }
0x3c: {  	p2 =	seq.s32 s10, $0x1;
	s10 =	sld [smem:$0x3FA9]  }
0x3d: {  	_ =	shalt  }
0x3e: {  	_ =	shalt  }
0x3f: {  	_ =	shalt  }
0x40: {  	_ =	shalt  }
0x41: {  	_ =	shalt  }
0x42: {  	_ =	shalt  }
0x43: {  	_ =	shalt  }
0x44: {  	_ =	shalt  }
0x45: {  	_ =	shalt  }
0x46: {  	_ =	shalt  }
0x47: {  	_ =	shalt  }
0x48: {  	_ =	shalt  }
0x49: {  	_ =	shalt  }
0x4a: {  	_ =	shalt  }
0x4b: {  	_ =	shalt  }
0x4c: {  	_ =	shalt  }
0x4d: {  	_ =	shalt  }
0x4e: {  	_ =	shalt  }
0x4f: {  	_ =	shalt  }
0x50: {  	_ =	shalt  }
0x51: {  	_ =	shalt  }
0x52: {  	_ =	shalt  }
0x53: {  	_ =	shalt  }
0x54: {  	_ =	shalt  }
0x55: {  	_ =	shalt  }
0x56: {  	_ =	shalt  }
0x57: {  	_ =	shalt  }
0x58: {  	_ =	shalt  }
0x59: {  	_ =	shalt  }
0x5a: {  	_ =	shalt  }
0x5b: {  	_ =	shalt  }
0x5c: {  	_ =	shalt  }
0x5d: {  	_ =	shalt  }
0x5e: {  	_ =	shalt  }
0x5f: {  	_ =	shalt  }
0x60: {  	_ =	shalt  }
0x61: {  	_ =	shalt  }
0x62: {  	_ =	shalt  }
0x63: {  	_ =	shalt  }
0x64: {  	_ =	shalt  }
0x65: {  	_ =	shalt  }
0x66: {  	_ =	shalt  }
0x67: {  	_ =	shalt  }
0x68: {  	_ =	shalt  }
0x69: {  	_ =	shalt  }
0x6a: {  	_ =	shalt  }
0x6b: {  	_ =	shalt  }
0x6c: {  	_ =	shalt  }
0x6d: {  	_ =	shalt  }
0x6e: {  	_ =	shalt  }
0x6f: {  	_ =	shalt  }
0x70: {  	_ =	shalt  }
0x71: {  	_ =	shalt  }
0x72: {  	_ =	shalt  }
0x73: {  	_ =	shalt  }
0x74: {  	_ =	shalt  }
0x75: {  	_ =	shalt  }
0x76: {  	_ =	shalt  }
0x77: {  	_ =	shalt  }
0x78: {  	_ =	shalt  }
0x79: {  	_ =	shalt  }
0x7a: {  	_ =	shalt  }
0x7b: {  	_ =	shalt  }
0x7c: {  	_ =	shalt  }
0x7d: {  	_ =	shalt  }
0x7e: {  	_ =	shalt  }
0x7f: {  	_ =	shalt  }
0x80: {  	_ =	shalt  }
0x81: {  	_ =	shalt  }
0x82: {  	_ =	shalt  }
0x83: {  	_ =	shalt  }
0x84: {  	_ =	shalt  }
0x85: {  	_ =	shalt  }
0x86: {  	_ =	shalt  }
0x87: {  	_ =	shalt  }
.Lfunc_end0:
.L_simem_size_0:
called_computation.3_lowered:
.L_overlay_start_0:
0x88: {  	s2 =	sld [smem:$0x3FD9]  }
0x89: {  	s3 =	sld [smem:$0x3FFE];
	_ =	sdelay $0x1  }
0x8a: {  	s1 =	srdreg.scid  }
0x8b: {  	s0 =	sand.u32 $0x1, s1  }
0x8c: {  	s14 =	sshll.u32 s0, $0xA;
	s2 =	sadd.s32 s3, s2  }
0x8d: {  	s2 =	sadd.s32 s2, s14  }
0x8e: {  	[smem:$0x3FB5] =	sst s2  }
0x8f: {  	_ = 	snop  }
0x90: {  	s2 =	sld [smem:$0x3FD0];
	_ =	sdelay $0x2  }
0x91: {  	s15 =	simm.s32 $0xA;
	s4 =	simm.s32 $0x10  }
0x92: {  	[smem:s4], [sflag:s15] =	dma.local [hbm:s2], $0x1  }
0x93: {  	_ =	swait.eq [sflag:s15], $0x1  }
0x94: {  	[sflag:s15] =	ssyncset.done $0x0  }
0x95: {  	[sflag:s15] =	ssyncadd.s32 $0xFFFFFFFF  }
0x96: {  	s16 =	sld [smem:$0x11];
	(tm) =	ssettm $0x1  }
0x97: {  	s17 =	sld [smem:$0x3FFB];
	_ =	sdelay $0x3  }
0x98: {  	_ =	strace s17  }
0x99: {  	s3 =	sld [smem:$0x3FFC];
	_ =	sdelay $0x3  }
0x9a: {  	_ =	strace s3  }
0x9b: {  	s3 =	sld [smem:$0x3FFD];
	_ =	sdelay $0x3  }
0x9c: {  	_ =	strace s3  }
0x9d: {  	_ =	strace $0x8FFFFFFF  }
0x9e: {  	s18 =	sld [smem:$0x3FDB];
	_ =	sdelay $0x1  }
0x9f: {  	s19 =	simm.s32 $_scs_section_size  }
0xa0: {  	s5 =	simm.s32 $_size__tile_overlayer_lowered;
	s6 =	simm.s32 $_tile_overlayer_lowered  }
0xa1: {  	s22 =	simm.s32 $0x1BFF;
	s21 =	sshll.u32 s6, $0x1;
	s3 =	sadd.s32 s19, s18  }
0xa2: {  	s7 =	simm.s32 $0x0;
	s20 =	sshll.u32 s5, $0x1;
	s5 =	sadd.s32 s21, s3  }
0xa3: {  	[timem:s7], [sflag:s22] =	dma.local [hbm:s5], s20  }
0xa4: {  	_ =	swait.ge [sflag:s22], s20  }
0xa5: {  	s4 =	ssub.s32 $0x0, s20;
	[sflag:s22] =	ssyncset.done $0x0  }
0xa6: {  	[sflag:s22] =	ssyncadd.s32 s4;
	_ =	sdelay $0x1  }
0xa7: {  	s23 =	simm.s32 $0x1B8B  }
0xa8: {  	_ =	swait.ge [sflag:s23], $0x1  }
0xa9: {  	[sflag:s23] =	ssyncset.done $0x0  }
0xaa: {  	s25 =	simm.s32 $0x1B8E;
	s24 =	sld [smem:$0x3FFE];
	[sflag:s23] =	ssyncadd.s32 $0xFFFFFFFF  }
0xab: {  	s26 =	simm.s32 $execute0_lowered;
	[smem:$0x3FD2] =	sst s25  }
0xac: {  	s5 =	sshll.u32 s26, $0x1;
	_ =	strace $0x8000004F;
	[dreg:$0x1] =	wrdreg $0xFFFFFFFF  }
0xad: {  	s28 =	simm.s32 $_size_execute0_lowered;
	s3 =	sadd.s32 s3, s5;
	[dreg:$0x0] =	wrdreg $0x0  }
0xae: {  	s5 =	sshll.u32 s28, $0x1;
	[dreg:$0x2] =	wrdreg s3  }
0xaf: {  	[dreg:$0x3] =	wrdreg s5  }
0xb0: {  	[dreg:$0x4] =	wrdreg $0xC0  }
0xb1: {  	_ =	task [dreg:s7], $0x5FFFF  }
0xb2: {  	[dreg:$0x1] =	wrdreg $0xFFFFFFFF  }
0xb3: {  	[dreg:$0x0] =	wrdreg $0x60  }
0xb4: {  	[dreg:$0x2] =	wrdreg s16  }
0xb5: {  	[dreg:$0x3] =	wrdreg s24  }
0xb6: {  	[dreg:$0x4] =	wrdreg $0x78800  }
0xb7: {  	[dreg:$0x5] =	wrdreg $0x9  }
0xb8: {  	_ =	task.clear_ibuf [dreg:s7], $0x6FFFF;
	_ =	strace $0x9000004F  }
0xb9: {  	s29 =	simm.s32 $0x9;
	_ =	strace $0x80000051  }
0xba: {  	_ =	swait.ge [sflag:s29], $0x1  }
0xbb: {  	[sflag:s29] =	ssyncadd.s32 $0xFFFFFFFF  }
0xbc: {  	_ =	strace $0x90000051  }
0xbd: {  	_ =	sfence  }
0xbe: {  	s30 =	sld [smem:$0x0];
	_ =	sdelay $0x2  }
0xbf: {  	s31 =	sshll.u32 s1, $0xD;
	s1 =	sshrl.u32 s1, $0x2  }
0xc0: {  	s3 =	sand.u32 $0x4000, s31;
	s1 =	sadd.s32 s1, s30  }
0xc1: {  	s0 =	sor.u32 s3, s0;
	s1 =	sshll.u32 s1, $0x11  }
0xc2: {  	s0 =	sor.u32 s1, s0  }
0xc3: {  	s0 =	sadd.s32 $0x8F2B, s0  }
0xc4: {  	[sflag:s0] =	ssyncadd.remote.s32 $0x1  }
0xc5: {  	_ =	sfence.sel $0xFFFF  }
0xc6: {  	[dreg:$0x0] =	wrdreg $0xFFFFFFFF;
	(pc) =	sbr.abs _section_cstart, $3  }
0xc7: {  	[dreg:$0x1] =	wrdreg $0xFFFFFFFF  }
0xc8: {  	_ =	task.clear_ibuf [dreg:s7], $0x2FFFF;
	_ =	strace $0x9FFFFFFF  }
0xc9: {  	(tm) =	ssettm $0x7FFFFFFF  }
tec
execute0_lowered:
.L_overlay_start_1:
0x0: {  	(tag) =	ssettag $0x1  }
0x1: {  	s1 =	rddreg [dreg:$0x0]  }
0x2: {  	s0 =	srdreg.scid;
	s2 =	rddreg [dreg:$0x1]  }
0x3: {  	s14 =	stileid.u32;
	s3 =	rddreg [dreg:$0x2]  }
0x4: {  	s17 =	simm.s32 $0x4;
	s18 =	simm.s32 $0x28;
	s19 =	simm.s32 $0x2780  }
0x5: {  	s21 =	simm.s32 $0x4F80;
	s22 =	simm.s32 $0x3B80;
	s23 =	simm.s32 $0x6480  }
0x6: {  	s24 =	simm.s32 $0x5000;
	s28 =	simm.s32 $0x2;
	s29 =	simm.s32 $0x0  }
0x7: {  	s0 =	sand.u32 $0x1, s0;
	s4 =	sshll.u32 s14, $0x1;
	s8 =	smul.u32 $0x2780, s14  }
0x8: {  	s6 =	sadd.s32 $0xEB1800, s2;
	s11 =	smul.u32 $0x4F000, s14;
	s26 =	sshll.u32 s14, $0x6  }
0x9: {  	s12 =	sor.u32 s0, s4;
	s4 =	simm.s32 $0x0;
	s9 =	smul.u32 $0x27800, s0  }
0xa: {  	s0 =	ssub.s32 $0x2, s0;
	s5 =	smul.u32 $0x2710, s12;
	[smem:$0x7FF] =	sst s4  }
0xb: {  	s13 =	sadd.s32 s8, s2;
	s25 =	sshrl.u32 s0, $0x1;
	s11 =	sshrl.u32 s11, $0x2  }
0xc: {  	s30 =	smul.u32 $0x27100, s12;
	s31 =	sshll.u32 s12, $0xC;
	s12 =	sshll.u32 s12, $0xF  }
0xd: {  	_ =	strace $0x80000050;
	s8 =	sadd.s32 s8, s9;
	s0 =	ssub.s32 s0, s25  }
0xe: {  	s16 =	sadd.s32 s11, s3;
	s9 =	sor.u32 $0x1C04, s26;
	s25 =	simm.s32 $0x1  }
0xf: {  	s26 =	simm.s32 $0x3;
	s7 =	sshrl.u32 s5, $0x3;
	s11 =	sadd.s32 s6, s30  }
0x10: {  	s15 =	smax.u32 s0, $0x1;
	s16 =	sshrl.u32 s16, $0x3;
	s10 =	sadd.s32 s7, s2  }
0x11: {  	s7 =	sadd.s32 $0x18E00, s2;
	s2 =	sadd.s32 s8, s2;
	s8 =	sadd.s32 $0x51C000, s13  }
0x12: {  	s10 =	sadd.s32 $0xF000, s10;
	s13 =	sadd.s32 s7, s31;
	s14 =	sadd.s32 $0x543800, s2  }
.LBB2_1:
0x13: {  	[spmem:s16], [sflag:s9] =	dma.local [hbm:s8], $0x2780  }
0x14: {  	_ =	swait.ge [sflag:s17], $0x2780  }
0x15: {  	[sflag:s17] =	ssyncset.done $0x0  }
0x16: {  	[sflag:s17] =	ssyncadd.s32 $0xFFFFD880  }
0x17: {  	[tilespmem:s4], [sflag:$0x4] =	stream.linear.gather [hbm4b:s10+s4], $0x2710, $0x38;
	[tilespmem:$0x1B480] =	vst v63  }
0x18: {  	_ =	swait.ge [sflag:s17], $0x2710  }
0x19: {  	[sflag:s17] =	ssyncset.done $0x0  }
0x1a: {  	[sflag:s17] =	ssyncadd.s32 $0xFFFFD8F0  }
0x1b: {  	[bflag:$0x0] =	sbarrier.arrive $0xFFFF  }
0x1c: {  	[tilespmem:s19], [sflag:$0x1] =	stream.indirect.gather [hbm4b:s1+s18], $0x80, s4, s18, $0xb8;
	[tilespmem:$0x1B480] =	vst v63  }
0x1d: {  	s0 =	simm.s32 $0x5080  }
0x1e: {  	[tilespmem:s0], [sflag:$0x3] =	stream.linear.gather [hbm4b:s11+s4], $0x1400, $0x38;
	[tilespmem:$0x1B480] =	vst v63  }
0x1f: {  	s30 =	simm.s32 $0x0  }
0x20: {  	[tilespmem:s21], [sflag:$0x2] =	stream.linear.gather [hbm4b:s13+s4], $0x80, $0x38;
	[tilespmem:$0x1B480] =	vst v63  }
.LBB2_2:
0x21: {  	s0 =	sshllo.u32 s30, $0x1  }
0x22: {  	s2 =	smul.u32 $0x28, s0;
	_ =	sdelay $0x1  }
0x23: {  	[tilespmem:s22], [sflag:$0x1] =	stream.indirect.gather [hbm4b:s1+s18], $0x80, s2, s18, $0xb8;
	[tilespmem:$0x1B480] =	vst v63  }
0x24: {  	s2 =	sadd.s32 s5, s2  }
0x25: {  	s31 =	simm.s32 $0x0;
	s2 =	sshll.u32 s2, $0x4  }
0x26: {  	s20 =	sshll.u32 s30, $0x8;
	s0 =	sshll.u32 s0, $0x7;
	s2 =	sadd.s32 s6, s2  }
0x27: {  	[tilespmem:s23], [sflag:$0x3] =	stream.linear.gather [hbm4b:s2+s31], $0x1400, $0x38;
	[tilespmem:$0x1B480] =	vst v63  }
0x28: {  	s0 =	sand.u32 $0x380, s0;
	s2 =	sand.u32 $0x7C00, s20  }
0x29: {  	s0 =	sor.u32 s0, s2  }
0x2a: {  	s0 =	sor.u32 s12, s0  }
0x2b: {  	s0 =	sshrl.u32 s0, $0x3  }
0x2c: {  	s0 =	sadd.s32 s7, s0  }
0x2d: {  	[tilespmem:s24], [sflag:$0x2] =	stream.linear.gather [hbm4b:s0+s31], $0x80, $0x38;
	[tilespmem:$0x1B480] =	vst v63  }
0x2e: {  	_ =	swait.ge [sflag:s25], $0x1400  }
0x2f: {  	[sflag:s25] =	ssyncset.done $0x0  }
0x30: {  	[sflag:s25] =	ssyncadd.s32 $0xFFFFEC00  }
0x31: {  	_ =	swait.ge [sflag:s26], $0x1400  }
0x32: {  	[sflag:s26] =	ssyncset.done $0x0  }
0x33: {  	[sflag:s26] =	ssyncadd.s32 $0xFFFFEC00  }
0x34: {  	_ =	swait.ge [sflag:s28], $0x80  }
0x35: {  	[sflag:s28] =	ssyncset.done $0x0  }
0x36: {  	s31 =	simm.s32 $0x0;
	[sflag:s28] =	ssyncadd.s32 $0xFFFFFF80  }
0x37: {  	v7 =	vld [tilespmem:s31+$0x5080]  }
0x38: {  	v11 =	vld [tilespmem:s31+$0x5090]  }
0x39: {  	v5 =	vld [tilespmem:s31+$0x50A0]  }
0x3a: {  	v4 =	vld [tilespmem:s31+$0x50B0]  }
0x3b: {  	v3 =	vld [tilespmem:s31+$0x50C0]  }
0x3c: {  	v2 =	vld [tilespmem:s31+$0x50D0]  }
0x3d: {  	v1 =	vld [tilespmem:s31+$0x50E0]  }
0x3e: {  	v0 =	vld [tilespmem:s31+$0x50F0]  }
0x3f: {  	v12 =	vld [tilespmem:s31+$0x2780]  }
0x40: {  	v13 =	vld [tilespmem:s31+$0x2790]  }
0x41: {  	v10 =	vld [tilespmem:s31+$0x27A0]  }
0x42: {  	v9 =	vld [tilespmem:s31+$0x27B0]  }
0x43: {  	v8 =	vld [tilespmem:s31+$0x27C0]  }
0x44: {  	v6 =	vld [tilespmem:s31+$0x27D0];
	v12 =	vmul.f32 v7, v12  }
0x45: {  	s2 =	sshll.u32 s30, $0x1;
	s0 =	simm.s32 $0x200;
	v11 =	vmul.f32 v11, v13;
	v7 =	vld [tilespmem:s31+$0x27E0]  }
.LBB2_3:
0x46: {  	s20 =	sshra.s32 s0, $0x2;
	p0 =	sne.s32 s0, $0x4E00;
	[tilespmem:s31+$0x2780] =	vst v12;
	v5 =	vmul.f32 v5, v10;
	v10 =	vld [tilespmem:s31+$0x27F0]  }
0x47: {  	v12 =	vld [tilespmem:s20+$0x5080];
	[tilespmem:s31+$0x2790] =	vst v11;
	v4 =	vmul.f32 v4, v9  }
0x48: {  	v11 =	vld [tilespmem:s20+$0x5090];
	[tilespmem:s31+$0x27A0] =	vst v5;
	v3 =	vmul.f32 v3, v8  }
0x49: {  	v5 =	vld [tilespmem:s20+$0x50A0];
	[tilespmem:s31+$0x27B0] =	vst v4;
	v2 =	vmul.f32 v2, v6  }
0x4a: {  	v4 =	vld [tilespmem:s20+$0x50B0];
	[tilespmem:s31+$0x27C0] =	vst v3;
	v1 =	vmul.f32 v1, v7  }
0x4b: {  	v3 =	vld [tilespmem:s20+$0x50C0];
	[tilespmem:s31+$0x27D0] =	vst v2;
	v0 =	vmul.f32 v0, v10  }
0x4c: {  	v2 =	vld [tilespmem:s20+$0x50D0];
	[tilespmem:s31+$0x27E0] =	vst v1  }
0x4d: {  	v1 =	vld [tilespmem:s20+$0x50E0];
	[tilespmem:s31+$0x27F0] =	vst v0;
	s31 =	smov.u32 s20  }
0x4e: {  	v0 =	vld [tilespmem:s31+$0x50F0]  }
0x4f: {  	v6 =	vld [tilespmem:s31+$0x2780]  }
0x50: {  	v7 =	vld [tilespmem:s31+$0x2790]  }
.Ltmp0:
0x51: {  	v10 =	vld [tilespmem:s31+$0x27A0];
	(pc) =	sbr.rel @p0 .LBB2_3-.Ltmp0, $4  }
0x52: {  	v9 =	vld [tilespmem:s31+$0x27B0]  }
0x53: {  	v8 =	vld [tilespmem:s31+$0x27C0]  }
0x54: {  	v12 =	vmul.f32 v12, v6;
	v6 =	vld [tilespmem:s31+$0x27D0]  }
0x55: {  	s0 =	sadd.s32 $0x200, s0;
	v11 =	vmul.f32 v11, v7;
	v7 =	vld [tilespmem:s31+$0x27E0]  }
0x56: {  	[tilespmem:s31+$0x2780] =	vst v12;
	v5 =	vmul.f32 v5, v10;
	v10 =	vld [tilespmem:s31+$0x27F0]  }
0x57: {  	[tilespmem:s31+$0x2790] =	vst v11;
	v4 =	vmul.f32 v4, v9  }
0x58: {  	[tilespmem:s31+$0x27A0] =	vst v5;
	v3 =	vmul.f32 v3, v8  }
0x59: {  	[tilespmem:s31+$0x27B0] =	vst v4;
	v2 =	vmul.f32 v2, v6  }
0x5a: {  	[tilespmem:s31+$0x27C0] =	vst v3;
	v1 =	vmul.f32 v1, v7  }
0x5b: {  	[tilespmem:s31+$0x27D0] =	vst v2;
	v0 =	vmul.f32 v0, v10  }
0x5c: {  	[tilespmem:s31+$0x27E0] =	vst v1  }
0x5d: {  	p0 =	seq.s32 s30, $0x7C;
	[tilespmem:s31+$0x27F0] =	vst v0  }
0x5e: {  	[spmem:s3] =	stream.indirect.scatter.add.f32 [tilespmem:s19], [sflag:$0x4], $0x80, s21, s18, $0xb8;
	[tilespmem:$0x1B480] =	vst v63  }
0x5f: {  	s0 =	sadd.s32 @!p0 $0x2, s2;
	_ =	swait.ge [sflag:s17], $0x1400  }
0x60: {  	s2 =	smul.u32 @!p0 $0x28, s0;
	[sflag:s17] =	ssyncset.done $0x0  }
0x61: {  	s20 =	simm.s32 @!p0 $0x28;
	s31 =	simm.s32 @!p0 $0x2780;
	[sflag:s17] =	ssyncadd.s32 $0xFFFFEC00  }
0x62: {  	[tilespmem:s31], [sflag:$0x1] =	stream.indirect.gather @!p0 [hbm4b:s1+s20], $0x80, s2, s20, $0xb8;
	[tilespmem:$0x1B480] =	vst v63  }
0x63: {  	s2 =	sadd.s32 @!p0 s5, s2  }
0x64: {  	s0 =	sshll.u32 @!p0 s0, $0x7;
	s2 =	sshll.u32 @!p0 s2, $0x4  }
0x65: {  	s20 =	simm.s32 @!p0 $0x0;
	s31 =	simm.s32 @!p0 $0x5080;
	s2 =	sadd.s32 @!p0 s6, s2  }
0x66: {  	[tilespmem:s31], [sflag:$0x3] =	stream.linear.gather @!p0 [hbm4b:s2+s20], $0x1400, $0x38;
	[tilespmem:$0x1B480] =	vst v63  }
0x67: {  	s2 =	sand.u32 @!p0 $0xFC00, s0  }
0x68: {  	s0 =	sand.u32 @!p0 $0x300, s0;
	s2 =	sadd.s32 @!p0 s12, s2  }
0x69: {  	s0 =	sor.u32 @!p0 s0, s2  }
0x6a: {  	s0 =	sshrl.u32 @!p0 s0, $0x3  }
0x6b: {  	s2 =	simm.s32 @!p0 $0x4F80;
	s0 =	sadd.s32 @!p0 s7, s0  }
0x6c: {  	[tilespmem:s2], [sflag:$0x2] =	stream.linear.gather @!p0 [hbm4b:s0+s20], $0x80, $0x38;
	[tilespmem:$0x1B480] =	vst v63  }
0x6d: {  	_ =	swait.ge [sflag:s25], $0x1400  }
0x6e: {  	[sflag:s25] =	ssyncset.done $0x0  }
0x6f: {  	[sflag:s25] =	ssyncadd.s32 $0xFFFFEC00  }
0x70: {  	_ =	swait.ge [sflag:s26], $0x1400  }
0x71: {  	[sflag:s26] =	ssyncset.done $0x0  }
0x72: {  	[sflag:s26] =	ssyncadd.s32 $0xFFFFEC00  }
0x73: {  	_ =	swait.ge [sflag:s28], $0x80  }
0x74: {  	[sflag:s28] =	ssyncset.done $0x0  }
0x75: {  	s31 =	simm.s32 $0x0;
	[sflag:s28] =	ssyncadd.s32 $0xFFFFFF80  }
0x76: {  	v7 =	vld [tilespmem:s31+$0x6480]  }
0x77: {  	v11 =	vld [tilespmem:s31+$0x6490]  }
0x78: {  	v5 =	vld [tilespmem:s31+$0x64A0]  }
0x79: {  	v4 =	vld [tilespmem:s31+$0x64B0]  }
0x7a: {  	v3 =	vld [tilespmem:s31+$0x64C0]  }
0x7b: {  	v2 =	vld [tilespmem:s31+$0x64D0]  }
0x7c: {  	v1 =	vld [tilespmem:s31+$0x64E0]  }
0x7d: {  	v0 =	vld [tilespmem:s31+$0x64F0]  }
0x7e: {  	v12 =	vld [tilespmem:s31+$0x3B80]  }
0x7f: {  	v13 =	vld [tilespmem:s31+$0x3B90]  }
0x80: {  	v10 =	vld [tilespmem:s31+$0x3BA0]  }
0x81: {  	v9 =	vld [tilespmem:s31+$0x3BB0]  }
0x82: {  	v8 =	vld [tilespmem:s31+$0x3BC0]  }
0x83: {  	v6 =	vld [tilespmem:s31+$0x3BD0];
	v12 =	vmul.f32 v7, v12  }
0x84: {  	s0 =	simm.s32 $0x200;
	v11 =	vmul.f32 v11, v13;
	v7 =	vld [tilespmem:s31+$0x3BE0]  }
.LBB2_5:
0x85: {  	s2 =	sshra.s32 s0, $0x2;
	p0 =	sne.s32 s0, $0x4E00;
	[tilespmem:s31+$0x3B80] =	vst v12;
	v5 =	vmul.f32 v5, v10;
	v10 =	vld [tilespmem:s31+$0x3BF0]  }
0x86: {  	v12 =	vld [tilespmem:s2+$0x6480];
	[tilespmem:s31+$0x3B90] =	vst v11;
	v4 =	vmul.f32 v4, v9  }
0x87: {  	v11 =	vld [tilespmem:s2+$0x6490];
	[tilespmem:s31+$0x3BA0] =	vst v5;
	v3 =	vmul.f32 v3, v8  }
0x88: {  	v5 =	vld [tilespmem:s2+$0x64A0];
	[tilespmem:s31+$0x3BB0] =	vst v4;
	v2 =	vmul.f32 v2, v6  }
0x89: {  	v4 =	vld [tilespmem:s2+$0x64B0];
	[tilespmem:s31+$0x3BC0] =	vst v3;
	v1 =	vmul.f32 v1, v7  }
0x8a: {  	v3 =	vld [tilespmem:s2+$0x64C0];
	[tilespmem:s31+$0x3BD0] =	vst v2;
	v0 =	vmul.f32 v0, v10  }
0x8b: {  	v2 =	vld [tilespmem:s2+$0x64D0];
	[tilespmem:s31+$0x3BE0] =	vst v1  }
0x8c: {  	v1 =	vld [tilespmem:s2+$0x64E0];
	[tilespmem:s31+$0x3BF0] =	vst v0;
	s31 =	smov.u32 s2  }
0x8d: {  	v0 =	vld [tilespmem:s31+$0x64F0]  }
0x8e: {  	v6 =	vld [tilespmem:s31+$0x3B80]  }
0x8f: {  	v7 =	vld [tilespmem:s31+$0x3B90]  }
.Ltmp1:
0x90: {  	v10 =	vld [tilespmem:s31+$0x3BA0];
	(pc) =	sbr.rel @p0 .LBB2_5-.Ltmp1, $4  }
0x91: {  	v9 =	vld [tilespmem:s31+$0x3BB0]  }
0x92: {  	v8 =	vld [tilespmem:s31+$0x3BC0]  }
0x93: {  	v12 =	vmul.f32 v12, v6;
	v6 =	vld [tilespmem:s31+$0x3BD0]  }
0x94: {  	s0 =	sadd.s32 $0x200, s0;
	v11 =	vmul.f32 v11, v7;
	v7 =	vld [tilespmem:s31+$0x3BE0]  }
0x95: {  	[tilespmem:s31+$0x3B80] =	vst v12;
	v5 =	vmul.f32 v5, v10;
	v63 =	vld [tilespmem:s31+$0x3BF0]  }
0x96: {  	[tilespmem:s31+$0x3B90] =	vst v11;
	v4 =	vmul.f32 v4, v9  }
0x97: {  	[tilespmem:s31+$0x3BA0] =	vst v5;
	v3 =	vmul.f32 v3, v8  }
0x98: {  	[tilespmem:s31+$0x3BB0] =	vst v4;
	v2 =	vmul.f32 v2, v6  }
0x99: {  	[tilespmem:s31+$0x3BC0] =	vst v3;
	v1 =	vmul.f32 v1, v7  }
0x9a: {  	s30 =	sadd.s32 $0x1, s30;
	[tilespmem:s31+$0x3BD0] =	vst v2;
	v0 =	vmul.f32 v0, v63  }
0x9b: {  	p0 =	sne.s32 s30, $0x7D;
	[tilespmem:s31+$0x3BE0] =	vst v1  }
.Ltmp2:
0x9c: {  	[tilespmem:s31+$0x3BF0] =	vst v0;
	(pc) =	sbr.rel @p0 .LBB2_2-.Ltmp2, $4  }
0x9d: {  	[spmem:s3] =	stream.indirect.scatter.add.f32 [tilespmem:s22], [sflag:$0x4], $0x80, s24, s18, $0xb8;
	[tilespmem:$0x1B480] =	vst v63  }
0x9e: {  	_ =	swait.ge [sflag:s17], $0x1400  }
0x9f: {  	[sflag:s17] =	ssyncset.done $0x0  }
0xa0: {  	[sflag:s17] =	ssyncadd.s32 $0xFFFFEC00  }
0xa1: {  	s29 =	sadd.s32 $0x1, s29  }
0xa2: {  	p0 =	sne.s32 s29, s15  }
.Ltmp3:
0xa3: {  	[bflag:$0x0] =	sbarrier.arrive $0xFFFF;
	(pc) =	sbr.rel @p0 .LBB2_1-.Ltmp3, $4  }
0xa4: {  	[hbm:s14], [sflag:s9] =	dma.local [spmem:s16], $0x2780  }
0xa5: {  	_ =	swait.ge [sflag:s17], $0x2780  }
0xa6: {  	[sflag:s17] =	ssyncset.done $0x0  }
0xa7: {  	[sflag:s17] =	ssyncadd.s32 $0xFFFFD880  }
0xa8: {  	_ =	sfence.sel $0x180000  }
0xa9: {  	[bflag:$0x0] =	sbarrier.arrive $0xFFFF  }
0xaa: {  	_ =	strace $0x90000050  }
0xab: {  	s0 =	stileid.u32;
	[bflag:$0x2] =	sbarrier.arrive $0xFFFF  }
0xac: {  	p0 =	sne.s32 s0, $0x0;
	s0 =	rddreg [dreg:$0x3]  }
0xad: {  	s0 =	sadd.s32 @!p0 $0x100000, s0  }
0xae: {  	[sflag:s0] =	ssyncadd.tile.s32 @!p0 $0x1;
	_ =	shalt  }
.Lfunc_end2:
_tile_overlayer_lowered:
.L_overlay_start_2:
0xaf: {  	(tag) =	ssettag $0x2  }
0xb0: {  	s0 =	rddreg [dreg:$0x0];
	s2 =	stileid.u32  }
0xb1: {  	s1 =	rddreg [dreg:$0x1];
	p0 =	sne.s32 s2, $0x0  }
0xb2: {  	s3 =	rddreg [dreg:$0x2];
	[bflag:$0x3] =	sbarrier.arrive $0xFFFF;
	s2 =	simm.s32 @!p0 $0x1C04  }
0xb3: {  	[timem:s3], [sflag:s2] =	dma.local @!p0 [hbm:s0], s1  }
0xb4: {  	s0 =	simm.s32 @!p0 $0x4  }
0xb5: {  	_ =	swait.ge @!p0 [sflag:s0], s1  }
0xb6: {  	s1 =	ssub.s32 @!p0 $0x0, s1;
	[sflag:s0] =	ssyncset.done @!p0 $0x0  }
0xb7: {  	[sflag:s0] =	ssyncadd.s32 @!p0 s1  }
0xb8: {  	[bflag:$0x3] =	sbarrier.arrive $0xFFFF  }
0xb9: {  	_ =	shalt  }

// kernel: kernel.36.cloned.1.call-start
scs
__scs_entry_jumppad:
0x0: {  	(pc) =	sbr.rel $0x88, $3  }
0x1: {  	(tag) =	ssettag $0x0;
	lr =	simm.s32 $0x1  }
0x2: {  	[smem:$0x3F8E] =	sst lr;
	_ =	strace $0xD0000000  }
0x3: {  	_ = 	snop  }
0x4: {  	_ = 	snop  }
0x5: {  	_ = 	snop  }
0x6: {  	_ = 	snop  }
0x7: {  	_ = 	snop  }
__scs_overlays_trampoline_lowered:
0x8: {  	[smem:$0x3F9D] =	sst s0  }
0x9: {  	[smem:$0x3F9E] =	sst s1  }
0xa: {  	[smem:$0x3F9F] =	sst s2  }
0xb: {  	[smem:$0x3FA0] =	sst s3  }
0xc: {  	[smem:$0x3FA1] =	sst s4  }
0xd: {  	[smem:$0x3FA2] =	sst s5  }
0xe: {  	[smem:$0x3FA3] =	sst s6  }
0xf: {  	[smem:$0x3FA4] =	sst s7  }
0x10: {  	[smem:$0x3FA5] =	sst s8  }
0x11: {  	[smem:$0x3FA6] =	sst s9;
	s0 =	simm.s32 @!p0 $0x0  }
0x12: {  	s1 =	sld [smem:$0x3F8C];
	s0 =	simm.s32 @p0 $0x1  }
0x13: {  	[smem:$0x3FA7] =	sst s0;
	s0 =	simm.s32 @!p1 $0x0  }
0x14: {  	s2 =	sld [smem:$0x3F8B];
	s0 =	simm.s32 @p1 $0x1  }
0x15: {  	[smem:$0x3FA8] =	sst s0;
	s0 =	simm.s32 @!p2 $0x0  }
0x16: {  	s3 =	sld [smem:$0x3FDB];
	s0 =	simm.s32 @p2 $0x1  }
0x17: {  	s4 =	simm.s32 $0x1BF5;
	[smem:$0x3FAA] =	sst s0  }
0x18: {  	s0 =	sld [smem:$0x3F8D];
	_ =	swait.ge [sflag:s4], $0x0  }
0x19: {  	s7 =	sld [smem:$0x3F8E]  }
0x1a: {  	s8 =	sadd.s32 $0xFFFFE003, lr  }
0x1b: {  	s9 =	sadd.s32 $0xFFFFFEF7, lr;
	s5 =	simm.s32 $0xFFFFFFFF;
	p2 =	slt.u32 s8, $0xFFFFF086  }
0x1c: {  	p1 =	slt.u32 s9, $0xF7A;
	s5 =	simm.s32 @!p2 $0x0  }
0x1d: {  	s5 =	simm.s32 @p1 $0x1;
	p0 =	seq.s32 s7, s2  }
0x1e: {  	s7 =	smul.u32 @!p0 $0xF7A, s2;
	p2 =	seq.s32 @!p0 s5, $0x0  }
0x1f: {  	s9 =	smul.u32 $0xF7A, s1;
	s8 =	simm.s32 @!p0 $0x1BF5;
	p2 =	por !p2, p0  }
0x20: {  	[sflag:s8] =	ssyncset.s32 @!p0 $0xFFFFF086;
	s6 =	sadd.s32 @!p0 s3, s7;
	s7 =	simm.s32 @!p0 $0x108  }
0x21: {  	s3 =	sadd.s32 s3, s9;
	s6 =	sadd.s32 @!p0 $0x88, s6;
	s7 =	simm.s32 @p2 $0x1082  }
0x22: {  	[simem:s7], [sflag:s8] =	dma.local @!p0 [hbm:s6], $0xF7A  }
0x23: {  	s9 =	sor.u32 $0xD0000000, s2;
	s6 =	simm.s32 $0x108;
	_ =	swait.ge @!p0 [sflag:s8], $0x0  }
0x24: {  	s3 =	sadd.s32 $0x88, s3;
	s6 =	simm.s32 @!p1 $0x1082;
	[sflag:s4] =	ssyncset.s32 $0xFFFFF086  }
0x25: {  	[simem:s6], [sflag:s4] =	dma.local [hbm:s3], $0xF7A  }
0x26: {  	[smem:$0x3F8E] =	sst s1;
	(tag) =	ssettag s2;
	_ =	strace s9  }
0x27: {  	s1 =	sld [smem:$0x3F9E]  }
0x28: {  	s2 =	sld [smem:$0x3F9F]  }
0x29: {  	s4 =	sld [smem:$0x3FA1]  }
0x2a: {  	p0 =	seq.s32 s5, $0x0;
	s5 =	sld [smem:$0x3FA2]  }
0x2b: {  	s6 =	sld [smem:$0x3FA3]  }
0x2c: {  	s7 =	sld [smem:$0x3FA4]  }
0x2d: {  	s3 =	simm.s32 $0x108;
	s8 =	sld [smem:$0x3FA5]  }
0x2e: {  	s3 =	simm.s32 @!p0 $0x1082;
	s9 =	sld [smem:$0x3FA6]  }
0x2f: {  	lr =	sadd.s32 s0, s3;
	s0 =	sld [smem:$0x3F9D]  }
0x30: {  	s3 =	sld [smem:$0x3FA0]  }
0x31: {  	[smem:$0x3FA9] =	sst s10  }
0x32: {  	s10 =	sld [smem:$0x3FA7];
	_ =	sdelay $0x3  }
0x33: {  	p0 =	seq.s32 s10, $0x1;
	s10 =	sld [smem:$0x3FA9];
	_ =	sdelay $0x3  }
0x34: {  	[smem:$0x3FA9] =	sst s10  }
0x35: {  	s10 =	sld [smem:$0x3FA8];
	_ =	sdelay $0x3  }
0x36: {  	p1 =	seq.s32 s10, $0x1;
	s10 =	sld [smem:$0x3FA9];
	_ =	sdelay $0x3  }
0x37: {  	[smem:$0x3FA9] =	sst s10  }
0x38: {  	s10 =	sld [smem:$0x3FAA]  }
0x39: {  	_ = 	snop;
	(pc) =	sbr.ind lr, $3  }
0x3a: {  	_ = 	snop  }
0x3b: {  	_ = 	snop  }
0x3c: {  	p2 =	seq.s32 s10, $0x1;
	s10 =	sld [smem:$0x3FA9]  }
0x3d: {  	_ =	shalt  }
0x3e: {  	_ =	shalt  }
0x3f: {  	_ =	shalt  }
0x40: {  	_ =	shalt  }
0x41: {  	_ =	shalt  }
0x42: {  	_ =	shalt  }
0x43: {  	_ =	shalt  }
0x44: {  	_ =	shalt  }
0x45: {  	_ =	shalt  }
0x46: {  	_ =	shalt  }
0x47: {  	_ =	shalt  }
0x48: {  	_ =	shalt  }
0x49: {  	_ =	shalt  }
0x4a: {  	_ =	shalt  }
0x4b: {  	_ =	shalt  }
0x4c: {  	_ =	shalt  }
0x4d: {  	_ =	shalt  }
0x4e: {  	_ =	shalt  }
0x4f: {  	_ =	shalt  }
0x50: {  	_ =	shalt  }
0x51: {  	_ =	shalt  }
0x52: {  	_ =	shalt  }
0x53: {  	_ =	shalt  }
0x54: {  	_ =	shalt  }
0x55: {  	_ =	shalt  }
0x56: {  	_ =	shalt  }
0x57: {  	_ =	shalt  }
0x58: {  	_ =	shalt  }
0x59: {  	_ =	shalt  }
0x5a: {  	_ =	shalt  }
0x5b: {  	_ =	shalt  }
0x5c: {  	_ =	shalt  }
0x5d: {  	_ =	shalt  }
0x5e: {  	_ =	shalt  }
0x5f: {  	_ =	shalt  }
0x60: {  	_ =	shalt  }
0x61: {  	_ =	shalt  }
0x62: {  	_ =	shalt  }
0x63: {  	_ =	shalt  }
0x64: {  	_ =	shalt  }
0x65: {  	_ =	shalt  }
0x66: {  	_ =	shalt  }
0x67: {  	_ =	shalt  }
0x68: {  	_ =	shalt  }
0x69: {  	_ =	shalt  }
0x6a: {  	_ =	shalt  }
0x6b: {  	_ =	shalt  }
0x6c: {  	_ =	shalt  }
0x6d: {  	_ =	shalt  }
0x6e: {  	_ =	shalt  }
0x6f: {  	_ =	shalt  }
0x70: {  	_ =	shalt  }
0x71: {  	_ =	shalt  }
0x72: {  	_ =	shalt  }
0x73: {  	_ =	shalt  }
0x74: {  	_ =	shalt  }
0x75: {  	_ =	shalt  }
0x76: {  	_ =	shalt  }
0x77: {  	_ =	shalt  }
0x78: {  	_ =	shalt  }
0x79: {  	_ =	shalt  }
0x7a: {  	_ =	shalt  }
0x7b: {  	_ =	shalt  }
0x7c: {  	_ =	shalt  }
0x7d: {  	_ =	shalt  }
0x7e: {  	_ =	shalt  }
0x7f: {  	_ =	shalt  }
0x80: {  	_ =	shalt  }
0x81: {  	_ =	shalt  }
0x82: {  	_ =	shalt  }
0x83: {  	_ =	shalt  }
0x84: {  	_ =	shalt  }
0x85: {  	_ =	shalt  }
0x86: {  	_ =	shalt  }
0x87: {  	_ =	shalt  }
.Lfunc_end0:
.L_simem_size_0:
called_computation.4_lowered:
.L_overlay_start_0:
0x88: {  	s2 =	sld [smem:$0x3FD9]  }
0x89: {  	s3 =	sld [smem:$0x3FFE];
	_ =	sdelay $0x1  }
0x8a: {  	s1 =	srdreg.scid  }
0x8b: {  	s0 =	sand.u32 $0x1, s1  }
0x8c: {  	s14 =	sshll.u32 s0, $0xA;
	s2 =	sadd.s32 s3, s2  }
0x8d: {  	s2 =	sadd.s32 s2, s14  }
0x8e: {  	[smem:$0x3FB5] =	sst s2  }
0x8f: {  	_ = 	snop  }
0x90: {  	s2 =	sld [smem:$0x3FD0];
	_ =	sdelay $0x2  }
0x91: {  	s15 =	simm.s32 $0xA;
	s4 =	simm.s32 $0x10  }
0x92: {  	[smem:s4], [sflag:s15] =	dma.local [hbm:s2], $0x1  }
0x93: {  	_ =	swait.eq [sflag:s15], $0x1  }
0x94: {  	[sflag:s15] =	ssyncset.done $0x0  }
0x95: {  	[sflag:s15] =	ssyncadd.s32 $0xFFFFFFFF  }
0x96: {  	s16 =	sld [smem:$0x11];
	(tm) =	ssettm $0x1  }
0x97: {  	s17 =	sld [smem:$0x3FFB];
	_ =	sdelay $0x3  }
0x98: {  	_ =	strace s17  }
0x99: {  	s3 =	sld [smem:$0x3FFC];
	_ =	sdelay $0x3  }
0x9a: {  	_ =	strace s3  }
0x9b: {  	s3 =	sld [smem:$0x3FFD];
	_ =	sdelay $0x3  }
0x9c: {  	_ =	strace s3  }
0x9d: {  	_ =	strace $0x8FFFFFFF  }
0x9e: {  	s18 =	sld [smem:$0x3FDB];
	_ =	sdelay $0x1  }
0x9f: {  	s19 =	simm.s32 $_scs_section_size  }
0xa0: {  	s5 =	simm.s32 $_size__tile_overlayer_lowered;
	s6 =	simm.s32 $_tile_overlayer_lowered  }
0xa1: {  	s22 =	simm.s32 $0x1BFF;
	s21 =	sshll.u32 s6, $0x1;
	s3 =	sadd.s32 s19, s18  }
0xa2: {  	s7 =	simm.s32 $0x0;
	s20 =	sshll.u32 s5, $0x1;
	s5 =	sadd.s32 s21, s3  }
0xa3: {  	[timem:s7], [sflag:s22] =	dma.local [hbm:s5], s20  }
0xa4: {  	_ =	swait.ge [sflag:s22], s20  }
0xa5: {  	s4 =	ssub.s32 $0x0, s20;
	[sflag:s22] =	ssyncset.done $0x0  }
0xa6: {  	[sflag:s22] =	ssyncadd.s32 s4;
	_ =	sdelay $0x1  }
0xa7: {  	s23 =	simm.s32 $0x1B8B  }
0xa8: {  	_ =	swait.ge [sflag:s23], $0x1  }
0xa9: {  	[sflag:s23] =	ssyncset.done $0x0  }
0xaa: {  	s25 =	simm.s32 $0x1B8E;
	s24 =	sld [smem:$0x3FFE];
	[sflag:s23] =	ssyncadd.s32 $0xFFFFFFFF  }
0xab: {  	s26 =	simm.s32 $execute0_lowered;
	[smem:$0x3FD2] =	sst s25  }
0xac: {  	s5 =	sshll.u32 s26, $0x1;
	_ =	strace $0x80000052;
	[dreg:$0x1] =	wrdreg $0xFFFFFFFF  }
0xad: {  	s28 =	simm.s32 $_size_execute0_lowered;
	s3 =	sadd.s32 s3, s5;
	[dreg:$0x0] =	wrdreg $0x0  }
0xae: {  	s5 =	sshll.u32 s28, $0x1;
	[dreg:$0x2] =	wrdreg s3  }
0xaf: {  	[dreg:$0x3] =	wrdreg s5  }
0xb0: {  	[dreg:$0x4] =	wrdreg $0xC0  }
0xb1: {  	_ =	task [dreg:s7], $0x5FFFF  }
0xb2: {  	[dreg:$0x1] =	wrdreg $0xFFFFFFFF  }
0xb3: {  	[dreg:$0x0] =	wrdreg $0x60  }
0xb4: {  	[dreg:$0x2] =	wrdreg s16  }
0xb5: {  	[dreg:$0x3] =	wrdreg s24  }
0xb6: {  	[dreg:$0x4] =	wrdreg $0x78800  }
0xb7: {  	[dreg:$0x5] =	wrdreg $0x9  }
0xb8: {  	_ =	task.clear_ibuf [dreg:s7], $0x6FFFF;
	_ =	strace $0x90000052  }
0xb9: {  	s29 =	simm.s32 $0x9;
	_ =	strace $0x80000054  }
0xba: {  	_ =	swait.ge [sflag:s29], $0x1  }
0xbb: {  	[sflag:s29] =	ssyncadd.s32 $0xFFFFFFFF  }
0xbc: {  	_ =	strace $0x90000054  }
0xbd: {  	_ =	sfence  }
0xbe: {  	s30 =	sld [smem:$0x0];
	_ =	sdelay $0x2  }
0xbf: {  	s31 =	sshll.u32 s1, $0xD;
	s1 =	sshrl.u32 s1, $0x2  }
0xc0: {  	s3 =	sand.u32 $0x4000, s31;
	s1 =	sadd.s32 s1, s30  }
0xc1: {  	s0 =	sor.u32 s3, s0;
	s1 =	sshll.u32 s1, $0x11  }
0xc2: {  	s0 =	sor.u32 s1, s0  }
0xc3: {  	s0 =	sadd.s32 $0x8F2B, s0  }
0xc4: {  	[sflag:s0] =	ssyncadd.remote.s32 $0x1  }
0xc5: {  	_ =	sfence.sel $0xFFFF  }
0xc6: {  	[dreg:$0x0] =	wrdreg $0xFFFFFFFF;
	(pc) =	sbr.abs _section_cstart, $3  }
0xc7: {  	[dreg:$0x1] =	wrdreg $0xFFFFFFFF  }
0xc8: {  	_ =	task.clear_ibuf [dreg:s7], $0x2FFFF;
	_ =	strace $0x9FFFFFFF  }
0xc9: {  	(tm) =	ssettm $0x7FFFFFFF  }
tec
execute0_lowered:
.L_overlay_start_1:
0x0: {  	(tag) =	ssettag $0x1  }
0x1: {  	s1 =	rddreg [dreg:$0x0]  }
0x2: {  	s0 =	srdreg.scid;
	s2 =	rddreg [dreg:$0x1]  }
0x3: {  	s14 =	stileid.u32;
	s3 =	rddreg [dreg:$0x2]  }
0x4: {  	s17 =	simm.s32 $0x4;
	s18 =	simm.s32 $0x28;
	s19 =	simm.s32 $0x2780  }
0x5: {  	s21 =	simm.s32 $0x4F80;
	s22 =	simm.s32 $0x3B80;
	s23 =	simm.s32 $0x6480  }
0x6: {  	s24 =	simm.s32 $0x5000;
	s28 =	simm.s32 $0x2;
	s29 =	simm.s32 $0x0  }
0x7: {  	s0 =	sand.u32 $0x1, s0;
	s4 =	sshll.u32 s14, $0x1;
	s8 =	smul.u32 $0x2780, s14  }
0x8: {  	s6 =	sadd.s32 $0x3A000, s2;
	s11 =	smul.u32 $0x4F000, s14;
	s26 =	sshll.u32 s14, $0x6  }
0x9: {  	s12 =	sor.u32 s0, s4;
	s4 =	simm.s32 $0x0;
	s9 =	smul.u32 $0x27800, s0  }
0xa: {  	s0 =	ssub.s32 $0x2, s0;
	s5 =	smul.u32 $0x2710, s12;
	[smem:$0x7FF] =	sst s4  }
0xb: {  	s13 =	sadd.s32 s8, s2;
	s25 =	sshrl.u32 s0, $0x1;
	s11 =	sshrl.u32 s11, $0x2  }
0xc: {  	s30 =	smul.u32 $0x27100, s12;
	s31 =	sshll.u32 s12, $0xC;
	s12 =	sshll.u32 s12, $0xF  }
0xd: {  	_ =	strace $0x80000053;
	s8 =	sadd.s32 s8, s9;
	s0 =	ssub.s32 s0, s25  }
0xe: {  	s16 =	sadd.s32 s11, s3;
	s9 =	sor.u32 $0x1C04, s26;
	s25 =	simm.s32 $0x1  }
0xf: {  	s26 =	simm.s32 $0x3;
	s7 =	sshrl.u32 s5, $0x3;
	s11 =	sadd.s32 s6, s30  }
0x10: {  	s15 =	smax.u32 s0, $0x1;
	s16 =	sshrl.u32 s16, $0x3;
	s10 =	sadd.s32 s7, s2  }
0x11: {  	s7 =	sadd.s32 $0x18E00, s2;
	s2 =	sadd.s32 s8, s2;
	s8 =	sadd.s32 $0x51C000, s13  }
0x12: {  	s10 =	sadd.s32 $0xF000, s10;
	s13 =	sadd.s32 s7, s31;
	s14 =	sadd.s32 $0x543800, s2  }
.LBB2_1:
0x13: {  	[spmem:s16], [sflag:s9] =	dma.local [hbm:s8], $0x2780  }
0x14: {  	_ =	swait.ge [sflag:s17], $0x2780  }
0x15: {  	[sflag:s17] =	ssyncset.done $0x0  }
0x16: {  	[sflag:s17] =	ssyncadd.s32 $0xFFFFD880  }
0x17: {  	[tilespmem:s4], [sflag:$0x4] =	stream.linear.gather [hbm4b:s10+s4], $0x2710, $0x38;
	[tilespmem:$0x1B480] =	vst v63  }
0x18: {  	_ =	swait.ge [sflag:s17], $0x2710  }
0x19: {  	[sflag:s17] =	ssyncset.done $0x0  }
0x1a: {  	[sflag:s17] =	ssyncadd.s32 $0xFFFFD8F0  }
0x1b: {  	[bflag:$0x0] =	sbarrier.arrive $0xFFFF  }
0x1c: {  	[tilespmem:s19], [sflag:$0x1] =	stream.indirect.gather [hbm4b:s1+s18], $0x80, s4, s18, $0xb8;
	[tilespmem:$0x1B480] =	vst v63  }
0x1d: {  	s0 =	simm.s32 $0x5080  }
0x1e: {  	[tilespmem:s0], [sflag:$0x3] =	stream.linear.gather [hbm4b:s11+s4], $0x1400, $0x38;
	[tilespmem:$0x1B480] =	vst v63  }
0x1f: {  	s30 =	simm.s32 $0x0  }
0x20: {  	[tilespmem:s21], [sflag:$0x2] =	stream.linear.gather [hbm4b:s13+s4], $0x80, $0x38;
	[tilespmem:$0x1B480] =	vst v63  }
.LBB2_2:
0x21: {  	s0 =	sshllo.u32 s30, $0x1  }
0x22: {  	s2 =	smul.u32 $0x28, s0;
	_ =	sdelay $0x1  }
0x23: {  	[tilespmem:s22], [sflag:$0x1] =	stream.indirect.gather [hbm4b:s1+s18], $0x80, s2, s18, $0xb8;
	[tilespmem:$0x1B480] =	vst v63  }
0x24: {  	s2 =	sadd.s32 s5, s2  }
0x25: {  	s31 =	simm.s32 $0x0;
	s2 =	sshll.u32 s2, $0x4  }
0x26: {  	s20 =	sshll.u32 s30, $0x8;
	s0 =	sshll.u32 s0, $0x7;
	s2 =	sadd.s32 s6, s2  }
0x27: {  	[tilespmem:s23], [sflag:$0x3] =	stream.linear.gather [hbm4b:s2+s31], $0x1400, $0x38;
	[tilespmem:$0x1B480] =	vst v63  }
0x28: {  	s0 =	sand.u32 $0x380, s0;
	s2 =	sand.u32 $0x7C00, s20  }
0x29: {  	s0 =	sor.u32 s0, s2  }
0x2a: {  	s0 =	sor.u32 s12, s0  }
0x2b: {  	s0 =	sshrl.u32 s0, $0x3  }
0x2c: {  	s0 =	sadd.s32 s7, s0  }
0x2d: {  	[tilespmem:s24], [sflag:$0x2] =	stream.linear.gather [hbm4b:s0+s31], $0x80, $0x38;
	[tilespmem:$0x1B480] =	vst v63  }
0x2e: {  	_ =	swait.ge [sflag:s25], $0x1400  }
0x2f: {  	[sflag:s25] =	ssyncset.done $0x0  }
0x30: {  	[sflag:s25] =	ssyncadd.s32 $0xFFFFEC00  }
0x31: {  	_ =	swait.ge [sflag:s26], $0x1400  }
0x32: {  	[sflag:s26] =	ssyncset.done $0x0  }
0x33: {  	[sflag:s26] =	ssyncadd.s32 $0xFFFFEC00  }
0x34: {  	_ =	swait.ge [sflag:s28], $0x80  }
0x35: {  	[sflag:s28] =	ssyncset.done $0x0  }
0x36: {  	s31 =	simm.s32 $0x0;
	[sflag:s28] =	ssyncadd.s32 $0xFFFFFF80  }
0x37: {  	v7 =	vld [tilespmem:s31+$0x5080]  }
0x38: {  	v11 =	vld [tilespmem:s31+$0x5090]  }
0x39: {  	v5 =	vld [tilespmem:s31+$0x50A0]  }
0x3a: {  	v4 =	vld [tilespmem:s31+$0x50B0]  }
0x3b: {  	v3 =	vld [tilespmem:s31+$0x50C0]  }
0x3c: {  	v2 =	vld [tilespmem:s31+$0x50D0]  }
0x3d: {  	v1 =	vld [tilespmem:s31+$0x50E0]  }
0x3e: {  	v0 =	vld [tilespmem:s31+$0x50F0]  }
0x3f: {  	v12 =	vld [tilespmem:s31+$0x2780]  }
0x40: {  	v13 =	vld [tilespmem:s31+$0x2790]  }
0x41: {  	v10 =	vld [tilespmem:s31+$0x27A0]  }
0x42: {  	v9 =	vld [tilespmem:s31+$0x27B0]  }
0x43: {  	v8 =	vld [tilespmem:s31+$0x27C0]  }
0x44: {  	v6 =	vld [tilespmem:s31+$0x27D0];
	v12 =	vmul.f32 v7, v12  }
0x45: {  	s2 =	sshll.u32 s30, $0x1;
	s0 =	simm.s32 $0x200;
	v11 =	vmul.f32 v11, v13;
	v7 =	vld [tilespmem:s31+$0x27E0]  }
.LBB2_3:
0x46: {  	s20 =	sshra.s32 s0, $0x2;
	p0 =	sne.s32 s0, $0x4E00;
	[tilespmem:s31+$0x2780] =	vst v12;
	v5 =	vmul.f32 v5, v10;
	v10 =	vld [tilespmem:s31+$0x27F0]  }
0x47: {  	v12 =	vld [tilespmem:s20+$0x5080];
	[tilespmem:s31+$0x2790] =	vst v11;
	v4 =	vmul.f32 v4, v9  }
0x48: {  	v11 =	vld [tilespmem:s20+$0x5090];
	[tilespmem:s31+$0x27A0] =	vst v5;
	v3 =	vmul.f32 v3, v8  }
0x49: {  	v5 =	vld [tilespmem:s20+$0x50A0];
	[tilespmem:s31+$0x27B0] =	vst v4;
	v2 =	vmul.f32 v2, v6  }
0x4a: {  	v4 =	vld [tilespmem:s20+$0x50B0];
	[tilespmem:s31+$0x27C0] =	vst v3;
	v1 =	vmul.f32 v1, v7  }
0x4b: {  	v3 =	vld [tilespmem:s20+$0x50C0];
	[tilespmem:s31+$0x27D0] =	vst v2;
	v0 =	vmul.f32 v0, v10  }
0x4c: {  	v2 =	vld [tilespmem:s20+$0x50D0];
	[tilespmem:s31+$0x27E0] =	vst v1  }
0x4d: {  	v1 =	vld [tilespmem:s20+$0x50E0];
	[tilespmem:s31+$0x27F0] =	vst v0;
	s31 =	smov.u32 s20  }
0x4e: {  	v0 =	vld [tilespmem:s31+$0x50F0]  }
0x4f: {  	v6 =	vld [tilespmem:s31+$0x2780]  }
0x50: {  	v7 =	vld [tilespmem:s31+$0x2790]  }
.Ltmp0:
0x51: {  	v10 =	vld [tilespmem:s31+$0x27A0];
	(pc) =	sbr.rel @p0 .LBB2_3-.Ltmp0, $4  }
0x52: {  	v9 =	vld [tilespmem:s31+$0x27B0]  }
0x53: {  	v8 =	vld [tilespmem:s31+$0x27C0]  }
0x54: {  	v12 =	vmul.f32 v12, v6;
	v6 =	vld [tilespmem:s31+$0x27D0]  }
0x55: {  	s0 =	sadd.s32 $0x200, s0;
	v11 =	vmul.f32 v11, v7;
	v7 =	vld [tilespmem:s31+$0x27E0]  }
0x56: {  	[tilespmem:s31+$0x2780] =	vst v12;
	v5 =	vmul.f32 v5, v10;
	v10 =	vld [tilespmem:s31+$0x27F0]  }
0x57: {  	[tilespmem:s31+$0x2790] =	vst v11;
	v4 =	vmul.f32 v4, v9  }
0x58: {  	[tilespmem:s31+$0x27A0] =	vst v5;
	v3 =	vmul.f32 v3, v8  }
0x59: {  	[tilespmem:s31+$0x27B0] =	vst v4;
	v2 =	vmul.f32 v2, v6  }
0x5a: {  	[tilespmem:s31+$0x27C0] =	vst v3;
	v1 =	vmul.f32 v1, v7  }
0x5b: {  	[tilespmem:s31+$0x27D0] =	vst v2;
	v0 =	vmul.f32 v0, v10  }
0x5c: {  	[tilespmem:s31+$0x27E0] =	vst v1  }
0x5d: {  	p0 =	seq.s32 s30, $0x7C;
	[tilespmem:s31+$0x27F0] =	vst v0  }
0x5e: {  	[spmem:s3] =	stream.indirect.scatter.add.f32 [tilespmem:s19], [sflag:$0x4], $0x80, s21, s18, $0xb8;
	[tilespmem:$0x1B480] =	vst v63  }
0x5f: {  	s0 =	sadd.s32 @!p0 $0x2, s2;
	_ =	swait.ge [sflag:s17], $0x1400  }
0x60: {  	s2 =	smul.u32 @!p0 $0x28, s0;
	[sflag:s17] =	ssyncset.done $0x0  }
0x61: {  	s20 =	simm.s32 @!p0 $0x28;
	s31 =	simm.s32 @!p0 $0x2780;
	[sflag:s17] =	ssyncadd.s32 $0xFFFFEC00  }
0x62: {  	[tilespmem:s31], [sflag:$0x1] =	stream.indirect.gather @!p0 [hbm4b:s1+s20], $0x80, s2, s20, $0xb8;
	[tilespmem:$0x1B480] =	vst v63  }
0x63: {  	s2 =	sadd.s32 @!p0 s5, s2  }
0x64: {  	s0 =	sshll.u32 @!p0 s0, $0x7;
	s2 =	sshll.u32 @!p0 s2, $0x4  }
0x65: {  	s20 =	simm.s32 @!p0 $0x0;
	s31 =	simm.s32 @!p0 $0x5080;
	s2 =	sadd.s32 @!p0 s6, s2  }
0x66: {  	[tilespmem:s31], [sflag:$0x3] =	stream.linear.gather @!p0 [hbm4b:s2+s20], $0x1400, $0x38;
	[tilespmem:$0x1B480] =	vst v63  }
0x67: {  	s2 =	sand.u32 @!p0 $0xFC00, s0  }
0x68: {  	s0 =	sand.u32 @!p0 $0x300, s0;
	s2 =	sadd.s32 @!p0 s12, s2  }
0x69: {  	s0 =	sor.u32 @!p0 s0, s2  }
0x6a: {  	s0 =	sshrl.u32 @!p0 s0, $0x3  }
0x6b: {  	s2 =	simm.s32 @!p0 $0x4F80;
	s0 =	sadd.s32 @!p0 s7, s0  }
0x6c: {  	[tilespmem:s2], [sflag:$0x2] =	stream.linear.gather @!p0 [hbm4b:s0+s20], $0x80, $0x38;
	[tilespmem:$0x1B480] =	vst v63  }
0x6d: {  	_ =	swait.ge [sflag:s25], $0x1400  }
0x6e: {  	[sflag:s25] =	ssyncset.done $0x0  }
0x6f: {  	[sflag:s25] =	ssyncadd.s32 $0xFFFFEC00  }
0x70: {  	_ =	swait.ge [sflag:s26], $0x1400  }
0x71: {  	[sflag:s26] =	ssyncset.done $0x0  }
0x72: {  	[sflag:s26] =	ssyncadd.s32 $0xFFFFEC00  }
0x73: {  	_ =	swait.ge [sflag:s28], $0x80  }
0x74: {  	[sflag:s28] =	ssyncset.done $0x0  }
0x75: {  	s31 =	simm.s32 $0x0;
	[sflag:s28] =	ssyncadd.s32 $0xFFFFFF80  }
0x76: {  	v7 =	vld [tilespmem:s31+$0x6480]  }
0x77: {  	v11 =	vld [tilespmem:s31+$0x6490]  }
0x78: {  	v5 =	vld [tilespmem:s31+$0x64A0]  }
0x79: {  	v4 =	vld [tilespmem:s31+$0x64B0]  }
0x7a: {  	v3 =	vld [tilespmem:s31+$0x64C0]  }
0x7b: {  	v2 =	vld [tilespmem:s31+$0x64D0]  }
0x7c: {  	v1 =	vld [tilespmem:s31+$0x64E0]  }
0x7d: {  	v0 =	vld [tilespmem:s31+$0x64F0]  }
0x7e: {  	v12 =	vld [tilespmem:s31+$0x3B80]  }
0x7f: {  	v13 =	vld [tilespmem:s31+$0x3B90]  }
0x80: {  	v10 =	vld [tilespmem:s31+$0x3BA0]  }
0x81: {  	v9 =	vld [tilespmem:s31+$0x3BB0]  }
0x82: {  	v8 =	vld [tilespmem:s31+$0x3BC0]  }
0x83: {  	v6 =	vld [tilespmem:s31+$0x3BD0];
	v12 =	vmul.f32 v7, v12  }
0x84: {  	s0 =	simm.s32 $0x200;
	v11 =	vmul.f32 v11, v13;
	v7 =	vld [tilespmem:s31+$0x3BE0]  }
.LBB2_5:
0x85: {  	s2 =	sshra.s32 s0, $0x2;
	p0 =	sne.s32 s0, $0x4E00;
	[tilespmem:s31+$0x3B80] =	vst v12;
	v5 =	vmul.f32 v5, v10;
	v10 =	vld [tilespmem:s31+$0x3BF0]  }
0x86: {  	v12 =	vld [tilespmem:s2+$0x6480];
	[tilespmem:s31+$0x3B90] =	vst v11;
	v4 =	vmul.f32 v4, v9  }
0x87: {  	v11 =	vld [tilespmem:s2+$0x6490];
	[tilespmem:s31+$0x3BA0] =	vst v5;
	v3 =	vmul.f32 v3, v8  }
0x88: {  	v5 =	vld [tilespmem:s2+$0x64A0];
	[tilespmem:s31+$0x3BB0] =	vst v4;
	v2 =	vmul.f32 v2, v6  }
0x89: {  	v4 =	vld [tilespmem:s2+$0x64B0];
	[tilespmem:s31+$0x3BC0] =	vst v3;
	v1 =	vmul.f32 v1, v7  }
0x8a: {  	v3 =	vld [tilespmem:s2+$0x64C0];
	[tilespmem:s31+$0x3BD0] =	vst v2;
	v0 =	vmul.f32 v0, v10  }
0x8b: {  	v2 =	vld [tilespmem:s2+$0x64D0];
	[tilespmem:s31+$0x3BE0] =	vst v1  }
0x8c: {  	v1 =	vld [tilespmem:s2+$0x64E0];
	[tilespmem:s31+$0x3BF0] =	vst v0;
	s31 =	smov.u32 s2  }
0x8d: {  	v0 =	vld [tilespmem:s31+$0x64F0]  }
0x8e: {  	v6 =	vld [tilespmem:s31+$0x3B80]  }
0x8f: {  	v7 =	vld [tilespmem:s31+$0x3B90]  }
.Ltmp1:
0x90: {  	v10 =	vld [tilespmem:s31+$0x3BA0];
	(pc) =	sbr.rel @p0 .LBB2_5-.Ltmp1, $4  }
0x91: {  	v9 =	vld [tilespmem:s31+$0x3BB0]  }
0x92: {  	v8 =	vld [tilespmem:s31+$0x3BC0]  }
0x93: {  	v12 =	vmul.f32 v12, v6;
	v6 =	vld [tilespmem:s31+$0x3BD0]  }
0x94: {  	s0 =	sadd.s32 $0x200, s0;
	v11 =	vmul.f32 v11, v7;
	v7 =	vld [tilespmem:s31+$0x3BE0]  }
0x95: {  	[tilespmem:s31+$0x3B80] =	vst v12;
	v5 =	vmul.f32 v5, v10;
	v63 =	vld [tilespmem:s31+$0x3BF0]  }
0x96: {  	[tilespmem:s31+$0x3B90] =	vst v11;
	v4 =	vmul.f32 v4, v9  }
0x97: {  	[tilespmem:s31+$0x3BA0] =	vst v5;
	v3 =	vmul.f32 v3, v8  }
0x98: {  	[tilespmem:s31+$0x3BB0] =	vst v4;
	v2 =	vmul.f32 v2, v6  }
0x99: {  	[tilespmem:s31+$0x3BC0] =	vst v3;
	v1 =	vmul.f32 v1, v7  }
0x9a: {  	s30 =	sadd.s32 $0x1, s30;
	[tilespmem:s31+$0x3BD0] =	vst v2;
	v0 =	vmul.f32 v0, v63  }
0x9b: {  	p0 =	sne.s32 s30, $0x7D;
	[tilespmem:s31+$0x3BE0] =	vst v1  }
.Ltmp2:
0x9c: {  	[tilespmem:s31+$0x3BF0] =	vst v0;
	(pc) =	sbr.rel @p0 .LBB2_2-.Ltmp2, $4  }
0x9d: {  	[spmem:s3] =	stream.indirect.scatter.add.f32 [tilespmem:s22], [sflag:$0x4], $0x80, s24, s18, $0xb8;
	[tilespmem:$0x1B480] =	vst v63  }
0x9e: {  	_ =	swait.ge [sflag:s17], $0x1400  }
0x9f: {  	[sflag:s17] =	ssyncset.done $0x0  }
0xa0: {  	[sflag:s17] =	ssyncadd.s32 $0xFFFFEC00  }
0xa1: {  	s29 =	sadd.s32 $0x1, s29  }
0xa2: {  	p0 =	sne.s32 s29, s15  }
.Ltmp3:
0xa3: {  	[bflag:$0x0] =	sbarrier.arrive $0xFFFF;
	(pc) =	sbr.rel @p0 .LBB2_1-.Ltmp3, $4  }
0xa4: {  	[hbm:s14], [sflag:s9] =	dma.local [spmem:s16], $0x2780  }
0xa5: {  	_ =	swait.ge [sflag:s17], $0x2780  }
0xa6: {  	[sflag:s17] =	ssyncset.done $0x0  }
0xa7: {  	[sflag:s17] =	ssyncadd.s32 $0xFFFFD880  }
0xa8: {  	_ =	sfence.sel $0x180000  }
0xa9: {  	[bflag:$0x0] =	sbarrier.arrive $0xFFFF  }
0xaa: {  	_ =	strace $0x90000053  }
0xab: {  	s0 =	stileid.u32;
	[bflag:$0x2] =	sbarrier.arrive $0xFFFF  }
0xac: {  	p0 =	sne.s32 s0, $0x0;
	s0 =	rddreg [dreg:$0x3]  }
0xad: {  	s0 =	sadd.s32 @!p0 $0x100000, s0  }
0xae: {  	[sflag:s0] =	ssyncadd.tile.s32 @!p0 $0x1;
	_ =	shalt  }
.Lfunc_end2:
_tile_overlayer_lowered:
.L_overlay_start_2:
0xaf: {  	(tag) =	ssettag $0x2  }
0xb0: {  	s0 =	rddreg [dreg:$0x0];
	s2 =	stileid.u32  }
0xb1: {  	s1 =	rddreg [dreg:$0x1];
	p0 =	sne.s32 s2, $0x0  }
0xb2: {  	s3 =	rddreg [dreg:$0x2];
	[bflag:$0x3] =	sbarrier.arrive $0xFFFF;
	s2 =	simm.s32 @!p0 $0x1C04  }
0xb3: {  	[timem:s3], [sflag:s2] =	dma.local @!p0 [hbm:s0], s1  }
0xb4: {  	s0 =	simm.s32 @!p0 $0x4  }
0xb5: {  	_ =	swait.ge @!p0 [sflag:s0], s1  }
0xb6: {  	s1 =	ssub.s32 @!p0 $0x0, s1;
	[sflag:s0] =	ssyncset.done @!p0 $0x0  }
0xb7: {  	[sflag:s0] =	ssyncadd.s32 @!p0 s1  }
0xb8: {  	[bflag:$0x3] =	sbarrier.arrive $0xFFFF  }
0xb9: {  	_ =	shalt  }

// kernel: kernel.39.cloned.1.call-start
scs
__scs_entry_jumppad:
0x0: {  	(pc) =	sbr.rel $0x88, $3  }
0x1: {  	(tag) =	ssettag $0x0;
	lr =	simm.s32 $0x1  }
0x2: {  	[smem:$0x3F8E] =	sst lr;
	_ =	strace $0xD0000000  }
0x3: {  	_ = 	snop  }
0x4: {  	_ = 	snop  }
0x5: {  	_ = 	snop  }
0x6: {  	_ = 	snop  }
0x7: {  	_ = 	snop  }
__scs_overlays_trampoline_lowered:
0x8: {  	[smem:$0x3F9D] =	sst s0  }
0x9: {  	[smem:$0x3F9E] =	sst s1  }
0xa: {  	[smem:$0x3F9F] =	sst s2  }
0xb: {  	[smem:$0x3FA0] =	sst s3  }
0xc: {  	[smem:$0x3FA1] =	sst s4  }
0xd: {  	[smem:$0x3FA2] =	sst s5  }
0xe: {  	[smem:$0x3FA3] =	sst s6  }
0xf: {  	[smem:$0x3FA4] =	sst s7  }
0x10: {  	[smem:$0x3FA5] =	sst s8  }
0x11: {  	[smem:$0x3FA6] =	sst s9;
	s0 =	simm.s32 @!p0 $0x0  }
0x12: {  	s1 =	sld [smem:$0x3F8C];
	s0 =	simm.s32 @p0 $0x1  }
0x13: {  	[smem:$0x3FA7] =	sst s0;
	s0 =	simm.s32 @!p1 $0x0  }
0x14: {  	s2 =	sld [smem:$0x3F8B];
	s0 =	simm.s32 @p1 $0x1  }
0x15: {  	[smem:$0x3FA8] =	sst s0;
	s0 =	simm.s32 @!p2 $0x0  }
0x16: {  	s3 =	sld [smem:$0x3FDB];
	s0 =	simm.s32 @p2 $0x1  }
0x17: {  	s4 =	simm.s32 $0x1BF5;
	[smem:$0x3FAA] =	sst s0  }
0x18: {  	s0 =	sld [smem:$0x3F8D];
	_ =	swait.ge [sflag:s4], $0x0  }
0x19: {  	s7 =	sld [smem:$0x3F8E]  }
0x1a: {  	s8 =	sadd.s32 $0xFFFFE003, lr  }
0x1b: {  	s9 =	sadd.s32 $0xFFFFFEF7, lr;
	s5 =	simm.s32 $0xFFFFFFFF;
	p2 =	slt.u32 s8, $0xFFFFF086  }
0x1c: {  	p1 =	slt.u32 s9, $0xF7A;
	s5 =	simm.s32 @!p2 $0x0  }
0x1d: {  	s5 =	simm.s32 @p1 $0x1;
	p0 =	seq.s32 s7, s2  }
0x1e: {  	s7 =	smul.u32 @!p0 $0xF7A, s2;
	p2 =	seq.s32 @!p0 s5, $0x0  }
0x1f: {  	s9 =	smul.u32 $0xF7A, s1;
	s8 =	simm.s32 @!p0 $0x1BF5;
	p2 =	por !p2, p0  }
0x20: {  	[sflag:s8] =	ssyncset.s32 @!p0 $0xFFFFF086;
	s6 =	sadd.s32 @!p0 s3, s7;
	s7 =	simm.s32 @!p0 $0x108  }
0x21: {  	s3 =	sadd.s32 s3, s9;
	s6 =	sadd.s32 @!p0 $0x88, s6;
	s7 =	simm.s32 @p2 $0x1082  }
0x22: {  	[simem:s7], [sflag:s8] =	dma.local @!p0 [hbm:s6], $0xF7A  }
0x23: {  	s9 =	sor.u32 $0xD0000000, s2;
	s6 =	simm.s32 $0x108;
	_ =	swait.ge @!p0 [sflag:s8], $0x0  }
0x24: {  	s3 =	sadd.s32 $0x88, s3;
	s6 =	simm.s32 @!p1 $0x1082;
	[sflag:s4] =	ssyncset.s32 $0xFFFFF086  }
0x25: {  	[simem:s6], [sflag:s4] =	dma.local [hbm:s3], $0xF7A  }
0x26: {  	[smem:$0x3F8E] =	sst s1;
	(tag) =	ssettag s2;
	_ =	strace s9  }
0x27: {  	s1 =	sld [smem:$0x3F9E]  }
0x28: {  	s2 =	sld [smem:$0x3F9F]  }
0x29: {  	s4 =	sld [smem:$0x3FA1]  }
0x2a: {  	p0 =	seq.s32 s5, $0x0;
	s5 =	sld [smem:$0x3FA2]  }
0x2b: {  	s6 =	sld [smem:$0x3FA3]  }
0x2c: {  	s7 =	sld [smem:$0x3FA4]  }
0x2d: {  	s3 =	simm.s32 $0x108;
	s8 =	sld [smem:$0x3FA5]  }
0x2e: {  	s3 =	simm.s32 @!p0 $0x1082;
	s9 =	sld [smem:$0x3FA6]  }
0x2f: {  	lr =	sadd.s32 s0, s3;
	s0 =	sld [smem:$0x3F9D]  }
0x30: {  	s3 =	sld [smem:$0x3FA0]  }
0x31: {  	[smem:$0x3FA9] =	sst s10  }
0x32: {  	s10 =	sld [smem:$0x3FA7];
	_ =	sdelay $0x3  }
0x33: {  	p0 =	seq.s32 s10, $0x1;
	s10 =	sld [smem:$0x3FA9];
	_ =	sdelay $0x3  }
0x34: {  	[smem:$0x3FA9] =	sst s10  }
0x35: {  	s10 =	sld [smem:$0x3FA8];
	_ =	sdelay $0x3  }
0x36: {  	p1 =	seq.s32 s10, $0x1;
	s10 =	sld [smem:$0x3FA9];
	_ =	sdelay $0x3  }
0x37: {  	[smem:$0x3FA9] =	sst s10  }
0x38: {  	s10 =	sld [smem:$0x3FAA]  }
0x39: {  	_ = 	snop;
	(pc) =	sbr.ind lr, $3  }
0x3a: {  	_ = 	snop  }
0x3b: {  	_ = 	snop  }
0x3c: {  	p2 =	seq.s32 s10, $0x1;
	s10 =	sld [smem:$0x3FA9]  }
0x3d: {  	_ =	shalt  }
0x3e: {  	_ =	shalt  }
0x3f: {  	_ =	shalt  }
0x40: {  	_ =	shalt  }
0x41: {  	_ =	shalt  }
0x42: {  	_ =	shalt  }
0x43: {  	_ =	shalt  }
0x44: {  	_ =	shalt  }
0x45: {  	_ =	shalt  }
0x46: {  	_ =	shalt  }
0x47: {  	_ =	shalt  }
0x48: {  	_ =	shalt  }
0x49: {  	_ =	shalt  }
0x4a: {  	_ =	shalt  }
0x4b: {  	_ =	shalt  }
0x4c: {  	_ =	shalt  }
0x4d: {  	_ =	shalt  }
0x4e: {  	_ =	shalt  }
0x4f: {  	_ =	shalt  }
0x50: {  	_ =	shalt  }
0x51: {  	_ =	shalt  }
0x52: {  	_ =	shalt  }
0x53: {  	_ =	shalt  }
0x54: {  	_ =	shalt  }
0x55: {  	_ =	shalt  }
0x56: {  	_ =	shalt  }
0x57: {  	_ =	shalt  }
0x58: {  	_ =	shalt  }
0x59: {  	_ =	shalt  }
0x5a: {  	_ =	shalt  }
0x5b: {  	_ =	shalt  }
0x5c: {  	_ =	shalt  }
0x5d: {  	_ =	shalt  }
0x5e: {  	_ =	shalt  }
0x5f: {  	_ =	shalt  }
0x60: {  	_ =	shalt  }
0x61: {  	_ =	shalt  }
0x62: {  	_ =	shalt  }
0x63: {  	_ =	shalt  }
0x64: {  	_ =	shalt  }
0x65: {  	_ =	shalt  }
0x66: {  	_ =	shalt  }
0x67: {  	_ =	shalt  }
0x68: {  	_ =	shalt  }
0x69: {  	_ =	shalt  }
0x6a: {  	_ =	shalt  }
0x6b: {  	_ =	shalt  }
0x6c: {  	_ =	shalt  }
0x6d: {  	_ =	shalt  }
0x6e: {  	_ =	shalt  }
0x6f: {  	_ =	shalt  }
0x70: {  	_ =	shalt  }
0x71: {  	_ =	shalt  }
0x72: {  	_ =	shalt  }
0x73: {  	_ =	shalt  }
0x74: {  	_ =	shalt  }
0x75: {  	_ =	shalt  }
0x76: {  	_ =	shalt  }
0x77: {  	_ =	shalt  }
0x78: {  	_ =	shalt  }
0x79: {  	_ =	shalt  }
0x7a: {  	_ =	shalt  }
0x7b: {  	_ =	shalt  }
0x7c: {  	_ =	shalt  }
0x7d: {  	_ =	shalt  }
0x7e: {  	_ =	shalt  }
0x7f: {  	_ =	shalt  }
0x80: {  	_ =	shalt  }
0x81: {  	_ =	shalt  }
0x82: {  	_ =	shalt  }
0x83: {  	_ =	shalt  }
0x84: {  	_ =	shalt  }
0x85: {  	_ =	shalt  }
0x86: {  	_ =	shalt  }
0x87: {  	_ =	shalt  }
.Lfunc_end0:
.L_simem_size_0:
called_computation.5_lowered:
.L_overlay_start_0:
0x88: {  	s2 =	sld [smem:$0x3FD9]  }
0x89: {  	s3 =	sld [smem:$0x3FFE];
	_ =	sdelay $0x1  }
0x8a: {  	s1 =	srdreg.scid  }
0x8b: {  	s0 =	sand.u32 $0x1, s1  }
0x8c: {  	s14 =	sshll.u32 s0, $0xA;
	s2 =	sadd.s32 s3, s2  }
0x8d: {  	s2 =	sadd.s32 s2, s14  }
0x8e: {  	[smem:$0x3FB5] =	sst s2  }
0x8f: {  	_ = 	snop  }
0x90: {  	s2 =	sld [smem:$0x3FD0];
	_ =	sdelay $0x2  }
0x91: {  	s15 =	simm.s32 $0xA;
	s4 =	simm.s32 $0x10  }
0x92: {  	[smem:s4], [sflag:s15] =	dma.local [hbm:s2], $0x1  }
0x93: {  	_ =	swait.eq [sflag:s15], $0x1  }
0x94: {  	[sflag:s15] =	ssyncset.done $0x0  }
0x95: {  	[sflag:s15] =	ssyncadd.s32 $0xFFFFFFFF  }
0x96: {  	s16 =	sld [smem:$0x11];
	(tm) =	ssettm $0x1  }
0x97: {  	s17 =	sld [smem:$0x3FFB];
	_ =	sdelay $0x3  }
0x98: {  	_ =	strace s17  }
0x99: {  	s3 =	sld [smem:$0x3FFC];
	_ =	sdelay $0x3  }
0x9a: {  	_ =	strace s3  }
0x9b: {  	s3 =	sld [smem:$0x3FFD];
	_ =	sdelay $0x3  }
0x9c: {  	_ =	strace s3  }
0x9d: {  	_ =	strace $0x8FFFFFFF  }
0x9e: {  	s18 =	sld [smem:$0x3FDB];
	_ =	sdelay $0x1  }
0x9f: {  	s19 =	simm.s32 $_scs_section_size  }
0xa0: {  	s5 =	simm.s32 $_size__tile_overlayer_lowered;
	s6 =	simm.s32 $_tile_overlayer_lowered  }
0xa1: {  	s22 =	simm.s32 $0x1BFF;
	s21 =	sshll.u32 s6, $0x1;
	s3 =	sadd.s32 s19, s18  }
0xa2: {  	s7 =	simm.s32 $0x0;
	s20 =	sshll.u32 s5, $0x1;
	s5 =	sadd.s32 s21, s3  }
0xa3: {  	[timem:s7], [sflag:s22] =	dma.local [hbm:s5], s20  }
0xa4: {  	_ =	swait.ge [sflag:s22], s20  }
0xa5: {  	s4 =	ssub.s32 $0x0, s20;
	[sflag:s22] =	ssyncset.done $0x0  }
0xa6: {  	[sflag:s22] =	ssyncadd.s32 s4;
	_ =	sdelay $0x1  }
0xa7: {  	s23 =	simm.s32 $0x1B8B  }
0xa8: {  	_ =	swait.ge [sflag:s23], $0x1  }
0xa9: {  	[sflag:s23] =	ssyncset.done $0x0  }
0xaa: {  	s25 =	simm.s32 $0x1B8E;
	s24 =	sld [smem:$0x3FFE];
	[sflag:s23] =	ssyncadd.s32 $0xFFFFFFFF  }
0xab: {  	s26 =	simm.s32 $execute0_lowered;
	[smem:$0x3FD2] =	sst s25  }
0xac: {  	s5 =	sshll.u32 s26, $0x1;
	_ =	strace $0x80000055;
	[dreg:$0x1] =	wrdreg $0xFFFFFFFF  }
0xad: {  	s28 =	simm.s32 $_size_execute0_lowered;
	s3 =	sadd.s32 s3, s5;
	[dreg:$0x0] =	wrdreg $0x0  }
0xae: {  	s5 =	sshll.u32 s28, $0x1;
	[dreg:$0x2] =	wrdreg s3  }
0xaf: {  	[dreg:$0x3] =	wrdreg s5  }
0xb0: {  	[dreg:$0x4] =	wrdreg $0xC0  }
0xb1: {  	_ =	task [dreg:s7], $0x5FFFF  }
0xb2: {  	[dreg:$0x1] =	wrdreg $0xFFFFFFFF  }
0xb3: {  	[dreg:$0x0] =	wrdreg $0x60  }
0xb4: {  	[dreg:$0x2] =	wrdreg s16  }
0xb5: {  	[dreg:$0x3] =	wrdreg s24  }
0xb6: {  	[dreg:$0x4] =	wrdreg $0x78800  }
0xb7: {  	[dreg:$0x5] =	wrdreg $0x9  }
0xb8: {  	_ =	task.clear_ibuf [dreg:s7], $0x6FFFF;
	_ =	strace $0x90000055  }
0xb9: {  	s29 =	simm.s32 $0x9;
	_ =	strace $0x80000057  }
0xba: {  	_ =	swait.ge [sflag:s29], $0x1  }
0xbb: {  	[sflag:s29] =	ssyncadd.s32 $0xFFFFFFFF  }
0xbc: {  	_ =	strace $0x90000057  }
0xbd: {  	_ =	sfence  }
0xbe: {  	s30 =	sld [smem:$0x0];
	_ =	sdelay $0x2  }
0xbf: {  	s31 =	sshll.u32 s1, $0xD;
	s1 =	sshrl.u32 s1, $0x2  }
0xc0: {  	s3 =	sand.u32 $0x4000, s31;
	s1 =	sadd.s32 s1, s30  }
0xc1: {  	s0 =	sor.u32 s3, s0;
	s1 =	sshll.u32 s1, $0x11  }
0xc2: {  	s0 =	sor.u32 s1, s0  }
0xc3: {  	s0 =	sadd.s32 $0x8F2B, s0  }
0xc4: {  	[sflag:s0] =	ssyncadd.remote.s32 $0x1  }
0xc5: {  	_ =	sfence.sel $0xFFFF  }
0xc6: {  	[dreg:$0x0] =	wrdreg $0xFFFFFFFF;
	(pc) =	sbr.abs _section_cstart, $3  }
0xc7: {  	[dreg:$0x1] =	wrdreg $0xFFFFFFFF  }
0xc8: {  	_ =	task.clear_ibuf [dreg:s7], $0x2FFFF;
	_ =	strace $0x9FFFFFFF  }
0xc9: {  	(tm) =	ssettm $0x7FFFFFFF  }
tec
execute0_lowered:
.L_overlay_start_1:
0x0: {  	(tag) =	ssettag $0x1  }
0x1: {  	s1 =	rddreg [dreg:$0x0]  }
0x2: {  	s0 =	srdreg.scid;
	s2 =	rddreg [dreg:$0x1]  }
0x3: {  	s14 =	stileid.u32;
	s3 =	rddreg [dreg:$0x2]  }
0x4: {  	s17 =	simm.s32 $0x4;
	s18 =	simm.s32 $0x28;
	s19 =	simm.s32 $0x2780  }
0x5: {  	s21 =	simm.s32 $0x4F80;
	s22 =	simm.s32 $0x3B80;
	s23 =	simm.s32 $0x6480  }
0x6: {  	s24 =	simm.s32 $0x5000;
	s28 =	simm.s32 $0x2;
	s29 =	simm.s32 $0x0  }
0x7: {  	s0 =	sand.u32 $0x1, s0;
	s4 =	sshll.u32 s14, $0x1;
	s8 =	smul.u32 $0x2780, s14  }
0x8: {  	s6 =	sadd.s32 $0xEB1800, s2;
	s11 =	smul.u32 $0x4F000, s14;
	s26 =	sshll.u32 s14, $0x6  }
0x9: {  	s12 =	sor.u32 s0, s4;
	s4 =	simm.s32 $0x0;
	s9 =	smul.u32 $0x27800, s0  }
0xa: {  	s0 =	ssub.s32 $0x2, s0;
	s5 =	smul.u32 $0x2710, s12;
	[smem:$0x7FF] =	sst s4  }
0xb: {  	s13 =	sadd.s32 s8, s2;
	s25 =	sshrl.u32 s0, $0x1;
	s11 =	sshrl.u32 s11, $0x2  }
0xc: {  	s30 =	smul.u32 $0x27100, s12;
	s31 =	sshll.u32 s12, $0xC;
	s12 =	sshll.u32 s12, $0xF  }
0xd: {  	_ =	strace $0x80000056;
	s8 =	sadd.s32 s8, s9;
	s0 =	ssub.s32 s0, s25  }
0xe: {  	s16 =	sadd.s32 s11, s3;
	s9 =	sor.u32 $0x1C04, s26;
	s25 =	simm.s32 $0x1  }
0xf: {  	s26 =	simm.s32 $0x3;
	s7 =	sshrl.u32 s5, $0x3;
	s11 =	sadd.s32 s6, s30  }
0x10: {  	s15 =	smax.u32 s0, $0x1;
	s16 =	sshrl.u32 s16, $0x3;
	s10 =	sadd.s32 s7, s2  }
0x11: {  	s7 =	sadd.s32 $0x18E00, s2;
	s2 =	sadd.s32 s8, s2;
	s8 =	sadd.s32 $0x51C000, s13  }
0x12: {  	s10 =	sadd.s32 $0xF000, s10;
	s13 =	sadd.s32 s7, s31;
	s14 =	sadd.s32 $0x543800, s2  }
.LBB2_1:
0x13: {  	[spmem:s16], [sflag:s9] =	dma.local [hbm:s8], $0x2780  }
0x14: {  	_ =	swait.ge [sflag:s17], $0x2780  }
0x15: {  	[sflag:s17] =	ssyncset.done $0x0  }
0x16: {  	[sflag:s17] =	ssyncadd.s32 $0xFFFFD880  }
0x17: {  	[tilespmem:s4], [sflag:$0x4] =	stream.linear.gather [hbm4b:s10+s4], $0x2710, $0x38;
	[tilespmem:$0x1B480] =	vst v63  }
0x18: {  	_ =	swait.ge [sflag:s17], $0x2710  }
0x19: {  	[sflag:s17] =	ssyncset.done $0x0  }
0x1a: {  	[sflag:s17] =	ssyncadd.s32 $0xFFFFD8F0  }
0x1b: {  	[bflag:$0x0] =	sbarrier.arrive $0xFFFF  }
0x1c: {  	[tilespmem:s19], [sflag:$0x1] =	stream.indirect.gather [hbm4b:s1+s18], $0x80, s4, s18, $0xb8;
	[tilespmem:$0x1B480] =	vst v63  }
0x1d: {  	s0 =	simm.s32 $0x5080  }
0x1e: {  	[tilespmem:s0], [sflag:$0x3] =	stream.linear.gather [hbm4b:s11+s4], $0x1400, $0x38;
	[tilespmem:$0x1B480] =	vst v63  }
0x1f: {  	s30 =	simm.s32 $0x0  }
0x20: {  	[tilespmem:s21], [sflag:$0x2] =	stream.linear.gather [hbm4b:s13+s4], $0x80, $0x38;
	[tilespmem:$0x1B480] =	vst v63  }
.LBB2_2:
0x21: {  	s0 =	sshllo.u32 s30, $0x1  }
0x22: {  	s2 =	smul.u32 $0x28, s0;
	_ =	sdelay $0x1  }
0x23: {  	[tilespmem:s22], [sflag:$0x1] =	stream.indirect.gather [hbm4b:s1+s18], $0x80, s2, s18, $0xb8;
	[tilespmem:$0x1B480] =	vst v63  }
0x24: {  	s2 =	sadd.s32 s5, s2  }
0x25: {  	s31 =	simm.s32 $0x0;
	s2 =	sshll.u32 s2, $0x4  }
0x26: {  	s20 =	sshll.u32 s30, $0x8;
	s0 =	sshll.u32 s0, $0x7;
	s2 =	sadd.s32 s6, s2  }
0x27: {  	[tilespmem:s23], [sflag:$0x3] =	stream.linear.gather [hbm4b:s2+s31], $0x1400, $0x38;
	[tilespmem:$0x1B480] =	vst v63  }
0x28: {  	s0 =	sand.u32 $0x380, s0;
	s2 =	sand.u32 $0x7C00, s20  }
0x29: {  	s0 =	sor.u32 s0, s2  }
0x2a: {  	s0 =	sor.u32 s12, s0  }
0x2b: {  	s0 =	sshrl.u32 s0, $0x3  }
0x2c: {  	s0 =	sadd.s32 s7, s0  }
0x2d: {  	[tilespmem:s24], [sflag:$0x2] =	stream.linear.gather [hbm4b:s0+s31], $0x80, $0x38;
	[tilespmem:$0x1B480] =	vst v63  }
0x2e: {  	_ =	swait.ge [sflag:s25], $0x1400  }
0x2f: {  	[sflag:s25] =	ssyncset.done $0x0  }
0x30: {  	[sflag:s25] =	ssyncadd.s32 $0xFFFFEC00  }
0x31: {  	_ =	swait.ge [sflag:s26], $0x1400  }
0x32: {  	[sflag:s26] =	ssyncset.done $0x0  }
0x33: {  	[sflag:s26] =	ssyncadd.s32 $0xFFFFEC00  }
0x34: {  	_ =	swait.ge [sflag:s28], $0x80  }
0x35: {  	[sflag:s28] =	ssyncset.done $0x0  }
0x36: {  	s31 =	simm.s32 $0x0;
	[sflag:s28] =	ssyncadd.s32 $0xFFFFFF80  }
0x37: {  	v7 =	vld [tilespmem:s31+$0x5080]  }
0x38: {  	v11 =	vld [tilespmem:s31+$0x5090]  }
0x39: {  	v5 =	vld [tilespmem:s31+$0x50A0]  }
0x3a: {  	v4 =	vld [tilespmem:s31+$0x50B0]  }
0x3b: {  	v3 =	vld [tilespmem:s31+$0x50C0]  }
0x3c: {  	v2 =	vld [tilespmem:s31+$0x50D0]  }
0x3d: {  	v1 =	vld [tilespmem:s31+$0x50E0]  }
0x3e: {  	v0 =	vld [tilespmem:s31+$0x50F0]  }
0x3f: {  	v12 =	vld [tilespmem:s31+$0x2780]  }
0x40: {  	v13 =	vld [tilespmem:s31+$0x2790]  }
0x41: {  	v10 =	vld [tilespmem:s31+$0x27A0]  }
0x42: {  	v9 =	vld [tilespmem:s31+$0x27B0]  }
0x43: {  	v8 =	vld [tilespmem:s31+$0x27C0]  }
0x44: {  	v6 =	vld [tilespmem:s31+$0x27D0];
	v12 =	vmul.f32 v7, v12  }
0x45: {  	s2 =	sshll.u32 s30, $0x1;
	s0 =	simm.s32 $0x200;
	v11 =	vmul.f32 v11, v13;
	v7 =	vld [tilespmem:s31+$0x27E0]  }
.LBB2_3:
0x46: {  	s20 =	sshra.s32 s0, $0x2;
	p0 =	sne.s32 s0, $0x4E00;
	[tilespmem:s31+$0x2780] =	vst v12;
	v5 =	vmul.f32 v5, v10;
	v10 =	vld [tilespmem:s31+$0x27F0]  }
0x47: {  	v12 =	vld [tilespmem:s20+$0x5080];
	[tilespmem:s31+$0x2790] =	vst v11;
	v4 =	vmul.f32 v4, v9  }
0x48: {  	v11 =	vld [tilespmem:s20+$0x5090];
	[tilespmem:s31+$0x27A0] =	vst v5;
	v3 =	vmul.f32 v3, v8  }
0x49: {  	v5 =	vld [tilespmem:s20+$0x50A0];
	[tilespmem:s31+$0x27B0] =	vst v4;
	v2 =	vmul.f32 v2, v6  }
0x4a: {  	v4 =	vld [tilespmem:s20+$0x50B0];
	[tilespmem:s31+$0x27C0] =	vst v3;
	v1 =	vmul.f32 v1, v7  }
0x4b: {  	v3 =	vld [tilespmem:s20+$0x50C0];
	[tilespmem:s31+$0x27D0] =	vst v2;
	v0 =	vmul.f32 v0, v10  }
0x4c: {  	v2 =	vld [tilespmem:s20+$0x50D0];
	[tilespmem:s31+$0x27E0] =	vst v1  }
0x4d: {  	v1 =	vld [tilespmem:s20+$0x50E0];
	[tilespmem:s31+$0x27F0] =	vst v0;
	s31 =	smov.u32 s20  }
0x4e: {  	v0 =	vld [tilespmem:s31+$0x50F0]  }
0x4f: {  	v6 =	vld [tilespmem:s31+$0x2780]  }
0x50: {  	v7 =	vld [tilespmem:s31+$0x2790]  }
.Ltmp0:
0x51: {  	v10 =	vld [tilespmem:s31+$0x27A0];
	(pc) =	sbr.rel @p0 .LBB2_3-.Ltmp0, $4  }
0x52: {  	v9 =	vld [tilespmem:s31+$0x27B0]  }
0x53: {  	v8 =	vld [tilespmem:s31+$0x27C0]  }
0x54: {  	v12 =	vmul.f32 v12, v6;
	v6 =	vld [tilespmem:s31+$0x27D0]  }
0x55: {  	s0 =	sadd.s32 $0x200, s0;
	v11 =	vmul.f32 v11, v7;
	v7 =	vld [tilespmem:s31+$0x27E0]  }
0x56: {  	[tilespmem:s31+$0x2780] =	vst v12;
	v5 =	vmul.f32 v5, v10;
	v10 =	vld [tilespmem:s31+$0x27F0]  }
0x57: {  	[tilespmem:s31+$0x2790] =	vst v11;
	v4 =	vmul.f32 v4, v9  }
0x58: {  	[tilespmem:s31+$0x27A0] =	vst v5;
	v3 =	vmul.f32 v3, v8  }
0x59: {  	[tilespmem:s31+$0x27B0] =	vst v4;
	v2 =	vmul.f32 v2, v6  }
0x5a: {  	[tilespmem:s31+$0x27C0] =	vst v3;
	v1 =	vmul.f32 v1, v7  }
0x5b: {  	[tilespmem:s31+$0x27D0] =	vst v2;
	v0 =	vmul.f32 v0, v10  }
0x5c: {  	[tilespmem:s31+$0x27E0] =	vst v1  }
0x5d: {  	p0 =	seq.s32 s30, $0x7C;
	[tilespmem:s31+$0x27F0] =	vst v0  }
0x5e: {  	[spmem:s3] =	stream.indirect.scatter.add.f32 [tilespmem:s19], [sflag:$0x4], $0x80, s21, s18, $0xb8;
	[tilespmem:$0x1B480] =	vst v63  }
0x5f: {  	s0 =	sadd.s32 @!p0 $0x2, s2;
	_ =	swait.ge [sflag:s17], $0x1400  }
0x60: {  	s2 =	smul.u32 @!p0 $0x28, s0;
	[sflag:s17] =	ssyncset.done $0x0  }
0x61: {  	s20 =	simm.s32 @!p0 $0x28;
	s31 =	simm.s32 @!p0 $0x2780;
	[sflag:s17] =	ssyncadd.s32 $0xFFFFEC00  }
0x62: {  	[tilespmem:s31], [sflag:$0x1] =	stream.indirect.gather @!p0 [hbm4b:s1+s20], $0x80, s2, s20, $0xb8;
	[tilespmem:$0x1B480] =	vst v63  }
0x63: {  	s2 =	sadd.s32 @!p0 s5, s2  }
0x64: {  	s0 =	sshll.u32 @!p0 s0, $0x7;
	s2 =	sshll.u32 @!p0 s2, $0x4  }
0x65: {  	s20 =	simm.s32 @!p0 $0x0;
	s31 =	simm.s32 @!p0 $0x5080;
	s2 =	sadd.s32 @!p0 s6, s2  }
0x66: {  	[tilespmem:s31], [sflag:$0x3] =	stream.linear.gather @!p0 [hbm4b:s2+s20], $0x1400, $0x38;
	[tilespmem:$0x1B480] =	vst v63  }
0x67: {  	s2 =	sand.u32 @!p0 $0xFC00, s0  }
0x68: {  	s0 =	sand.u32 @!p0 $0x300, s0;
	s2 =	sadd.s32 @!p0 s12, s2  }
0x69: {  	s0 =	sor.u32 @!p0 s0, s2  }
0x6a: {  	s0 =	sshrl.u32 @!p0 s0, $0x3  }
0x6b: {  	s2 =	simm.s32 @!p0 $0x4F80;
	s0 =	sadd.s32 @!p0 s7, s0  }
0x6c: {  	[tilespmem:s2], [sflag:$0x2] =	stream.linear.gather @!p0 [hbm4b:s0+s20], $0x80, $0x38;
	[tilespmem:$0x1B480] =	vst v63  }
0x6d: {  	_ =	swait.ge [sflag:s25], $0x1400  }
0x6e: {  	[sflag:s25] =	ssyncset.done $0x0  }
0x6f: {  	[sflag:s25] =	ssyncadd.s32 $0xFFFFEC00  }
0x70: {  	_ =	swait.ge [sflag:s26], $0x1400  }
0x71: {  	[sflag:s26] =	ssyncset.done $0x0  }
0x72: {  	[sflag:s26] =	ssyncadd.s32 $0xFFFFEC00  }
0x73: {  	_ =	swait.ge [sflag:s28], $0x80  }
0x74: {  	[sflag:s28] =	ssyncset.done $0x0  }
0x75: {  	s31 =	simm.s32 $0x0;
	[sflag:s28] =	ssyncadd.s32 $0xFFFFFF80  }
0x76: {  	v7 =	vld [tilespmem:s31+$0x6480]  }
0x77: {  	v11 =	vld [tilespmem:s31+$0x6490]  }
0x78: {  	v5 =	vld [tilespmem:s31+$0x64A0]  }
0x79: {  	v4 =	vld [tilespmem:s31+$0x64B0]  }
0x7a: {  	v3 =	vld [tilespmem:s31+$0x64C0]  }
0x7b: {  	v2 =	vld [tilespmem:s31+$0x64D0]  }
0x7c: {  	v1 =	vld [tilespmem:s31+$0x64E0]  }
0x7d: {  	v0 =	vld [tilespmem:s31+$0x64F0]  }
0x7e: {  	v12 =	vld [tilespmem:s31+$0x3B80]  }
0x7f: {  	v13 =	vld [tilespmem:s31+$0x3B90]  }
0x80: {  	v10 =	vld [tilespmem:s31+$0x3BA0]  }
0x81: {  	v9 =	vld [tilespmem:s31+$0x3BB0]  }
0x82: {  	v8 =	vld [tilespmem:s31+$0x3BC0]  }
0x83: {  	v6 =	vld [tilespmem:s31+$0x3BD0];
	v12 =	vmul.f32 v7, v12  }
0x84: {  	s0 =	simm.s32 $0x200;
	v11 =	vmul.f32 v11, v13;
	v7 =	vld [tilespmem:s31+$0x3BE0]  }
.LBB2_5:
0x85: {  	s2 =	sshra.s32 s0, $0x2;
	p0 =	sne.s32 s0, $0x4E00;
	[tilespmem:s31+$0x3B80] =	vst v12;
	v5 =	vmul.f32 v5, v10;
	v10 =	vld [tilespmem:s31+$0x3BF0]  }
0x86: {  	v12 =	vld [tilespmem:s2+$0x6480];
	[tilespmem:s31+$0x3B90] =	vst v11;
	v4 =	vmul.f32 v4, v9  }
0x87: {  	v11 =	vld [tilespmem:s2+$0x6490];
	[tilespmem:s31+$0x3BA0] =	vst v5;
	v3 =	vmul.f32 v3, v8  }
0x88: {  	v5 =	vld [tilespmem:s2+$0x64A0];
	[tilespmem:s31+$0x3BB0] =	vst v4;
	v2 =	vmul.f32 v2, v6  }
0x89: {  	v4 =	vld [tilespmem:s2+$0x64B0];
	[tilespmem:s31+$0x3BC0] =	vst v3;
	v1 =	vmul.f32 v1, v7  }
0x8a: {  	v3 =	vld [tilespmem:s2+$0x64C0];
	[tilespmem:s31+$0x3BD0] =	vst v2;
	v0 =	vmul.f32 v0, v10  }
0x8b: {  	v2 =	vld [tilespmem:s2+$0x64D0];
	[tilespmem:s31+$0x3BE0] =	vst v1  }
0x8c: {  	v1 =	vld [tilespmem:s2+$0x64E0];
	[tilespmem:s31+$0x3BF0] =	vst v0;
	s31 =	smov.u32 s2  }
0x8d: {  	v0 =	vld [tilespmem:s31+$0x64F0]  }
0x8e: {  	v6 =	vld [tilespmem:s31+$0x3B80]  }
0x8f: {  	v7 =	vld [tilespmem:s31+$0x3B90]  }
.Ltmp1:
0x90: {  	v10 =	vld [tilespmem:s31+$0x3BA0];
	(pc) =	sbr.rel @p0 .LBB2_5-.Ltmp1, $4  }
0x91: {  	v9 =	vld [tilespmem:s31+$0x3BB0]  }
0x92: {  	v8 =	vld [tilespmem:s31+$0x3BC0]  }
0x93: {  	v12 =	vmul.f32 v12, v6;
	v6 =	vld [tilespmem:s31+$0x3BD0]  }
0x94: {  	s0 =	sadd.s32 $0x200, s0;
	v11 =	vmul.f32 v11, v7;
	v7 =	vld [tilespmem:s31+$0x3BE0]  }
0x95: {  	[tilespmem:s31+$0x3B80] =	vst v12;
	v5 =	vmul.f32 v5, v10;
	v63 =	vld [tilespmem:s31+$0x3BF0]  }
0x96: {  	[tilespmem:s31+$0x3B90] =	vst v11;
	v4 =	vmul.f32 v4, v9  }
0x97: {  	[tilespmem:s31+$0x3BA0] =	vst v5;
	v3 =	vmul.f32 v3, v8  }
0x98: {  	[tilespmem:s31+$0x3BB0] =	vst v4;
	v2 =	vmul.f32 v2, v6  }
0x99: {  	[tilespmem:s31+$0x3BC0] =	vst v3;
	v1 =	vmul.f32 v1, v7  }
0x9a: {  	s30 =	sadd.s32 $0x1, s30;
	[tilespmem:s31+$0x3BD0] =	vst v2;
	v0 =	vmul.f32 v0, v63  }
0x9b: {  	p0 =	sne.s32 s30, $0x7D;
	[tilespmem:s31+$0x3BE0] =	vst v1  }
.Ltmp2:
0x9c: {  	[tilespmem:s31+$0x3BF0] =	vst v0;
	(pc) =	sbr.rel @p0 .LBB2_2-.Ltmp2, $4  }
0x9d: {  	[spmem:s3] =	stream.indirect.scatter.add.f32 [tilespmem:s22], [sflag:$0x4], $0x80, s24, s18, $0xb8;
	[tilespmem:$0x1B480] =	vst v63  }
0x9e: {  	_ =	swait.ge [sflag:s17], $0x1400  }
0x9f: {  	[sflag:s17] =	ssyncset.done $0x0  }
0xa0: {  	[sflag:s17] =	ssyncadd.s32 $0xFFFFEC00  }
0xa1: {  	s29 =	sadd.s32 $0x1, s29  }
0xa2: {  	p0 =	sne.s32 s29, s15  }
.Ltmp3:
0xa3: {  	[bflag:$0x0] =	sbarrier.arrive $0xFFFF;
	(pc) =	sbr.rel @p0 .LBB2_1-.Ltmp3, $4  }
0xa4: {  	[hbm:s14], [sflag:s9] =	dma.local [spmem:s16], $0x2780  }
0xa5: {  	_ =	swait.ge [sflag:s17], $0x2780  }
0xa6: {  	[sflag:s17] =	ssyncset.done $0x0  }
0xa7: {  	[sflag:s17] =	ssyncadd.s32 $0xFFFFD880  }
0xa8: {  	_ =	sfence.sel $0x180000  }
0xa9: {  	[bflag:$0x0] =	sbarrier.arrive $0xFFFF  }
0xaa: {  	_ =	strace $0x90000056  }
0xab: {  	s0 =	stileid.u32;
	[bflag:$0x2] =	sbarrier.arrive $0xFFFF  }
0xac: {  	p0 =	sne.s32 s0, $0x0;
	s0 =	rddreg [dreg:$0x3]  }
0xad: {  	s0 =	sadd.s32 @!p0 $0x100000, s0  }
0xae: {  	[sflag:s0] =	ssyncadd.tile.s32 @!p0 $0x1;
	_ =	shalt  }
.Lfunc_end2:
_tile_overlayer_lowered:
.L_overlay_start_2:
0xaf: {  	(tag) =	ssettag $0x2  }
0xb0: {  	s0 =	rddreg [dreg:$0x0];
	s2 =	stileid.u32  }
0xb1: {  	s1 =	rddreg [dreg:$0x1];
	p0 =	sne.s32 s2, $0x0  }
0xb2: {  	s3 =	rddreg [dreg:$0x2];
	[bflag:$0x3] =	sbarrier.arrive $0xFFFF;
	s2 =	simm.s32 @!p0 $0x1C04  }
0xb3: {  	[timem:s3], [sflag:s2] =	dma.local @!p0 [hbm:s0], s1  }
0xb4: {  	s0 =	simm.s32 @!p0 $0x4  }
0xb5: {  	_ =	swait.ge @!p0 [sflag:s0], s1  }
0xb6: {  	s1 =	ssub.s32 @!p0 $0x0, s1;
	[sflag:s0] =	ssyncset.done @!p0 $0x0  }
0xb7: {  	[sflag:s0] =	ssyncadd.s32 @!p0 s1  }
0xb8: {  	[bflag:$0x3] =	sbarrier.arrive $0xFFFF  }
0xb9: {  	_ =	shalt  }

</sc_bundles>
